<compile_context>
chip_gen: v7x
topology: tpu7x:2x2x1
jax: 0.10.2.dev20260603
libtpu: 0.0.44.dev20260713+nightly
codegen_flags: <defaults>
</compile_context>

<pallas_src>
import functools

import jax
import jax.numpy as jnp
from jax import lax
from jax.experimental import pallas as pl
from jax.experimental.pallas import tpu as pltpu
from jax.experimental.pallas import tpu_sc as plsc

_VOCAB = 100000
_D = 128
_MAX_LEN = 4096
_B = 1024
_L = 200

_NC, _NS = 2, 16
_NW = _NC * _NS
_N = _B * _L
_PER_W = _N // _NW
_CHUNK = _L
_NCHUNK = _PER_W // _CHUNK


def _pe_table():
    position = jnp.arange(_L)[:, None]
    i = jnp.arange(_D)[None, :]
    angles = position * (1.0 / jnp.power(10000.0, 2 * (i // 2) / _D))
    pe = jnp.zeros((_L, _D), dtype=jnp.float32)
    pe = pe.at[:, 0::2].set(jnp.sin(angles[:, 0::2]).astype(jnp.float32))
    pe = pe.at[:, 1::2].set(jnp.cos(angles[:, 1::2]).astype(jnp.float32))
    return pe


@functools.cache
def _build_sc_embed():
    @functools.partial(
        pl.kernel,
        out_type=jax.ShapeDtypeStruct((_N, _D), jnp.float32),
        mesh=plsc.VectorSubcoreMesh(
            core_axis_name="c", subcore_axis_name="s", num_cores=_NC, num_subcores=_NS
        ),
        scratch_types=[
            pltpu.VMEM((_PER_W,), jnp.int32),
            pltpu.VMEM((_CHUNK, _D), jnp.float32),
            pltpu.VMEM((_CHUNK, _D), jnp.float32),
            pltpu.VMEM((_CHUNK, _D), jnp.float32),
            pltpu.VMEM((_CHUNK, _D), jnp.float32),
            pltpu.SemaphoreType.DMA,
            pltpu.SemaphoreType.DMA,
            pltpu.SemaphoreType.DMA,
            pltpu.SemaphoreType.DMA,
            pltpu.SemaphoreType.DMA,
            pltpu.SemaphoreType.DMA,
            pltpu.SemaphoreType.DMA,
            pltpu.SemaphoreType.DMA,
            pltpu.SemaphoreType.DMA,
        ],
    )
    def _sc_embed(
        table_hbm, ids_hbm, pe_hbm, out_hbm,
        idx_v, rows0, rows1, rows2, pe_v,
        ga0, ga1, ga2, gb0, gb1, gb2, w0, w1, w2,
    ):
        wid = lax.axis_index("s") * _NC + lax.axis_index("c")
        base = wid * _PER_W
        pltpu.sync_copy(ids_hbm.at[pl.ds(base, _PER_W)], idx_v)
        bufs = (rows0, rows1, rows2)
        gasems = (ga0, ga1, ga2)
        gbsems = (gb0, gb1, gb2)
        wsems = (w0, w1, w2)

        def gather_parts(k, b):
            p1 = pltpu.make_async_copy(
                table_hbm.at[idx_v.at[pl.ds(k * _CHUNK, 104)]],
                bufs[b].at[pl.ds(0, 104)],
                gasems[b],
            )
            p2 = pltpu.make_async_copy(
                table_hbm.at[idx_v.at[pl.ds(k * _CHUNK + 104, 96)]],
                bufs[b].at[pl.ds(104, 96)],
                gbsems[b],
            )
            return p1, p2

        def start_gather(k, b):
            p1, p2 = gather_parts(k, b)
            p1.start()
            p2.start()

        def write_desc(k, b):
            return pltpu.make_async_copy(
                bufs[b], out_hbm.at[pl.ds(base + k * _CHUNK, _CHUNK)], wsems[b]
            )

        def start_write(k, b):
            write_desc(k, b).start()

        def wait_write(k, b):
            write_desc(k, b).wait()

        def add_pe(b, lo, n):
            buf = bufs[b]

            @plsc.parallel_loop(lo, lo + n, step=2, unroll=2)
            def _(i):
                for r in range(2):
                    for c in range(_D // 16):
                        plsc.addupdate(
                            buf.at[i + r, pl.ds(c * 16, 16)],
                            pe_v[i + r, pl.ds(c * 16, 16)],
                        )

        def step(j, b, drain_prev, next_gather):
            p1, p2 = gather_parts(j, b)
            p1.wait()
            p2.wait()
            add_pe(b, 0, _CHUNK)
            start_write(j, b)
            pb = (b + 2) % 3
            if drain_prev:
                wait_write(j - 1, pb)
            if next_gather:
                start_gather(j + 2, pb)

        start_gather(0, 0)
        start_gather(1, 1)
        pltpu.sync_copy(pe_hbm, pe_v)
        step(0, 0, False, True)
        step(1, 1, True, True)
        step(2, 2, True, True)

        def ring_body(m, _):
            for b in range(3):
                step(3 * m + b, b, True, True)
            return 0

        lax.fori_loop(1, _NCHUNK // 3, ring_body, 0)

        step(30, 0, True, False)
        step(31, 1, True, False)
        wait_write(31, 1)

    return _sc_embed


def kernel(input_ids, embedding_table):
    flat_ids = input_ids.reshape(-1).astype(jnp.int32)
    pe = _pe_table()
    out = _build_sc_embed()(embedding_table, flat_ids, pe)
    return out.reshape(_B, _L, _D)

# --- scband reference (transcript-rebuilt; emitter-appended) ---
"""Pipeline reference for scband-encoder-7636451852748 (READ-ONLY COPY).

The authoritative reference and input builder live on the scoring server;
editing this copy changes nothing except your own understanding.
"""

import jax, jax.numpy as jnp
import numpy as np

VOCAB = 100000
D_MODEL = 128
MAX_LEN = 4096
B = 1024
L = 200
PADDING_IDX = 0


def _pe_calculation(max_length, d_model):
    position = jnp.arange(max_length)[:, None]
    i = jnp.arange(d_model)[None, :]
    angles = position * (1.0 / jnp.power(10000.0, 2 * (i // 2) / d_model))
    pe = jnp.zeros((max_length, d_model), dtype=jnp.float32)
    pe = pe.at[:, 0::2].set(jnp.sin(angles[:, 0::2]).astype(jnp.float32))
    pe = pe.at[:, 1::2].set(jnp.cos(angles[:, 1::2]).astype(jnp.float32))
    return pe


def setup_inputs(seed: int = 0) -> dict:
    key = jax.random.key(seed)
    k1, k2 = jax.random.split(key)
    input_ids = jax.random.randint(k1, (B, L), 0, VOCAB, dtype=jnp.int64 if jax.config.read('jax_enable_x64') else jnp.int32)
    embedding_table = jax.random.normal(k2, (VOCAB, D_MODEL), dtype=jnp.float32)
    # torch.nn.Embedding zeroes the padding_idx row at init
    embedding_table = embedding_table.at[PADDING_IDX].set(0.0)
    return {"input_ids": input_ids, "embedding_table": embedding_table}


def reference(input_ids, embedding_table):
    # Emulate padding_idx semantics: output never depends on that row's params
    table = embedding_table.at[PADDING_IDX].set(0.0)
    embeddings = jnp.take(table, input_ids, axis=0)  # [B, L, d_model]
    pe = _pe_calculation(MAX_LEN, D_MODEL)
    embeddings = embeddings + pe[: embeddings.shape[1], :]
    # dropout is identity in eval mode
    return embeddings

if __name__ == "__main__":
    import jax
    _d = setup_inputs()
    print(jax.jit(kernel)(*tuple(_d.values())))

</pallas_src>

<mosaic_0001>
#map = affine_map<(d0, d1) -> (0, 0)>
#map1 = affine_map<(d0, d1) -> (0)>
module attributes {stable_mosaic.version = 14 : i64} {
  func.func @_sc_embed(%arg0: i32, %arg1: i32, %arg2: memref<100000x128xf32, #tpu.memory_space<hbm>>, %arg3: memref<204800xi32, #tpu.memory_space<hbm>>, %arg4: memref<200x128xf32, #tpu.memory_space<hbm>>, %arg5: memref<204800x128xf32, #tpu.memory_space<hbm>>, %arg6: memref<6400xi32, #tpu.memory_space<vmem>>, %arg7: memref<200x128xf32, #tpu.memory_space<vmem>>, %arg8: memref<200x128xf32, #tpu.memory_space<vmem>>, %arg9: memref<200x128xf32, #tpu.memory_space<vmem>>, %arg10: memref<200x128xf32, #tpu.memory_space<vmem>>, %arg11: memref<!tpu.dma_semaphore, #tpu.memory_space<semaphore_mem>>, %arg12: memref<!tpu.dma_semaphore, #tpu.memory_space<semaphore_mem>>, %arg13: memref<!tpu.dma_semaphore, #tpu.memory_space<semaphore_mem>>, %arg14: memref<!tpu.dma_semaphore, #tpu.memory_space<semaphore_mem>>, %arg15: memref<!tpu.dma_semaphore, #tpu.memory_space<semaphore_mem>>, %arg16: memref<!tpu.dma_semaphore, #tpu.memory_space<semaphore_mem>>, %arg17: memref<!tpu.dma_semaphore, #tpu.memory_space<semaphore_mem>>, %arg18: memref<!tpu.dma_semaphore, #tpu.memory_space<semaphore_mem>>, %arg19: memref<!tpu.dma_semaphore, #tpu.memory_space<semaphore_mem>>) attributes {dimension_semantics = [#tpu.dimension_semantics<core_parallel>, #tpu.dimension_semantics<subcore_parallel>], iteration_bounds = array<i64: 2, 16>, scalar_prefetch = 0 : i64, scratch_operands = 14 : i64, tpu.core_type = #tpu.core_type<sc_vector_subcore>, window_params = [{transform_indices = #map}, {transform_indices = #map1}, {transform_indices = #map}, {transform_indices = #map}]} {
    %mul3A = arith.constant 2 : i32
    %mul3A_0 = arith.muli %arg1, %mul3A : i32
    %add3A = arith.addi %mul3A_0, %arg0 : i32
    %mul3A_1 = arith.constant 6400 : i32
    %mul3A_2 = arith.muli %add3A, %mul3A_1 : i32
    "tpu.region"() ({
      %run_scoped3A = tpu.sem_alloc : memref<!tpu.dma_semaphore, #tpu.memory_space<semaphore_mem>>
      %dma_start3A_241 = tpu.memref_slice %arg3[%mul3A_2] : memref<204800xi32, #tpu.memory_space<hbm>> -> memref<6400xi32, #tpu.memory_space<hbm>>
      %dma_start3A_242 = tpu.memref_slice %arg3[%mul3A_2] : memref<204800xi32, #tpu.memory_space<hbm>> -> memref<6400xi32, #tpu.memory_space<hbm>>
      tpu.enqueue_dma source(%dma_start3A_242 : memref<6400xi32, #tpu.memory_space<hbm>>) target(%arg6 : memref<6400xi32, #tpu.memory_space<vmem>>) target_semaphore(%run_scoped3A : memref<!tpu.dma_semaphore, #tpu.memory_space<semaphore_mem>>)
      %dma_wait3A_243 = tpu.memref_slice %arg3[%mul3A_2] : memref<204800xi32, #tpu.memory_space<hbm>> -> memref<6400xi32, #tpu.memory_space<hbm>>
      %dma_wait3A_244 = tpu.memref_slice %arg3[%mul3A_2] : memref<204800xi32, #tpu.memory_space<hbm>> -> memref<6400xi32, #tpu.memory_space<hbm>>
      tpu.wait_dma2 semaphore(%run_scoped3A : memref<!tpu.dma_semaphore, #tpu.memory_space<semaphore_mem>>) src(%dma_wait3A_244 : memref<6400xi32, #tpu.memory_space<hbm>>) dst(%arg6 : memref<6400xi32, #tpu.memory_space<vmem>>)
      tpu.yield
    }) : () -> ()
    %dma_start3A = arith.constant 0 : i32
    %dma_start3A_3 = arith.constant 0 : i32
    %dma_start3A_4 = tpu.memref_slice %arg7[%dma_start3A, %dma_start3A_3] : memref<200x128xf32, #tpu.memory_space<vmem>> -> memref<104x128xf32, #tpu.memory_space<vmem>>
    %dma_start3A_5 = arith.constant 0 : i32
    %dma_start3A_6 = tpu.memref_slice %arg6[%dma_start3A_5] : memref<6400xi32, #tpu.memory_space<vmem>> -> memref<104xi32, #tpu.memory_space<vmem>>
    %dma_start3A_7 = arith.constant 0 : i32
    %dma_start3A_8 = arith.constant 0 : i32
    %dma_start3A_9 = tpu.memref_slice %arg2[%dma_start3A_7, %dma_start3A_8] : memref<100000x128xf32, #tpu.memory_space<hbm>> -> memref<100000x128xf32, #tpu.memory_space<hbm>>
    tpu.enqueue_indirect_dma source(%dma_start3A_9 : memref<100000x128xf32, #tpu.memory_space<hbm>>) target(%dma_start3A_4 : memref<104x128xf32, #tpu.memory_space<vmem>>) offsets(%dma_start3A_6 : memref<104xi32, #tpu.memory_space<vmem>>) semaphore(%arg11 : memref<!tpu.dma_semaphore, #tpu.memory_space<semaphore_mem>>)
    %dma_start3A_10 = arith.constant 104 : i32
    %dma_start3A_11 = arith.constant 0 : i32
    %dma_start3A_12 = tpu.memref_slice %arg7[%dma_start3A_10, %dma_start3A_11] : memref<200x128xf32, #tpu.memory_space<vmem>> -> memref<96x128xf32, #tpu.memory_space<vmem>>
    %dma_start3A_13 = arith.constant 104 : i32
    %dma_start3A_14 = tpu.memref_slice %arg6[%dma_start3A_13] : memref<6400xi32, #tpu.memory_space<vmem>> -> memref<96xi32, #tpu.memory_space<vmem>>
    %dma_start3A_15 = arith.constant 0 : i32
    %dma_start3A_16 = arith.constant 0 : i32
    %dma_start3A_17 = tpu.memref_slice %arg2[%dma_start3A_15, %dma_start3A_16] : memref<100000x128xf32, #tpu.memory_space<hbm>> -> memref<100000x128xf32, #tpu.memory_space<hbm>>
    tpu.enqueue_indirect_dma source(%dma_start3A_17 : memref<100000x128xf32, #tpu.memory_space<hbm>>) target(%dma_start3A_12 : memref<96x128xf32, #tpu.memory_space<vmem>>) offsets(%dma_start3A_14 : memref<96xi32, #tpu.memory_space<vmem>>) semaphore(%arg14 : memref<!tpu.dma_semaphore, #tpu.memory_space<semaphore_mem>>)
    %dma_start3A_18 = arith.constant 0 : i32
    %dma_start3A_19 = arith.constant 0 : i32
    %dma_start3A_20 = tpu.memref_slice %arg8[%dma_start3A_18, %dma_start3A_19] : memref<200x128xf32, #tpu.memory_space<vmem>> -> memref<104x128xf32, #tpu.memory_space<vmem>>
    %dma_start3A_21 = arith.constant 200 : i32
    %dma_start3A_22 = tpu.memref_slice %arg6[%dma_start3A_21] : memref<6400xi32, #tpu.memory_space<vmem>> -> memref<104xi32, #tpu.memory_space<vmem>>
    %dma_start3A_23 = arith.constant 0 : i32
    %dma_start3A_24 = arith.constant 0 : i32
    %dma_start3A_25 = tpu.memref_slice %arg2[%dma_start3A_23, %dma_start3A_24] : memref<100000x128xf32, #tpu.memory_space<hbm>> -> memref<100000x128xf32, #tpu.memory_space<hbm>>
    tpu.enqueue_indirect_dma source(%dma_start3A_25 : memref<100000x128xf32, #tpu.memory_space<hbm>>) target(%dma_start3A_20 : memref<104x128xf32, #tpu.memory_space<vmem>>) offsets(%dma_start3A_22 : memref<104xi32, #tpu.memory_space<vmem>>) semaphore(%arg12 : memref<!tpu.dma_semaphore, #tpu.memory_space<semaphore_mem>>)
    %dma_start3A_26 = arith.constant 104 : i32
    %dma_start3A_27 = arith.constant 0 : i32
    %dma_start3A_28 = tpu.memref_slice %arg8[%dma_start3A_26, %dma_start3A_27] : memref<200x128xf32, #tpu.memory_space<vmem>> -> memref<96x128xf32, #tpu.memory_space<vmem>>
    %dma_start3A_29 = arith.constant 304 : i32
    %dma_start3A_30 = tpu.memref_slice %arg6[%dma_start3A_29] : memref<6400xi32, #tpu.memory_space<vmem>> -> memref<96xi32, #tpu.memory_space<vmem>>
    %dma_start3A_31 = arith.constant 0 : i32
    %dma_start3A_32 = arith.constant 0 : i32
    %dma_start3A_33 = tpu.memref_slice %arg2[%dma_start3A_31, %dma_start3A_32] : memref<100000x128xf32, #tpu.memory_space<hbm>> -> memref<100000x128xf32, #tpu.memory_space<hbm>>
    tpu.enqueue_indirect_dma source(%dma_start3A_33 : memref<100000x128xf32, #tpu.memory_space<hbm>>) target(%dma_start3A_28 : memref<96x128xf32, #tpu.memory_space<vmem>>) offsets(%dma_start3A_30 : memref<96xi32, #tpu.memory_space<vmem>>) semaphore(%arg15 : memref<!tpu.dma_semaphore, #tpu.memory_space<semaphore_mem>>)
    "tpu.region"() ({
      %run_scoped3A = tpu.sem_alloc : memref<!tpu.dma_semaphore, #tpu.memory_space<semaphore_mem>>
      tpu.enqueue_dma source(%arg4 : memref<200x128xf32, #tpu.memory_space<hbm>>) target(%arg10 : memref<200x128xf32, #tpu.memory_space<vmem>>) target_semaphore(%run_scoped3A : memref<!tpu.dma_semaphore, #tpu.memory_space<semaphore_mem>>)
      tpu.wait_dma2 semaphore(%run_scoped3A : memref<!tpu.dma_semaphore, #tpu.memory_space<semaphore_mem>>) src(%arg4 : memref<200x128xf32, #tpu.memory_space<hbm>>) dst(%arg10 : memref<200x128xf32, #tpu.memory_space<vmem>>)
      tpu.yield
    }) : () -> ()
    %dma_wait3A = arith.constant 0 : i32
    %dma_wait3A_34 = arith.constant 0 : i32
    %dma_wait3A_35 = tpu.memref_slice %arg7[%dma_wait3A, %dma_wait3A_34] : memref<200x128xf32, #tpu.memory_space<vmem>> -> memref<104x128xf32, #tpu.memory_space<vmem>>
    %dma_wait3A_36 = arith.constant 0 : i32
    %dma_wait3A_37 = tpu.memref_slice %arg6[%dma_wait3A_36] : memref<6400xi32, #tpu.memory_space<vmem>> -> memref<104xi32, #tpu.memory_space<vmem>>
    %dma_wait3A_38 = arith.constant 0 : i32
    %dma_wait3A_39 = arith.constant 0 : i32
    %dma_wait3A_40 = tpu.memref_slice %arg2[%dma_wait3A_38, %dma_wait3A_39] : memref<100000x128xf32, #tpu.memory_space<hbm>> -> memref<100000x128xf32, #tpu.memory_space<hbm>>
    tpu.wait_indirect_dma semaphore(%arg11 : memref<!tpu.dma_semaphore, #tpu.memory_space<semaphore_mem>>) src(%dma_wait3A_40 : memref<100000x128xf32, #tpu.memory_space<hbm>>) dst(%dma_wait3A_35 : memref<104x128xf32, #tpu.memory_space<vmem>>)
    %dma_wait3A_41 = arith.constant 104 : i32
    %dma_wait3A_42 = arith.constant 0 : i32
    %dma_wait3A_43 = tpu.memref_slice %arg7[%dma_wait3A_41, %dma_wait3A_42] : memref<200x128xf32, #tpu.memory_space<vmem>> -> memref<96x128xf32, #tpu.memory_space<vmem>>
    %dma_wait3A_44 = arith.constant 104 : i32
    %dma_wait3A_45 = tpu.memref_slice %arg6[%dma_wait3A_44] : memref<6400xi32, #tpu.memory_space<vmem>> -> memref<96xi32, #tpu.memory_space<vmem>>
    %dma_wait3A_46 = arith.constant 0 : i32
    %dma_wait3A_47 = arith.constant 0 : i32
    %dma_wait3A_48 = tpu.memref_slice %arg2[%dma_wait3A_46, %dma_wait3A_47] : memref<100000x128xf32, #tpu.memory_space<hbm>> -> memref<100000x128xf32, #tpu.memory_space<hbm>>
    tpu.wait_indirect_dma semaphore(%arg14 : memref<!tpu.dma_semaphore, #tpu.memory_space<semaphore_mem>>) src(%dma_wait3A_48 : memref<100000x128xf32, #tpu.memory_space<hbm>>) dst(%dma_wait3A_43 : memref<96x128xf32, #tpu.memory_space<vmem>>)
    %parallel_loop3A = arith.constant 0 : i32
    %parallel_loop3A_49 = arith.constant 200 : i32
    %parallel_loop3A_50 = arith.constant 2 : i32
    scf.for %parallel_loop3A_241 = %parallel_loop3A to %parallel_loop3A_49 step %parallel_loop3A_50  : i32 {
      %parallel_loop3A_242 = arith.constant 0 : i32
      %parallel_loop3A_243 = arith.addi %parallel_loop3A_241, %parallel_loop3A_242 : i32
      %parallel_loop3A_244 = arith.constant 0 : i32
      %parallel_loop3A_245 = arith.addi %parallel_loop3A_241, %parallel_loop3A_244 : i32
      %parallel_loop3A_246 = arith.index_cast %parallel_loop3A_245 : i32 to index
      %parallel_loop3A_247 = arith.constant 0 : index
      %parallel_loop3A_248 = tpu.vector_load %arg10[%parallel_loop3A_246, %parallel_loop3A_247] {strides = array<i32>} : memref<200x128xf32, #tpu.memory_space<vmem>>, vector<1x16xf32>,
      %parallel_loop3A_249 = vector.shape_cast %parallel_loop3A_248 : vector<1x16xf32> to vector<16xf32>
      %parallel_loop3A_250 = arith.index_cast %parallel_loop3A_243 : i32 to index
      %parallel_loop3A_251 = arith.constant 0 : index
      %parallel_loop3A_252 = tpu.vector_load %arg7[%parallel_loop3A_250, %parallel_loop3A_251] {strides = array<i32>} : memref<200x128xf32, #tpu.memory_space<vmem>>, vector<1x16xf32>,
      %parallel_loop3A_253 = vector.shape_cast %parallel_loop3A_252 : vector<1x16xf32> to vector<16xf32>
      %parallel_loop3A_254 = vector.shape_cast %parallel_loop3A_249 : vector<16xf32> to vector<1x16xf32>
      tpu.vector_store %arg7[%parallel_loop3A_250, %parallel_loop3A_251], %parallel_loop3A_254 {add = true, strides = array<i32>} : memref<200x128xf32, #tpu.memory_space<vmem>>, vector<1x16xf32>,
      %parallel_loop3A_255 = arith.constant 0 : i32
      %parallel_loop3A_256 = arith.addi %parallel_loop3A_241, %parallel_loop3A_255 : i32
      %parallel_loop3A_257 = arith.constant 0 : i32
      %parallel_loop3A_258 = arith.addi %parallel_loop3A_241, %parallel_loop3A_257 : i32
      %parallel_loop3A_259 = arith.index_cast %parallel_loop3A_258 : i32 to index
      %parallel_loop3A_260 = arith.constant 16 : index
      %parallel_loop3A_261 = tpu.vector_load %arg10[%parallel_loop3A_259, %parallel_loop3A_260] {strides = array<i32>} : memref<200x128xf32, #tpu.memory_space<vmem>>, vector<1x16xf32>,
      %parallel_loop3A_262 = vector.shape_cast %parallel_loop3A_261 : vector<1x16xf32> to vector<16xf32>
      %parallel_loop3A_263 = arith.index_cast %parallel_loop3A_256 : i32 to index
      %parallel_loop3A_264 = arith.constant 16 : index
      %parallel_loop3A_265 = tpu.vector_load %arg7[%parallel_loop3A_263, %parallel_loop3A_264] {strides = array<i32>} : memref<200x128xf32, #tpu.memory_space<vmem>>, vector<1x16xf32>,
      %parallel_loop3A_266 = vector.shape_cast %parallel_loop3A_265 : vector<1x16xf32> to vector<16xf32>
      %parallel_loop3A_267 = vector.shape_cast %parallel_loop3A_262 : vector<16xf32> to vector<1x16xf32>
      tpu.vector_store %arg7[%parallel_loop3A_263, %parallel_loop3A_264], %parallel_loop3A_267 {add = true, strides = array<i32>} : memref<200x128xf32, #tpu.memory_space<vmem>>, vector<1x16xf32>,
      %parallel_loop3A_268 = arith.constant 0 : i32
      %parallel_loop3A_269 = arith.addi %parallel_loop3A_241, %parallel_loop3A_268 : i32
      %parallel_loop3A_270 = arith.constant 0 : i32
      %parallel_loop3A_271 = arith.addi %parallel_loop3A_241, %parallel_loop3A_270 : i32
      %parallel_loop3A_272 = arith.index_cast %parallel_loop3A_271 : i32 to index
      %parallel_loop3A_273 = arith.constant 32 : index
      %parallel_loop3A_274 = tpu.vector_load %arg10[%parallel_loop3A_272, %parallel_loop3A_273] {strides = array<i32>} : memref<200x128xf32, #tpu.memory_space<vmem>>, vector<1x16xf32>,
      %parallel_loop3A_275 = vector.shape_cast %parallel_loop3A_274 : vector<1x16xf32> to vector<16xf32>
      %parallel_loop3A_276 = arith.index_cast %parallel_loop3A_269 : i32 to index
      %parallel_loop3A_277 = arith.constant 32 : index
      %parallel_loop3A_278 = tpu.vector_load %arg7[%parallel_loop3A_276, %parallel_loop3A_277] {strides = array<i32>} : memref<200x128xf32, #tpu.memory_space<vmem>>, vector<1x16xf32>,
      %parallel_loop3A_279 = vector.shape_cast %parallel_loop3A_278 : vector<1x16xf32> to vector<16xf32>
      %parallel_loop3A_280 = vector.shape_cast %parallel_loop3A_275 : vector<16xf32> to vector<1x16xf32>
      tpu.vector_store %arg7[%parallel_loop3A_276, %parallel_loop3A_277], %parallel_loop3A_280 {add = true, strides = array<i32>} : memref<200x128xf32, #tpu.memory_space<vmem>>, vector<1x16xf32>,
      %parallel_loop3A_281 = arith.constant 0 : i32
      %parallel_loop3A_282 = arith.addi %parallel_loop3A_241, %parallel_loop3A_281 : i32
      %parallel_loop3A_283 = arith.constant 0 : i32
      %parallel_loop3A_284 = arith.addi %parallel_loop3A_241, %parallel_loop3A_283 : i32
      %parallel_loop3A_285 = arith.index_cast %parallel_loop3A_284 : i32 to index
      %parallel_loop3A_286 = arith.constant 48 : index
      %parallel_loop3A_287 = tpu.vector_load %arg10[%parallel_loop3A_285, %parallel_loop3A_286] {strides = array<i32>} : memref<200x128xf32, #tpu.memory_space<vmem>>, vector<1x16xf32>,
      %parallel_loop3A_288 = vector.shape_cast %parallel_loop3A_287 : vector<1x16xf32> to vector<16xf32>
      %parallel_loop3A_289 = arith.index_cast %parallel_loop3A_282 : i32 to index
      %parallel_loop3A_290 = arith.constant 48 : index
      %parallel_loop3A_291 = tpu.vector_load %arg7[%parallel_loop3A_289, %parallel_loop3A_290] {strides = array<i32>} : memref<200x128xf32, #tpu.memory_space<vmem>>, vector<1x16xf32>,
      %parallel_loop3A_292 = vector.shape_cast %parallel_loop3A_291 : vector<1x16xf32> to vector<16xf32>
      %parallel_loop3A_293 = vector.shape_cast %parallel_loop3A_288 : vector<16xf32> to vector<1x16xf32>
      tpu.vector_store %arg7[%parallel_loop3A_289, %parallel_loop3A_290], %parallel_loop3A_293 {add = true, strides = array<i32>} : memref<200x128xf32, #tpu.memory_space<vmem>>, vector<1x16xf32>,
      %parallel_loop3A_294 = arith.constant 0 : i32
      %parallel_loop3A_295 = arith.addi %parallel_loop3A_241, %parallel_loop3A_294 : i32
      %parallel_loop3A_296 = arith.constant 0 : i32
      %parallel_loop3A_297 = arith.addi %parallel_loop3A_241, %parallel_loop3A_296 : i32
      %parallel_loop3A_298 = arith.index_cast %parallel_loop3A_297 : i32 to index
      %parallel_loop3A_299 = arith.constant 64 : index
      %parallel_loop3A_300 = tpu.vector_load %arg10[%parallel_loop3A_298, %parallel_loop3A_299] {strides = array<i32>} : memref<200x128xf32, #tpu.memory_space<vmem>>, vector<1x16xf32>,
      %parallel_loop3A_301 = vector.shape_cast %parallel_loop3A_300 : vector<1x16xf32> to vector<16xf32>
      %parallel_loop3A_302 = arith.index_cast %parallel_loop3A_295 : i32 to index
      %parallel_loop3A_303 = arith.constant 64 : index
      %parallel_loop3A_304 = tpu.vector_load %arg7[%parallel_loop3A_302, %parallel_loop3A_303] {strides = array<i32>} : memref<200x128xf32, #tpu.memory_space<vmem>>, vector<1x16xf32>,
      %parallel_loop3A_305 = vector.shape_cast %parallel_loop3A_304 : vector<1x16xf32> to vector<16xf32>
      %parallel_loop3A_306 = vector.shape_cast %parallel_loop3A_301 : vector<16xf32> to vector<1x16xf32>
      tpu.vector_store %arg7[%parallel_loop3A_302, %parallel_loop3A_303], %parallel_loop3A_306 {add = true, strides = array<i32>} : memref<200x128xf32, #tpu.memory_space<vmem>>, vector<1x16xf32>,
      %parallel_loop3A_307 = arith.constant 0 : i32
      %parallel_loop3A_308 = arith.addi %parallel_loop3A_241, %parallel_loop3A_307 : i32
      %parallel_loop3A_309 = arith.constant 0 : i32
      %parallel_loop3A_310 = arith.addi %parallel_loop3A_241, %parallel_loop3A_309 : i32
      %parallel_loop3A_311 = arith.index_cast %parallel_loop3A_310 : i32 to index
      %parallel_loop3A_312 = arith.constant 80 : index
      %parallel_loop3A_313 = tpu.vector_load %arg10[%parallel_loop3A_311, %parallel_loop3A_312] {strides = array<i32>} : memref<200x128xf32, #tpu.memory_space<vmem>>, vector<1x16xf32>,
      %parallel_loop3A_314 = vector.shape_cast %parallel_loop3A_313 : vector<1x16xf32> to vector<16xf32>
      %parallel_loop3A_315 = arith.index_cast %parallel_loop3A_308 : i32 to index
      %parallel_loop3A_316 = arith.constant 80 : index
      %parallel_loop3A_317 = tpu.vector_load %arg7[%parallel_loop3A_315, %parallel_loop3A_316] {strides = array<i32>} : memref<200x128xf32, #tpu.memory_space<vmem>>, vector<1x16xf32>,
      %parallel_loop3A_318 = vector.shape_cast %parallel_loop3A_317 : vector<1x16xf32> to vector<16xf32>
      %parallel_loop3A_319 = vector.shape_cast %parallel_loop3A_314 : vector<16xf32> to vector<1x16xf32>
      tpu.vector_store %arg7[%parallel_loop3A_315, %parallel_loop3A_316], %parallel_loop3A_319 {add = true, strides = array<i32>} : memref<200x128xf32, #tpu.memory_space<vmem>>, vector<1x16xf32>,
      %parallel_loop3A_320 = arith.constant 0 : i32
      %parallel_loop3A_321 = arith.addi %parallel_loop3A_241, %parallel_loop3A_320 : i32
      %parallel_loop3A_322 = arith.constant 0 : i32
      %parallel_loop3A_323 = arith.addi %parallel_loop3A_241, %parallel_loop3A_322 : i32
      %parallel_loop3A_324 = arith.index_cast %parallel_loop3A_323 : i32 to index
      %parallel_loop3A_325 = arith.constant 96 : index
      %parallel_loop3A_326 = tpu.vector_load %arg10[%parallel_loop3A_324, %parallel_loop3A_325] {strides = array<i32>} : memref<200x128xf32, #tpu.memory_space<vmem>>, vector<1x16xf32>,
      %parallel_loop3A_327 = vector.shape_cast %parallel_loop3A_326 : vector<1x16xf32> to vector<16xf32>
      %parallel_loop3A_328 = arith.index_cast %parallel_loop3A_321 : i32 to index
      %parallel_loop3A_329 = arith.constant 96 : index
      %parallel_loop3A_330 = tpu.vector_load %arg7[%parallel_loop3A_328, %parallel_loop3A_329] {strides = array<i32>} : memref<200x128xf32, #tpu.memory_space<vmem>>, vector<1x16xf32>,
      %parallel_loop3A_331 = vector.shape_cast %parallel_loop3A_330 : vector<1x16xf32> to vector<16xf32>
      %parallel_loop3A_332 = vector.shape_cast %parallel_loop3A_327 : vector<16xf32> to vector<1x16xf32>
      tpu.vector_store %arg7[%parallel_loop3A_328, %parallel_loop3A_329], %parallel_loop3A_332 {add = true, strides = array<i32>} : memref<200x128xf32, #tpu.memory_space<vmem>>, vector<1x16xf32>,
      %parallel_loop3A_333 = arith.constant 0 : i32
      %parallel_loop3A_334 = arith.addi %parallel_loop3A_241, %parallel_loop3A_333 : i32
      %parallel_loop3A_335 = arith.constant 0 : i32
      %parallel_loop3A_336 = arith.addi %parallel_loop3A_241, %parallel_loop3A_335 : i32
      %parallel_loop3A_337 = arith.index_cast %parallel_loop3A_336 : i32 to index
      %parallel_loop3A_338 = arith.constant 112 : index
      %parallel_loop3A_339 = tpu.vector_load %arg10[%parallel_loop3A_337, %parallel_loop3A_338] {strides = array<i32>} : memref<200x128xf32, #tpu.memory_space<vmem>>, vector<1x16xf32>,
      %parallel_loop3A_340 = vector.shape_cast %parallel_loop3A_339 : vector<1x16xf32> to vector<16xf32>
      %parallel_loop3A_341 = arith.index_cast %parallel_loop3A_334 : i32 to index
      %parallel_loop3A_342 = arith.constant 112 : index
      %parallel_loop3A_343 = tpu.vector_load %arg7[%parallel_loop3A_341, %parallel_loop3A_342] {strides = array<i32>} : memref<200x128xf32, #tpu.memory_space<vmem>>, vector<1x16xf32>,
      %parallel_loop3A_344 = vector.shape_cast %parallel_loop3A_343 : vector<1x16xf32> to vector<16xf32>
      %parallel_loop3A_345 = vector.shape_cast %parallel_loop3A_340 : vector<16xf32> to vector<1x16xf32>
      tpu.vector_store %arg7[%parallel_loop3A_341, %parallel_loop3A_342], %parallel_loop3A_345 {add = true, strides = array<i32>} : memref<200x128xf32, #tpu.memory_space<vmem>>, vector<1x16xf32>,
      %parallel_loop3A_346 = arith.constant 1 : i32
      %parallel_loop3A_347 = arith.addi %parallel_loop3A_241, %parallel_loop3A_346 : i32
      %parallel_loop3A_348 = arith.constant 1 : i32
      %parallel_loop3A_349 = arith.addi %parallel_loop3A_241, %parallel_loop3A_348 : i32
      %parallel_loop3A_350 = arith.index_cast %parallel_loop3A_349 : i32 to index
      %parallel_loop3A_351 = arith.constant 0 : index
      %parallel_loop3A_352 = tpu.vector_load %arg10[%parallel_loop3A_350, %parallel_loop3A_351] {strides = array<i32>} : memref<200x128xf32, #tpu.memory_space<vmem>>, vector<1x16xf32>,
      %parallel_loop3A_353 = vector.shape_cast %parallel_loop3A_352 : vector<1x16xf32> to vector<16xf32>
      %parallel_loop3A_354 = arith.index_cast %parallel_loop3A_347 : i32 to index
      %parallel_loop3A_355 = arith.constant 0 : index
      %parallel_loop3A_356 = tpu.vector_load %arg7[%parallel_loop3A_354, %parallel_loop3A_355] {strides = array<i32>} : memref<200x128xf32, #tpu.memory_space<vmem>>, vector<1x16xf32>,
      %parallel_loop3A_357 = vector.shape_cast %parallel_loop3A_356 : vector<1x16xf32> to vector<16xf32>
      %parallel_loop3A_358 = vector.shape_cast %parallel_loop3A_353 : vector<16xf32> to vector<1x16xf32>
      tpu.vector_store %arg7[%parallel_loop3A_354, %parallel_loop3A_355], %parallel_loop3A_358 {add = true, strides = array<i32>} : memref<200x128xf32, #tpu.memory_space<vmem>>, vector<1x16xf32>,
      %parallel_loop3A_359 = arith.constant 1 : i32
      %parallel_loop3A_360 = arith.addi %parallel_loop3A_241, %parallel_loop3A_359 : i32
      %parallel_loop3A_361 = arith.constant 1 : i32
      %parallel_loop3A_362 = arith.addi %parallel_loop3A_241, %parallel_loop3A_361 : i32
      %parallel_loop3A_363 = arith.index_cast %parallel_loop3A_362 : i32 to index
      %parallel_loop3A_364 = arith.constant 16 : index
      %parallel_loop3A_365 = tpu.vector_load %arg10[%parallel_loop3A_363, %parallel_loop3A_364] {strides = array<i32>} : memref<200x128xf32, #tpu.memory_space<vmem>>, vector<1x16xf32>,
      %parallel_loop3A_366 = vector.shape_cast %parallel_loop3A_365 : vector<1x16xf32> to vector<16xf32>
      %parallel_loop3A_367 = arith.index_cast %parallel_loop3A_360 : i32 to index
      %parallel_loop3A_368 = arith.constant 16 : index
      %parallel_loop3A_369 = tpu.vector_load %arg7[%parallel_loop3A_367, %parallel_loop3A_368] {strides = array<i32>} : memref<200x128xf32, #tpu.memory_space<vmem>>, vector<1x16xf32>,
      %parallel_loop3A_370 = vector.shape_cast %parallel_loop3A_369 : vector<1x16xf32> to vector<16xf32>
      %parallel_loop3A_371 = vector.shape_cast %parallel_loop3A_366 : vector<16xf32> to vector<1x16xf32>
      tpu.vector_store %arg7[%parallel_loop3A_367, %parallel_loop3A_368], %parallel_loop3A_371 {add = true, strides = array<i32>} : memref<200x128xf32, #tpu.memory_space<vmem>>, vector<1x16xf32>,
      %parallel_loop3A_372 = arith.constant 1 : i32
      %parallel_loop3A_373 = arith.addi %parallel_loop3A_241, %parallel_loop3A_372 : i32
      %parallel_loop3A_374 = arith.constant 1 : i32
      %parallel_loop3A_375 = arith.addi %parallel_loop3A_241, %parallel_loop3A_374 : i32
      %parallel_loop3A_376 = arith.index_cast %parallel_loop3A_375 : i32 to index
      %parallel_loop3A_377 = arith.constant 32 : index
      %parallel_loop3A_378 = tpu.vector_load %arg10[%parallel_loop3A_376, %parallel_loop3A_377] {strides = array<i32>} : memref<200x128xf32, #tpu.memory_space<vmem>>, vector<1x16xf32>,
      %parallel_loop3A_379 = vector.shape_cast %parallel_loop3A_378 : vector<1x16xf32> to vector<16xf32>
      %parallel_loop3A_380 = arith.index_cast %parallel_loop3A_373 : i32 to index
      %parallel_loop3A_381 = arith.constant 32 : index
      %parallel_loop3A_382 = tpu.vector_load %arg7[%parallel_loop3A_380, %parallel_loop3A_381] {strides = array<i32>} : memref<200x128xf32, #tpu.memory_space<vmem>>, vector<1x16xf32>,
      %parallel_loop3A_383 = vector.shape_cast %parallel_loop3A_382 : vector<1x16xf32> to vector<16xf32>
      %parallel_loop3A_384 = vector.shape_cast %parallel_loop3A_379 : vector<16xf32> to vector<1x16xf32>
      tpu.vector_store %arg7[%parallel_loop3A_380, %parallel_loop3A_381], %parallel_loop3A_384 {add = true, strides = array<i32>} : memref<200x128xf32, #tpu.memory_space<vmem>>, vector<1x16xf32>,
      %parallel_loop3A_385 = arith.constant 1 : i32
      %parallel_loop3A_386 = arith.addi %parallel_loop3A_241, %parallel_loop3A_385 : i32
      %parallel_loop3A_387 = arith.constant 1 : i32
      %parallel_loop3A_388 = arith.addi %parallel_loop3A_241, %parallel_loop3A_387 : i32
      %parallel_loop3A_389 = arith.index_cast %parallel_loop3A_388 : i32 to index
      %parallel_loop3A_390 = arith.constant 48 : index
      %parallel_loop3A_391 = tpu.vector_load %arg10[%parallel_loop3A_389, %parallel_loop3A_390] {strides = array<i32>} : memref<200x128xf32, #tpu.memory_space<vmem>>, vector<1x16xf32>,
      %parallel_loop3A_392 = vector.shape_cast %parallel_loop3A_391 : vector<1x16xf32> to vector<16xf32>
      %parallel_loop3A_393 = arith.index_cast %parallel_loop3A_386 : i32 to index
      %parallel_loop3A_394 = arith.constant 48 : index
      %parallel_loop3A_395 = tpu.vector_load %arg7[%parallel_loop3A_393, %parallel_loop3A_394] {strides = array<i32>} : memref<200x128xf32, #tpu.memory_space<vmem>>, vector<1x16xf32>,
      %parallel_loop3A_396 = vector.shape_cast %parallel_loop3A_395 : vector<1x16xf32> to vector<16xf32>
      %parallel_loop3A_397 = vector.shape_cast %parallel_loop3A_392 : vector<16xf32> to vector<1x16xf32>
      tpu.vector_store %arg7[%parallel_loop3A_393, %parallel_loop3A_394], %parallel_loop3A_397 {add = true, strides = array<i32>} : memref<200x128xf32, #tpu.memory_space<vmem>>, vector<1x16xf32>,
      %parallel_loop3A_398 = arith.constant 1 : i32
      %parallel_loop3A_399 = arith.addi %parallel_loop3A_241, %parallel_loop3A_398 : i32
      %parallel_loop3A_400 = arith.constant 1 : i32
      %parallel_loop3A_401 = arith.addi %parallel_loop3A_241, %parallel_loop3A_400 : i32
      %parallel_loop3A_402 = arith.index_cast %parallel_loop3A_401 : i32 to index
      %parallel_loop3A_403 = arith.constant 64 : index
      %parallel_loop3A_404 = tpu.vector_load %arg10[%parallel_loop3A_402, %parallel_loop3A_403] {strides = array<i32>} : memref<200x128xf32, #tpu.memory_space<vmem>>, vector<1x16xf32>,
      %parallel_loop3A_405 = vector.shape_cast %parallel_loop3A_404 : vector<1x16xf32> to vector<16xf32>
      %parallel_loop3A_406 = arith.index_cast %parallel_loop3A_399 : i32 to index
      %parallel_loop3A_407 = arith.constant 64 : index
      %parallel_loop3A_408 = tpu.vector_load %arg7[%parallel_loop3A_406, %parallel_loop3A_407] {strides = array<i32>} : memref<200x128xf32, #tpu.memory_space<vmem>>, vector<1x16xf32>,
      %parallel_loop3A_409 = vector.shape_cast %parallel_loop3A_408 : vector<1x16xf32> to vector<16xf32>
      %parallel_loop3A_410 = vector.shape_cast %parallel_loop3A_405 : vector<16xf32> to vector<1x16xf32>
      tpu.vector_store %arg7[%parallel_loop3A_406, %parallel_loop3A_407], %parallel_loop3A_410 {add = true, strides = array<i32>} : memref<200x128xf32, #tpu.memory_space<vmem>>, vector<1x16xf32>,
      %parallel_loop3A_411 = arith.constant 1 : i32
      %parallel_loop3A_412 = arith.addi %parallel_loop3A_241, %parallel_loop3A_411 : i32
      %parallel_loop3A_413 = arith.constant 1 : i32
      %parallel_loop3A_414 = arith.addi %parallel_loop3A_241, %parallel_loop3A_413 : i32
      %parallel_loop3A_415 = arith.index_cast %parallel_loop3A_414 : i32 to index
      %parallel_loop3A_416 = arith.constant 80 : index
      %parallel_loop3A_417 = tpu.vector_load %arg10[%parallel_loop3A_415, %parallel_loop3A_416] {strides = array<i32>} : memref<200x128xf32, #tpu.memory_space<vmem>>, vector<1x16xf32>,
      %parallel_loop3A_418 = vector.shape_cast %parallel_loop3A_417 : vector<1x16xf32> to vector<16xf32>
      %parallel_loop3A_419 = arith.index_cast %parallel_loop3A_412 : i32 to index
      %parallel_loop3A_420 = arith.constant 80 : index
      %parallel_loop3A_421 = tpu.vector_load %arg7[%parallel_loop3A_419, %parallel_loop3A_420] {strides = array<i32>} : memref<200x128xf32, #tpu.memory_space<vmem>>, vector<1x16xf32>,
      %parallel_loop3A_422 = vector.shape_cast %parallel_loop3A_421 : vector<1x16xf32> to vector<16xf32>
      %parallel_loop3A_423 = vector.shape_cast %parallel_loop3A_418 : vector<16xf32> to vector<1x16xf32>
      tpu.vector_store %arg7[%parallel_loop3A_419, %parallel_loop3A_420], %parallel_loop3A_423 {add = true, strides = array<i32>} : memref<200x128xf32, #tpu.memory_space<vmem>>, vector<1x16xf32>,
      %parallel_loop3A_424 = arith.constant 1 : i32
      %parallel_loop3A_425 = arith.addi %parallel_loop3A_241, %parallel_loop3A_424 : i32
      %parallel_loop3A_426 = arith.constant 1 : i32
      %parallel_loop3A_427 = arith.addi %parallel_loop3A_241, %parallel_loop3A_426 : i32
      %parallel_loop3A_428 = arith.index_cast %parallel_loop3A_427 : i32 to index
      %parallel_loop3A_429 = arith.constant 96 : index
      %parallel_loop3A_430 = tpu.vector_load %arg10[%parallel_loop3A_428, %parallel_loop3A_429] {strides = array<i32>} : memref<200x128xf32, #tpu.memory_space<vmem>>, vector<1x16xf32>,
      %parallel_loop3A_431 = vector.shape_cast %parallel_loop3A_430 : vector<1x16xf32> to vector<16xf32>
      %parallel_loop3A_432 = arith.index_cast %parallel_loop3A_425 : i32 to index
      %parallel_loop3A_433 = arith.constant 96 : index
      %parallel_loop3A_434 = tpu.vector_load %arg7[%parallel_loop3A_432, %parallel_loop3A_433] {strides = array<i32>} : memref<200x128xf32, #tpu.memory_space<vmem>>, vector<1x16xf32>,
      %parallel_loop3A_435 = vector.shape_cast %parallel_loop3A_434 : vector<1x16xf32> to vector<16xf32>
      %parallel_loop3A_436 = vector.shape_cast %parallel_loop3A_431 : vector<16xf32> to vector<1x16xf32>
      tpu.vector_store %arg7[%parallel_loop3A_432, %parallel_loop3A_433], %parallel_loop3A_436 {add = true, strides = array<i32>} : memref<200x128xf32, #tpu.memory_space<vmem>>, vector<1x16xf32>,
      %parallel_loop3A_437 = arith.constant 1 : i32
      %parallel_loop3A_438 = arith.addi %parallel_loop3A_241, %parallel_loop3A_437 : i32
      %parallel_loop3A_439 = arith.constant 1 : i32
      %parallel_loop3A_440 = arith.addi %parallel_loop3A_241, %parallel_loop3A_439 : i32
      %parallel_loop3A_441 = arith.index_cast %parallel_loop3A_440 : i32 to index
      %parallel_loop3A_442 = arith.constant 112 : index
      %parallel_loop3A_443 = tpu.vector_load %arg10[%parallel_loop3A_441, %parallel_loop3A_442] {strides = array<i32>} : memref<200x128xf32, #tpu.memory_space<vmem>>, vector<1x16xf32>,
      %parallel_loop3A_444 = vector.shape_cast %parallel_loop3A_443 : vector<1x16xf32> to vector<16xf32>
      %parallel_loop3A_445 = arith.index_cast %parallel_loop3A_438 : i32 to index
      %parallel_loop3A_446 = arith.constant 112 : index
      %parallel_loop3A_447 = tpu.vector_load %arg7[%parallel_loop3A_445, %parallel_loop3A_446] {strides = array<i32>} : memref<200x128xf32, #tpu.memory_space<vmem>>, vector<1x16xf32>,
      %parallel_loop3A_448 = vector.shape_cast %parallel_loop3A_447 : vector<1x16xf32> to vector<16xf32>
      %parallel_loop3A_449 = vector.shape_cast %parallel_loop3A_444 : vector<16xf32> to vector<1x16xf32>
      tpu.vector_store %arg7[%parallel_loop3A_445, %parallel_loop3A_446], %parallel_loop3A_449 {add = true, strides = array<i32>} : memref<200x128xf32, #tpu.memory_space<vmem>>, vector<1x16xf32>,
    } {sc.loop_unroll_factor = 2 : i64, sc.parallel_access}
    %add3A_51 = arith.constant 0 : i32
    %add3A_52 = arith.addi %mul3A_2, %add3A_51 : i32
    %dma_start3A_53 = arith.constant 0 : i32
    %dma_start3A_54 = tpu.memref_slice %arg5[%add3A_52, %dma_start3A_53] : memref<204800x128xf32, #tpu.memory_space<hbm>> -> memref<200x128xf32, #tpu.memory_space<hbm>>
    %dma_start3A_55 = arith.constant 0 : i32
    %dma_start3A_56 = tpu.memref_slice %arg5[%add3A_52, %dma_start3A_55] : memref<204800x128xf32, #tpu.memory_space<hbm>> -> memref<200x128xf32, #tpu.memory_space<hbm>>
    tpu.enqueue_dma source(%arg7 : memref<200x128xf32, #tpu.memory_space<vmem>>) target(%dma_start3A_56 : memref<200x128xf32, #tpu.memory_space<hbm>>) target_semaphore(%arg17 : memref<!tpu.dma_semaphore, #tpu.memory_space<semaphore_mem>>)
    %dma_start3A_57 = arith.constant 0 : i32
    %dma_start3A_58 = arith.constant 0 : i32
    %dma_start3A_59 = tpu.memref_slice %arg9[%dma_start3A_57, %dma_start3A_58] : memref<200x128xf32, #tpu.memory_space<vmem>> -> memref<104x128xf32, #tpu.memory_space<vmem>>
    %dma_start3A_60 = arith.constant 400 : i32
    %dma_start3A_61 = tpu.memref_slice %arg6[%dma_start3A_60] : memref<6400xi32, #tpu.memory_space<vmem>> -> memref<104xi32, #tpu.memory_space<vmem>>
    %dma_start3A_62 = arith.constant 0 : i32
    %dma_start3A_63 = arith.constant 0 : i32
    %dma_start3A_64 = tpu.memref_slice %arg2[%dma_start3A_62, %dma_start3A_63] : memref<100000x128xf32, #tpu.memory_space<hbm>> -> memref<100000x128xf32, #tpu.memory_space<hbm>>
    tpu.enqueue_indirect_dma source(%dma_start3A_64 : memref<100000x128xf32, #tpu.memory_space<hbm>>) target(%dma_start3A_59 : memref<104x128xf32, #tpu.memory_space<vmem>>) offsets(%dma_start3A_61 : memref<104xi32, #tpu.memory_space<vmem>>) semaphore(%arg13 : memref<!tpu.dma_semaphore, #tpu.memory_space<semaphore_mem>>)
    %dma_start3A_65 = arith.constant 104 : i32
    %dma_start3A_66 = arith.constant 0 : i32
    %dma_start3A_67 = tpu.memref_slice %arg9[%dma_start3A_65, %dma_start3A_66] : memref<200x128xf32, #tpu.memory_space<vmem>> -> memref<96x128xf32, #tpu.memory_space<vmem>>
    %dma_start3A_68 = arith.constant 504 : i32
    %dma_start3A_69 = tpu.memref_slice %arg6[%dma_start3A_68] : memref<6400xi32, #tpu.memory_space<vmem>> -> memref<96xi32, #tpu.memory_space<vmem>>
    %dma_start3A_70 = arith.constant 0 : i32
    %dma_start3A_71 = arith.constant 0 : i32
    %dma_start3A_72 = tpu.memref_slice %arg2[%dma_start3A_70, %dma_start3A_71] : memref<100000x128xf32, #tpu.memory_space<hbm>> -> memref<100000x128xf32, #tpu.memory_space<hbm>>
    tpu.enqueue_indirect_dma source(%dma_start3A_72 : memref<100000x128xf32, #tpu.memory_space<hbm>>) target(%dma_start3A_67 : memref<96x128xf32, #tpu.memory_space<vmem>>) offsets(%dma_start3A_69 : memref<96xi32, #tpu.memory_space<vmem>>) semaphore(%arg16 : memref<!tpu.dma_semaphore, #tpu.memory_space<semaphore_mem>>)
    %dma_wait3A_73 = arith.constant 0 : i32
    %dma_wait3A_74 = arith.constant 0 : i32
    %dma_wait3A_75 = tpu.memref_slice %arg8[%dma_wait3A_73, %dma_wait3A_74] : memref<200x128xf32, #tpu.memory_space<vmem>> -> memref<104x128xf32, #tpu.memory_space<vmem>>
    %dma_wait3A_76 = arith.constant 200 : i32
    %dma_wait3A_77 = tpu.memref_slice %arg6[%dma_wait3A_76] : memref<6400xi32, #tpu.memory_space<vmem>> -> memref<104xi32, #tpu.memory_space<vmem>>
    %dma_wait3A_78 = arith.constant 0 : i32
    %dma_wait3A_79 = arith.constant 0 : i32
    %dma_wait3A_80 = tpu.memref_slice %arg2[%dma_wait3A_78, %dma_wait3A_79] : memref<100000x128xf32, #tpu.memory_space<hbm>> -> memref<100000x128xf32, #tpu.memory_space<hbm>>
    tpu.wait_indirect_dma semaphore(%arg12 : memref<!tpu.dma_semaphore, #tpu.memory_space<semaphore_mem>>) src(%dma_wait3A_80 : memref<100000x128xf32, #tpu.memory_space<hbm>>) dst(%dma_wait3A_75 : memref<104x128xf32, #tpu.memory_space<vmem>>)
    %dma_wait3A_81 = arith.constant 104 : i32
    %dma_wait3A_82 = arith.constant 0 : i32
    %dma_wait3A_83 = tpu.memref_slice %arg8[%dma_wait3A_81, %dma_wait3A_82] : memref<200x128xf32, #tpu.memory_space<vmem>> -> memref<96x128xf32, #tpu.memory_space<vmem>>
    %dma_wait3A_84 = arith.constant 304 : i32
    %dma_wait3A_85 = tpu.memref_slice %arg6[%dma_wait3A_84] : memref<6400xi32, #tpu.memory_space<vmem>> -> memref<96xi32, #tpu.memory_space<vmem>>
    %dma_wait3A_86 = arith.constant 0 : i32
    %dma_wait3A_87 = arith.constant 0 : i32
    %dma_wait3A_88 = tpu.memref_slice %arg2[%dma_wait3A_86, %dma_wait3A_87] : memref<100000x128xf32, #tpu.memory_space<hbm>> -> memref<100000x128xf32, #tpu.memory_space<hbm>>
    tpu.wait_indirect_dma semaphore(%arg15 : memref<!tpu.dma_semaphore, #tpu.memory_space<semaphore_mem>>) src(%dma_wait3A_88 : memref<100000x128xf32, #tpu.memory_space<hbm>>) dst(%dma_wait3A_83 : memref<96x128xf32, #tpu.memory_space<vmem>>)
    %parallel_loop3A_89 = arith.constant 0 : i32
    %parallel_loop3A_90 = arith.constant 200 : i32
    %parallel_loop3A_91 = arith.constant 2 : i32
    scf.for %parallel_loop3A_241 = %parallel_loop3A_89 to %parallel_loop3A_90 step %parallel_loop3A_91  : i32 {
      %parallel_loop3A_242 = arith.constant 0 : i32
      %parallel_loop3A_243 = arith.addi %parallel_loop3A_241, %parallel_loop3A_242 : i32
      %parallel_loop3A_244 = arith.constant 0 : i32
      %parallel_loop3A_245 = arith.addi %parallel_loop3A_241, %parallel_loop3A_244 : i32
      %parallel_loop3A_246 = arith.index_cast %parallel_loop3A_245 : i32 to index
      %parallel_loop3A_247 = arith.constant 0 : index
      %parallel_loop3A_248 = tpu.vector_load %arg10[%parallel_loop3A_246, %parallel_loop3A_247] {strides = array<i32>} : memref<200x128xf32, #tpu.memory_space<vmem>>, vector<1x16xf32>,
      %parallel_loop3A_249 = vector.shape_cast %parallel_loop3A_248 : vector<1x16xf32> to vector<16xf32>
      %parallel_loop3A_250 = arith.index_cast %parallel_loop3A_243 : i32 to index
      %parallel_loop3A_251 = arith.constant 0 : index
      %parallel_loop3A_252 = tpu.vector_load %arg8[%parallel_loop3A_250, %parallel_loop3A_251] {strides = array<i32>} : memref<200x128xf32, #tpu.memory_space<vmem>>, vector<1x16xf32>,
      %parallel_loop3A_253 = vector.shape_cast %parallel_loop3A_252 : vector<1x16xf32> to vector<16xf32>
      %parallel_loop3A_254 = vector.shape_cast %parallel_loop3A_249 : vector<16xf32> to vector<1x16xf32>
      tpu.vector_store %arg8[%parallel_loop3A_250, %parallel_loop3A_251], %parallel_loop3A_254 {add = true, strides = array<i32>} : memref<200x128xf32, #tpu.memory_space<vmem>>, vector<1x16xf32>,
      %parallel_loop3A_255 = arith.constant 0 : i32
      %parallel_loop3A_256 = arith.addi %parallel_loop3A_241, %parallel_loop3A_255 : i32
      %parallel_loop3A_257 = arith.constant 0 : i32
      %parallel_loop3A_258 = arith.addi %parallel_loop3A_241, %parallel_loop3A_257 : i32
      %parallel_loop3A_259 = arith.index_cast %parallel_loop3A_258 : i32 to index
      %parallel_loop3A_260 = arith.constant 16 : index
      %parallel_loop3A_261 = tpu.vector_load %arg10[%parallel_loop3A_259, %parallel_loop3A_260] {strides = array<i32>} : memref<200x128xf32, #tpu.memory_space<vmem>>, vector<1x16xf32>,
      %parallel_loop3A_262 = vector.shape_cast %parallel_loop3A_261 : vector<1x16xf32> to vector<16xf32>
      %parallel_loop3A_263 = arith.index_cast %parallel_loop3A_256 : i32 to index
      %parallel_loop3A_264 = arith.constant 16 : index
      %parallel_loop3A_265 = tpu.vector_load %arg8[%parallel_loop3A_263, %parallel_loop3A_264] {strides = array<i32>} : memref<200x128xf32, #tpu.memory_space<vmem>>, vector<1x16xf32>,
      %parallel_loop3A_266 = vector.shape_cast %parallel_loop3A_265 : vector<1x16xf32> to vector<16xf32>
      %parallel_loop3A_267 = vector.shape_cast %parallel_loop3A_262 : vector<16xf32> to vector<1x16xf32>
      tpu.vector_store %arg8[%parallel_loop3A_263, %parallel_loop3A_264], %parallel_loop3A_267 {add = true, strides = array<i32>} : memref<200x128xf32, #tpu.memory_space<vmem>>, vector<1x16xf32>,
      %parallel_loop3A_268 = arith.constant 0 : i32
      %parallel_loop3A_269 = arith.addi %parallel_loop3A_241, %parallel_loop3A_268 : i32
      %parallel_loop3A_270 = arith.constant 0 : i32
      %parallel_loop3A_271 = arith.addi %parallel_loop3A_241, %parallel_loop3A_270 : i32
      %parallel_loop3A_272 = arith.index_cast %parallel_loop3A_271 : i32 to index
      %parallel_loop3A_273 = arith.constant 32 : index
      %parallel_loop3A_274 = tpu.vector_load %arg10[%parallel_loop3A_272, %parallel_loop3A_273] {strides = array<i32>} : memref<200x128xf32, #tpu.memory_space<vmem>>, vector<1x16xf32>,
      %parallel_loop3A_275 = vector.shape_cast %parallel_loop3A_274 : vector<1x16xf32> to vector<16xf32>
      %parallel_loop3A_276 = arith.index_cast %parallel_loop3A_269 : i32 to index
      %parallel_loop3A_277 = arith.constant 32 : index
      %parallel_loop3A_278 = tpu.vector_load %arg8[%parallel_loop3A_276, %parallel_loop3A_277] {strides = array<i32>} : memref<200x128xf32, #tpu.memory_space<vmem>>, vector<1x16xf32>,
      %parallel_loop3A_279 = vector.shape_cast %parallel_loop3A_278 : vector<1x16xf32> to vector<16xf32>
      %parallel_loop3A_280 = vector.shape_cast %parallel_loop3A_275 : vector<16xf32> to vector<1x16xf32>
      tpu.vector_store %arg8[%parallel_loop3A_276, %parallel_loop3A_277], %parallel_loop3A_280 {add = true, strides = array<i32>} : memref<200x128xf32, #tpu.memory_space<vmem>>, vector<1x16xf32>,
      %parallel_loop3A_281 = arith.constant 0 : i32
      %parallel_loop3A_282 = arith.addi %parallel_loop3A_241, %parallel_loop3A_281 : i32
      %parallel_loop3A_283 = arith.constant 0 : i32
      %parallel_loop3A_284 = arith.addi %parallel_loop3A_241, %parallel_loop3A_283 : i32
      %parallel_loop3A_285 = arith.index_cast %parallel_loop3A_284 : i32 to index
      %parallel_loop3A_286 = arith.constant 48 : index
      %parallel_loop3A_287 = tpu.vector_load %arg10[%parallel_loop3A_285, %parallel_loop3A_286] {strides = array<i32>} : memref<200x128xf32, #tpu.memory_space<vmem>>, vector<1x16xf32>,
      %parallel_loop3A_288 = vector.shape_cast %parallel_loop3A_287 : vector<1x16xf32> to vector<16xf32>
      %parallel_loop3A_289 = arith.index_cast %parallel_loop3A_282 : i32 to index
      %parallel_loop3A_290 = arith.constant 48 : index
      %parallel_loop3A_291 = tpu.vector_load %arg8[%parallel_loop3A_289, %parallel_loop3A_290] {strides = array<i32>} : memref<200x128xf32, #tpu.memory_space<vmem>>, vector<1x16xf32>,
      %parallel_loop3A_292 = vector.shape_cast %parallel_loop3A_291 : vector<1x16xf32> to vector<16xf32>
      %parallel_loop3A_293 = vector.shape_cast %parallel_loop3A_288 : vector<16xf32> to vector<1x16xf32>
      tpu.vector_store %arg8[%parallel_loop3A_289, %parallel_loop3A_290], %parallel_loop3A_293 {add = true, strides = array<i32>} : memref<200x128xf32, #tpu.memory_space<vmem>>, vector<1x16xf32>,
      %parallel_loop3A_294 = arith.constant 0 : i32
      %parallel_loop3A_295 = arith.addi %parallel_loop3A_241, %parallel_loop3A_294 : i32
      %parallel_loop3A_296 = arith.constant 0 : i32
      %parallel_loop3A_297 = arith.addi %parallel_loop3A_241, %parallel_loop3A_296 : i32
      %parallel_loop3A_298 = arith.index_cast %parallel_loop3A_297 : i32 to index
      %parallel_loop3A_299 = arith.constant 64 : index
      %parallel_loop3A_300 = tpu.vector_load %arg10[%parallel_loop3A_298, %parallel_loop3A_299] {strides = array<i32>} : memref<200x128xf32, #tpu.memory_space<vmem>>, vector<1x16xf32>,
      %parallel_loop3A_301 = vector.shape_cast %parallel_loop3A_300 : vector<1x16xf32> to vector<16xf32>
      %parallel_loop3A_302 = arith.index_cast %parallel_loop3A_295 : i32 to index
      %parallel_loop3A_303 = arith.constant 64 : index
      %parallel_loop3A_304 = tpu.vector_load %arg8[%parallel_loop3A_302, %parallel_loop3A_303] {strides = array<i32>} : memref<200x128xf32, #tpu.memory_space<vmem>>, vector<1x16xf32>,
      %parallel_loop3A_305 = vector.shape_cast %parallel_loop3A_304 : vector<1x16xf32> to vector<16xf32>
      %parallel_loop3A_306 = vector.shape_cast %parallel_loop3A_301 : vector<16xf32> to vector<1x16xf32>
      tpu.vector_store %arg8[%parallel_loop3A_302, %parallel_loop3A_303], %parallel_loop3A_306 {add = true, strides = array<i32>} : memref<200x128xf32, #tpu.memory_space<vmem>>, vector<1x16xf32>,
      %parallel_loop3A_307 = arith.constant 0 : i32
      %parallel_loop3A_308 = arith.addi %parallel_loop3A_241, %parallel_loop3A_307 : i32
      %parallel_loop3A_309 = arith.constant 0 : i32
      %parallel_loop3A_310 = arith.addi %parallel_loop3A_241, %parallel_loop3A_309 : i32
      %parallel_loop3A_311 = arith.index_cast %parallel_loop3A_310 : i32 to index
      %parallel_loop3A_312 = arith.constant 80 : index
      %parallel_loop3A_313 = tpu.vector_load %arg10[%parallel_loop3A_311, %parallel_loop3A_312] {strides = array<i32>} : memref<200x128xf32, #tpu.memory_space<vmem>>, vector<1x16xf32>,
      %parallel_loop3A_314 = vector.shape_cast %parallel_loop3A_313 : vector<1x16xf32> to vector<16xf32>
      %parallel_loop3A_315 = arith.index_cast %parallel_loop3A_308 : i32 to index
      %parallel_loop3A_316 = arith.constant 80 : index
      %parallel_loop3A_317 = tpu.vector_load %arg8[%parallel_loop3A_315, %parallel_loop3A_316] {strides = array<i32>} : memref<200x128xf32, #tpu.memory_space<vmem>>, vector<1x16xf32>,
      %parallel_loop3A_318 = vector.shape_cast %parallel_loop3A_317 : vector<1x16xf32> to vector<16xf32>
      %parallel_loop3A_319 = vector.shape_cast %parallel_loop3A_314 : vector<16xf32> to vector<1x16xf32>
      tpu.vector_store %arg8[%parallel_loop3A_315, %parallel_loop3A_316], %parallel_loop3A_319 {add = true, strides = array<i32>} : memref<200x128xf32, #tpu.memory_space<vmem>>, vector<1x16xf32>,
      %parallel_loop3A_320 = arith.constant 0 : i32
      %parallel_loop3A_321 = arith.addi %parallel_loop3A_241, %parallel_loop3A_320 : i32
      %parallel_loop3A_322 = arith.constant 0 : i32
      %parallel_loop3A_323 = arith.addi %parallel_loop3A_241, %parallel_loop3A_322 : i32
      %parallel_loop3A_324 = arith.index_cast %parallel_loop3A_323 : i32 to index
      %parallel_loop3A_325 = arith.constant 96 : index
      %parallel_loop3A_326 = tpu.vector_load %arg10[%parallel_loop3A_324, %parallel_loop3A_325] {strides = array<i32>} : memref<200x128xf32, #tpu.memory_space<vmem>>, vector<1x16xf32>,
      %parallel_loop3A_327 = vector.shape_cast %parallel_loop3A_326 : vector<1x16xf32> to vector<16xf32>
      %parallel_loop3A_328 = arith.index_cast %parallel_loop3A_321 : i32 to index
      %parallel_loop3A_329 = arith.constant 96 : index
      %parallel_loop3A_330 = tpu.vector_load %arg8[%parallel_loop3A_328, %parallel_loop3A_329] {strides = array<i32>} : memref<200x128xf32, #tpu.memory_space<vmem>>, vector<1x16xf32>,
      %parallel_loop3A_331 = vector.shape_cast %parallel_loop3A_330 : vector<1x16xf32> to vector<16xf32>
      %parallel_loop3A_332 = vector.shape_cast %parallel_loop3A_327 : vector<16xf32> to vector<1x16xf32>
      tpu.vector_store %arg8[%parallel_loop3A_328, %parallel_loop3A_329], %parallel_loop3A_332 {add = true, strides = array<i32>} : memref<200x128xf32, #tpu.memory_space<vmem>>, vector<1x16xf32>,
      %parallel_loop3A_333 = arith.constant 0 : i32
      %parallel_loop3A_334 = arith.addi %parallel_loop3A_241, %parallel_loop3A_333 : i32
      %parallel_loop3A_335 = arith.constant 0 : i32
      %parallel_loop3A_336 = arith.addi %parallel_loop3A_241, %parallel_loop3A_335 : i32
      %parallel_loop3A_337 = arith.index_cast %parallel_loop3A_336 : i32 to index
      %parallel_loop3A_338 = arith.constant 112 : index
      %parallel_loop3A_339 = tpu.vector_load %arg10[%parallel_loop3A_337, %parallel_loop3A_338] {strides = array<i32>} : memref<200x128xf32, #tpu.memory_space<vmem>>, vector<1x16xf32>,
      %parallel_loop3A_340 = vector.shape_cast %parallel_loop3A_339 : vector<1x16xf32> to vector<16xf32>
      %parallel_loop3A_341 = arith.index_cast %parallel_loop3A_334 : i32 to index
      %parallel_loop3A_342 = arith.constant 112 : index
      %parallel_loop3A_343 = tpu.vector_load %arg8[%parallel_loop3A_341, %parallel_loop3A_342] {strides = array<i32>} : memref<200x128xf32, #tpu.memory_space<vmem>>, vector<1x16xf32>,
      %parallel_loop3A_344 = vector.shape_cast %parallel_loop3A_343 : vector<1x16xf32> to vector<16xf32>
      %parallel_loop3A_345 = vector.shape_cast %parallel_loop3A_340 : vector<16xf32> to vector<1x16xf32>
      tpu.vector_store %arg8[%parallel_loop3A_341, %parallel_loop3A_342], %parallel_loop3A_345 {add = true, strides = array<i32>} : memref<200x128xf32, #tpu.memory_space<vmem>>, vector<1x16xf32>,
      %parallel_loop3A_346 = arith.constant 1 : i32
      %parallel_loop3A_347 = arith.addi %parallel_loop3A_241, %parallel_loop3A_346 : i32
      %parallel_loop3A_348 = arith.constant 1 : i32
      %parallel_loop3A_349 = arith.addi %parallel_loop3A_241, %parallel_loop3A_348 : i32
      %parallel_loop3A_350 = arith.index_cast %parallel_loop3A_349 : i32 to index
      %parallel_loop3A_351 = arith.constant 0 : index
      %parallel_loop3A_352 = tpu.vector_load %arg10[%parallel_loop3A_350, %parallel_loop3A_351] {strides = array<i32>} : memref<200x128xf32, #tpu.memory_space<vmem>>, vector<1x16xf32>,
      %parallel_loop3A_353 = vector.shape_cast %parallel_loop3A_352 : vector<1x16xf32> to vector<16xf32>
      %parallel_loop3A_354 = arith.index_cast %parallel_loop3A_347 : i32 to index
      %parallel_loop3A_355 = arith.constant 0 : index
      %parallel_loop3A_356 = tpu.vector_load %arg8[%parallel_loop3A_354, %parallel_loop3A_355] {strides = array<i32>} : memref<200x128xf32, #tpu.memory_space<vmem>>, vector<1x16xf32>,
      %parallel_loop3A_357 = vector.shape_cast %parallel_loop3A_356 : vector<1x16xf32> to vector<16xf32>
      %parallel_loop3A_358 = vector.shape_cast %parallel_loop3A_353 : vector<16xf32> to vector<1x16xf32>
      tpu.vector_store %arg8[%parallel_loop3A_354, %parallel_loop3A_355], %parallel_loop3A_358 {add = true, strides = array<i32>} : memref<200x128xf32, #tpu.memory_space<vmem>>, vector<1x16xf32>,
      %parallel_loop3A_359 = arith.constant 1 : i32
      %parallel_loop3A_360 = arith.addi %parallel_loop3A_241, %parallel_loop3A_359 : i32
      %parallel_loop3A_361 = arith.constant 1 : i32
      %parallel_loop3A_362 = arith.addi %parallel_loop3A_241, %parallel_loop3A_361 : i32
      %parallel_loop3A_363 = arith.index_cast %parallel_loop3A_362 : i32 to index
      %parallel_loop3A_364 = arith.constant 16 : index
      %parallel_loop3A_365 = tpu.vector_load %arg10[%parallel_loop3A_363, %parallel_loop3A_364] {strides = array<i32>} : memref<200x128xf32, #tpu.memory_space<vmem>>, vector<1x16xf32>,
      %parallel_loop3A_366 = vector.shape_cast %parallel_loop3A_365 : vector<1x16xf32> to vector<16xf32>
      %parallel_loop3A_367 = arith.index_cast %parallel_loop3A_360 : i32 to index
      %parallel_loop3A_368 = arith.constant 16 : index
      %parallel_loop3A_369 = tpu.vector_load %arg8[%parallel_loop3A_367, %parallel_loop3A_368] {strides = array<i32>} : memref<200x128xf32, #tpu.memory_space<vmem>>, vector<1x16xf32>,
      %parallel_loop3A_370 = vector.shape_cast %parallel_loop3A_369 : vector<1x16xf32> to vector<16xf32>
      %parallel_loop3A_371 = vector.shape_cast %parallel_loop3A_366 : vector<16xf32> to vector<1x16xf32>
      tpu.vector_store %arg8[%parallel_loop3A_367, %parallel_loop3A_368], %parallel_loop3A_371 {add = true, strides = array<i32>} : memref<200x128xf32, #tpu.memory_space<vmem>>, vector<1x16xf32>,
      %parallel_loop3A_372 = arith.constant 1 : i32
      %parallel_loop3A_373 = arith.addi %parallel_loop3A_241, %parallel_loop3A_372 : i32
      %parallel_loop3A_374 = arith.constant 1 : i32
      %parallel_loop3A_375 = arith.addi %parallel_loop3A_241, %parallel_loop3A_374 : i32
      %parallel_loop3A_376 = arith.index_cast %parallel_loop3A_375 : i32 to index
      %parallel_loop3A_377 = arith.constant 32 : index
      %parallel_loop3A_378 = tpu.vector_load %arg10[%parallel_loop3A_376, %parallel_loop3A_377] {strides = array<i32>} : memref<200x128xf32, #tpu.memory_space<vmem>>, vector<1x16xf32>,
      %parallel_loop3A_379 = vector.shape_cast %parallel_loop3A_378 : vector<1x16xf32> to vector<16xf32>
      %parallel_loop3A_380 = arith.index_cast %parallel_loop3A_373 : i32 to index
      %parallel_loop3A_381 = arith.constant 32 : index
      %parallel_loop3A_382 = tpu.vector_load %arg8[%parallel_loop3A_380, %parallel_loop3A_381] {strides = array<i32>} : memref<200x128xf32, #tpu.memory_space<vmem>>, vector<1x16xf32>,
      %parallel_loop3A_383 = vector.shape_cast %parallel_loop3A_382 : vector<1x16xf32> to vector<16xf32>
      %parallel_loop3A_384 = vector.shape_cast %parallel_loop3A_379 : vector<16xf32> to vector<1x16xf32>
      tpu.vector_store %arg8[%parallel_loop3A_380, %parallel_loop3A_381], %parallel_loop3A_384 {add = true, strides = array<i32>} : memref<200x128xf32, #tpu.memory_space<vmem>>, vector<1x16xf32>,
      %parallel_loop3A_385 = arith.constant 1 : i32
      %parallel_loop3A_386 = arith.addi %parallel_loop3A_241, %parallel_loop3A_385 : i32
      %parallel_loop3A_387 = arith.constant 1 : i32
      %parallel_loop3A_388 = arith.addi %parallel_loop3A_241, %parallel_loop3A_387 : i32
      %parallel_loop3A_389 = arith.index_cast %parallel_loop3A_388 : i32 to index
      %parallel_loop3A_390 = arith.constant 48 : index
      %parallel_loop3A_391 = tpu.vector_load %arg10[%parallel_loop3A_389, %parallel_loop3A_390] {strides = array<i32>} : memref<200x128xf32, #tpu.memory_space<vmem>>, vector<1x16xf32>,
      %parallel_loop3A_392 = vector.shape_cast %parallel_loop3A_391 : vector<1x16xf32> to vector<16xf32>
      %parallel_loop3A_393 = arith.index_cast %parallel_loop3A_386 : i32 to index
      %parallel_loop3A_394 = arith.constant 48 : index
      %parallel_loop3A_395 = tpu.vector_load %arg8[%parallel_loop3A_393, %parallel_loop3A_394] {strides = array<i32>} : memref<200x128xf32, #tpu.memory_space<vmem>>, vector<1x16xf32>,
      %parallel_loop3A_396 = vector.shape_cast %parallel_loop3A_395 : vector<1x16xf32> to vector<16xf32>
      %parallel_loop3A_397 = vector.shape_cast %parallel_loop3A_392 : vector<16xf32> to vector<1x16xf32>
      tpu.vector_store %arg8[%parallel_loop3A_393, %parallel_loop3A_394], %parallel_loop3A_397 {add = true, strides = array<i32>} : memref<200x128xf32, #tpu.memory_space<vmem>>, vector<1x16xf32>,
      %parallel_loop3A_398 = arith.constant 1 : i32
      %parallel_loop3A_399 = arith.addi %parallel_loop3A_241, %parallel_loop3A_398 : i32
      %parallel_loop3A_400 = arith.constant 1 : i32
      %parallel_loop3A_401 = arith.addi %parallel_loop3A_241, %parallel_loop3A_400 : i32
      %parallel_loop3A_402 = arith.index_cast %parallel_loop3A_401 : i32 to index
      %parallel_loop3A_403 = arith.constant 64 : index
      %parallel_loop3A_404 = tpu.vector_load %arg10[%parallel_loop3A_402, %parallel_loop3A_403] {strides = array<i32>} : memref<200x128xf32, #tpu.memory_space<vmem>>, vector<1x16xf32>,
      %parallel_loop3A_405 = vector.shape_cast %parallel_loop3A_404 : vector<1x16xf32> to vector<16xf32>
      %parallel_loop3A_406 = arith.index_cast %parallel_loop3A_399 : i32 to index
      %parallel_loop3A_407 = arith.constant 64 : index
      %parallel_loop3A_408 = tpu.vector_load %arg8[%parallel_loop3A_406, %parallel_loop3A_407] {strides = array<i32>} : memref<200x128xf32, #tpu.memory_space<vmem>>, vector<1x16xf32>,
      %parallel_loop3A_409 = vector.shape_cast %parallel_loop3A_408 : vector<1x16xf32> to vector<16xf32>
      %parallel_loop3A_410 = vector.shape_cast %parallel_loop3A_405 : vector<16xf32> to vector<1x16xf32>
      tpu.vector_store %arg8[%parallel_loop3A_406, %parallel_loop3A_407], %parallel_loop3A_410 {add = true, strides = array<i32>} : memref<200x128xf32, #tpu.memory_space<vmem>>, vector<1x16xf32>,
      %parallel_loop3A_411 = arith.constant 1 : i32
      %parallel_loop3A_412 = arith.addi %parallel_loop3A_241, %parallel_loop3A_411 : i32
      %parallel_loop3A_413 = arith.constant 1 : i32
      %parallel_loop3A_414 = arith.addi %parallel_loop3A_241, %parallel_loop3A_413 : i32
      %parallel_loop3A_415 = arith.index_cast %parallel_loop3A_414 : i32 to index
      %parallel_loop3A_416 = arith.constant 80 : index
      %parallel_loop3A_417 = tpu.vector_load %arg10[%parallel_loop3A_415, %parallel_loop3A_416] {strides = array<i32>} : memref<200x128xf32, #tpu.memory_space<vmem>>, vector<1x16xf32>,
      %parallel_loop3A_418 = vector.shape_cast %parallel_loop3A_417 : vector<1x16xf32> to vector<16xf32>
      %parallel_loop3A_419 = arith.index_cast %parallel_loop3A_412 : i32 to index
      %parallel_loop3A_420 = arith.constant 80 : index
      %parallel_loop3A_421 = tpu.vector_load %arg8[%parallel_loop3A_419, %parallel_loop3A_420] {strides = array<i32>} : memref<200x128xf32, #tpu.memory_space<vmem>>, vector<1x16xf32>,
      %parallel_loop3A_422 = vector.shape_cast %parallel_loop3A_421 : vector<1x16xf32> to vector<16xf32>
      %parallel_loop3A_423 = vector.shape_cast %parallel_loop3A_418 : vector<16xf32> to vector<1x16xf32>
      tpu.vector_store %arg8[%parallel_loop3A_419, %parallel_loop3A_420], %parallel_loop3A_423 {add = true, strides = array<i32>} : memref<200x128xf32, #tpu.memory_space<vmem>>, vector<1x16xf32>,
      %parallel_loop3A_424 = arith.constant 1 : i32
      %parallel_loop3A_425 = arith.addi %parallel_loop3A_241, %parallel_loop3A_424 : i32
      %parallel_loop3A_426 = arith.constant 1 : i32
      %parallel_loop3A_427 = arith.addi %parallel_loop3A_241, %parallel_loop3A_426 : i32
      %parallel_loop3A_428 = arith.index_cast %parallel_loop3A_427 : i32 to index
      %parallel_loop3A_429 = arith.constant 96 : index
      %parallel_loop3A_430 = tpu.vector_load %arg10[%parallel_loop3A_428, %parallel_loop3A_429] {strides = array<i32>} : memref<200x128xf32, #tpu.memory_space<vmem>>, vector<1x16xf32>,
      %parallel_loop3A_431 = vector.shape_cast %parallel_loop3A_430 : vector<1x16xf32> to vector<16xf32>
      %parallel_loop3A_432 = arith.index_cast %parallel_loop3A_425 : i32 to index
      %parallel_loop3A_433 = arith.constant 96 : index
      %parallel_loop3A_434 = tpu.vector_load %arg8[%parallel_loop3A_432, %parallel_loop3A_433] {strides = array<i32>} : memref<200x128xf32, #tpu.memory_space<vmem>>, vector<1x16xf32>,
      %parallel_loop3A_435 = vector.shape_cast %parallel_loop3A_434 : vector<1x16xf32> to vector<16xf32>
      %parallel_loop3A_436 = vector.shape_cast %parallel_loop3A_431 : vector<16xf32> to vector<1x16xf32>
      tpu.vector_store %arg8[%parallel_loop3A_432, %parallel_loop3A_433], %parallel_loop3A_436 {add = true, strides = array<i32>} : memref<200x128xf32, #tpu.memory_space<vmem>>, vector<1x16xf32>,
      %parallel_loop3A_437 = arith.constant 1 : i32
      %parallel_loop3A_438 = arith.addi %parallel_loop3A_241, %parallel_loop3A_437 : i32
      %parallel_loop3A_439 = arith.constant 1 : i32
      %parallel_loop3A_440 = arith.addi %parallel_loop3A_241, %parallel_loop3A_439 : i32
      %parallel_loop3A_441 = arith.index_cast %parallel_loop3A_440 : i32 to index
      %parallel_loop3A_442 = arith.constant 112 : index
      %parallel_loop3A_443 = tpu.vector_load %arg10[%parallel_loop3A_441, %parallel_loop3A_442] {strides = array<i32>} : memref<200x128xf32, #tpu.memory_space<vmem>>, vector<1x16xf32>,
      %parallel_loop3A_444 = vector.shape_cast %parallel_loop3A_443 : vector<1x16xf32> to vector<16xf32>
      %parallel_loop3A_445 = arith.index_cast %parallel_loop3A_438 : i32 to index
      %parallel_loop3A_446 = arith.constant 112 : index
      %parallel_loop3A_447 = tpu.vector_load %arg8[%parallel_loop3A_445, %parallel_loop3A_446] {strides = array<i32>} : memref<200x128xf32, #tpu.memory_space<vmem>>, vector<1x16xf32>,
      %parallel_loop3A_448 = vector.shape_cast %parallel_loop3A_447 : vector<1x16xf32> to vector<16xf32>
      %parallel_loop3A_449 = vector.shape_cast %parallel_loop3A_444 : vector<16xf32> to vector<1x16xf32>
      tpu.vector_store %arg8[%parallel_loop3A_445, %parallel_loop3A_446], %parallel_loop3A_449 {add = true, strides = array<i32>} : memref<200x128xf32, #tpu.memory_space<vmem>>, vector<1x16xf32>,
    } {sc.loop_unroll_factor = 2 : i64, sc.parallel_access}
    %add3A_92 = arith.constant 200 : i32
    %add3A_93 = arith.addi %mul3A_2, %add3A_92 : i32
    %dma_start3A_94 = arith.constant 0 : i32
    %dma_start3A_95 = tpu.memref_slice %arg5[%add3A_93, %dma_start3A_94] : memref<204800x128xf32, #tpu.memory_space<hbm>> -> memref<200x128xf32, #tpu.memory_space<hbm>>
    %dma_start3A_96 = arith.constant 0 : i32
    %dma_start3A_97 = tpu.memref_slice %arg5[%add3A_93, %dma_start3A_96] : memref<204800x128xf32, #tpu.memory_space<hbm>> -> memref<200x128xf32, #tpu.memory_space<hbm>>
    tpu.enqueue_dma source(%arg8 : memref<200x128xf32, #tpu.memory_space<vmem>>) target(%dma_start3A_97 : memref<200x128xf32, #tpu.memory_space<hbm>>) target_semaphore(%arg18 : memref<!tpu.dma_semaphore, #tpu.memory_space<semaphore_mem>>)
    %add3A_98 = arith.constant 0 : i32
    %add3A_99 = arith.addi %mul3A_2, %add3A_98 : i32
    %dma_wait3A_100 = arith.constant 0 : i32
    %dma_wait3A_101 = tpu.memref_slice %arg5[%add3A_99, %dma_wait3A_100] : memref<204800x128xf32, #tpu.memory_space<hbm>> -> memref<200x128xf32, #tpu.memory_space<hbm>>
    %dma_wait3A_102 = arith.constant 0 : i32
    %dma_wait3A_103 = tpu.memref_slice %arg5[%add3A_99, %dma_wait3A_102] : memref<204800x128xf32, #tpu.memory_space<hbm>> -> memref<200x128xf32, #tpu.memory_space<hbm>>
    tpu.wait_dma2 semaphore(%arg17 : memref<!tpu.dma_semaphore, #tpu.memory_space<semaphore_mem>>) src(%arg7 : memref<200x128xf32, #tpu.memory_space<vmem>>) dst(%dma_wait3A_103 : memref<200x128xf32, #tpu.memory_space<hbm>>)
    %dma_start3A_104 = arith.constant 0 : i32
    %dma_start3A_105 = arith.constant 0 : i32
    %dma_start3A_106 = tpu.memref_slice %arg7[%dma_start3A_104, %dma_start3A_105] : memref<200x128xf32, #tpu.memory_space<vmem>> -> memref<104x128xf32, #tpu.memory_space<vmem>>
    %dma_start3A_107 = arith.constant 600 : i32
    %dma_start3A_108 = tpu.memref_slice %arg6[%dma_start3A_107] : memref<6400xi32, #tpu.memory_space<vmem>> -> memref<104xi32, #tpu.memory_space<vmem>>
    %dma_start3A_109 = arith.constant 0 : i32
    %dma_start3A_110 = arith.constant 0 : i32
    %dma_start3A_111 = tpu.memref_slice %arg2[%dma_start3A_109, %dma_start3A_110] : memref<100000x128xf32, #tpu.memory_space<hbm>> -> memref<100000x128xf32, #tpu.memory_space<hbm>>
    tpu.enqueue_indirect_dma source(%dma_start3A_111 : memref<100000x128xf32, #tpu.memory_space<hbm>>) target(%dma_start3A_106 : memref<104x128xf32, #tpu.memory_space<vmem>>) offsets(%dma_start3A_108 : memref<104xi32, #tpu.memory_space<vmem>>) semaphore(%arg11 : memref<!tpu.dma_semaphore, #tpu.memory_space<semaphore_mem>>)
    %dma_start3A_112 = arith.constant 104 : i32
    %dma_start3A_113 = arith.constant 0 : i32
    %dma_start3A_114 = tpu.memref_slice %arg7[%dma_start3A_112, %dma_start3A_113] : memref<200x128xf32, #tpu.memory_space<vmem>> -> memref<96x128xf32, #tpu.memory_space<vmem>>
    %dma_start3A_115 = arith.constant 704 : i32
    %dma_start3A_116 = tpu.memref_slice %arg6[%dma_start3A_115] : memref<6400xi32, #tpu.memory_space<vmem>> -> memref<96xi32, #tpu.memory_space<vmem>>
    %dma_start3A_117 = arith.constant 0 : i32
    %dma_start3A_118 = arith.constant 0 : i32
    %dma_start3A_119 = tpu.memref_slice %arg2[%dma_start3A_117, %dma_start3A_118] : memref<100000x128xf32, #tpu.memory_space<hbm>> -> memref<100000x128xf32, #tpu.memory_space<hbm>>
    tpu.enqueue_indirect_dma source(%dma_start3A_119 : memref<100000x128xf32, #tpu.memory_space<hbm>>) target(%dma_start3A_114 : memref<96x128xf32, #tpu.memory_space<vmem>>) offsets(%dma_start3A_116 : memref<96xi32, #tpu.memory_space<vmem>>) semaphore(%arg14 : memref<!tpu.dma_semaphore, #tpu.memory_space<semaphore_mem>>)
    %dma_wait3A_120 = arith.constant 0 : i32
    %dma_wait3A_121 = arith.constant 0 : i32
    %dma_wait3A_122 = tpu.memref_slice %arg9[%dma_wait3A_120, %dma_wait3A_121] : memref<200x128xf32, #tpu.memory_space<vmem>> -> memref<104x128xf32, #tpu.memory_space<vmem>>
    %dma_wait3A_123 = arith.constant 400 : i32
    %dma_wait3A_124 = tpu.memref_slice %arg6[%dma_wait3A_123] : memref<6400xi32, #tpu.memory_space<vmem>> -> memref<104xi32, #tpu.memory_space<vmem>>
    %dma_wait3A_125 = arith.constant 0 : i32
    %dma_wait3A_126 = arith.constant 0 : i32
    %dma_wait3A_127 = tpu.memref_slice %arg2[%dma_wait3A_125, %dma_wait3A_126] : memref<100000x128xf32, #tpu.memory_space<hbm>> -> memref<100000x128xf32, #tpu.memory_space<hbm>>
    tpu.wait_indirect_dma semaphore(%arg13 : memref<!tpu.dma_semaphore, #tpu.memory_space<semaphore_mem>>) src(%dma_wait3A_127 : memref<100000x128xf32, #tpu.memory_space<hbm>>) dst(%dma_wait3A_122 : memref<104x128xf32, #tpu.memory_space<vmem>>)
    %dma_wait3A_128 = arith.constant 104 : i32
    %dma_wait3A_129 = arith.constant 0 : i32
    %dma_wait3A_130 = tpu.memref_slice %arg9[%dma_wait3A_128, %dma_wait3A_129] : memref<200x128xf32, #tpu.memory_space<vmem>> -> memref<96x128xf32, #tpu.memory_space<vmem>>
    %dma_wait3A_131 = arith.constant 504 : i32
    %dma_wait3A_132 = tpu.memref_slice %arg6[%dma_wait3A_131] : memref<6400xi32, #tpu.memory_space<vmem>> -> memref<96xi32, #tpu.memory_space<vmem>>
    %dma_wait3A_133 = arith.constant 0 : i32
    %dma_wait3A_134 = arith.constant 0 : i32
    %dma_wait3A_135 = tpu.memref_slice %arg2[%dma_wait3A_133, %dma_wait3A_134] : memref<100000x128xf32, #tpu.memory_space<hbm>> -> memref<100000x128xf32, #tpu.memory_space<hbm>>
    tpu.wait_indirect_dma semaphore(%arg16 : memref<!tpu.dma_semaphore, #tpu.memory_space<semaphore_mem>>) src(%dma_wait3A_135 : memref<100000x128xf32, #tpu.memory_space<hbm>>) dst(%dma_wait3A_130 : memref<96x128xf32, #tpu.memory_space<vmem>>)
    %parallel_loop3A_136 = arith.constant 0 : i32
    %parallel_loop3A_137 = arith.constant 200 : i32
    %parallel_loop3A_138 = arith.constant 2 : i32
    scf.for %parallel_loop3A_241 = %parallel_loop3A_136 to %parallel_loop3A_137 step %parallel_loop3A_138  : i32 {
      %parallel_loop3A_242 = arith.constant 0 : i32
      %parallel_loop3A_243 = arith.addi %parallel_loop3A_241, %parallel_loop3A_242 : i32
      %parallel_loop3A_244 = arith.constant 0 : i32
      %parallel_loop3A_245 = arith.addi %parallel_loop3A_241, %parallel_loop3A_244 : i32
      %parallel_loop3A_246 = arith.index_cast %parallel_loop3A_245 : i32 to index
      %parallel_loop3A_247 = arith.constant 0 : index
      %parallel_loop3A_248 = tpu.vector_load %arg10[%parallel_loop3A_246, %parallel_loop3A_247] {strides = array<i32>} : memref<200x128xf32, #tpu.memory_space<vmem>>, vector<1x16xf32>,
      %parallel_loop3A_249 = vector.shape_cast %parallel_loop3A_248 : vector<1x16xf32> to vector<16xf32>
      %parallel_loop3A_250 = arith.index_cast %parallel_loop3A_243 : i32 to index
      %parallel_loop3A_251 = arith.constant 0 : index
      %parallel_loop3A_252 = tpu.vector_load %arg9[%parallel_loop3A_250, %parallel_loop3A_251] {strides = array<i32>} : memref<200x128xf32, #tpu.memory_space<vmem>>, vector<1x16xf32>,
      %parallel_loop3A_253 = vector.shape_cast %parallel_loop3A_252 : vector<1x16xf32> to vector<16xf32>
      %parallel_loop3A_254 = vector.shape_cast %parallel_loop3A_249 : vector<16xf32> to vector<1x16xf32>
      tpu.vector_store %arg9[%parallel_loop3A_250, %parallel_loop3A_251], %parallel_loop3A_254 {add = true, strides = array<i32>} : memref<200x128xf32, #tpu.memory_space<vmem>>, vector<1x16xf32>,
      %parallel_loop3A_255 = arith.constant 0 : i32
      %parallel_loop3A_256 = arith.addi %parallel_loop3A_241, %parallel_loop3A_255 : i32
      %parallel_loop3A_257 = arith.constant 0 : i32
      %parallel_loop3A_258 = arith.addi %parallel_loop3A_241, %parallel_loop3A_257 : i32
      %parallel_loop3A_259 = arith.index_cast %parallel_loop3A_258 : i32 to index
      %parallel_loop3A_260 = arith.constant 16 : index
      %parallel_loop3A_261 = tpu.vector_load %arg10[%parallel_loop3A_259, %parallel_loop3A_260] {strides = array<i32>} : memref<200x128xf32, #tpu.memory_space<vmem>>, vector<1x16xf32>,
      %parallel_loop3A_262 = vector.shape_cast %parallel_loop3A_261 : vector<1x16xf32> to vector<16xf32>
      %parallel_loop3A_263 = arith.index_cast %parallel_loop3A_256 : i32 to index
      %parallel_loop3A_264 = arith.constant 16 : index
      %parallel_loop3A_265 = tpu.vector_load %arg9[%parallel_loop3A_263, %parallel_loop3A_264] {strides = array<i32>} : memref<200x128xf32, #tpu.memory_space<vmem>>, vector<1x16xf32>,
      %parallel_loop3A_266 = vector.shape_cast %parallel_loop3A_265 : vector<1x16xf32> to vector<16xf32>
      %parallel_loop3A_267 = vector.shape_cast %parallel_loop3A_262 : vector<16xf32> to vector<1x16xf32>
      tpu.vector_store %arg9[%parallel_loop3A_263, %parallel_loop3A_264], %parallel_loop3A_267 {add = true, strides = array<i32>} : memref<200x128xf32, #tpu.memory_space<vmem>>, vector<1x16xf32>,
      %parallel_loop3A_268 = arith.constant 0 : i32
      %parallel_loop3A_269 = arith.addi %parallel_loop3A_241, %parallel_loop3A_268 : i32
      %parallel_loop3A_270 = arith.constant 0 : i32
      %parallel_loop3A_271 = arith.addi %parallel_loop3A_241, %parallel_loop3A_270 : i32
      %parallel_loop3A_272 = arith.index_cast %parallel_loop3A_271 : i32 to index
      %parallel_loop3A_273 = arith.constant 32 : index
      %parallel_loop3A_274 = tpu.vector_load %arg10[%parallel_loop3A_272, %parallel_loop3A_273] {strides = array<i32>} : memref<200x128xf32, #tpu.memory_space<vmem>>, vector<1x16xf32>,
      %parallel_loop3A_275 = vector.shape_cast %parallel_loop3A_274 : vector<1x16xf32> to vector<16xf32>
      %parallel_loop3A_276 = arith.index_cast %parallel_loop3A_269 : i32 to index
      %parallel_loop3A_277 = arith.constant 32 : index
      %parallel_loop3A_278 = tpu.vector_load %arg9[%parallel_loop3A_276, %parallel_loop3A_277] {strides = array<i32>} : memref<200x128xf32, #tpu.memory_space<vmem>>, vector<1x16xf32>,
      %parallel_loop3A_279 = vector.shape_cast %parallel_loop3A_278 : vector<1x16xf32> to vector<16xf32>
      %parallel_loop3A_280 = vector.shape_cast %parallel_loop3A_275 : vector<16xf32> to vector<1x16xf32>
      tpu.vector_store %arg9[%parallel_loop3A_276, %parallel_loop3A_277], %parallel_loop3A_280 {add = true, strides = array<i32>} : memref<200x128xf32, #tpu.memory_space<vmem>>, vector<1x16xf32>,
      %parallel_loop3A_281 = arith.constant 0 : i32
      %parallel_loop3A_282 = arith.addi %parallel_loop3A_241, %parallel_loop3A_281 : i32
      %parallel_loop3A_283 = arith.constant 0 : i32
      %parallel_loop3A_284 = arith.addi %parallel_loop3A_241, %parallel_loop3A_283 : i32
      %parallel_loop3A_285 = arith.index_cast %parallel_loop3A_284 : i32 to index
      %parallel_loop3A_286 = arith.constant 48 : index
      %parallel_loop3A_287 = tpu.vector_load %arg10[%parallel_loop3A_285, %parallel_loop3A_286] {strides = array<i32>} : memref<200x128xf32, #tpu.memory_space<vmem>>, vector<1x16xf32>,
      %parallel_loop3A_288 = vector.shape_cast %parallel_loop3A_287 : vector<1x16xf32> to vector<16xf32>
      %parallel_loop3A_289 = arith.index_cast %parallel_loop3A_282 : i32 to index
      %parallel_loop3A_290 = arith.constant 48 : index
      %parallel_loop3A_291 = tpu.vector_load %arg9[%parallel_loop3A_289, %parallel_loop3A_290] {strides = array<i32>} : memref<200x128xf32, #tpu.memory_space<vmem>>, vector<1x16xf32>,
      %parallel_loop3A_292 = vector.shape_cast %parallel_loop3A_291 : vector<1x16xf32> to vector<16xf32>
      %parallel_loop3A_293 = vector.shape_cast %parallel_loop3A_288 : vector<16xf32> to vector<1x16xf32>
      tpu.vector_store %arg9[%parallel_loop3A_289, %parallel_loop3A_290], %parallel_loop3A_293 {add = true, strides = array<i32>} : memref<200x128xf32, #tpu.memory_space<vmem>>, vector<1x16xf32>,
      %parallel_loop3A_294 = arith.constant 0 : i32
      %parallel_loop3A_295 = arith.addi %parallel_loop3A_241, %parallel_loop3A_294 : i32
      %parallel_loop3A_296 = arith.constant 0 : i32
      %parallel_loop3A_297 = arith.addi %parallel_loop3A_241, %parallel_loop3A_296 : i32
      %parallel_loop3A_298 = arith.index_cast %parallel_loop3A_297 : i32 to index
      %parallel_loop3A_299 = arith.constant 64 : index
      %parallel_loop3A_300 = tpu.vector_load %arg10[%parallel_loop3A_298, %parallel_loop3A_299] {strides = array<i32>} : memref<200x128xf32, #tpu.memory_space<vmem>>, vector<1x16xf32>,
      %parallel_loop3A_301 = vector.shape_cast %parallel_loop3A_300 : vector<1x16xf32> to vector<16xf32>
      %parallel_loop3A_302 = arith.index_cast %parallel_loop3A_295 : i32 to index
      %parallel_loop3A_303 = arith.constant 64 : index
      %parallel_loop3A_304 = tpu.vector_load %arg9[%parallel_loop3A_302, %parallel_loop3A_303] {strides = array<i32>} : memref<200x128xf32, #tpu.memory_space<vmem>>, vector<1x16xf32>,
      %parallel_loop3A_305 = vector.shape_cast %parallel_loop3A_304 : vector<1x16xf32> to vector<16xf32>
      %parallel_loop3A_306 = vector.shape_cast %parallel_loop3A_301 : vector<16xf32> to vector<1x16xf32>
      tpu.vector_store %arg9[%parallel_loop3A_302, %parallel_loop3A_303], %parallel_loop3A_306 {add = true, strides = array<i32>} : memref<200x128xf32, #tpu.memory_space<vmem>>, vector<1x16xf32>,
      %parallel_loop3A_307 = arith.constant 0 : i32
      %parallel_loop3A_308 = arith.addi %parallel_loop3A_241, %parallel_loop3A_307 : i32
      %parallel_loop3A_309 = arith.constant 0 : i32
      %parallel_loop3A_310 = arith.addi %parallel_loop3A_241, %parallel_loop3A_309 : i32
      %parallel_loop3A_311 = arith.index_cast %parallel_loop3A_310 : i32 to index
      %parallel_loop3A_312 = arith.constant 80 : index
      %parallel_loop3A_313 = tpu.vector_load %arg10[%parallel_loop3A_311, %parallel_loop3A_312] {strides = array<i32>} : memref<200x128xf32, #tpu.memory_space<vmem>>, vector<1x16xf32>,
      %parallel_loop3A_314 = vector.shape_cast %parallel_loop3A_313 : vector<1x16xf32> to vector<16xf32>
      %parallel_loop3A_315 = arith.index_cast %parallel_loop3A_308 : i32 to index
      %parallel_loop3A_316 = arith.constant 80 : index
      %parallel_loop3A_317 = tpu.vector_load %arg9[%parallel_loop3A_315, %parallel_loop3A_316] {strides = array<i32>} : memref<200x128xf32, #tpu.memory_space<vmem>>, vector<1x16xf32>,
      %parallel_loop3A_318 = vector.shape_cast %parallel_loop3A_317 : vector<1x16xf32> to vector<16xf32>
      %parallel_loop3A_319 = vector.shape_cast %parallel_loop3A_314 : vector<16xf32> to vector<1x16xf32>
      tpu.vector_store %arg9[%parallel_loop3A_315, %parallel_loop3A_316], %parallel_loop3A_319 {add = true, strides = array<i32>} : memref<200x128xf32, #tpu.memory_space<vmem>>, vector<1x16xf32>,
      %parallel_loop3A_320 = arith.constant 0 : i32
      %parallel_loop3A_321 = arith.addi %parallel_loop3A_241, %parallel_loop3A_320 : i32
      %parallel_loop3A_322 = arith.constant 0 : i32
      %parallel_loop3A_323 = arith.addi %parallel_loop3A_241, %parallel_loop3A_322 : i32
      %parallel_loop3A_324 = arith.index_cast %parallel_loop3A_323 : i32 to index
      %parallel_loop3A_325 = arith.constant 96 : index
      %parallel_loop3A_326 = tpu.vector_load %arg10[%parallel_loop3A_324, %parallel_loop3A_325] {strides = array<i32>} : memref<200x128xf32, #tpu.memory_space<vmem>>, vector<1x16xf32>,
      %parallel_loop3A_327 = vector.shape_cast %parallel_loop3A_326 : vector<1x16xf32> to vector<16xf32>
      %parallel_loop3A_328 = arith.index_cast %parallel_loop3A_321 : i32 to index
      %parallel_loop3A_329 = arith.constant 96 : index
      %parallel_loop3A_330 = tpu.vector_load %arg9[%parallel_loop3A_328, %parallel_loop3A_329] {strides = array<i32>} : memref<200x128xf32, #tpu.memory_space<vmem>>, vector<1x16xf32>,
      %parallel_loop3A_331 = vector.shape_cast %parallel_loop3A_330 : vector<1x16xf32> to vector<16xf32>
      %parallel_loop3A_332 = vector.shape_cast %parallel_loop3A_327 : vector<16xf32> to vector<1x16xf32>
      tpu.vector_store %arg9[%parallel_loop3A_328, %parallel_loop3A_329], %parallel_loop3A_332 {add = true, strides = array<i32>} : memref<200x128xf32, #tpu.memory_space<vmem>>, vector<1x16xf32>,
      %parallel_loop3A_333 = arith.constant 0 : i32
      %parallel_loop3A_334 = arith.addi %parallel_loop3A_241, %parallel_loop3A_333 : i32
      %parallel_loop3A_335 = arith.constant 0 : i32
      %parallel_loop3A_336 = arith.addi %parallel_loop3A_241, %parallel_loop3A_335 : i32
      %parallel_loop3A_337 = arith.index_cast %parallel_loop3A_336 : i32 to index
      %parallel_loop3A_338 = arith.constant 112 : index
      %parallel_loop3A_339 = tpu.vector_load %arg10[%parallel_loop3A_337, %parallel_loop3A_338] {strides = array<i32>} : memref<200x128xf32, #tpu.memory_space<vmem>>, vector<1x16xf32>,
      %parallel_loop3A_340 = vector.shape_cast %parallel_loop3A_339 : vector<1x16xf32> to vector<16xf32>
      %parallel_loop3A_341 = arith.index_cast %parallel_loop3A_334 : i32 to index
      %parallel_loop3A_342 = arith.constant 112 : index
      %parallel_loop3A_343 = tpu.vector_load %arg9[%parallel_loop3A_341, %parallel_loop3A_342] {strides = array<i32>} : memref<200x128xf32, #tpu.memory_space<vmem>>, vector<1x16xf32>,
      %parallel_loop3A_344 = vector.shape_cast %parallel_loop3A_343 : vector<1x16xf32> to vector<16xf32>
      %parallel_loop3A_345 = vector.shape_cast %parallel_loop3A_340 : vector<16xf32> to vector<1x16xf32>
      tpu.vector_store %arg9[%parallel_loop3A_341, %parallel_loop3A_342], %parallel_loop3A_345 {add = true, strides = array<i32>} : memref<200x128xf32, #tpu.memory_space<vmem>>, vector<1x16xf32>,
      %parallel_loop3A_346 = arith.constant 1 : i32
      %parallel_loop3A_347 = arith.addi %parallel_loop3A_241, %parallel_loop3A_346 : i32
      %parallel_loop3A_348 = arith.constant 1 : i32
      %parallel_loop3A_349 = arith.addi %parallel_loop3A_241, %parallel_loop3A_348 : i32
      %parallel_loop3A_350 = arith.index_cast %parallel_loop3A_349 : i32 to index
      %parallel_loop3A_351 = arith.constant 0 : index
      %parallel_loop3A_352 = tpu.vector_load %arg10[%parallel_loop3A_350, %parallel_loop3A_351] {strides = array<i32>} : memref<200x128xf32, #tpu.memory_space<vmem>>, vector<1x16xf32>,
      %parallel_loop3A_353 = vector.shape_cast %parallel_loop3A_352 : vector<1x16xf32> to vector<16xf32>
      %parallel_loop3A_354 = arith.index_cast %parallel_loop3A_347 : i32 to index
      %parallel_loop3A_355 = arith.constant 0 : index
      %parallel_loop3A_356 = tpu.vector_load %arg9[%parallel_loop3A_354, %parallel_loop3A_355] {strides = array<i32>} : memref<200x128xf32, #tpu.memory_space<vmem>>, vector<1x16xf32>,
      %parallel_loop3A_357 = vector.shape_cast %parallel_loop3A_356 : vector<1x16xf32> to vector<16xf32>
      %parallel_loop3A_358 = vector.shape_cast %parallel_loop3A_353 : vector<16xf32> to vector<1x16xf32>
      tpu.vector_store %arg9[%parallel_loop3A_354, %parallel_loop3A_355], %parallel_loop3A_358 {add = true, strides = array<i32>} : memref<200x128xf32, #tpu.memory_space<vmem>>, vector<1x16xf32>,
      %parallel_loop3A_359 = arith.constant 1 : i32
      %parallel_loop3A_360 = arith.addi %parallel_loop3A_241, %parallel_loop3A_359 : i32
      %parallel_loop3A_361 = arith.constant 1 : i32
      %parallel_loop3A_362 = arith.addi %parallel_loop3A_241, %parallel_loop3A_361 : i32
      %parallel_loop3A_363 = arith.index_cast %parallel_loop3A_362 : i32 to index
      %parallel_loop3A_364 = arith.constant 16 : index
      %parallel_loop3A_365 = tpu.vector_load %arg10[%parallel_loop3A_363, %parallel_loop3A_364] {strides = array<i32>} : memref<200x128xf32, #tpu.memory_space<vmem>>, vector<1x16xf32>,
      %parallel_loop3A_366 = vector.shape_cast %parallel_loop3A_365 : vector<1x16xf32> to vector<16xf32>
      %parallel_loop3A_367 = arith.index_cast %parallel_loop3A_360 : i32 to index
      %parallel_loop3A_368 = arith.constant 16 : index
      %parallel_loop3A_369 = tpu.vector_load %arg9[%parallel_loop3A_367, %parallel_loop3A_368] {strides = array<i32>} : memref<200x128xf32, #tpu.memory_space<vmem>>, vector<1x16xf32>,
      %parallel_loop3A_370 = vector.shape_cast %parallel_loop3A_369 : vector<1x16xf32> to vector<16xf32>
      %parallel_loop3A_371 = vector.shape_cast %parallel_loop3A_366 : vector<16xf32> to vector<1x16xf32>
      tpu.vector_store %arg9[%parallel_loop3A_367, %parallel_loop3A_368], %parallel_loop3A_371 {add = true, strides = array<i32>} : memref<200x128xf32, #tpu.memory_space<vmem>>, vector<1x16xf32>,
      %parallel_loop3A_372 = arith.constant 1 : i32
      %parallel_loop3A_373 = arith.addi %parallel_loop3A_241, %parallel_loop3A_372 : i32
      %parallel_loop3A_374 = arith.constant 1 : i32
      %parallel_loop3A_375 = arith.addi %parallel_loop3A_241, %parallel_loop3A_374 : i32
      %parallel_loop3A_376 = arith.index_cast %parallel_loop3A_375 : i32 to index
      %parallel_loop3A_377 = arith.constant 32 : index
      %parallel_loop3A_378 = tpu.vector_load %arg10[%parallel_loop3A_376, %parallel_loop3A_377] {strides = array<i32>} : memref<200x128xf32, #tpu.memory_space<vmem>>, vector<1x16xf32>,
      %parallel_loop3A_379 = vector.shape_cast %parallel_loop3A_378 : vector<1x16xf32> to vector<16xf32>
      %parallel_loop3A_380 = arith.index_cast %parallel_loop3A_373 : i32 to index
      %parallel_loop3A_381 = arith.constant 32 : index
      %parallel_loop3A_382 = tpu.vector_load %arg9[%parallel_loop3A_380, %parallel_loop3A_381] {strides = array<i32>} : memref<200x128xf32, #tpu.memory_space<vmem>>, vector<1x16xf32>,
      %parallel_loop3A_383 = vector.shape_cast %parallel_loop3A_382 : vector<1x16xf32> to vector<16xf32>
      %parallel_loop3A_384 = vector.shape_cast %parallel_loop3A_379 : vector<16xf32> to vector<1x16xf32>
      tpu.vector_store %arg9[%parallel_loop3A_380, %parallel_loop3A_381], %parallel_loop3A_384 {add = true, strides = array<i32>} : memref<200x128xf32, #tpu.memory_space<vmem>>, vector<1x16xf32>,
      %parallel_loop3A_385 = arith.constant 1 : i32
      %parallel_loop3A_386 = arith.addi %parallel_loop3A_241, %parallel_loop3A_385 : i32
      %parallel_loop3A_387 = arith.constant 1 : i32
      %parallel_loop3A_388 = arith.addi %parallel_loop3A_241, %parallel_loop3A_387 : i32
      %parallel_loop3A_389 = arith.index_cast %parallel_loop3A_388 : i32 to index
      %parallel_loop3A_390 = arith.constant 48 : index
      %parallel_loop3A_391 = tpu.vector_load %arg10[%parallel_loop3A_389, %parallel_loop3A_390] {strides = array<i32>} : memref<200x128xf32, #tpu.memory_space<vmem>>, vector<1x16xf32>,
      %parallel_loop3A_392 = vector.shape_cast %parallel_loop3A_391 : vector<1x16xf32> to vector<16xf32>
      %parallel_loop3A_393 = arith.index_cast %parallel_loop3A_386 : i32 to index
      %parallel_loop3A_394 = arith.constant 48 : index
      %parallel_loop3A_395 = tpu.vector_load %arg9[%parallel_loop3A_393, %parallel_loop3A_394] {strides = array<i32>} : memref<200x128xf32, #tpu.memory_space<vmem>>, vector<1x16xf32>,
      %parallel_loop3A_396 = vector.shape_cast %parallel_loop3A_395 : vector<1x16xf32> to vector<16xf32>
      %parallel_loop3A_397 = vector.shape_cast %parallel_loop3A_392 : vector<16xf32> to vector<1x16xf32>
      tpu.vector_store %arg9[%parallel_loop3A_393, %parallel_loop3A_394], %parallel_loop3A_397 {add = true, strides = array<i32>} : memref<200x128xf32, #tpu.memory_space<vmem>>, vector<1x16xf32>,
      %parallel_loop3A_398 = arith.constant 1 : i32
      %parallel_loop3A_399 = arith.addi %parallel_loop3A_241, %parallel_loop3A_398 : i32
      %parallel_loop3A_400 = arith.constant 1 : i32
      %parallel_loop3A_401 = arith.addi %parallel_loop3A_241, %parallel_loop3A_400 : i32
      %parallel_loop3A_402 = arith.index_cast %parallel_loop3A_401 : i32 to index
      %parallel_loop3A_403 = arith.constant 64 : index
      %parallel_loop3A_404 = tpu.vector_load %arg10[%parallel_loop3A_402, %parallel_loop3A_403] {strides = array<i32>} : memref<200x128xf32, #tpu.memory_space<vmem>>, vector<1x16xf32>,
      %parallel_loop3A_405 = vector.shape_cast %parallel_loop3A_404 : vector<1x16xf32> to vector<16xf32>
      %parallel_loop3A_406 = arith.index_cast %parallel_loop3A_399 : i32 to index
      %parallel_loop3A_407 = arith.constant 64 : index
      %parallel_loop3A_408 = tpu.vector_load %arg9[%parallel_loop3A_406, %parallel_loop3A_407] {strides = array<i32>} : memref<200x128xf32, #tpu.memory_space<vmem>>, vector<1x16xf32>,
      %parallel_loop3A_409 = vector.shape_cast %parallel_loop3A_408 : vector<1x16xf32> to vector<16xf32>
      %parallel_loop3A_410 = vector.shape_cast %parallel_loop3A_405 : vector<16xf32> to vector<1x16xf32>
      tpu.vector_store %arg9[%parallel_loop3A_406, %parallel_loop3A_407], %parallel_loop3A_410 {add = true, strides = array<i32>} : memref<200x128xf32, #tpu.memory_space<vmem>>, vector<1x16xf32>,
      %parallel_loop3A_411 = arith.constant 1 : i32
      %parallel_loop3A_412 = arith.addi %parallel_loop3A_241, %parallel_loop3A_411 : i32
      %parallel_loop3A_413 = arith.constant 1 : i32
      %parallel_loop3A_414 = arith.addi %parallel_loop3A_241, %parallel_loop3A_413 : i32
      %parallel_loop3A_415 = arith.index_cast %parallel_loop3A_414 : i32 to index
      %parallel_loop3A_416 = arith.constant 80 : index
      %parallel_loop3A_417 = tpu.vector_load %arg10[%parallel_loop3A_415, %parallel_loop3A_416] {strides = array<i32>} : memref<200x128xf32, #tpu.memory_space<vmem>>, vector<1x16xf32>,
      %parallel_loop3A_418 = vector.shape_cast %parallel_loop3A_417 : vector<1x16xf32> to vector<16xf32>
      %parallel_loop3A_419 = arith.index_cast %parallel_loop3A_412 : i32 to index
      %parallel_loop3A_420 = arith.constant 80 : index
      %parallel_loop3A_421 = tpu.vector_load %arg9[%parallel_loop3A_419, %parallel_loop3A_420] {strides = array<i32>} : memref<200x128xf32, #tpu.memory_space<vmem>>, vector<1x16xf32>,
      %parallel_loop3A_422 = vector.shape_cast %parallel_loop3A_421 : vector<1x16xf32> to vector<16xf32>
      %parallel_loop3A_423 = vector.shape_cast %parallel_loop3A_418 : vector<16xf32> to vector<1x16xf32>
      tpu.vector_store %arg9[%parallel_loop3A_419, %parallel_loop3A_420], %parallel_loop3A_423 {add = true, strides = array<i32>} : memref<200x128xf32, #tpu.memory_space<vmem>>, vector<1x16xf32>,
      %parallel_loop3A_424 = arith.constant 1 : i32
      %parallel_loop3A_425 = arith.addi %parallel_loop3A_241, %parallel_loop3A_424 : i32
      %parallel_loop3A_426 = arith.constant 1 : i32
      %parallel_loop3A_427 = arith.addi %parallel_loop3A_241, %parallel_loop3A_426 : i32
      %parallel_loop3A_428 = arith.index_cast %parallel_loop3A_427 : i32 to index
      %parallel_loop3A_429 = arith.constant 96 : index
      %parallel_loop3A_430 = tpu.vector_load %arg10[%parallel_loop3A_428, %parallel_loop3A_429] {strides = array<i32>} : memref<200x128xf32, #tpu.memory_space<vmem>>, vector<1x16xf32>,
      %parallel_loop3A_431 = vector.shape_cast %parallel_loop3A_430 : vector<1x16xf32> to vector<16xf32>
      %parallel_loop3A_432 = arith.index_cast %parallel_loop3A_425 : i32 to index
      %parallel_loop3A_433 = arith.constant 96 : index
      %parallel_loop3A_434 = tpu.vector_load %arg9[%parallel_loop3A_432, %parallel_loop3A_433] {strides = array<i32>} : memref<200x128xf32, #tpu.memory_space<vmem>>, vector<1x16xf32>,
      %parallel_loop3A_435 = vector.shape_cast %parallel_loop3A_434 : vector<1x16xf32> to vector<16xf32>
      %parallel_loop3A_436 = vector.shape_cast %parallel_loop3A_431 : vector<16xf32> to vector<1x16xf32>
      tpu.vector_store %arg9[%parallel_loop3A_432, %parallel_loop3A_433], %parallel_loop3A_436 {add = true, strides = array<i32>} : memref<200x128xf32, #tpu.memory_space<vmem>>, vector<1x16xf32>,
      %parallel_loop3A_437 = arith.constant 1 : i32
      %parallel_loop3A_438 = arith.addi %parallel_loop3A_241, %parallel_loop3A_437 : i32
      %parallel_loop3A_439 = arith.constant 1 : i32
      %parallel_loop3A_440 = arith.addi %parallel_loop3A_241, %parallel_loop3A_439 : i32
      %parallel_loop3A_441 = arith.index_cast %parallel_loop3A_440 : i32 to index
      %parallel_loop3A_442 = arith.constant 112 : index
      %parallel_loop3A_443 = tpu.vector_load %arg10[%parallel_loop3A_441, %parallel_loop3A_442] {strides = array<i32>} : memref<200x128xf32, #tpu.memory_space<vmem>>, vector<1x16xf32>,
      %parallel_loop3A_444 = vector.shape_cast %parallel_loop3A_443 : vector<1x16xf32> to vector<16xf32>
      %parallel_loop3A_445 = arith.index_cast %parallel_loop3A_438 : i32 to index
      %parallel_loop3A_446 = arith.constant 112 : index
      %parallel_loop3A_447 = tpu.vector_load %arg9[%parallel_loop3A_445, %parallel_loop3A_446] {strides = array<i32>} : memref<200x128xf32, #tpu.memory_space<vmem>>, vector<1x16xf32>,
      %parallel_loop3A_448 = vector.shape_cast %parallel_loop3A_447 : vector<1x16xf32> to vector<16xf32>
      %parallel_loop3A_449 = vector.shape_cast %parallel_loop3A_444 : vector<16xf32> to vector<1x16xf32>
      tpu.vector_store %arg9[%parallel_loop3A_445, %parallel_loop3A_446], %parallel_loop3A_449 {add = true, strides = array<i32>} : memref<200x128xf32, #tpu.memory_space<vmem>>, vector<1x16xf32>,
    } {sc.loop_unroll_factor = 2 : i64, sc.parallel_access}
    %add3A_139 = arith.constant 400 : i32
    %add3A_140 = arith.addi %mul3A_2, %add3A_139 : i32
    %dma_start3A_141 = arith.constant 0 : i32
    %dma_start3A_142 = tpu.memref_slice %arg5[%add3A_140, %dma_start3A_141] : memref<204800x128xf32, #tpu.memory_space<hbm>> -> memref<200x128xf32, #tpu.memory_space<hbm>>
    %dma_start3A_143 = arith.constant 0 : i32
    %dma_start3A_144 = tpu.memref_slice %arg5[%add3A_140, %dma_start3A_143] : memref<204800x128xf32, #tpu.memory_space<hbm>> -> memref<200x128xf32, #tpu.memory_space<hbm>>
    tpu.enqueue_dma source(%arg9 : memref<200x128xf32, #tpu.memory_space<vmem>>) target(%dma_start3A_144 : memref<200x128xf32, #tpu.memory_space<hbm>>) target_semaphore(%arg19 : memref<!tpu.dma_semaphore, #tpu.memory_space<semaphore_mem>>)
    %add3A_145 = arith.constant 200 : i32
    %add3A_146 = arith.addi %mul3A_2, %add3A_145 : i32
    %dma_wait3A_147 = arith.constant 0 : i32
    %dma_wait3A_148 = tpu.memref_slice %arg5[%add3A_146, %dma_wait3A_147] : memref<204800x128xf32, #tpu.memory_space<hbm>> -> memref<200x128xf32, #tpu.memory_space<hbm>>
    %dma_wait3A_149 = arith.constant 0 : i32
    %dma_wait3A_150 = tpu.memref_slice %arg5[%add3A_146, %dma_wait3A_149] : memref<204800x128xf32, #tpu.memory_space<hbm>> -> memref<200x128xf32, #tpu.memory_space<hbm>>
    tpu.wait_dma2 semaphore(%arg18 : memref<!tpu.dma_semaphore, #tpu.memory_space<semaphore_mem>>) src(%arg8 : memref<200x128xf32, #tpu.memory_space<vmem>>) dst(%dma_wait3A_150 : memref<200x128xf32, #tpu.memory_space<hbm>>)
    %dma_start3A_151 = arith.constant 0 : i32
    %dma_start3A_152 = arith.constant 0 : i32
    %dma_start3A_153 = tpu.memref_slice %arg8[%dma_start3A_151, %dma_start3A_152] : memref<200x128xf32, #tpu.memory_space<vmem>> -> memref<104x128xf32, #tpu.memory_space<vmem>>
    %dma_start3A_154 = arith.constant 800 : i32
    %dma_start3A_155 = tpu.memref_slice %arg6[%dma_start3A_154] : memref<6400xi32, #tpu.memory_space<vmem>> -> memref<104xi32, #tpu.memory_space<vmem>>
    %dma_start3A_156 = arith.constant 0 : i32
    %dma_start3A_157 = arith.constant 0 : i32
    %dma_start3A_158 = tpu.memref_slice %arg2[%dma_start3A_156, %dma_start3A_157] : memref<100000x128xf32, #tpu.memory_space<hbm>> -> memref<100000x128xf32, #tpu.memory_space<hbm>>
    tpu.enqueue_indirect_dma source(%dma_start3A_158 : memref<100000x128xf32, #tpu.memory_space<hbm>>) target(%dma_start3A_153 : memref<104x128xf32, #tpu.memory_space<vmem>>) offsets(%dma_start3A_155 : memref<104xi32, #tpu.memory_space<vmem>>) semaphore(%arg12 : memref<!tpu.dma_semaphore, #tpu.memory_space<semaphore_mem>>)
    %dma_start3A_159 = arith.constant 104 : i32
    %dma_start3A_160 = arith.constant 0 : i32
    %dma_start3A_161 = tpu.memref_slice %arg8[%dma_start3A_159, %dma_start3A_160] : memref<200x128xf32, #tpu.memory_space<vmem>> -> memref<96x128xf32, #tpu.memory_space<vmem>>
    %dma_start3A_162 = arith.constant 904 : i32
    %dma_start3A_163 = tpu.memref_slice %arg6[%dma_start3A_162] : memref<6400xi32, #tpu.memory_space<vmem>> -> memref<96xi32, #tpu.memory_space<vmem>>
    %dma_start3A_164 = arith.constant 0 : i32
    %dma_start3A_165 = arith.constant 0 : i32
    %dma_start3A_166 = tpu.memref_slice %arg2[%dma_start3A_164, %dma_start3A_165] : memref<100000x128xf32, #tpu.memory_space<hbm>> -> memref<100000x128xf32, #tpu.memory_space<hbm>>
    tpu.enqueue_indirect_dma source(%dma_start3A_166 : memref<100000x128xf32, #tpu.memory_space<hbm>>) target(%dma_start3A_161 : memref<96x128xf32, #tpu.memory_space<vmem>>) offsets(%dma_start3A_163 : memref<96xi32, #tpu.memory_space<vmem>>) semaphore(%arg15 : memref<!tpu.dma_semaphore, #tpu.memory_space<semaphore_mem>>)
    %scan3A = arith.constant 0 : i32
    %scan3A_167 = arith.constant 1 : i32
    %scan3A_168 = arith.constant 9 : i32
    %scan3A_169 = arith.addi %scan3A_167, %scan3A_168 : i32
    %scan3A_170 = arith.constant 1 : i32
    %scan3A_171 = scf.for %scan3A_241 = %scan3A_167 to %scan3A_169 step %scan3A_170 iter_args(%scan3A_242 = %scan3A) -> (i32)  : i32 {
      %mul3A_243 = arith.constant 3 : i32
      %mul3A_244 = arith.muli %mul3A_243, %scan3A_241 : i32
      %add3A_245 = arith.constant 0 : i32
      %add3A_246 = arith.addi %mul3A_244, %add3A_245 : i32
      %mul3A_247 = arith.constant 200 : i32
      %mul3A_248 = arith.muli %add3A_246, %mul3A_247 : i32
      %mul3A_249 = arith.constant 200 : i32
      %mul3A_250 = arith.muli %add3A_246, %mul3A_249 : i32
      %add3A_251 = arith.constant 104 : i32
      %add3A_252 = arith.addi %mul3A_250, %add3A_251 : i32
      %dma_wait3A_253 = arith.constant 0 : i32
      %dma_wait3A_254 = arith.constant 0 : i32
      %dma_wait3A_255 = tpu.memref_slice %arg7[%dma_wait3A_253, %dma_wait3A_254] : memref<200x128xf32, #tpu.memory_space<vmem>> -> memref<104x128xf32, #tpu.memory_space<vmem>>
      %dma_wait3A_256 = tpu.memref_slice %arg6[%mul3A_248] : memref<6400xi32, #tpu.memory_space<vmem>> -> memref<104xi32, #tpu.memory_space<vmem>>
      %dma_wait3A_257 = arith.constant 0 : i32
      %dma_wait3A_258 = arith.constant 0 : i32
      %dma_wait3A_259 = tpu.memref_slice %arg2[%dma_wait3A_257, %dma_wait3A_258] : memref<100000x128xf32, #tpu.memory_space<hbm>> -> memref<100000x128xf32, #tpu.memory_space<hbm>>
      tpu.wait_indirect_dma semaphore(%arg11 : memref<!tpu.dma_semaphore, #tpu.memory_space<semaphore_mem>>) src(%dma_wait3A_259 : memref<100000x128xf32, #tpu.memory_space<hbm>>) dst(%dma_wait3A_255 : memref<104x128xf32, #tpu.memory_space<vmem>>)
      %dma_wait3A_260 = arith.constant 104 : i32
      %dma_wait3A_261 = arith.constant 0 : i32
      %dma_wait3A_262 = tpu.memref_slice %arg7[%dma_wait3A_260, %dma_wait3A_261] : memref<200x128xf32, #tpu.memory_space<vmem>> -> memref<96x128xf32, #tpu.memory_space<vmem>>
      %dma_wait3A_263 = tpu.memref_slice %arg6[%add3A_252] : memref<6400xi32, #tpu.memory_space<vmem>> -> memref<96xi32, #tpu.memory_space<vmem>>
      %dma_wait3A_264 = arith.constant 0 : i32
      %dma_wait3A_265 = arith.constant 0 : i32
      %dma_wait3A_266 = tpu.memref_slice %arg2[%dma_wait3A_264, %dma_wait3A_265] : memref<100000x128xf32, #tpu.memory_space<hbm>> -> memref<100000x128xf32, #tpu.memory_space<hbm>>
      tpu.wait_indirect_dma semaphore(%arg14 : memref<!tpu.dma_semaphore, #tpu.memory_space<semaphore_mem>>) src(%dma_wait3A_266 : memref<100000x128xf32, #tpu.memory_space<hbm>>) dst(%dma_wait3A_262 : memref<96x128xf32, #tpu.memory_space<vmem>>)
      %parallel_loop3A_267 = arith.constant 0 : i32
      %parallel_loop3A_268 = arith.constant 200 : i32
      %parallel_loop3A_269 = arith.constant 2 : i32
      scf.for %parallel_loop3A_438 = %parallel_loop3A_267 to %parallel_loop3A_268 step %parallel_loop3A_269  : i32 {
        %parallel_loop3A_439 = arith.constant 0 : i32
        %parallel_loop3A_440 = arith.addi %parallel_loop3A_438, %parallel_loop3A_439 : i32
        %parallel_loop3A_441 = arith.constant 0 : i32
        %parallel_loop3A_442 = arith.addi %parallel_loop3A_438, %parallel_loop3A_441 : i32
        %parallel_loop3A_443 = arith.index_cast %parallel_loop3A_442 : i32 to index
        %parallel_loop3A_444 = arith.constant 0 : index
        %parallel_loop3A_445 = tpu.vector_load %arg10[%parallel_loop3A_443, %parallel_loop3A_444] {strides = array<i32>} : memref<200x128xf32, #tpu.memory_space<vmem>>, vector<1x16xf32>,
        %parallel_loop3A_446 = vector.shape_cast %parallel_loop3A_445 : vector<1x16xf32> to vector<16xf32>
        %parallel_loop3A_447 = arith.index_cast %parallel_loop3A_440 : i32 to index
        %parallel_loop3A_448 = arith.constant 0 : index
        %parallel_loop3A_449 = tpu.vector_load %arg7[%parallel_loop3A_447, %parallel_loop3A_448] {strides = array<i32>} : memref<200x128xf32, #tpu.memory_space<vmem>>, vector<1x16xf32>,
        %parallel_loop3A_450 = vector.shape_cast %parallel_loop3A_449 : vector<1x16xf32> to vector<16xf32>
        %parallel_loop3A_451 = vector.shape_cast %parallel_loop3A_446 : vector<16xf32> to vector<1x16xf32>
        tpu.vector_store %arg7[%parallel_loop3A_447, %parallel_loop3A_448], %parallel_loop3A_451 {add = true, strides = array<i32>} : memref<200x128xf32, #tpu.memory_space<vmem>>, vector<1x16xf32>,
        %parallel_loop3A_452 = arith.constant 0 : i32
        %parallel_loop3A_453 = arith.addi %parallel_loop3A_438, %parallel_loop3A_452 : i32
        %parallel_loop3A_454 = arith.constant 0 : i32
        %parallel_loop3A_455 = arith.addi %parallel_loop3A_438, %parallel_loop3A_454 : i32
        %parallel_loop3A_456 = arith.index_cast %parallel_loop3A_455 : i32 to index
        %parallel_loop3A_457 = arith.constant 16 : index
        %parallel_loop3A_458 = tpu.vector_load %arg10[%parallel_loop3A_456, %parallel_loop3A_457] {strides = array<i32>} : memref<200x128xf32, #tpu.memory_space<vmem>>, vector<1x16xf32>,
        %parallel_loop3A_459 = vector.shape_cast %parallel_loop3A_458 : vector<1x16xf32> to vector<16xf32>
        %parallel_loop3A_460 = arith.index_cast %parallel_loop3A_453 : i32 to index
        %parallel_loop3A_461 = arith.constant 16 : index
        %parallel_loop3A_462 = tpu.vector_load %arg7[%parallel_loop3A_460, %parallel_loop3A_461] {strides = array<i32>} : memref<200x128xf32, #tpu.memory_space<vmem>>, vector<1x16xf32>,
        %parallel_loop3A_463 = vector.shape_cast %parallel_loop3A_462 : vector<1x16xf32> to vector<16xf32>
        %parallel_loop3A_464 = vector.shape_cast %parallel_loop3A_459 : vector<16xf32> to vector<1x16xf32>
        tpu.vector_store %arg7[%parallel_loop3A_460, %parallel_loop3A_461], %parallel_loop3A_464 {add = true, strides = array<i32>} : memref<200x128xf32, #tpu.memory_space<vmem>>, vector<1x16xf32>,
        %parallel_loop3A_465 = arith.constant 0 : i32
        %parallel_loop3A_466 = arith.addi %parallel_loop3A_438, %parallel_loop3A_465 : i32
        %parallel_loop3A_467 = arith.constant 0 : i32
        %parallel_loop3A_468 = arith.addi %parallel_loop3A_438, %parallel_loop3A_467 : i32
        %parallel_loop3A_469 = arith.index_cast %parallel_loop3A_468 : i32 to index
        %parallel_loop3A_470 = arith.constant 32 : index
        %parallel_loop3A_471 = tpu.vector_load %arg10[%parallel_loop3A_469, %parallel_loop3A_470] {strides = array<i32>} : memref<200x128xf32, #tpu.memory_space<vmem>>, vector<1x16xf32>,
        %parallel_loop3A_472 = vector.shape_cast %parallel_loop3A_471 : vector<1x16xf32> to vector<16xf32>
        %parallel_loop3A_473 = arith.index_cast %parallel_loop3A_466 : i32 to index
        %parallel_loop3A_474 = arith.constant 32 : index
        %parallel_loop3A_475 = tpu.vector_load %arg7[%parallel_loop3A_473, %parallel_loop3A_474] {strides = array<i32>} : memref<200x128xf32, #tpu.memory_space<vmem>>, vector<1x16xf32>,
        %parallel_loop3A_476 = vector.shape_cast %parallel_loop3A_475 : vector<1x16xf32> to vector<16xf32>
        %parallel_loop3A_477 = vector.shape_cast %parallel_loop3A_472 : vector<16xf32> to vector<1x16xf32>
        tpu.vector_store %arg7[%parallel_loop3A_473, %parallel_loop3A_474], %parallel_loop3A_477 {add = true, strides = array<i32>} : memref<200x128xf32, #tpu.memory_space<vmem>>, vector<1x16xf32>,
        %parallel_loop3A_478 = arith.constant 0 : i32
        %parallel_loop3A_479 = arith.addi %parallel_loop3A_438, %parallel_loop3A_478 : i32
        %parallel_loop3A_480 = arith.constant 0 : i32
        %parallel_loop3A_481 = arith.addi %parallel_loop3A_438, %parallel_loop3A_480 : i32
        %parallel_loop3A_482 = arith.index_cast %parallel_loop3A_481 : i32 to index
        %parallel_loop3A_483 = arith.constant 48 : index
        %parallel_loop3A_484 = tpu.vector_load %arg10[%parallel_loop3A_482, %parallel_loop3A_483] {strides = array<i32>} : memref<200x128xf32, #tpu.memory_space<vmem>>, vector<1x16xf32>,
        %parallel_loop3A_485 = vector.shape_cast %parallel_loop3A_484 : vector<1x16xf32> to vector<16xf32>
        %parallel_loop3A_486 = arith.index_cast %parallel_loop3A_479 : i32 to index
        %parallel_loop3A_487 = arith.constant 48 : index
        %parallel_loop3A_488 = tpu.vector_load %arg7[%parallel_loop3A_486, %parallel_loop3A_487] {strides = array<i32>} : memref<200x128xf32, #tpu.memory_space<vmem>>, vector<1x16xf32>,
        %parallel_loop3A_489 = vector.shape_cast %parallel_loop3A_488 : vector<1x16xf32> to vector<16xf32>
        %parallel_loop3A_490 = vector.shape_cast %parallel_loop3A_485 : vector<16xf32> to vector<1x16xf32>
        tpu.vector_store %arg7[%parallel_loop3A_486, %parallel_loop3A_487], %parallel_loop3A_490 {add = true, strides = array<i32>} : memref<200x128xf32, #tpu.memory_space<vmem>>, vector<1x16xf32>,
        %parallel_loop3A_491 = arith.constant 0 : i32
        %parallel_loop3A_492 = arith.addi %parallel_loop3A_438, %parallel_loop3A_491 : i32
        %parallel_loop3A_493 = arith.constant 0 : i32
        %parallel_loop3A_494 = arith.addi %parallel_loop3A_438, %parallel_loop3A_493 : i32
        %parallel_loop3A_495 = arith.index_cast %parallel_loop3A_494 : i32 to index
        %parallel_loop3A_496 = arith.constant 64 : index
        %parallel_loop3A_497 = tpu.vector_load %arg10[%parallel_loop3A_495, %parallel_loop3A_496] {strides = array<i32>} : memref<200x128xf32, #tpu.memory_space<vmem>>, vector<1x16xf32>,
        %parallel_loop3A_498 = vector.shape_cast %parallel_loop3A_497 : vector<1x16xf32> to vector<16xf32>
        %parallel_loop3A_499 = arith.index_cast %parallel_loop3A_492 : i32 to index
        %parallel_loop3A_500 = arith.constant 64 : index
        %parallel_loop3A_501 = tpu.vector_load %arg7[%parallel_loop3A_499, %parallel_loop3A_500] {strides = array<i32>} : memref<200x128xf32, #tpu.memory_space<vmem>>, vector<1x16xf32>,
        %parallel_loop3A_502 = vector.shape_cast %parallel_loop3A_501 : vector<1x16xf32> to vector<16xf32>
        %parallel_loop3A_503 = vector.shape_cast %parallel_loop3A_498 : vector<16xf32> to vector<1x16xf32>
        tpu.vector_store %arg7[%parallel_loop3A_499, %parallel_loop3A_500], %parallel_loop3A_503 {add = true, strides = array<i32>} : memref<200x128xf32, #tpu.memory_space<vmem>>, vector<1x16xf32>,
        %parallel_loop3A_504 = arith.constant 0 : i32
        %parallel_loop3A_505 = arith.addi %parallel_loop3A_438, %parallel_loop3A_504 : i32
        %parallel_loop3A_506 = arith.constant 0 : i32
        %parallel_loop3A_507 = arith.addi %parallel_loop3A_438, %parallel_loop3A_506 : i32
        %parallel_loop3A_508 = arith.index_cast %parallel_loop3A_507 : i32 to index
        %parallel_loop3A_509 = arith.constant 80 : index
        %parallel_loop3A_510 = tpu.vector_load %arg10[%parallel_loop3A_508, %parallel_loop3A_509] {strides = array<i32>} : memref<200x128xf32, #tpu.memory_space<vmem>>, vector<1x16xf32>,
        %parallel_loop3A_511 = vector.shape_cast %parallel_loop3A_510 : vector<1x16xf32> to vector<16xf32>
        %parallel_loop3A_512 = arith.index_cast %parallel_loop3A_505 : i32 to index
        %parallel_loop3A_513 = arith.constant 80 : index
        %parallel_loop3A_514 = tpu.vector_load %arg7[%parallel_loop3A_512, %parallel_loop3A_513] {strides = array<i32>} : memref<200x128xf32, #tpu.memory_space<vmem>>, vector<1x16xf32>,
        %parallel_loop3A_515 = vector.shape_cast %parallel_loop3A_514 : vector<1x16xf32> to vector<16xf32>
        %parallel_loop3A_516 = vector.shape_cast %parallel_loop3A_511 : vector<16xf32> to vector<1x16xf32>
        tpu.vector_store %arg7[%parallel_loop3A_512, %parallel_loop3A_513], %parallel_loop3A_516 {add = true, strides = array<i32>} : memref<200x128xf32, #tpu.memory_space<vmem>>, vector<1x16xf32>,
        %parallel_loop3A_517 = arith.constant 0 : i32
        %parallel_loop3A_518 = arith.addi %parallel_loop3A_438, %parallel_loop3A_517 : i32
        %parallel_loop3A_519 = arith.constant 0 : i32
        %parallel_loop3A_520 = arith.addi %parallel_loop3A_438, %parallel_loop3A_519 : i32
        %parallel_loop3A_521 = arith.index_cast %parallel_loop3A_520 : i32 to index
        %parallel_loop3A_522 = arith.constant 96 : index
        %parallel_loop3A_523 = tpu.vector_load %arg10[%parallel_loop3A_521, %parallel_loop3A_522] {strides = array<i32>} : memref<200x128xf32, #tpu.memory_space<vmem>>, vector<1x16xf32>,
        %parallel_loop3A_524 = vector.shape_cast %parallel_loop3A_523 : vector<1x16xf32> to vector<16xf32>
        %parallel_loop3A_525 = arith.index_cast %parallel_loop3A_518 : i32 to index
        %parallel_loop3A_526 = arith.constant 96 : index
        %parallel_loop3A_527 = tpu.vector_load %arg7[%parallel_loop3A_525, %parallel_loop3A_526] {strides = array<i32>} : memref<200x128xf32, #tpu.memory_space<vmem>>, vector<1x16xf32>,
        %parallel_loop3A_528 = vector.shape_cast %parallel_loop3A_527 : vector<1x16xf32> to vector<16xf32>
        %parallel_loop3A_529 = vector.shape_cast %parallel_loop3A_524 : vector<16xf32> to vector<1x16xf32>
        tpu.vector_store %arg7[%parallel_loop3A_525, %parallel_loop3A_526], %parallel_loop3A_529 {add = true, strides = array<i32>} : memref<200x128xf32, #tpu.memory_space<vmem>>, vector<1x16xf32>,
        %parallel_loop3A_530 = arith.constant 0 : i32
        %parallel_loop3A_531 = arith.addi %parallel_loop3A_438, %parallel_loop3A_530 : i32
        %parallel_loop3A_532 = arith.constant 0 : i32
        %parallel_loop3A_533 = arith.addi %parallel_loop3A_438, %parallel_loop3A_532 : i32
        %parallel_loop3A_534 = arith.index_cast %parallel_loop3A_533 : i32 to index
        %parallel_loop3A_535 = arith.constant 112 : index
        %parallel_loop3A_536 = tpu.vector_load %arg10[%parallel_loop3A_534, %parallel_loop3A_535] {strides = array<i32>} : memref<200x128xf32, #tpu.memory_space<vmem>>, vector<1x16xf32>,
        %parallel_loop3A_537 = vector.shape_cast %parallel_loop3A_536 : vector<1x16xf32> to vector<16xf32>
        %parallel_loop3A_538 = arith.index_cast %parallel_loop3A_531 : i32 to index
        %parallel_loop3A_539 = arith.constant 112 : index
        %parallel_loop3A_540 = tpu.vector_load %arg7[%parallel_loop3A_538, %parallel_loop3A_539] {strides = array<i32>} : memref<200x128xf32, #tpu.memory_space<vmem>>, vector<1x16xf32>,
        %parallel_loop3A_541 = vector.shape_cast %parallel_loop3A_540 : vector<1x16xf32> to vector<16xf32>
        %parallel_loop3A_542 = vector.shape_cast %parallel_loop3A_537 : vector<16xf32> to vector<1x16xf32>
        tpu.vector_store %arg7[%parallel_loop3A_538, %parallel_loop3A_539], %parallel_loop3A_542 {add = true, strides = array<i32>} : memref<200x128xf32, #tpu.memory_space<vmem>>, vector<1x16xf32>,
        %parallel_loop3A_543 = arith.constant 1 : i32
        %parallel_loop3A_544 = arith.addi %parallel_loop3A_438, %parallel_loop3A_543 : i32
        %parallel_loop3A_545 = arith.constant 1 : i32
        %parallel_loop3A_546 = arith.addi %parallel_loop3A_438, %parallel_loop3A_545 : i32
        %parallel_loop3A_547 = arith.index_cast %parallel_loop3A_546 : i32 to index
        %parallel_loop3A_548 = arith.constant 0 : index
        %parallel_loop3A_549 = tpu.vector_load %arg10[%parallel_loop3A_547, %parallel_loop3A_548] {strides = array<i32>} : memref<200x128xf32, #tpu.memory_space<vmem>>, vector<1x16xf32>,
        %parallel_loop3A_550 = vector.shape_cast %parallel_loop3A_549 : vector<1x16xf32> to vector<16xf32>
        %parallel_loop3A_551 = arith.index_cast %parallel_loop3A_544 : i32 to index
        %parallel_loop3A_552 = arith.constant 0 : index
        %parallel_loop3A_553 = tpu.vector_load %arg7[%parallel_loop3A_551, %parallel_loop3A_552] {strides = array<i32>} : memref<200x128xf32, #tpu.memory_space<vmem>>, vector<1x16xf32>,
        %parallel_loop3A_554 = vector.shape_cast %parallel_loop3A_553 : vector<1x16xf32> to vector<16xf32>
        %parallel_loop3A_555 = vector.shape_cast %parallel_loop3A_550 : vector<16xf32> to vector<1x16xf32>
        tpu.vector_store %arg7[%parallel_loop3A_551, %parallel_loop3A_552], %parallel_loop3A_555 {add = true, strides = array<i32>} : memref<200x128xf32, #tpu.memory_space<vmem>>, vector<1x16xf32>,
        %parallel_loop3A_556 = arith.constant 1 : i32
        %parallel_loop3A_557 = arith.addi %parallel_loop3A_438, %parallel_loop3A_556 : i32
        %parallel_loop3A_558 = arith.constant 1 : i32
        %parallel_loop3A_559 = arith.addi %parallel_loop3A_438, %parallel_loop3A_558 : i32
        %parallel_loop3A_560 = arith.index_cast %parallel_loop3A_559 : i32 to index
        %parallel_loop3A_561 = arith.constant 16 : index
        %parallel_loop3A_562 = tpu.vector_load %arg10[%parallel_loop3A_560, %parallel_loop3A_561] {strides = array<i32>} : memref<200x128xf32, #tpu.memory_space<vmem>>, vector<1x16xf32>,
        %parallel_loop3A_563 = vector.shape_cast %parallel_loop3A_562 : vector<1x16xf32> to vector<16xf32>
        %parallel_loop3A_564 = arith.index_cast %parallel_loop3A_557 : i32 to index
        %parallel_loop3A_565 = arith.constant 16 : index
        %parallel_loop3A_566 = tpu.vector_load %arg7[%parallel_loop3A_564, %parallel_loop3A_565] {strides = array<i32>} : memref<200x128xf32, #tpu.memory_space<vmem>>, vector<1x16xf32>,
        %parallel_loop3A_567 = vector.shape_cast %parallel_loop3A_566 : vector<1x16xf32> to vector<16xf32>
        %parallel_loop3A_568 = vector.shape_cast %parallel_loop3A_563 : vector<16xf32> to vector<1x16xf32>
        tpu.vector_store %arg7[%parallel_loop3A_564, %parallel_loop3A_565], %parallel_loop3A_568 {add = true, strides = array<i32>} : memref<200x128xf32, #tpu.memory_space<vmem>>, vector<1x16xf32>,
        %parallel_loop3A_569 = arith.constant 1 : i32
        %parallel_loop3A_570 = arith.addi %parallel_loop3A_438, %parallel_loop3A_569 : i32
        %parallel_loop3A_571 = arith.constant 1 : i32
        %parallel_loop3A_572 = arith.addi %parallel_loop3A_438, %parallel_loop3A_571 : i32
        %parallel_loop3A_573 = arith.index_cast %parallel_loop3A_572 : i32 to index
        %parallel_loop3A_574 = arith.constant 32 : index
        %parallel_loop3A_575 = tpu.vector_load %arg10[%parallel_loop3A_573, %parallel_loop3A_574] {strides = array<i32>} : memref<200x128xf32, #tpu.memory_space<vmem>>, vector<1x16xf32>,
        %parallel_loop3A_576 = vector.shape_cast %parallel_loop3A_575 : vector<1x16xf32> to vector<16xf32>
        %parallel_loop3A_577 = arith.index_cast %parallel_loop3A_570 : i32 to index
        %parallel_loop3A_578 = arith.constant 32 : index
        %parallel_loop3A_579 = tpu.vector_load %arg7[%parallel_loop3A_577, %parallel_loop3A_578] {strides = array<i32>} : memref<200x128xf32, #tpu.memory_space<vmem>>, vector<1x16xf32>,
        %parallel_loop3A_580 = vector.shape_cast %parallel_loop3A_579 : vector<1x16xf32> to vector<16xf32>
        %parallel_loop3A_581 = vector.shape_cast %parallel_loop3A_576 : vector<16xf32> to vector<1x16xf32>
        tpu.vector_store %arg7[%parallel_loop3A_577, %parallel_loop3A_578], %parallel_loop3A_581 {add = true, strides = array<i32>} : memref<200x128xf32, #tpu.memory_space<vmem>>, vector<1x16xf32>,
        %parallel_loop3A_582 = arith.constant 1 : i32
        %parallel_loop3A_583 = arith.addi %parallel_loop3A_438, %parallel_loop3A_582 : i32
        %parallel_loop3A_584 = arith.constant 1 : i32
        %parallel_loop3A_585 = arith.addi %parallel_loop3A_438, %parallel_loop3A_584 : i32
        %parallel_loop3A_586 = arith.index_cast %parallel_loop3A_585 : i32 to index
        %parallel_loop3A_587 = arith.constant 48 : index
        %parallel_loop3A_588 = tpu.vector_load %arg10[%parallel_loop3A_586, %parallel_loop3A_587] {strides = array<i32>} : memref<200x128xf32, #tpu.memory_space<vmem>>, vector<1x16xf32>,
        %parallel_loop3A_589 = vector.shape_cast %parallel_loop3A_588 : vector<1x16xf32> to vector<16xf32>
        %parallel_loop3A_590 = arith.index_cast %parallel_loop3A_583 : i32 to index
        %parallel_loop3A_591 = arith.constant 48 : index
        %parallel_loop3A_592 = tpu.vector_load %arg7[%parallel_loop3A_590, %parallel_loop3A_591] {strides = array<i32>} : memref<200x128xf32, #tpu.memory_space<vmem>>, vector<1x16xf32>,
        %parallel_loop3A_593 = vector.shape_cast %parallel_loop3A_592 : vector<1x16xf32> to vector<16xf32>
        %parallel_loop3A_594 = vector.shape_cast %parallel_loop3A_589 : vector<16xf32> to vector<1x16xf32>
        tpu.vector_store %arg7[%parallel_loop3A_590, %parallel_loop3A_591], %parallel_loop3A_594 {add = true, strides = array<i32>} : memref<200x128xf32, #tpu.memory_space<vmem>>, vector<1x16xf32>,
        %parallel_loop3A_595 = arith.constant 1 : i32
        %parallel_loop3A_596 = arith.addi %parallel_loop3A_438, %parallel_loop3A_595 : i32
        %parallel_loop3A_597 = arith.constant 1 : i32
        %parallel_loop3A_598 = arith.addi %parallel_loop3A_438, %parallel_loop3A_597 : i32
        %parallel_loop3A_599 = arith.index_cast %parallel_loop3A_598 : i32 to index
        %parallel_loop3A_600 = arith.constant 64 : index
        %parallel_loop3A_601 = tpu.vector_load %arg10[%parallel_loop3A_599, %parallel_loop3A_600] {strides = array<i32>} : memref<200x128xf32, #tpu.memory_space<vmem>>, vector<1x16xf32>,
        %parallel_loop3A_602 = vector.shape_cast %parallel_loop3A_601 : vector<1x16xf32> to vector<16xf32>
        %parallel_loop3A_603 = arith.index_cast %parallel_loop3A_596 : i32 to index
        %parallel_loop3A_604 = arith.constant 64 : index
        %parallel_loop3A_605 = tpu.vector_load %arg7[%parallel_loop3A_603, %parallel_loop3A_604] {strides = array<i32>} : memref<200x128xf32, #tpu.memory_space<vmem>>, vector<1x16xf32>,
        %parallel_loop3A_606 = vector.shape_cast %parallel_loop3A_605 : vector<1x16xf32> to vector<16xf32>
        %parallel_loop3A_607 = vector.shape_cast %parallel_loop3A_602 : vector<16xf32> to vector<1x16xf32>
        tpu.vector_store %arg7[%parallel_loop3A_603, %parallel_loop3A_604], %parallel_loop3A_607 {add = true, strides = array<i32>} : memref<200x128xf32, #tpu.memory_space<vmem>>, vector<1x16xf32>,
        %parallel_loop3A_608 = arith.constant 1 : i32
        %parallel_loop3A_609 = arith.addi %parallel_loop3A_438, %parallel_loop3A_608 : i32
        %parallel_loop3A_610 = arith.constant 1 : i32
        %parallel_loop3A_611 = arith.addi %parallel_loop3A_438, %parallel_loop3A_610 : i32
        %parallel_loop3A_612 = arith.index_cast %parallel_loop3A_611 : i32 to index
        %parallel_loop3A_613 = arith.constant 80 : index
        %parallel_loop3A_614 = tpu.vector_load %arg10[%parallel_loop3A_612, %parallel_loop3A_613] {strides = array<i32>} : memref<200x128xf32, #tpu.memory_space<vmem>>, vector<1x16xf32>,
        %parallel_loop3A_615 = vector.shape_cast %parallel_loop3A_614 : vector<1x16xf32> to vector<16xf32>
        %parallel_loop3A_616 = arith.index_cast %parallel_loop3A_609 : i32 to index
        %parallel_loop3A_617 = arith.constant 80 : index
        %parallel_loop3A_618 = tpu.vector_load %arg7[%parallel_loop3A_616, %parallel_loop3A_617] {strides = array<i32>} : memref<200x128xf32, #tpu.memory_space<vmem>>, vector<1x16xf32>,
        %parallel_loop3A_619 = vector.shape_cast %parallel_loop3A_618 : vector<1x16xf32> to vector<16xf32>
        %parallel_loop3A_620 = vector.shape_cast %parallel_loop3A_615 : vector<16xf32> to vector<1x16xf32>
        tpu.vector_store %arg7[%parallel_loop3A_616, %parallel_loop3A_617], %parallel_loop3A_620 {add = true, strides = array<i32>} : memref<200x128xf32, #tpu.memory_space<vmem>>, vector<1x16xf32>,
        %parallel_loop3A_621 = arith.constant 1 : i32
        %parallel_loop3A_622 = arith.addi %parallel_loop3A_438, %parallel_loop3A_621 : i32
        %parallel_loop3A_623 = arith.constant 1 : i32
        %parallel_loop3A_624 = arith.addi %parallel_loop3A_438, %parallel_loop3A_623 : i32
        %parallel_loop3A_625 = arith.index_cast %parallel_loop3A_624 : i32 to index
        %parallel_loop3A_626 = arith.constant 96 : index
        %parallel_loop3A_627 = tpu.vector_load %arg10[%parallel_loop3A_625, %parallel_loop3A_626] {strides = array<i32>} : memref<200x128xf32, #tpu.memory_space<vmem>>, vector<1x16xf32>,
        %parallel_loop3A_628 = vector.shape_cast %parallel_loop3A_627 : vector<1x16xf32> to vector<16xf32>
        %parallel_loop3A_629 = arith.index_cast %parallel_loop3A_622 : i32 to index
        %parallel_loop3A_630 = arith.constant 96 : index
        %parallel_loop3A_631 = tpu.vector_load %arg7[%parallel_loop3A_629, %parallel_loop3A_630] {strides = array<i32>} : memref<200x128xf32, #tpu.memory_space<vmem>>, vector<1x16xf32>,
        %parallel_loop3A_632 = vector.shape_cast %parallel_loop3A_631 : vector<1x16xf32> to vector<16xf32>
        %parallel_loop3A_633 = vector.shape_cast %parallel_loop3A_628 : vector<16xf32> to vector<1x16xf32>
        tpu.vector_store %arg7[%parallel_loop3A_629, %parallel_loop3A_630], %parallel_loop3A_633 {add = true, strides = array<i32>} : memref<200x128xf32, #tpu.memory_space<vmem>>, vector<1x16xf32>,
        %parallel_loop3A_634 = arith.constant 1 : i32
        %parallel_loop3A_635 = arith.addi %parallel_loop3A_438, %parallel_loop3A_634 : i32
        %parallel_loop3A_636 = arith.constant 1 : i32
        %parallel_loop3A_637 = arith.addi %parallel_loop3A_438, %parallel_loop3A_636 : i32
        %parallel_loop3A_638 = arith.index_cast %parallel_loop3A_637 : i32 to index
        %parallel_loop3A_639 = arith.constant 112 : index
        %parallel_loop3A_640 = tpu.vector_load %arg10[%parallel_loop3A_638, %parallel_loop3A_639] {strides = array<i32>} : memref<200x128xf32, #tpu.memory_space<vmem>>, vector<1x16xf32>,
        %parallel_loop3A_641 = vector.shape_cast %parallel_loop3A_640 : vector<1x16xf32> to vector<16xf32>
        %parallel_loop3A_642 = arith.index_cast %parallel_loop3A_635 : i32 to index
        %parallel_loop3A_643 = arith.constant 112 : index
        %parallel_loop3A_644 = tpu.vector_load %arg7[%parallel_loop3A_642, %parallel_loop3A_643] {strides = array<i32>} : memref<200x128xf32, #tpu.memory_space<vmem>>, vector<1x16xf32>,
        %parallel_loop3A_645 = vector.shape_cast %parallel_loop3A_644 : vector<1x16xf32> to vector<16xf32>
        %parallel_loop3A_646 = vector.shape_cast %parallel_loop3A_641 : vector<16xf32> to vector<1x16xf32>
        tpu.vector_store %arg7[%parallel_loop3A_642, %parallel_loop3A_643], %parallel_loop3A_646 {add = true, strides = array<i32>} : memref<200x128xf32, #tpu.memory_space<vmem>>, vector<1x16xf32>,
      } {sc.loop_unroll_factor = 2 : i64, sc.parallel_access}
      %mul3A_270 = arith.constant 200 : i32
      %mul3A_271 = arith.muli %add3A_246, %mul3A_270 : i32
      %add3A_272 = arith.addi %mul3A_2, %mul3A_271 : i32
      %dma_start3A_273 = arith.constant 0 : i32
      %dma_start3A_274 = tpu.memref_slice %arg5[%add3A_272, %dma_start3A_273] : memref<204800x128xf32, #tpu.memory_space<hbm>> -> memref<200x128xf32, #tpu.memory_space<hbm>>
      %dma_start3A_275 = arith.constant 0 : i32
      %dma_start3A_276 = tpu.memref_slice %arg5[%add3A_272, %dma_start3A_275] : memref<204800x128xf32, #tpu.memory_space<hbm>> -> memref<200x128xf32, #tpu.memory_space<hbm>>
      tpu.enqueue_dma source(%arg7 : memref<200x128xf32, #tpu.memory_space<vmem>>) target(%dma_start3A_276 : memref<200x128xf32, #tpu.memory_space<hbm>>) target_semaphore(%arg17 : memref<!tpu.dma_semaphore, #tpu.memory_space<semaphore_mem>>)
      %sub3A = arith.constant 1 : i32
      %sub3A_277 = arith.subi %add3A_246, %sub3A : i32
      %mul3A_278 = arith.constant 200 : i32
      %mul3A_279 = arith.muli %sub3A_277, %mul3A_278 : i32
      %add3A_280 = arith.addi %mul3A_2, %mul3A_279 : i32
      %dma_wait3A_281 = arith.constant 0 : i32
      %dma_wait3A_282 = tpu.memref_slice %arg5[%add3A_280, %dma_wait3A_281] : memref<204800x128xf32, #tpu.memory_space<hbm>> -> memref<200x128xf32, #tpu.memory_space<hbm>>
      %dma_wait3A_283 = arith.constant 0 : i32
      %dma_wait3A_284 = tpu.memref_slice %arg5[%add3A_280, %dma_wait3A_283] : memref<204800x128xf32, #tpu.memory_space<hbm>> -> memref<200x128xf32, #tpu.memory_space<hbm>>
      tpu.wait_dma2 semaphore(%arg19 : memref<!tpu.dma_semaphore, #tpu.memory_space<semaphore_mem>>) src(%arg9 : memref<200x128xf32, #tpu.memory_space<vmem>>) dst(%dma_wait3A_284 : memref<200x128xf32, #tpu.memory_space<hbm>>)
      %add3A_285 = arith.constant 2 : i32
      %add3A_286 = arith.addi %add3A_246, %add3A_285 : i32
      %mul3A_287 = arith.constant 200 : i32
      %mul3A_288 = arith.muli %add3A_286, %mul3A_287 : i32
      %mul3A_289 = arith.constant 200 : i32
      %mul3A_290 = arith.muli %add3A_286, %mul3A_289 : i32
      %add3A_291 = arith.constant 104 : i32
      %add3A_292 = arith.addi %mul3A_290, %add3A_291 : i32
      %dma_start3A_293 = arith.constant 0 : i32
      %dma_start3A_294 = arith.constant 0 : i32
      %dma_start3A_295 = tpu.memref_slice %arg9[%dma_start3A_293, %dma_start3A_294] : memref<200x128xf32, #tpu.memory_space<vmem>> -> memref<104x128xf32, #tpu.memory_space<vmem>>
      %dma_start3A_296 = tpu.memref_slice %arg6[%mul3A_288] : memref<6400xi32, #tpu.memory_space<vmem>> -> memref<104xi32, #tpu.memory_space<vmem>>
      %dma_start3A_297 = arith.constant 0 : i32
      %dma_start3A_298 = arith.constant 0 : i32
      %dma_start3A_299 = tpu.memref_slice %arg2[%dma_start3A_297, %dma_start3A_298] : memref<100000x128xf32, #tpu.memory_space<hbm>> -> memref<100000x128xf32, #tpu.memory_space<hbm>>
      tpu.enqueue_indirect_dma source(%dma_start3A_299 : memref<100000x128xf32, #tpu.memory_space<hbm>>) target(%dma_start3A_295 : memref<104x128xf32, #tpu.memory_space<vmem>>) offsets(%dma_start3A_296 : memref<104xi32, #tpu.memory_space<vmem>>) semaphore(%arg13 : memref<!tpu.dma_semaphore, #tpu.memory_space<semaphore_mem>>)
      %dma_start3A_300 = arith.constant 104 : i32
      %dma_start3A_301 = arith.constant 0 : i32
      %dma_start3A_302 = tpu.memref_slice %arg9[%dma_start3A_300, %dma_start3A_301] : memref<200x128xf32, #tpu.memory_space<vmem>> -> memref<96x128xf32, #tpu.memory_space<vmem>>
      %dma_start3A_303 = tpu.memref_slice %arg6[%add3A_292] : memref<6400xi32, #tpu.memory_space<vmem>> -> memref<96xi32, #tpu.memory_space<vmem>>
      %dma_start3A_304 = arith.constant 0 : i32
      %dma_start3A_305 = arith.constant 0 : i32
      %dma_start3A_306 = tpu.memref_slice %arg2[%dma_start3A_304, %dma_start3A_305] : memref<100000x128xf32, #tpu.memory_space<hbm>> -> memref<100000x128xf32, #tpu.memory_space<hbm>>
      tpu.enqueue_indirect_dma source(%dma_start3A_306 : memref<100000x128xf32, #tpu.memory_space<hbm>>) target(%dma_start3A_302 : memref<96x128xf32, #tpu.memory_space<vmem>>) offsets(%dma_start3A_303 : memref<96xi32, #tpu.memory_space<vmem>>) semaphore(%arg16 : memref<!tpu.dma_semaphore, #tpu.memory_space<semaphore_mem>>)
      %mul3A_307 = arith.constant 3 : i32
      %mul3A_308 = arith.muli %mul3A_307, %scan3A_241 : i32
      %add3A_309 = arith.constant 1 : i32
      %add3A_310 = arith.addi %mul3A_308, %add3A_309 : i32
      %mul3A_311 = arith.constant 200 : i32
      %mul3A_312 = arith.muli %add3A_310, %mul3A_311 : i32
      %mul3A_313 = arith.constant 200 : i32
      %mul3A_314 = arith.muli %add3A_310, %mul3A_313 : i32
      %add3A_315 = arith.constant 104 : i32
      %add3A_316 = arith.addi %mul3A_314, %add3A_315 : i32
      %dma_wait3A_317 = arith.constant 0 : i32
      %dma_wait3A_318 = arith.constant 0 : i32
      %dma_wait3A_319 = tpu.memref_slice %arg8[%dma_wait3A_317, %dma_wait3A_318] : memref<200x128xf32, #tpu.memory_space<vmem>> -> memref<104x128xf32, #tpu.memory_space<vmem>>
      %dma_wait3A_320 = tpu.memref_slice %arg6[%mul3A_312] : memref<6400xi32, #tpu.memory_space<vmem>> -> memref<104xi32, #tpu.memory_space<vmem>>
      %dma_wait3A_321 = arith.constant 0 : i32
      %dma_wait3A_322 = arith.constant 0 : i32
      %dma_wait3A_323 = tpu.memref_slice %arg2[%dma_wait3A_321, %dma_wait3A_322] : memref<100000x128xf32, #tpu.memory_space<hbm>> -> memref<100000x128xf32, #tpu.memory_space<hbm>>
      tpu.wait_indirect_dma semaphore(%arg12 : memref<!tpu.dma_semaphore, #tpu.memory_space<semaphore_mem>>) src(%dma_wait3A_323 : memref<100000x128xf32, #tpu.memory_space<hbm>>) dst(%dma_wait3A_319 : memref<104x128xf32, #tpu.memory_space<vmem>>)
      %dma_wait3A_324 = arith.constant 104 : i32
      %dma_wait3A_325 = arith.constant 0 : i32
      %dma_wait3A_326 = tpu.memref_slice %arg8[%dma_wait3A_324, %dma_wait3A_325] : memref<200x128xf32, #tpu.memory_space<vmem>> -> memref<96x128xf32, #tpu.memory_space<vmem>>
      %dma_wait3A_327 = tpu.memref_slice %arg6[%add3A_316] : memref<6400xi32, #tpu.memory_space<vmem>> -> memref<96xi32, #tpu.memory_space<vmem>>
      %dma_wait3A_328 = arith.constant 0 : i32
      %dma_wait3A_329 = arith.constant 0 : i32
      %dma_wait3A_330 = tpu.memref_slice %arg2[%dma_wait3A_328, %dma_wait3A_329] : memref<100000x128xf32, #tpu.memory_space<hbm>> -> memref<100000x128xf32, #tpu.memory_space<hbm>>
      tpu.wait_indirect_dma semaphore(%arg15 : memref<!tpu.dma_semaphore, #tpu.memory_space<semaphore_mem>>) src(%dma_wait3A_330 : memref<100000x128xf32, #tpu.memory_space<hbm>>) dst(%dma_wait3A_326 : memref<96x128xf32, #tpu.memory_space<vmem>>)
      %parallel_loop3A_331 = arith.constant 0 : i32
      %parallel_loop3A_332 = arith.constant 200 : i32
      %parallel_loop3A_333 = arith.constant 2 : i32
      scf.for %parallel_loop3A_438 = %parallel_loop3A_331 to %parallel_loop3A_332 step %parallel_loop3A_333  : i32 {
        %parallel_loop3A_439 = arith.constant 0 : i32
        %parallel_loop3A_440 = arith.addi %parallel_loop3A_438, %parallel_loop3A_439 : i32
        %parallel_loop3A_441 = arith.constant 0 : i32
        %parallel_loop3A_442 = arith.addi %parallel_loop3A_438, %parallel_loop3A_441 : i32
        %parallel_loop3A_443 = arith.index_cast %parallel_loop3A_442 : i32 to index
        %parallel_loop3A_444 = arith.constant 0 : index
        %parallel_loop3A_445 = tpu.vector_load %arg10[%parallel_loop3A_443, %parallel_loop3A_444] {strides = array<i32>} : memref<200x128xf32, #tpu.memory_space<vmem>>, vector<1x16xf32>,
        %parallel_loop3A_446 = vector.shape_cast %parallel_loop3A_445 : vector<1x16xf32> to vector<16xf32>
        %parallel_loop3A_447 = arith.index_cast %parallel_loop3A_440 : i32 to index
        %parallel_loop3A_448 = arith.constant 0 : index
        %parallel_loop3A_449 = tpu.vector_load %arg8[%parallel_loop3A_447, %parallel_loop3A_448] {strides = array<i32>} : memref<200x128xf32, #tpu.memory_space<vmem>>, vector<1x16xf32>,
        %parallel_loop3A_450 = vector.shape_cast %parallel_loop3A_449 : vector<1x16xf32> to vector<16xf32>
        %parallel_loop3A_451 = vector.shape_cast %parallel_loop3A_446 : vector<16xf32> to vector<1x16xf32>
        tpu.vector_store %arg8[%parallel_loop3A_447, %parallel_loop3A_448], %parallel_loop3A_451 {add = true, strides = array<i32>} : memref<200x128xf32, #tpu.memory_space<vmem>>, vector<1x16xf32>,
        %parallel_loop3A_452 = arith.constant 0 : i32
        %parallel_loop3A_453 = arith.addi %parallel_loop3A_438, %parallel_loop3A_452 : i32
        %parallel_loop3A_454 = arith.constant 0 : i32
        %parallel_loop3A_455 = arith.addi %parallel_loop3A_438, %parallel_loop3A_454 : i32
        %parallel_loop3A_456 = arith.index_cast %parallel_loop3A_455 : i32 to index
        %parallel_loop3A_457 = arith.constant 16 : index
        %parallel_loop3A_458 = tpu.vector_load %arg10[%parallel_loop3A_456, %parallel_loop3A_457] {strides = array<i32>} : memref<200x128xf32, #tpu.memory_space<vmem>>, vector<1x16xf32>,
        %parallel_loop3A_459 = vector.shape_cast %parallel_loop3A_458 : vector<1x16xf32> to vector<16xf32>
        %parallel_loop3A_460 = arith.index_cast %parallel_loop3A_453 : i32 to index
        %parallel_loop3A_461 = arith.constant 16 : index
        %parallel_loop3A_462 = tpu.vector_load %arg8[%parallel_loop3A_460, %parallel_loop3A_461] {strides = array<i32>} : memref<200x128xf32, #tpu.memory_space<vmem>>, vector<1x16xf32>,
        %parallel_loop3A_463 = vector.shape_cast %parallel_loop3A_462 : vector<1x16xf32> to vector<16xf32>
        %parallel_loop3A_464 = vector.shape_cast %parallel_loop3A_459 : vector<16xf32> to vector<1x16xf32>
        tpu.vector_store %arg8[%parallel_loop3A_460, %parallel_loop3A_461], %parallel_loop3A_464 {add = true, strides = array<i32>} : memref<200x128xf32, #tpu.memory_space<vmem>>, vector<1x16xf32>,
        %parallel_loop3A_465 = arith.constant 0 : i32
        %parallel_loop3A_466 = arith.addi %parallel_loop3A_438, %parallel_loop3A_465 : i32
        %parallel_loop3A_467 = arith.constant 0 : i32
        %parallel_loop3A_468 = arith.addi %parallel_loop3A_438, %parallel_loop3A_467 : i32
        %parallel_loop3A_469 = arith.index_cast %parallel_loop3A_468 : i32 to index
        %parallel_loop3A_470 = arith.constant 32 : index
        %parallel_loop3A_471 = tpu.vector_load %arg10[%parallel_loop3A_469, %parallel_loop3A_470] {strides = array<i32>} : memref<200x128xf32, #tpu.memory_space<vmem>>, vector<1x16xf32>,
        %parallel_loop3A_472 = vector.shape_cast %parallel_loop3A_471 : vector<1x16xf32> to vector<16xf32>
        %parallel_loop3A_473 = arith.index_cast %parallel_loop3A_466 : i32 to index
        %parallel_loop3A_474 = arith.constant 32 : index
        %parallel_loop3A_475 = tpu.vector_load %arg8[%parallel_loop3A_473, %parallel_loop3A_474] {strides = array<i32>} : memref<200x128xf32, #tpu.memory_space<vmem>>, vector<1x16xf32>,
        %parallel_loop3A_476 = vector.shape_cast %parallel_loop3A_475 : vector<1x16xf32> to vector<16xf32>
        %parallel_loop3A_477 = vector.shape_cast %parallel_loop3A_472 : vector<16xf32> to vector<1x16xf32>
        tpu.vector_store %arg8[%parallel_loop3A_473, %parallel_loop3A_474], %parallel_loop3A_477 {add = true, strides = array<i32>} : memref<200x128xf32, #tpu.memory_space<vmem>>, vector<1x16xf32>,
        %parallel_loop3A_478 = arith.constant 0 : i32
        %parallel_loop3A_479 = arith.addi %parallel_loop3A_438, %parallel_loop3A_478 : i32
        %parallel_loop3A_480 = arith.constant 0 : i32
        %parallel_loop3A_481 = arith.addi %parallel_loop3A_438, %parallel_loop3A_480 : i32
        %parallel_loop3A_482 = arith.index_cast %parallel_loop3A_481 : i32 to index
        %parallel_loop3A_483 = arith.constant 48 : index
        %parallel_loop3A_484 = tpu.vector_load %arg10[%parallel_loop3A_482, %parallel_loop3A_483] {strides = array<i32>} : memref<200x128xf32, #tpu.memory_space<vmem>>, vector<1x16xf32>,
        %parallel_loop3A_485 = vector.shape_cast %parallel_loop3A_484 : vector<1x16xf32> to vector<16xf32>
        %parallel_loop3A_486 = arith.index_cast %parallel_loop3A_479 : i32 to index
        %parallel_loop3A_487 = arith.constant 48 : index
        %parallel_loop3A_488 = tpu.vector_load %arg8[%parallel_loop3A_486, %parallel_loop3A_487] {strides = array<i32>} : memref<200x128xf32, #tpu.memory_space<vmem>>, vector<1x16xf32>,
        %parallel_loop3A_489 = vector.shape_cast %parallel_loop3A_488 : vector<1x16xf32> to vector<16xf32>
        %parallel_loop3A_490 = vector.shape_cast %parallel_loop3A_485 : vector<16xf32> to vector<1x16xf32>
        tpu.vector_store %arg8[%parallel_loop3A_486, %parallel_loop3A_487], %parallel_loop3A_490 {add = true, strides = array<i32>} : memref<200x128xf32, #tpu.memory_space<vmem>>, vector<1x16xf32>,
        %parallel_loop3A_491 = arith.constant 0 : i32
        %parallel_loop3A_492 = arith.addi %parallel_loop3A_438, %parallel_loop3A_491 : i32
        %parallel_loop3A_493 = arith.constant 0 : i32
        %parallel_loop3A_494 = arith.addi %parallel_loop3A_438, %parallel_loop3A_493 : i32
        %parallel_loop3A_495 = arith.index_cast %parallel_loop3A_494 : i32 to index
        %parallel_loop3A_496 = arith.constant 64 : index
        %parallel_loop3A_497 = tpu.vector_load %arg10[%parallel_loop3A_495, %parallel_loop3A_496] {strides = array<i32>} : memref<200x128xf32, #tpu.memory_space<vmem>>, vector<1x16xf32>,
        %parallel_loop3A_498 = vector.shape_cast %parallel_loop3A_497 : vector<1x16xf32> to vector<16xf32>
        %parallel_loop3A_499 = arith.index_cast %parallel_loop3A_492 : i32 to index
        %parallel_loop3A_500 = arith.constant 64 : index
        %parallel_loop3A_501 = tpu.vector_load %arg8[%parallel_loop3A_499, %parallel_loop3A_500] {strides = array<i32>} : memref<200x128xf32, #tpu.memory_space<vmem>>, vector<1x16xf32>,
        %parallel_loop3A_502 = vector.shape_cast %parallel_loop3A_501 : vector<1x16xf32> to vector<16xf32>
        %parallel_loop3A_503 = vector.shape_cast %parallel_loop3A_498 : vector<16xf32> to vector<1x16xf32>
        tpu.vector_store %arg8[%parallel_loop3A_499, %parallel_loop3A_500], %parallel_loop3A_503 {add = true, strides = array<i32>} : memref<200x128xf32, #tpu.memory_space<vmem>>, vector<1x16xf32>,
        %parallel_loop3A_504 = arith.constant 0 : i32
        %parallel_loop3A_505 = arith.addi %parallel_loop3A_438, %parallel_loop3A_504 : i32
        %parallel_loop3A_506 = arith.constant 0 : i32
        %parallel_loop3A_507 = arith.addi %parallel_loop3A_438, %parallel_loop3A_506 : i32
        %parallel_loop3A_508 = arith.index_cast %parallel_loop3A_507 : i32 to index
        %parallel_loop3A_509 = arith.constant 80 : index
        %parallel_loop3A_510 = tpu.vector_load %arg10[%parallel_loop3A_508, %parallel_loop3A_509] {strides = array<i32>} : memref<200x128xf32, #tpu.memory_space<vmem>>, vector<1x16xf32>,
        %parallel_loop3A_511 = vector.shape_cast %parallel_loop3A_510 : vector<1x16xf32> to vector<16xf32>
        %parallel_loop3A_512 = arith.index_cast %parallel_loop3A_505 : i32 to index
        %parallel_loop3A_513 = arith.constant 80 : index
        %parallel_loop3A_514 = tpu.vector_load %arg8[%parallel_loop3A_512, %parallel_loop3A_513] {strides = array<i32>} : memref<200x128xf32, #tpu.memory_space<vmem>>, vector<1x16xf32>,
        %parallel_loop3A_515 = vector.shape_cast %parallel_loop3A_514 : vector<1x16xf32> to vector<16xf32>
        %parallel_loop3A_516 = vector.shape_cast %parallel_loop3A_511 : vector<16xf32> to vector<1x16xf32>
        tpu.vector_store %arg8[%parallel_loop3A_512, %parallel_loop3A_513], %parallel_loop3A_516 {add = true, strides = array<i32>} : memref<200x128xf32, #tpu.memory_space<vmem>>, vector<1x16xf32>,
        %parallel_loop3A_517 = arith.constant 0 : i32
        %parallel_loop3A_518 = arith.addi %parallel_loop3A_438, %parallel_loop3A_517 : i32
        %parallel_loop3A_519 = arith.constant 0 : i32
        %parallel_loop3A_520 = arith.addi %parallel_loop3A_438, %parallel_loop3A_519 : i32
        %parallel_loop3A_521 = arith.index_cast %parallel_loop3A_520 : i32 to index
        %parallel_loop3A_522 = arith.constant 96 : index
        %parallel_loop3A_523 = tpu.vector_load %arg10[%parallel_loop3A_521, %parallel_loop3A_522] {strides = array<i32>} : memref<200x128xf32, #tpu.memory_space<vmem>>, vector<1x16xf32>,
        %parallel_loop3A_524 = vector.shape_cast %parallel_loop3A_523 : vector<1x16xf32> to vector<16xf32>
        %parallel_loop3A_525 = arith.index_cast %parallel_loop3A_518 : i32 to index
        %parallel_loop3A_526 = arith.constant 96 : index
        %parallel_loop3A_527 = tpu.vector_load %arg8[%parallel_loop3A_525, %parallel_loop3A_526] {strides = array<i32>} : memref<200x128xf32, #tpu.memory_space<vmem>>, vector<1x16xf32>,
        %parallel_loop3A_528 = vector.shape_cast %parallel_loop3A_527 : vector<1x16xf32> to vector<16xf32>
        %parallel_loop3A_529 = vector.shape_cast %parallel_loop3A_524 : vector<16xf32> to vector<1x16xf32>
        tpu.vector_store %arg8[%parallel_loop3A_525, %parallel_loop3A_526], %parallel_loop3A_529 {add = true, strides = array<i32>} : memref<200x128xf32, #tpu.memory_space<vmem>>, vector<1x16xf32>,
        %parallel_loop3A_530 = arith.constant 0 : i32
        %parallel_loop3A_531 = arith.addi %parallel_loop3A_438, %parallel_loop3A_530 : i32
        %parallel_loop3A_532 = arith.constant 0 : i32
        %parallel_loop3A_533 = arith.addi %parallel_loop3A_438, %parallel_loop3A_532 : i32
        %parallel_loop3A_534 = arith.index_cast %parallel_loop3A_533 : i32 to index
        %parallel_loop3A_535 = arith.constant 112 : index
        %parallel_loop3A_536 = tpu.vector_load %arg10[%parallel_loop3A_534, %parallel_loop3A_535] {strides = array<i32>} : memref<200x128xf32, #tpu.memory_space<vmem>>, vector<1x16xf32>,
        %parallel_loop3A_537 = vector.shape_cast %parallel_loop3A_536 : vector<1x16xf32> to vector<16xf32>
        %parallel_loop3A_538 = arith.index_cast %parallel_loop3A_531 : i32 to index
        %parallel_loop3A_539 = arith.constant 112 : index
        %parallel_loop3A_540 = tpu.vector_load %arg8[%parallel_loop3A_538, %parallel_loop3A_539] {strides = array<i32>} : memref<200x128xf32, #tpu.memory_space<vmem>>, vector<1x16xf32>,
        %parallel_loop3A_541 = vector.shape_cast %parallel_loop3A_540 : vector<1x16xf32> to vector<16xf32>
        %parallel_loop3A_542 = vector.shape_cast %parallel_loop3A_537 : vector<16xf32> to vector<1x16xf32>
        tpu.vector_store %arg8[%parallel_loop3A_538, %parallel_loop3A_539], %parallel_loop3A_542 {add = true, strides = array<i32>} : memref<200x128xf32, #tpu.memory_space<vmem>>, vector<1x16xf32>,
        %parallel_loop3A_543 = arith.constant 1 : i32
        %parallel_loop3A_544 = arith.addi %parallel_loop3A_438, %parallel_loop3A_543 : i32
        %parallel_loop3A_545 = arith.constant 1 : i32
        %parallel_loop3A_546 = arith.addi %parallel_loop3A_438, %parallel_loop3A_545 : i32
        %parallel_loop3A_547 = arith.index_cast %parallel_loop3A_546 : i32 to index
        %parallel_loop3A_548 = arith.constant 0 : index
        %parallel_loop3A_549 = tpu.vector_load %arg10[%parallel_loop3A_547, %parallel_loop3A_548] {strides = array<i32>} : memref<200x128xf32, #tpu.memory_space<vmem>>, vector<1x16xf32>,
        %parallel_loop3A_550 = vector.shape_cast %parallel_loop3A_549 : vector<1x16xf32> to vector<16xf32>
        %parallel_loop3A_551 = arith.index_cast %parallel_loop3A_544 : i32 to index
        %parallel_loop3A_552 = arith.constant 0 : index
        %parallel_loop3A_553 = tpu.vector_load %arg8[%parallel_loop3A_551, %parallel_loop3A_552] {strides = array<i32>} : memref<200x128xf32, #tpu.memory_space<vmem>>, vector<1x16xf32>,
        %parallel_loop3A_554 = vector.shape_cast %parallel_loop3A_553 : vector<1x16xf32> to vector<16xf32>
        %parallel_loop3A_555 = vector.shape_cast %parallel_loop3A_550 : vector<16xf32> to vector<1x16xf32>
        tpu.vector_store %arg8[%parallel_loop3A_551, %parallel_loop3A_552], %parallel_loop3A_555 {add = true, strides = array<i32>} : memref<200x128xf32, #tpu.memory_space<vmem>>, vector<1x16xf32>,
        %parallel_loop3A_556 = arith.constant 1 : i32
        %parallel_loop3A_557 = arith.addi %parallel_loop3A_438, %parallel_loop3A_556 : i32
        %parallel_loop3A_558 = arith.constant 1 : i32
        %parallel_loop3A_559 = arith.addi %parallel_loop3A_438, %parallel_loop3A_558 : i32
        %parallel_loop3A_560 = arith.index_cast %parallel_loop3A_559 : i32 to index
        %parallel_loop3A_561 = arith.constant 16 : index
        %parallel_loop3A_562 = tpu.vector_load %arg10[%parallel_loop3A_560, %parallel_loop3A_561] {strides = array<i32>} : memref<200x128xf32, #tpu.memory_space<vmem>>, vector<1x16xf32>,
        %parallel_loop3A_563 = vector.shape_cast %parallel_loop3A_562 : vector<1x16xf32> to vector<16xf32>
        %parallel_loop3A_564 = arith.index_cast %parallel_loop3A_557 : i32 to index
        %parallel_loop3A_565 = arith.constant 16 : index
        %parallel_loop3A_566 = tpu.vector_load %arg8[%parallel_loop3A_564, %parallel_loop3A_565] {strides = array<i32>} : memref<200x128xf32, #tpu.memory_space<vmem>>, vector<1x16xf32>,
        %parallel_loop3A_567 = vector.shape_cast %parallel_loop3A_566 : vector<1x16xf32> to vector<16xf32>
        %parallel_loop3A_568 = vector.shape_cast %parallel_loop3A_563 : vector<16xf32> to vector<1x16xf32>
        tpu.vector_store %arg8[%parallel_loop3A_564, %parallel_loop3A_565], %parallel_loop3A_568 {add = true, strides = array<i32>} : memref<200x128xf32, #tpu.memory_space<vmem>>, vector<1x16xf32>,
        %parallel_loop3A_569 = arith.constant 1 : i32
        %parallel_loop3A_570 = arith.addi %parallel_loop3A_438, %parallel_loop3A_569 : i32
        %parallel_loop3A_571 = arith.constant 1 : i32
        %parallel_loop3A_572 = arith.addi %parallel_loop3A_438, %parallel_loop3A_571 : i32
        %parallel_loop3A_573 = arith.index_cast %parallel_loop3A_572 : i32 to index
        %parallel_loop3A_574 = arith.constant 32 : index
        %parallel_loop3A_575 = tpu.vector_load %arg10[%parallel_loop3A_573, %parallel_loop3A_574] {strides = array<i32>} : memref<200x128xf32, #tpu.memory_space<vmem>>, vector<1x16xf32>,
        %parallel_loop3A_576 = vector.shape_cast %parallel_loop3A_575 : vector<1x16xf32> to vector<16xf32>
        %parallel_loop3A_577 = arith.index_cast %parallel_loop3A_570 : i32 to index
        %parallel_loop3A_578 = arith.constant 32 : index
        %parallel_loop3A_579 = tpu.vector_load %arg8[%parallel_loop3A_577, %parallel_loop3A_578] {strides = array<i32>} : memref<200x128xf32, #tpu.memory_space<vmem>>, vector<1x16xf32>,
        %parallel_loop3A_580 = vector.shape_cast %parallel_loop3A_579 : vector<1x16xf32> to vector<16xf32>
        %parallel_loop3A_581 = vector.shape_cast %parallel_loop3A_576 : vector<16xf32> to vector<1x16xf32>
        tpu.vector_store %arg8[%parallel_loop3A_577, %parallel_loop3A_578], %parallel_loop3A_581 {add = true, strides = array<i32>} : memref<200x128xf32, #tpu.memory_space<vmem>>, vector<1x16xf32>,
        %parallel_loop3A_582 = arith.constant 1 : i32
        %parallel_loop3A_583 = arith.addi %parallel_loop3A_438, %parallel_loop3A_582 : i32
        %parallel_loop3A_584 = arith.constant 1 : i32
        %parallel_loop3A_585 = arith.addi %parallel_loop3A_438, %parallel_loop3A_584 : i32
        %parallel_loop3A_586 = arith.index_cast %parallel_loop3A_585 : i32 to index
        %parallel_loop3A_587 = arith.constant 48 : index
        %parallel_loop3A_588 = tpu.vector_load %arg10[%parallel_loop3A_586, %parallel_loop3A_587] {strides = array<i32>} : memref<200x128xf32, #tpu.memory_space<vmem>>, vector<1x16xf32>,
        %parallel_loop3A_589 = vector.shape_cast %parallel_loop3A_588 : vector<1x16xf32> to vector<16xf32>
        %parallel_loop3A_590 = arith.index_cast %parallel_loop3A_583 : i32 to index
        %parallel_loop3A_591 = arith.constant 48 : index
        %parallel_loop3A_592 = tpu.vector_load %arg8[%parallel_loop3A_590, %parallel_loop3A_591] {strides = array<i32>} : memref<200x128xf32, #tpu.memory_space<vmem>>, vector<1x16xf32>,
        %parallel_loop3A_593 = vector.shape_cast %parallel_loop3A_592 : vector<1x16xf32> to vector<16xf32>
        %parallel_loop3A_594 = vector.shape_cast %parallel_loop3A_589 : vector<16xf32> to vector<1x16xf32>
        tpu.vector_store %arg8[%parallel_loop3A_590, %parallel_loop3A_591], %parallel_loop3A_594 {add = true, strides = array<i32>} : memref<200x128xf32, #tpu.memory_space<vmem>>, vector<1x16xf32>,
        %parallel_loop3A_595 = arith.constant 1 : i32
        %parallel_loop3A_596 = arith.addi %parallel_loop3A_438, %parallel_loop3A_595 : i32
        %parallel_loop3A_597 = arith.constant 1 : i32
        %parallel_loop3A_598 = arith.addi %parallel_loop3A_438, %parallel_loop3A_597 : i32
        %parallel_loop3A_599 = arith.index_cast %parallel_loop3A_598 : i32 to index
        %parallel_loop3A_600 = arith.constant 64 : index
        %parallel_loop3A_601 = tpu.vector_load %arg10[%parallel_loop3A_599, %parallel_loop3A_600] {strides = array<i32>} : memref<200x128xf32, #tpu.memory_space<vmem>>, vector<1x16xf32>,
        %parallel_loop3A_602 = vector.shape_cast %parallel_loop3A_601 : vector<1x16xf32> to vector<16xf32>
        %parallel_loop3A_603 = arith.index_cast %parallel_loop3A_596 : i32 to index
        %parallel_loop3A_604 = arith.constant 64 : index
        %parallel_loop3A_605 = tpu.vector_load %arg8[%parallel_loop3A_603, %parallel_loop3A_604] {strides = array<i32>} : memref<200x128xf32, #tpu.memory_space<vmem>>, vector<1x16xf32>,
        %parallel_loop3A_606 = vector.shape_cast %parallel_loop3A_605 : vector<1x16xf32> to vector<16xf32>
        %parallel_loop3A_607 = vector.shape_cast %parallel_loop3A_602 : vector<16xf32> to vector<1x16xf32>
        tpu.vector_store %arg8[%parallel_loop3A_603, %parallel_loop3A_604], %parallel_loop3A_607 {add = true, strides = array<i32>} : memref<200x128xf32, #tpu.memory_space<vmem>>, vector<1x16xf32>,
        %parallel_loop3A_608 = arith.constant 1 : i32
        %parallel_loop3A_609 = arith.addi %parallel_loop3A_438, %parallel_loop3A_608 : i32
        %parallel_loop3A_610 = arith.constant 1 : i32
        %parallel_loop3A_611 = arith.addi %parallel_loop3A_438, %parallel_loop3A_610 : i32
        %parallel_loop3A_612 = arith.index_cast %parallel_loop3A_611 : i32 to index
        %parallel_loop3A_613 = arith.constant 80 : index
        %parallel_loop3A_614 = tpu.vector_load %arg10[%parallel_loop3A_612, %parallel_loop3A_613] {strides = array<i32>} : memref<200x128xf32, #tpu.memory_space<vmem>>, vector<1x16xf32>,
        %parallel_loop3A_615 = vector.shape_cast %parallel_loop3A_614 : vector<1x16xf32> to vector<16xf32>
        %parallel_loop3A_616 = arith.index_cast %parallel_loop3A_609 : i32 to index
        %parallel_loop3A_617 = arith.constant 80 : index
        %parallel_loop3A_618 = tpu.vector_load %arg8[%parallel_loop3A_616, %parallel_loop3A_617] {strides = array<i32>} : memref<200x128xf32, #tpu.memory_space<vmem>>, vector<1x16xf32>,
        %parallel_loop3A_619 = vector.shape_cast %parallel_loop3A_618 : vector<1x16xf32> to vector<16xf32>
        %parallel_loop3A_620 = vector.shape_cast %parallel_loop3A_615 : vector<16xf32> to vector<1x16xf32>
        tpu.vector_store %arg8[%parallel_loop3A_616, %parallel_loop3A_617], %parallel_loop3A_620 {add = true, strides = array<i32>} : memref<200x128xf32, #tpu.memory_space<vmem>>, vector<1x16xf32>,
        %parallel_loop3A_621 = arith.constant 1 : i32
        %parallel_loop3A_622 = arith.addi %parallel_loop3A_438, %parallel_loop3A_621 : i32
        %parallel_loop3A_623 = arith.constant 1 : i32
        %parallel_loop3A_624 = arith.addi %parallel_loop3A_438, %parallel_loop3A_623 : i32
        %parallel_loop3A_625 = arith.index_cast %parallel_loop3A_624 : i32 to index
        %parallel_loop3A_626 = arith.constant 96 : index
        %parallel_loop3A_627 = tpu.vector_load %arg10[%parallel_loop3A_625, %parallel_loop3A_626] {strides = array<i32>} : memref<200x128xf32, #tpu.memory_space<vmem>>, vector<1x16xf32>,
        %parallel_loop3A_628 = vector.shape_cast %parallel_loop3A_627 : vector<1x16xf32> to vector<16xf32>
        %parallel_loop3A_629 = arith.index_cast %parallel_loop3A_622 : i32 to index
        %parallel_loop3A_630 = arith.constant 96 : index
        %parallel_loop3A_631 = tpu.vector_load %arg8[%parallel_loop3A_629, %parallel_loop3A_630] {strides = array<i32>} : memref<200x128xf32, #tpu.memory_space<vmem>>, vector<1x16xf32>,
        %parallel_loop3A_632 = vector.shape_cast %parallel_loop3A_631 : vector<1x16xf32> to vector<16xf32>
        %parallel_loop3A_633 = vector.shape_cast %parallel_loop3A_628 : vector<16xf32> to vector<1x16xf32>
        tpu.vector_store %arg8[%parallel_loop3A_629, %parallel_loop3A_630], %parallel_loop3A_633 {add = true, strides = array<i32>} : memref<200x128xf32, #tpu.memory_space<vmem>>, vector<1x16xf32>,
        %parallel_loop3A_634 = arith.constant 1 : i32
        %parallel_loop3A_635 = arith.addi %parallel_loop3A_438, %parallel_loop3A_634 : i32
        %parallel_loop3A_636 = arith.constant 1 : i32
        %parallel_loop3A_637 = arith.addi %parallel_loop3A_438, %parallel_loop3A_636 : i32
        %parallel_loop3A_638 = arith.index_cast %parallel_loop3A_637 : i32 to index
        %parallel_loop3A_639 = arith.constant 112 : index
        %parallel_loop3A_640 = tpu.vector_load %arg10[%parallel_loop3A_638, %parallel_loop3A_639] {strides = array<i32>} : memref<200x128xf32, #tpu.memory_space<vmem>>, vector<1x16xf32>,
        %parallel_loop3A_641 = vector.shape_cast %parallel_loop3A_640 : vector<1x16xf32> to vector<16xf32>
        %parallel_loop3A_642 = arith.index_cast %parallel_loop3A_635 : i32 to index
        %parallel_loop3A_643 = arith.constant 112 : index
        %parallel_loop3A_644 = tpu.vector_load %arg8[%parallel_loop3A_642, %parallel_loop3A_643] {strides = array<i32>} : memref<200x128xf32, #tpu.memory_space<vmem>>, vector<1x16xf32>,
        %parallel_loop3A_645 = vector.shape_cast %parallel_loop3A_644 : vector<1x16xf32> to vector<16xf32>
        %parallel_loop3A_646 = vector.shape_cast %parallel_loop3A_641 : vector<16xf32> to vector<1x16xf32>
        tpu.vector_store %arg8[%parallel_loop3A_642, %parallel_loop3A_643], %parallel_loop3A_646 {add = true, strides = array<i32>} : memref<200x128xf32, #tpu.memory_space<vmem>>, vector<1x16xf32>,
      } {sc.loop_unroll_factor = 2 : i64, sc.parallel_access}
      %mul3A_334 = arith.constant 200 : i32
      %mul3A_335 = arith.muli %add3A_310, %mul3A_334 : i32
      %add3A_336 = arith.addi %mul3A_2, %mul3A_335 : i32
      %dma_start3A_337 = arith.constant 0 : i32
      %dma_start3A_338 = tpu.memref_slice %arg5[%add3A_336, %dma_start3A_337] : memref<204800x128xf32, #tpu.memory_space<hbm>> -> memref<200x128xf32, #tpu.memory_space<hbm>>
      %dma_start3A_339 = arith.constant 0 : i32
      %dma_start3A_340 = tpu.memref_slice %arg5[%add3A_336, %dma_start3A_339] : memref<204800x128xf32, #tpu.memory_space<hbm>> -> memref<200x128xf32, #tpu.memory_space<hbm>>
      tpu.enqueue_dma source(%arg8 : memref<200x128xf32, #tpu.memory_space<vmem>>) target(%dma_start3A_340 : memref<200x128xf32, #tpu.memory_space<hbm>>) target_semaphore(%arg18 : memref<!tpu.dma_semaphore, #tpu.memory_space<semaphore_mem>>)
      %sub3A_341 = arith.constant 1 : i32
      %sub3A_342 = arith.subi %add3A_310, %sub3A_341 : i32
      %mul3A_343 = arith.constant 200 : i32
      %mul3A_344 = arith.muli %sub3A_342, %mul3A_343 : i32
      %add3A_345 = arith.addi %mul3A_2, %mul3A_344 : i32
      %dma_wait3A_346 = arith.constant 0 : i32
      %dma_wait3A_347 = tpu.memref_slice %arg5[%add3A_345, %dma_wait3A_346] : memref<204800x128xf32, #tpu.memory_space<hbm>> -> memref<200x128xf32, #tpu.memory_space<hbm>>
      %dma_wait3A_348 = arith.constant 0 : i32
      %dma_wait3A_349 = tpu.memref_slice %arg5[%add3A_345, %dma_wait3A_348] : memref<204800x128xf32, #tpu.memory_space<hbm>> -> memref<200x128xf32, #tpu.memory_space<hbm>>
      tpu.wait_dma2 semaphore(%arg17 : memref<!tpu.dma_semaphore, #tpu.memory_space<semaphore_mem>>) src(%arg7 : memref<200x128xf32, #tpu.memory_space<vmem>>) dst(%dma_wait3A_349 : memref<200x128xf32, #tpu.memory_space<hbm>>)
      %add3A_350 = arith.constant 2 : i32
      %add3A_351 = arith.addi %add3A_310, %add3A_350 : i32
      %mul3A_352 = arith.constant 200 : i32
      %mul3A_353 = arith.muli %add3A_351, %mul3A_352 : i32
      %mul3A_354 = arith.constant 200 : i32
      %mul3A_355 = arith.muli %add3A_351, %mul3A_354 : i32
      %add3A_356 = arith.constant 104 : i32
      %add3A_357 = arith.addi %mul3A_355, %add3A_356 : i32
      %dma_start3A_358 = arith.constant 0 : i32
      %dma_start3A_359 = arith.constant 0 : i32
      %dma_start3A_360 = tpu.memref_slice %arg7[%dma_start3A_358, %dma_start3A_359] : memref<200x128xf32, #tpu.memory_space<vmem>> -> memref<104x128xf32, #tpu.memory_space<vmem>>
      %dma_start3A_361 = tpu.memref_slice %arg6[%mul3A_353] : memref<6400xi32, #tpu.memory_space<vmem>> -> memref<104xi32, #tpu.memory_space<vmem>>
      %dma_start3A_362 = arith.constant 0 : i32
      %dma_start3A_363 = arith.constant 0 : i32
      %dma_start3A_364 = tpu.memref_slice %arg2[%dma_start3A_362, %dma_start3A_363] : memref<100000x128xf32, #tpu.memory_space<hbm>> -> memref<100000x128xf32, #tpu.memory_space<hbm>>
      tpu.enqueue_indirect_dma source(%dma_start3A_364 : memref<100000x128xf32, #tpu.memory_space<hbm>>) target(%dma_start3A_360 : memref<104x128xf32, #tpu.memory_space<vmem>>) offsets(%dma_start3A_361 : memref<104xi32, #tpu.memory_space<vmem>>) semaphore(%arg11 : memref<!tpu.dma_semaphore, #tpu.memory_space<semaphore_mem>>)
      %dma_start3A_365 = arith.constant 104 : i32
      %dma_start3A_366 = arith.constant 0 : i32
      %dma_start3A_367 = tpu.memref_slice %arg7[%dma_start3A_365, %dma_start3A_366] : memref<200x128xf32, #tpu.memory_space<vmem>> -> memref<96x128xf32, #tpu.memory_space<vmem>>
      %dma_start3A_368 = tpu.memref_slice %arg6[%add3A_357] : memref<6400xi32, #tpu.memory_space<vmem>> -> memref<96xi32, #tpu.memory_space<vmem>>
      %dma_start3A_369 = arith.constant 0 : i32
      %dma_start3A_370 = arith.constant 0 : i32
      %dma_start3A_371 = tpu.memref_slice %arg2[%dma_start3A_369, %dma_start3A_370] : memref<100000x128xf32, #tpu.memory_space<hbm>> -> memref<100000x128xf32, #tpu.memory_space<hbm>>
      tpu.enqueue_indirect_dma source(%dma_start3A_371 : memref<100000x128xf32, #tpu.memory_space<hbm>>) target(%dma_start3A_367 : memref<96x128xf32, #tpu.memory_space<vmem>>) offsets(%dma_start3A_368 : memref<96xi32, #tpu.memory_space<vmem>>) semaphore(%arg14 : memref<!tpu.dma_semaphore, #tpu.memory_space<semaphore_mem>>)
      %mul3A_372 = arith.constant 3 : i32
      %mul3A_373 = arith.muli %mul3A_372, %scan3A_241 : i32
      %add3A_374 = arith.constant 2 : i32
      %add3A_375 = arith.addi %mul3A_373, %add3A_374 : i32
      %mul3A_376 = arith.constant 200 : i32
      %mul3A_377 = arith.muli %add3A_375, %mul3A_376 : i32
      %mul3A_378 = arith.constant 200 : i32
      %mul3A_379 = arith.muli %add3A_375, %mul3A_378 : i32
      %add3A_380 = arith.constant 104 : i32
      %add3A_381 = arith.addi %mul3A_379, %add3A_380 : i32
      %dma_wait3A_382 = arith.constant 0 : i32
      %dma_wait3A_383 = arith.constant 0 : i32
      %dma_wait3A_384 = tpu.memref_slice %arg9[%dma_wait3A_382, %dma_wait3A_383] : memref<200x128xf32, #tpu.memory_space<vmem>> -> memref<104x128xf32, #tpu.memory_space<vmem>>
      %dma_wait3A_385 = tpu.memref_slice %arg6[%mul3A_377] : memref<6400xi32, #tpu.memory_space<vmem>> -> memref<104xi32, #tpu.memory_space<vmem>>
      %dma_wait3A_386 = arith.constant 0 : i32
      %dma_wait3A_387 = arith.constant 0 : i32
      %dma_wait3A_388 = tpu.memref_slice %arg2[%dma_wait3A_386, %dma_wait3A_387] : memref<100000x128xf32, #tpu.memory_space<hbm>> -> memref<100000x128xf32, #tpu.memory_space<hbm>>
      tpu.wait_indirect_dma semaphore(%arg13 : memref<!tpu.dma_semaphore, #tpu.memory_space<semaphore_mem>>) src(%dma_wait3A_388 : memref<100000x128xf32, #tpu.memory_space<hbm>>) dst(%dma_wait3A_384 : memref<104x128xf32, #tpu.memory_space<vmem>>)
      %dma_wait3A_389 = arith.constant 104 : i32
      %dma_wait3A_390 = arith.constant 0 : i32
      %dma_wait3A_391 = tpu.memref_slice %arg9[%dma_wait3A_389, %dma_wait3A_390] : memref<200x128xf32, #tpu.memory_space<vmem>> -> memref<96x128xf32, #tpu.memory_space<vmem>>
      %dma_wait3A_392 = tpu.memref_slice %arg6[%add3A_381] : memref<6400xi32, #tpu.memory_space<vmem>> -> memref<96xi32, #tpu.memory_space<vmem>>
      %dma_wait3A_393 = arith.constant 0 : i32
      %dma_wait3A_394 = arith.constant 0 : i32
      %dma_wait3A_395 = tpu.memref_slice %arg2[%dma_wait3A_393, %dma_wait3A_394] : memref<100000x128xf32, #tpu.memory_space<hbm>> -> memref<100000x128xf32, #tpu.memory_space<hbm>>
      tpu.wait_indirect_dma semaphore(%arg16 : memref<!tpu.dma_semaphore, #tpu.memory_space<semaphore_mem>>) src(%dma_wait3A_395 : memref<100000x128xf32, #tpu.memory_space<hbm>>) dst(%dma_wait3A_391 : memref<96x128xf32, #tpu.memory_space<vmem>>)
      %parallel_loop3A_396 = arith.constant 0 : i32
      %parallel_loop3A_397 = arith.constant 200 : i32
      %parallel_loop3A_398 = arith.constant 2 : i32
      scf.for %parallel_loop3A_438 = %parallel_loop3A_396 to %parallel_loop3A_397 step %parallel_loop3A_398  : i32 {
        %parallel_loop3A_439 = arith.constant 0 : i32
        %parallel_loop3A_440 = arith.addi %parallel_loop3A_438, %parallel_loop3A_439 : i32
        %parallel_loop3A_441 = arith.constant 0 : i32
        %parallel_loop3A_442 = arith.addi %parallel_loop3A_438, %parallel_loop3A_441 : i32
        %parallel_loop3A_443 = arith.index_cast %parallel_loop3A_442 : i32 to index
        %parallel_loop3A_444 = arith.constant 0 : index
        %parallel_loop3A_445 = tpu.vector_load %arg10[%parallel_loop3A_443, %parallel_loop3A_444] {strides = array<i32>} : memref<200x128xf32, #tpu.memory_space<vmem>>, vector<1x16xf32>,
        %parallel_loop3A_446 = vector.shape_cast %parallel_loop3A_445 : vector<1x16xf32> to vector<16xf32>
        %parallel_loop3A_447 = arith.index_cast %parallel_loop3A_440 : i32 to index
        %parallel_loop3A_448 = arith.constant 0 : index
        %parallel_loop3A_449 = tpu.vector_load %arg9[%parallel_loop3A_447, %parallel_loop3A_448] {strides = array<i32>} : memref<200x128xf32, #tpu.memory_space<vmem>>, vector<1x16xf32>,
        %parallel_loop3A_450 = vector.shape_cast %parallel_loop3A_449 : vector<1x16xf32> to vector<16xf32>
        %parallel_loop3A_451 = vector.shape_cast %parallel_loop3A_446 : vector<16xf32> to vector<1x16xf32>
        tpu.vector_store %arg9[%parallel_loop3A_447, %parallel_loop3A_448], %parallel_loop3A_451 {add = true, strides = array<i32>} : memref<200x128xf32, #tpu.memory_space<vmem>>, vector<1x16xf32>,
        %parallel_loop3A_452 = arith.constant 0 : i32
        %parallel_loop3A_453 = arith.addi %parallel_loop3A_438, %parallel_loop3A_452 : i32
        %parallel_loop3A_454 = arith.constant 0 : i32
        %parallel_loop3A_455 = arith.addi %parallel_loop3A_438, %parallel_loop3A_454 : i32
        %parallel_loop3A_456 = arith.index_cast %parallel_loop3A_455 : i32 to index
        %parallel_loop3A_457 = arith.constant 16 : index
        %parallel_loop3A_458 = tpu.vector_load %arg10[%parallel_loop3A_456, %parallel_loop3A_457] {strides = array<i32>} : memref<200x128xf32, #tpu.memory_space<vmem>>, vector<1x16xf32>,
        %parallel_loop3A_459 = vector.shape_cast %parallel_loop3A_458 : vector<1x16xf32> to vector<16xf32>
        %parallel_loop3A_460 = arith.index_cast %parallel_loop3A_453 : i32 to index
        %parallel_loop3A_461 = arith.constant 16 : index
        %parallel_loop3A_462 = tpu.vector_load %arg9[%parallel_loop3A_460, %parallel_loop3A_461] {strides = array<i32>} : memref<200x128xf32, #tpu.memory_space<vmem>>, vector<1x16xf32>,
        %parallel_loop3A_463 = vector.shape_cast %parallel_loop3A_462 : vector<1x16xf32> to vector<16xf32>
        %parallel_loop3A_464 = vector.shape_cast %parallel_loop3A_459 : vector<16xf32> to vector<1x16xf32>
        tpu.vector_store %arg9[%parallel_loop3A_460, %parallel_loop3A_461], %parallel_loop3A_464 {add = true, strides = array<i32>} : memref<200x128xf32, #tpu.memory_space<vmem>>, vector<1x16xf32>,
        %parallel_loop3A_465 = arith.constant 0 : i32
        %parallel_loop3A_466 = arith.addi %parallel_loop3A_438, %parallel_loop3A_465 : i32
        %parallel_loop3A_467 = arith.constant 0 : i32
        %parallel_loop3A_468 = arith.addi %parallel_loop3A_438, %parallel_loop3A_467 : i32
        %parallel_loop3A_469 = arith.index_cast %parallel_loop3A_468 : i32 to index
        %parallel_loop3A_470 = arith.constant 32 : index
        %parallel_loop3A_471 = tpu.vector_load %arg10[%parallel_loop3A_469, %parallel_loop3A_470] {strides = array<i32>} : memref<200x128xf32, #tpu.memory_space<vmem>>, vector<1x16xf32>,
        %parallel_loop3A_472 = vector.shape_cast %parallel_loop3A_471 : vector<1x16xf32> to vector<16xf32>
        %parallel_loop3A_473 = arith.index_cast %parallel_loop3A_466 : i32 to index
        %parallel_loop3A_474 = arith.constant 32 : index
        %parallel_loop3A_475 = tpu.vector_load %arg9[%parallel_loop3A_473, %parallel_loop3A_474] {strides = array<i32>} : memref<200x128xf32, #tpu.memory_space<vmem>>, vector<1x16xf32>,
        %parallel_loop3A_476 = vector.shape_cast %parallel_loop3A_475 : vector<1x16xf32> to vector<16xf32>
        %parallel_loop3A_477 = vector.shape_cast %parallel_loop3A_472 : vector<16xf32> to vector<1x16xf32>
        tpu.vector_store %arg9[%parallel_loop3A_473, %parallel_loop3A_474], %parallel_loop3A_477 {add = true, strides = array<i32>} : memref<200x128xf32, #tpu.memory_space<vmem>>, vector<1x16xf32>,
        %parallel_loop3A_478 = arith.constant 0 : i32
        %parallel_loop3A_479 = arith.addi %parallel_loop3A_438, %parallel_loop3A_478 : i32
        %parallel_loop3A_480 = arith.constant 0 : i32
        %parallel_loop3A_481 = arith.addi %parallel_loop3A_438, %parallel_loop3A_480 : i32
        %parallel_loop3A_482 = arith.index_cast %parallel_loop3A_481 : i32 to index
        %parallel_loop3A_483 = arith.constant 48 : index
        %parallel_loop3A_484 = tpu.vector_load %arg10[%parallel_loop3A_482, %parallel_loop3A_483] {strides = array<i32>} : memref<200x128xf32, #tpu.memory_space<vmem>>, vector<1x16xf32>,
        %parallel_loop3A_485 = vector.shape_cast %parallel_loop3A_484 : vector<1x16xf32> to vector<16xf32>
        %parallel_loop3A_486 = arith.index_cast %parallel_loop3A_479 : i32 to index
        %parallel_loop3A_487 = arith.constant 48 : index
        %parallel_loop3A_488 = tpu.vector_load %arg9[%parallel_loop3A_486, %parallel_loop3A_487] {strides = array<i32>} : memref<200x128xf32, #tpu.memory_space<vmem>>, vector<1x16xf32>,
        %parallel_loop3A_489 = vector.shape_cast %parallel_loop3A_488 : vector<1x16xf32> to vector<16xf32>
        %parallel_loop3A_490 = vector.shape_cast %parallel_loop3A_485 : vector<16xf32> to vector<1x16xf32>
        tpu.vector_store %arg9[%parallel_loop3A_486, %parallel_loop3A_487], %parallel_loop3A_490 {add = true, strides = array<i32>} : memref<200x128xf32, #tpu.memory_space<vmem>>, vector<1x16xf32>,
        %parallel_loop3A_491 = arith.constant 0 : i32
        %parallel_loop3A_492 = arith.addi %parallel_loop3A_438, %parallel_loop3A_491 : i32
        %parallel_loop3A_493 = arith.constant 0 : i32
        %parallel_loop3A_494 = arith.addi %parallel_loop3A_438, %parallel_loop3A_493 : i32
        %parallel_loop3A_495 = arith.index_cast %parallel_loop3A_494 : i32 to index
        %parallel_loop3A_496 = arith.constant 64 : index
        %parallel_loop3A_497 = tpu.vector_load %arg10[%parallel_loop3A_495, %parallel_loop3A_496] {strides = array<i32>} : memref<200x128xf32, #tpu.memory_space<vmem>>, vector<1x16xf32>,
        %parallel_loop3A_498 = vector.shape_cast %parallel_loop3A_497 : vector<1x16xf32> to vector<16xf32>
        %parallel_loop3A_499 = arith.index_cast %parallel_loop3A_492 : i32 to index
        %parallel_loop3A_500 = arith.constant 64 : index
        %parallel_loop3A_501 = tpu.vector_load %arg9[%parallel_loop3A_499, %parallel_loop3A_500] {strides = array<i32>} : memref<200x128xf32, #tpu.memory_space<vmem>>, vector<1x16xf32>,
        %parallel_loop3A_502 = vector.shape_cast %parallel_loop3A_501 : vector<1x16xf32> to vector<16xf32>
        %parallel_loop3A_503 = vector.shape_cast %parallel_loop3A_498 : vector<16xf32> to vector<1x16xf32>
        tpu.vector_store %arg9[%parallel_loop3A_499, %parallel_loop3A_500], %parallel_loop3A_503 {add = true, strides = array<i32>} : memref<200x128xf32, #tpu.memory_space<vmem>>, vector<1x16xf32>,
        %parallel_loop3A_504 = arith.constant 0 : i32
        %parallel_loop3A_505 = arith.addi %parallel_loop3A_438, %parallel_loop3A_504 : i32
        %parallel_loop3A_506 = arith.constant 0 : i32
        %parallel_loop3A_507 = arith.addi %parallel_loop3A_438, %parallel_loop3A_506 : i32
        %parallel_loop3A_508 = arith.index_cast %parallel_loop3A_507 : i32 to index
        %parallel_loop3A_509 = arith.constant 80 : index
        %parallel_loop3A_510 = tpu.vector_load %arg10[%parallel_loop3A_508, %parallel_loop3A_509] {strides = array<i32>} : memref<200x128xf32, #tpu.memory_space<vmem>>, vector<1x16xf32>,
        %parallel_loop3A_511 = vector.shape_cast %parallel_loop3A_510 : vector<1x16xf32> to vector<16xf32>
        %parallel_loop3A_512 = arith.index_cast %parallel_loop3A_505 : i32 to index
        %parallel_loop3A_513 = arith.constant 80 : index
        %parallel_loop3A_514 = tpu.vector_load %arg9[%parallel_loop3A_512, %parallel_loop3A_513] {strides = array<i32>} : memref<200x128xf32, #tpu.memory_space<vmem>>, vector<1x16xf32>,
        %parallel_loop3A_515 = vector.shape_cast %parallel_loop3A_514 : vector<1x16xf32> to vector<16xf32>
        %parallel_loop3A_516 = vector.shape_cast %parallel_loop3A_511 : vector<16xf32> to vector<1x16xf32>
        tpu.vector_store %arg9[%parallel_loop3A_512, %parallel_loop3A_513], %parallel_loop3A_516 {add = true, strides = array<i32>} : memref<200x128xf32, #tpu.memory_space<vmem>>, vector<1x16xf32>,
        %parallel_loop3A_517 = arith.constant 0 : i32
        %parallel_loop3A_518 = arith.addi %parallel_loop3A_438, %parallel_loop3A_517 : i32
        %parallel_loop3A_519 = arith.constant 0 : i32
        %parallel_loop3A_520 = arith.addi %parallel_loop3A_438, %parallel_loop3A_519 : i32
        %parallel_loop3A_521 = arith.index_cast %parallel_loop3A_520 : i32 to index
        %parallel_loop3A_522 = arith.constant 96 : index
        %parallel_loop3A_523 = tpu.vector_load %arg10[%parallel_loop3A_521, %parallel_loop3A_522] {strides = array<i32>} : memref<200x128xf32, #tpu.memory_space<vmem>>, vector<1x16xf32>,
        %parallel_loop3A_524 = vector.shape_cast %parallel_loop3A_523 : vector<1x16xf32> to vector<16xf32>
        %parallel_loop3A_525 = arith.index_cast %parallel_loop3A_518 : i32 to index
        %parallel_loop3A_526 = arith.constant 96 : index
        %parallel_loop3A_527 = tpu.vector_load %arg9[%parallel_loop3A_525, %parallel_loop3A_526] {strides = array<i32>} : memref<200x128xf32, #tpu.memory_space<vmem>>, vector<1x16xf32>,
        %parallel_loop3A_528 = vector.shape_cast %parallel_loop3A_527 : vector<1x16xf32> to vector<16xf32>
        %parallel_loop3A_529 = vector.shape_cast %parallel_loop3A_524 : vector<16xf32> to vector<1x16xf32>
        tpu.vector_store %arg9[%parallel_loop3A_525, %parallel_loop3A_526], %parallel_loop3A_529 {add = true, strides = array<i32>} : memref<200x128xf32, #tpu.memory_space<vmem>>, vector<1x16xf32>,
        %parallel_loop3A_530 = arith.constant 0 : i32
        %parallel_loop3A_531 = arith.addi %parallel_loop3A_438, %parallel_loop3A_530 : i32
        %parallel_loop3A_532 = arith.constant 0 : i32
        %parallel_loop3A_533 = arith.addi %parallel_loop3A_438, %parallel_loop3A_532 : i32
        %parallel_loop3A_534 = arith.index_cast %parallel_loop3A_533 : i32 to index
        %parallel_loop3A_535 = arith.constant 112 : index
        %parallel_loop3A_536 = tpu.vector_load %arg10[%parallel_loop3A_534, %parallel_loop3A_535] {strides = array<i32>} : memref<200x128xf32, #tpu.memory_space<vmem>>, vector<1x16xf32>,
        %parallel_loop3A_537 = vector.shape_cast %parallel_loop3A_536 : vector<1x16xf32> to vector<16xf32>
        %parallel_loop3A_538 = arith.index_cast %parallel_loop3A_531 : i32 to index
        %parallel_loop3A_539 = arith.constant 112 : index
        %parallel_loop3A_540 = tpu.vector_load %arg9[%parallel_loop3A_538, %parallel_loop3A_539] {strides = array<i32>} : memref<200x128xf32, #tpu.memory_space<vmem>>, vector<1x16xf32>,
        %parallel_loop3A_541 = vector.shape_cast %parallel_loop3A_540 : vector<1x16xf32> to vector<16xf32>
        %parallel_loop3A_542 = vector.shape_cast %parallel_loop3A_537 : vector<16xf32> to vector<1x16xf32>
        tpu.vector_store %arg9[%parallel_loop3A_538, %parallel_loop3A_539], %parallel_loop3A_542 {add = true, strides = array<i32>} : memref<200x128xf32, #tpu.memory_space<vmem>>, vector<1x16xf32>,
        %parallel_loop3A_543 = arith.constant 1 : i32
        %parallel_loop3A_544 = arith.addi %parallel_loop3A_438, %parallel_loop3A_543 : i32
        %parallel_loop3A_545 = arith.constant 1 : i32
        %parallel_loop3A_546 = arith.addi %parallel_loop3A_438, %parallel_loop3A_545 : i32
        %parallel_loop3A_547 = arith.index_cast %parallel_loop3A_546 : i32 to index
        %parallel_loop3A_548 = arith.constant 0 : index
        %parallel_loop3A_549 = tpu.vector_load %arg10[%parallel_loop3A_547, %parallel_loop3A_548] {strides = array<i32>} : memref<200x128xf32, #tpu.memory_space<vmem>>, vector<1x16xf32>,
        %parallel_loop3A_550 = vector.shape_cast %parallel_loop3A_549 : vector<1x16xf32> to vector<16xf32>
        %parallel_loop3A_551 = arith.index_cast %parallel_loop3A_544 : i32 to index
        %parallel_loop3A_552 = arith.constant 0 : index
        %parallel_loop3A_553 = tpu.vector_load %arg9[%parallel_loop3A_551, %parallel_loop3A_552] {strides = array<i32>} : memref<200x128xf32, #tpu.memory_space<vmem>>, vector<1x16xf32>,
        %parallel_loop3A_554 = vector.shape_cast %parallel_loop3A_553 : vector<1x16xf32> to vector<16xf32>
        %parallel_loop3A_555 = vector.shape_cast %parallel_loop3A_550 : vector<16xf32> to vector<1x16xf32>
        tpu.vector_store %arg9[%parallel_loop3A_551, %parallel_loop3A_552], %parallel_loop3A_555 {add = true, strides = array<i32>} : memref<200x128xf32, #tpu.memory_space<vmem>>, vector<1x16xf32>,
        %parallel_loop3A_556 = arith.constant 1 : i32
        %parallel_loop3A_557 = arith.addi %parallel_loop3A_438, %parallel_loop3A_556 : i32
        %parallel_loop3A_558 = arith.constant 1 : i32
        %parallel_loop3A_559 = arith.addi %parallel_loop3A_438, %parallel_loop3A_558 : i32
        %parallel_loop3A_560 = arith.index_cast %parallel_loop3A_559 : i32 to index
        %parallel_loop3A_561 = arith.constant 16 : index
        %parallel_loop3A_562 = tpu.vector_load %arg10[%parallel_loop3A_560, %parallel_loop3A_561] {strides = array<i32>} : memref<200x128xf32, #tpu.memory_space<vmem>>, vector<1x16xf32>,
        %parallel_loop3A_563 = vector.shape_cast %parallel_loop3A_562 : vector<1x16xf32> to vector<16xf32>
        %parallel_loop3A_564 = arith.index_cast %parallel_loop3A_557 : i32 to index
        %parallel_loop3A_565 = arith.constant 16 : index
        %parallel_loop3A_566 = tpu.vector_load %arg9[%parallel_loop3A_564, %parallel_loop3A_565] {strides = array<i32>} : memref<200x128xf32, #tpu.memory_space<vmem>>, vector<1x16xf32>,
        %parallel_loop3A_567 = vector.shape_cast %parallel_loop3A_566 : vector<1x16xf32> to vector<16xf32>
        %parallel_loop3A_568 = vector.shape_cast %parallel_loop3A_563 : vector<16xf32> to vector<1x16xf32>
        tpu.vector_store %arg9[%parallel_loop3A_564, %parallel_loop3A_565], %parallel_loop3A_568 {add = true, strides = array<i32>} : memref<200x128xf32, #tpu.memory_space<vmem>>, vector<1x16xf32>,
        %parallel_loop3A_569 = arith.constant 1 : i32
        %parallel_loop3A_570 = arith.addi %parallel_loop3A_438, %parallel_loop3A_569 : i32
        %parallel_loop3A_571 = arith.constant 1 : i32
        %parallel_loop3A_572 = arith.addi %parallel_loop3A_438, %parallel_loop3A_571 : i32
        %parallel_loop3A_573 = arith.index_cast %parallel_loop3A_572 : i32 to index
        %parallel_loop3A_574 = arith.constant 32 : index
        %parallel_loop3A_575 = tpu.vector_load %arg10[%parallel_loop3A_573, %parallel_loop3A_574] {strides = array<i32>} : memref<200x128xf32, #tpu.memory_space<vmem>>, vector<1x16xf32>,
        %parallel_loop3A_576 = vector.shape_cast %parallel_loop3A_575 : vector<1x16xf32> to vector<16xf32>
        %parallel_loop3A_577 = arith.index_cast %parallel_loop3A_570 : i32 to index
        %parallel_loop3A_578 = arith.constant 32 : index
        %parallel_loop3A_579 = tpu.vector_load %arg9[%parallel_loop3A_577, %parallel_loop3A_578] {strides = array<i32>} : memref<200x128xf32, #tpu.memory_space<vmem>>, vector<1x16xf32>,
        %parallel_loop3A_580 = vector.shape_cast %parallel_loop3A_579 : vector<1x16xf32> to vector<16xf32>
        %parallel_loop3A_581 = vector.shape_cast %parallel_loop3A_576 : vector<16xf32> to vector<1x16xf32>
        tpu.vector_store %arg9[%parallel_loop3A_577, %parallel_loop3A_578], %parallel_loop3A_581 {add = true, strides = array<i32>} : memref<200x128xf32, #tpu.memory_space<vmem>>, vector<1x16xf32>,
        %parallel_loop3A_582 = arith.constant 1 : i32
        %parallel_loop3A_583 = arith.addi %parallel_loop3A_438, %parallel_loop3A_582 : i32
        %parallel_loop3A_584 = arith.constant 1 : i32
        %parallel_loop3A_585 = arith.addi %parallel_loop3A_438, %parallel_loop3A_584 : i32
        %parallel_loop3A_586 = arith.index_cast %parallel_loop3A_585 : i32 to index
        %parallel_loop3A_587 = arith.constant 48 : index
        %parallel_loop3A_588 = tpu.vector_load %arg10[%parallel_loop3A_586, %parallel_loop3A_587] {strides = array<i32>} : memref<200x128xf32, #tpu.memory_space<vmem>>, vector<1x16xf32>,
        %parallel_loop3A_589 = vector.shape_cast %parallel_loop3A_588 : vector<1x16xf32> to vector<16xf32>
        %parallel_loop3A_590 = arith.index_cast %parallel_loop3A_583 : i32 to index
        %parallel_loop3A_591 = arith.constant 48 : index
        %parallel_loop3A_592 = tpu.vector_load %arg9[%parallel_loop3A_590, %parallel_loop3A_591] {strides = array<i32>} : memref<200x128xf32, #tpu.memory_space<vmem>>, vector<1x16xf32>,
        %parallel_loop3A_593 = vector.shape_cast %parallel_loop3A_592 : vector<1x16xf32> to vector<16xf32>
        %parallel_loop3A_594 = vector.shape_cast %parallel_loop3A_589 : vector<16xf32> to vector<1x16xf32>
        tpu.vector_store %arg9[%parallel_loop3A_590, %parallel_loop3A_591], %parallel_loop3A_594 {add = true, strides = array<i32>} : memref<200x128xf32, #tpu.memory_space<vmem>>, vector<1x16xf32>,
        %parallel_loop3A_595 = arith.constant 1 : i32
        %parallel_loop3A_596 = arith.addi %parallel_loop3A_438, %parallel_loop3A_595 : i32
        %parallel_loop3A_597 = arith.constant 1 : i32
        %parallel_loop3A_598 = arith.addi %parallel_loop3A_438, %parallel_loop3A_597 : i32
        %parallel_loop3A_599 = arith.index_cast %parallel_loop3A_598 : i32 to index
        %parallel_loop3A_600 = arith.constant 64 : index
        %parallel_loop3A_601 = tpu.vector_load %arg10[%parallel_loop3A_599, %parallel_loop3A_600] {strides = array<i32>} : memref<200x128xf32, #tpu.memory_space<vmem>>, vector<1x16xf32>,
        %parallel_loop3A_602 = vector.shape_cast %parallel_loop3A_601 : vector<1x16xf32> to vector<16xf32>
        %parallel_loop3A_603 = arith.index_cast %parallel_loop3A_596 : i32 to index
        %parallel_loop3A_604 = arith.constant 64 : index
        %parallel_loop3A_605 = tpu.vector_load %arg9[%parallel_loop3A_603, %parallel_loop3A_604] {strides = array<i32>} : memref<200x128xf32, #tpu.memory_space<vmem>>, vector<1x16xf32>,
        %parallel_loop3A_606 = vector.shape_cast %parallel_loop3A_605 : vector<1x16xf32> to vector<16xf32>
        %parallel_loop3A_607 = vector.shape_cast %parallel_loop3A_602 : vector<16xf32> to vector<1x16xf32>
        tpu.vector_store %arg9[%parallel_loop3A_603, %parallel_loop3A_604], %parallel_loop3A_607 {add = true, strides = array<i32>} : memref<200x128xf32, #tpu.memory_space<vmem>>, vector<1x16xf32>,
        %parallel_loop3A_608 = arith.constant 1 : i32
        %parallel_loop3A_609 = arith.addi %parallel_loop3A_438, %parallel_loop3A_608 : i32
        %parallel_loop3A_610 = arith.constant 1 : i32
        %parallel_loop3A_611 = arith.addi %parallel_loop3A_438, %parallel_loop3A_610 : i32
        %parallel_loop3A_612 = arith.index_cast %parallel_loop3A_611 : i32 to index
        %parallel_loop3A_613 = arith.constant 80 : index
        %parallel_loop3A_614 = tpu.vector_load %arg10[%parallel_loop3A_612, %parallel_loop3A_613] {strides = array<i32>} : memref<200x128xf32, #tpu.memory_space<vmem>>, vector<1x16xf32>,
        %parallel_loop3A_615 = vector.shape_cast %parallel_loop3A_614 : vector<1x16xf32> to vector<16xf32>
        %parallel_loop3A_616 = arith.index_cast %parallel_loop3A_609 : i32 to index
        %parallel_loop3A_617 = arith.constant 80 : index
        %parallel_loop3A_618 = tpu.vector_load %arg9[%parallel_loop3A_616, %parallel_loop3A_617] {strides = array<i32>} : memref<200x128xf32, #tpu.memory_space<vmem>>, vector<1x16xf32>,
        %parallel_loop3A_619 = vector.shape_cast %parallel_loop3A_618 : vector<1x16xf32> to vector<16xf32>
        %parallel_loop3A_620 = vector.shape_cast %parallel_loop3A_615 : vector<16xf32> to vector<1x16xf32>
        tpu.vector_store %arg9[%parallel_loop3A_616, %parallel_loop3A_617], %parallel_loop3A_620 {add = true, strides = array<i32>} : memref<200x128xf32, #tpu.memory_space<vmem>>, vector<1x16xf32>,
        %parallel_loop3A_621 = arith.constant 1 : i32
        %parallel_loop3A_622 = arith.addi %parallel_loop3A_438, %parallel_loop3A_621 : i32
        %parallel_loop3A_623 = arith.constant 1 : i32
        %parallel_loop3A_624 = arith.addi %parallel_loop3A_438, %parallel_loop3A_623 : i32
        %parallel_loop3A_625 = arith.index_cast %parallel_loop3A_624 : i32 to index
        %parallel_loop3A_626 = arith.constant 96 : index
        %parallel_loop3A_627 = tpu.vector_load %arg10[%parallel_loop3A_625, %parallel_loop3A_626] {strides = array<i32>} : memref<200x128xf32, #tpu.memory_space<vmem>>, vector<1x16xf32>,
        %parallel_loop3A_628 = vector.shape_cast %parallel_loop3A_627 : vector<1x16xf32> to vector<16xf32>
        %parallel_loop3A_629 = arith.index_cast %parallel_loop3A_622 : i32 to index
        %parallel_loop3A_630 = arith.constant 96 : index
        %parallel_loop3A_631 = tpu.vector_load %arg9[%parallel_loop3A_629, %parallel_loop3A_630] {strides = array<i32>} : memref<200x128xf32, #tpu.memory_space<vmem>>, vector<1x16xf32>,
        %parallel_loop3A_632 = vector.shape_cast %parallel_loop3A_631 : vector<1x16xf32> to vector<16xf32>
        %parallel_loop3A_633 = vector.shape_cast %parallel_loop3A_628 : vector<16xf32> to vector<1x16xf32>
        tpu.vector_store %arg9[%parallel_loop3A_629, %parallel_loop3A_630], %parallel_loop3A_633 {add = true, strides = array<i32>} : memref<200x128xf32, #tpu.memory_space<vmem>>, vector<1x16xf32>,
        %parallel_loop3A_634 = arith.constant 1 : i32
        %parallel_loop3A_635 = arith.addi %parallel_loop3A_438, %parallel_loop3A_634 : i32
        %parallel_loop3A_636 = arith.constant 1 : i32
        %parallel_loop3A_637 = arith.addi %parallel_loop3A_438, %parallel_loop3A_636 : i32
        %parallel_loop3A_638 = arith.index_cast %parallel_loop3A_637 : i32 to index
        %parallel_loop3A_639 = arith.constant 112 : index
        %parallel_loop3A_640 = tpu.vector_load %arg10[%parallel_loop3A_638, %parallel_loop3A_639] {strides = array<i32>} : memref<200x128xf32, #tpu.memory_space<vmem>>, vector<1x16xf32>,
        %parallel_loop3A_641 = vector.shape_cast %parallel_loop3A_640 : vector<1x16xf32> to vector<16xf32>
        %parallel_loop3A_642 = arith.index_cast %parallel_loop3A_635 : i32 to index
        %parallel_loop3A_643 = arith.constant 112 : index
        %parallel_loop3A_644 = tpu.vector_load %arg9[%parallel_loop3A_642, %parallel_loop3A_643] {strides = array<i32>} : memref<200x128xf32, #tpu.memory_space<vmem>>, vector<1x16xf32>,
        %parallel_loop3A_645 = vector.shape_cast %parallel_loop3A_644 : vector<1x16xf32> to vector<16xf32>
        %parallel_loop3A_646 = vector.shape_cast %parallel_loop3A_641 : vector<16xf32> to vector<1x16xf32>
        tpu.vector_store %arg9[%parallel_loop3A_642, %parallel_loop3A_643], %parallel_loop3A_646 {add = true, strides = array<i32>} : memref<200x128xf32, #tpu.memory_space<vmem>>, vector<1x16xf32>,
      } {sc.loop_unroll_factor = 2 : i64, sc.parallel_access}
      %mul3A_399 = arith.constant 200 : i32
      %mul3A_400 = arith.muli %add3A_375, %mul3A_399 : i32
      %add3A_401 = arith.addi %mul3A_2, %mul3A_400 : i32
      %dma_start3A_402 = arith.constant 0 : i32
      %dma_start3A_403 = tpu.memref_slice %arg5[%add3A_401, %dma_start3A_402] : memref<204800x128xf32, #tpu.memory_space<hbm>> -> memref<200x128xf32, #tpu.memory_space<hbm>>
      %dma_start3A_404 = arith.constant 0 : i32
      %dma_start3A_405 = tpu.memref_slice %arg5[%add3A_401, %dma_start3A_404] : memref<204800x128xf32, #tpu.memory_space<hbm>> -> memref<200x128xf32, #tpu.memory_space<hbm>>
      tpu.enqueue_dma source(%arg9 : memref<200x128xf32, #tpu.memory_space<vmem>>) target(%dma_start3A_405 : memref<200x128xf32, #tpu.memory_space<hbm>>) target_semaphore(%arg19 : memref<!tpu.dma_semaphore, #tpu.memory_space<semaphore_mem>>)
      %sub3A_406 = arith.constant 1 : i32
      %sub3A_407 = arith.subi %add3A_375, %sub3A_406 : i32
      %mul3A_408 = arith.constant 200 : i32
      %mul3A_409 = arith.muli %sub3A_407, %mul3A_408 : i32
      %add3A_410 = arith.addi %mul3A_2, %mul3A_409 : i32
      %dma_wait3A_411 = arith.constant 0 : i32
      %dma_wait3A_412 = tpu.memref_slice %arg5[%add3A_410, %dma_wait3A_411] : memref<204800x128xf32, #tpu.memory_space<hbm>> -> memref<200x128xf32, #tpu.memory_space<hbm>>
      %dma_wait3A_413 = arith.constant 0 : i32
      %dma_wait3A_414 = tpu.memref_slice %arg5[%add3A_410, %dma_wait3A_413] : memref<204800x128xf32, #tpu.memory_space<hbm>> -> memref<200x128xf32, #tpu.memory_space<hbm>>
      tpu.wait_dma2 semaphore(%arg18 : memref<!tpu.dma_semaphore, #tpu.memory_space<semaphore_mem>>) src(%arg8 : memref<200x128xf32, #tpu.memory_space<vmem>>) dst(%dma_wait3A_414 : memref<200x128xf32, #tpu.memory_space<hbm>>)
      %add3A_415 = arith.constant 2 : i32
      %add3A_416 = arith.addi %add3A_375, %add3A_415 : i32
      %mul3A_417 = arith.constant 200 : i32
      %mul3A_418 = arith.muli %add3A_416, %mul3A_417 : i32
      %mul3A_419 = arith.constant 200 : i32
      %mul3A_420 = arith.muli %add3A_416, %mul3A_419 : i32
      %add3A_421 = arith.constant 104 : i32
      %add3A_422 = arith.addi %mul3A_420, %add3A_421 : i32
      %dma_start3A_423 = arith.constant 0 : i32
      %dma_start3A_424 = arith.constant 0 : i32
      %dma_start3A_425 = tpu.memref_slice %arg8[%dma_start3A_423, %dma_start3A_424] : memref<200x128xf32, #tpu.memory_space<vmem>> -> memref<104x128xf32, #tpu.memory_space<vmem>>
      %dma_start3A_426 = tpu.memref_slice %arg6[%mul3A_418] : memref<6400xi32, #tpu.memory_space<vmem>> -> memref<104xi32, #tpu.memory_space<vmem>>
      %dma_start3A_427 = arith.constant 0 : i32
      %dma_start3A_428 = arith.constant 0 : i32
      %dma_start3A_429 = tpu.memref_slice %arg2[%dma_start3A_427, %dma_start3A_428] : memref<100000x128xf32, #tpu.memory_space<hbm>> -> memref<100000x128xf32, #tpu.memory_space<hbm>>
      tpu.enqueue_indirect_dma source(%dma_start3A_429 : memref<100000x128xf32, #tpu.memory_space<hbm>>) target(%dma_start3A_425 : memref<104x128xf32, #tpu.memory_space<vmem>>) offsets(%dma_start3A_426 : memref<104xi32, #tpu.memory_space<vmem>>) semaphore(%arg12 : memref<!tpu.dma_semaphore, #tpu.memory_space<semaphore_mem>>)
      %dma_start3A_430 = arith.constant 104 : i32
      %dma_start3A_431 = arith.constant 0 : i32
      %dma_start3A_432 = tpu.memref_slice %arg8[%dma_start3A_430, %dma_start3A_431] : memref<200x128xf32, #tpu.memory_space<vmem>> -> memref<96x128xf32, #tpu.memory_space<vmem>>
      %dma_start3A_433 = tpu.memref_slice %arg6[%add3A_422] : memref<6400xi32, #tpu.memory_space<vmem>> -> memref<96xi32, #tpu.memory_space<vmem>>
      %dma_start3A_434 = arith.constant 0 : i32
      %dma_start3A_435 = arith.constant 0 : i32
      %dma_start3A_436 = tpu.memref_slice %arg2[%dma_start3A_434, %dma_start3A_435] : memref<100000x128xf32, #tpu.memory_space<hbm>> -> memref<100000x128xf32, #tpu.memory_space<hbm>>
      tpu.enqueue_indirect_dma source(%dma_start3A_436 : memref<100000x128xf32, #tpu.memory_space<hbm>>) target(%dma_start3A_432 : memref<96x128xf32, #tpu.memory_space<vmem>>) offsets(%dma_start3A_433 : memref<96xi32, #tpu.memory_space<vmem>>) semaphore(%arg15 : memref<!tpu.dma_semaphore, #tpu.memory_space<semaphore_mem>>)
      %scan3A_437 = arith.constant 0 : i32
      scf.yield %scan3A_437 : i32
    }
    %scan3A_172 = arith.constant 9 : i32
    %dma_wait3A_173 = arith.constant 0 : i32
    %dma_wait3A_174 = arith.constant 0 : i32
    %dma_wait3A_175 = tpu.memref_slice %arg7[%dma_wait3A_173, %dma_wait3A_174] : memref<200x128xf32, #tpu.memory_space<vmem>> -> memref<104x128xf32, #tpu.memory_space<vmem>>
    %dma_wait3A_176 = arith.constant 6000 : i32
    %dma_wait3A_177 = tpu.memref_slice %arg6[%dma_wait3A_176] : memref<6400xi32, #tpu.memory_space<vmem>> -> memref<104xi32, #tpu.memory_space<vmem>>
    %dma_wait3A_178 = arith.constant 0 : i32
    %dma_wait3A_179 = arith.constant 0 : i32
    %dma_wait3A_180 = tpu.memref_slice %arg2[%dma_wait3A_178, %dma_wait3A_179] : memref<100000x128xf32, #tpu.memory_space<hbm>> -> memref<100000x128xf32, #tpu.memory_space<hbm>>
    tpu.wait_indirect_dma semaphore(%arg11 : memref<!tpu.dma_semaphore, #tpu.memory_space<semaphore_mem>>) src(%dma_wait3A_180 : memref<100000x128xf32, #tpu.memory_space<hbm>>) dst(%dma_wait3A_175 : memref<104x128xf32, #tpu.memory_space<vmem>>)
    %dma_wait3A_181 = arith.constant 104 : i32
    %dma_wait3A_182 = arith.constant 0 : i32
    %dma_wait3A_183 = tpu.memref_slice %arg7[%dma_wait3A_181, %dma_wait3A_182] : memref<200x128xf32, #tpu.memory_space<vmem>> -> memref<96x128xf32, #tpu.memory_space<vmem>>
    %dma_wait3A_184 = arith.constant 6104 : i32
    %dma_wait3A_185 = tpu.memref_slice %arg6[%dma_wait3A_184] : memref<6400xi32, #tpu.memory_space<vmem>> -> memref<96xi32, #tpu.memory_space<vmem>>
    %dma_wait3A_186 = arith.constant 0 : i32
    %dma_wait3A_187 = arith.constant 0 : i32
    %dma_wait3A_188 = tpu.memref_slice %arg2[%dma_wait3A_186, %dma_wait3A_187] : memref<100000x128xf32, #tpu.memory_space<hbm>> -> memref<100000x128xf32, #tpu.memory_space<hbm>>
    tpu.wait_indirect_dma semaphore(%arg14 : memref<!tpu.dma_semaphore, #tpu.memory_space<semaphore_mem>>) src(%dma_wait3A_188 : memref<100000x128xf32, #tpu.memory_space<hbm>>) dst(%dma_wait3A_183 : memref<96x128xf32, #tpu.memory_space<vmem>>)
    %parallel_loop3A_189 = arith.constant 0 : i32
    %parallel_loop3A_190 = arith.constant 200 : i32
    %parallel_loop3A_191 = arith.constant 2 : i32
    scf.for %parallel_loop3A_241 = %parallel_loop3A_189 to %parallel_loop3A_190 step %parallel_loop3A_191  : i32 {
      %parallel_loop3A_242 = arith.constant 0 : i32
      %parallel_loop3A_243 = arith.addi %parallel_loop3A_241, %parallel_loop3A_242 : i32
      %parallel_loop3A_244 = arith.constant 0 : i32
      %parallel_loop3A_245 = arith.addi %parallel_loop3A_241, %parallel_loop3A_244 : i32
      %parallel_loop3A_246 = arith.index_cast %parallel_loop3A_245 : i32 to index
      %parallel_loop3A_247 = arith.constant 0 : index
      %parallel_loop3A_248 = tpu.vector_load %arg10[%parallel_loop3A_246, %parallel_loop3A_247] {strides = array<i32>} : memref<200x128xf32, #tpu.memory_space<vmem>>, vector<1x16xf32>,
      %parallel_loop3A_249 = vector.shape_cast %parallel_loop3A_248 : vector<1x16xf32> to vector<16xf32>
      %parallel_loop3A_250 = arith.index_cast %parallel_loop3A_243 : i32 to index
      %parallel_loop3A_251 = arith.constant 0 : index
      %parallel_loop3A_252 = tpu.vector_load %arg7[%parallel_loop3A_250, %parallel_loop3A_251] {strides = array<i32>} : memref<200x128xf32, #tpu.memory_space<vmem>>, vector<1x16xf32>,
      %parallel_loop3A_253 = vector.shape_cast %parallel_loop3A_252 : vector<1x16xf32> to vector<16xf32>
      %parallel_loop3A_254 = vector.shape_cast %parallel_loop3A_249 : vector<16xf32> to vector<1x16xf32>
      tpu.vector_store %arg7[%parallel_loop3A_250, %parallel_loop3A_251], %parallel_loop3A_254 {add = true, strides = array<i32>} : memref<200x128xf32, #tpu.memory_space<vmem>>, vector<1x16xf32>,
      %parallel_loop3A_255 = arith.constant 0 : i32
      %parallel_loop3A_256 = arith.addi %parallel_loop3A_241, %parallel_loop3A_255 : i32
      %parallel_loop3A_257 = arith.constant 0 : i32
      %parallel_loop3A_258 = arith.addi %parallel_loop3A_241, %parallel_loop3A_257 : i32
      %parallel_loop3A_259 = arith.index_cast %parallel_loop3A_258 : i32 to index
      %parallel_loop3A_260 = arith.constant 16 : index
      %parallel_loop3A_261 = tpu.vector_load %arg10[%parallel_loop3A_259, %parallel_loop3A_260] {strides = array<i32>} : memref<200x128xf32, #tpu.memory_space<vmem>>, vector<1x16xf32>,
      %parallel_loop3A_262 = vector.shape_cast %parallel_loop3A_261 : vector<1x16xf32> to vector<16xf32>
      %parallel_loop3A_263 = arith.index_cast %parallel_loop3A_256 : i32 to index
      %parallel_loop3A_264 = arith.constant 16 : index
      %parallel_loop3A_265 = tpu.vector_load %arg7[%parallel_loop3A_263, %parallel_loop3A_264] {strides = array<i32>} : memref<200x128xf32, #tpu.memory_space<vmem>>, vector<1x16xf32>,
      %parallel_loop3A_266 = vector.shape_cast %parallel_loop3A_265 : vector<1x16xf32> to vector<16xf32>
      %parallel_loop3A_267 = vector.shape_cast %parallel_loop3A_262 : vector<16xf32> to vector<1x16xf32>
      tpu.vector_store %arg7[%parallel_loop3A_263, %parallel_loop3A_264], %parallel_loop3A_267 {add = true, strides = array<i32>} : memref<200x128xf32, #tpu.memory_space<vmem>>, vector<1x16xf32>,
      %parallel_loop3A_268 = arith.constant 0 : i32
      %parallel_loop3A_269 = arith.addi %parallel_loop3A_241, %parallel_loop3A_268 : i32
      %parallel_loop3A_270 = arith.constant 0 : i32
      %parallel_loop3A_271 = arith.addi %parallel_loop3A_241, %parallel_loop3A_270 : i32
      %parallel_loop3A_272 = arith.index_cast %parallel_loop3A_271 : i32 to index
      %parallel_loop3A_273 = arith.constant 32 : index
      %parallel_loop3A_274 = tpu.vector_load %arg10[%parallel_loop3A_272, %parallel_loop3A_273] {strides = array<i32>} : memref<200x128xf32, #tpu.memory_space<vmem>>, vector<1x16xf32>,
      %parallel_loop3A_275 = vector.shape_cast %parallel_loop3A_274 : vector<1x16xf32> to vector<16xf32>
      %parallel_loop3A_276 = arith.index_cast %parallel_loop3A_269 : i32 to index
      %parallel_loop3A_277 = arith.constant 32 : index
      %parallel_loop3A_278 = tpu.vector_load %arg7[%parallel_loop3A_276, %parallel_loop3A_277] {strides = array<i32>} : memref<200x128xf32, #tpu.memory_space<vmem>>, vector<1x16xf32>,
      %parallel_loop3A_279 = vector.shape_cast %parallel_loop3A_278 : vector<1x16xf32> to vector<16xf32>
      %parallel_loop3A_280 = vector.shape_cast %parallel_loop3A_275 : vector<16xf32> to vector<1x16xf32>
      tpu.vector_store %arg7[%parallel_loop3A_276, %parallel_loop3A_277], %parallel_loop3A_280 {add = true, strides = array<i32>} : memref<200x128xf32, #tpu.memory_space<vmem>>, vector<1x16xf32>,
      %parallel_loop3A_281 = arith.constant 0 : i32
      %parallel_loop3A_282 = arith.addi %parallel_loop3A_241, %parallel_loop3A_281 : i32
      %parallel_loop3A_283 = arith.constant 0 : i32
      %parallel_loop3A_284 = arith.addi %parallel_loop3A_241, %parallel_loop3A_283 : i32
      %parallel_loop3A_285 = arith.index_cast %parallel_loop3A_284 : i32 to index
      %parallel_loop3A_286 = arith.constant 48 : index
      %parallel_loop3A_287 = tpu.vector_load %arg10[%parallel_loop3A_285, %parallel_loop3A_286] {strides = array<i32>} : memref<200x128xf32, #tpu.memory_space<vmem>>, vector<1x16xf32>,
      %parallel_loop3A_288 = vector.shape_cast %parallel_loop3A_287 : vector<1x16xf32> to vector<16xf32>
      %parallel_loop3A_289 = arith.index_cast %parallel_loop3A_282 : i32 to index
      %parallel_loop3A_290 = arith.constant 48 : index
      %parallel_loop3A_291 = tpu.vector_load %arg7[%parallel_loop3A_289, %parallel_loop3A_290] {strides = array<i32>} : memref<200x128xf32, #tpu.memory_space<vmem>>, vector<1x16xf32>,
      %parallel_loop3A_292 = vector.shape_cast %parallel_loop3A_291 : vector<1x16xf32> to vector<16xf32>
      %parallel_loop3A_293 = vector.shape_cast %parallel_loop3A_288 : vector<16xf32> to vector<1x16xf32>
      tpu.vector_store %arg7[%parallel_loop3A_289, %parallel_loop3A_290], %parallel_loop3A_293 {add = true, strides = array<i32>} : memref<200x128xf32, #tpu.memory_space<vmem>>, vector<1x16xf32>,
      %parallel_loop3A_294 = arith.constant 0 : i32
      %parallel_loop3A_295 = arith.addi %parallel_loop3A_241, %parallel_loop3A_294 : i32
      %parallel_loop3A_296 = arith.constant 0 : i32
      %parallel_loop3A_297 = arith.addi %parallel_loop3A_241, %parallel_loop3A_296 : i32
      %parallel_loop3A_298 = arith.index_cast %parallel_loop3A_297 : i32 to index
      %parallel_loop3A_299 = arith.constant 64 : index
      %parallel_loop3A_300 = tpu.vector_load %arg10[%parallel_loop3A_298, %parallel_loop3A_299] {strides = array<i32>} : memref<200x128xf32, #tpu.memory_space<vmem>>, vector<1x16xf32>,
      %parallel_loop3A_301 = vector.shape_cast %parallel_loop3A_300 : vector<1x16xf32> to vector<16xf32>
      %parallel_loop3A_302 = arith.index_cast %parallel_loop3A_295 : i32 to index
      %parallel_loop3A_303 = arith.constant 64 : index
      %parallel_loop3A_304 = tpu.vector_load %arg7[%parallel_loop3A_302, %parallel_loop3A_303] {strides = array<i32>} : memref<200x128xf32, #tpu.memory_space<vmem>>, vector<1x16xf32>,
      %parallel_loop3A_305 = vector.shape_cast %parallel_loop3A_304 : vector<1x16xf32> to vector<16xf32>
      %parallel_loop3A_306 = vector.shape_cast %parallel_loop3A_301 : vector<16xf32> to vector<1x16xf32>
      tpu.vector_store %arg7[%parallel_loop3A_302, %parallel_loop3A_303], %parallel_loop3A_306 {add = true, strides = array<i32>} : memref<200x128xf32, #tpu.memory_space<vmem>>, vector<1x16xf32>,
      %parallel_loop3A_307 = arith.constant 0 : i32
      %parallel_loop3A_308 = arith.addi %parallel_loop3A_241, %parallel_loop3A_307 : i32
      %parallel_loop3A_309 = arith.constant 0 : i32
      %parallel_loop3A_310 = arith.addi %parallel_loop3A_241, %parallel_loop3A_309 : i32
      %parallel_loop3A_311 = arith.index_cast %parallel_loop3A_310 : i32 to index
      %parallel_loop3A_312 = arith.constant 80 : index
      %parallel_loop3A_313 = tpu.vector_load %arg10[%parallel_loop3A_311, %parallel_loop3A_312] {strides = array<i32>} : memref<200x128xf32, #tpu.memory_space<vmem>>, vector<1x16xf32>,
      %parallel_loop3A_314 = vector.shape_cast %parallel_loop3A_313 : vector<1x16xf32> to vector<16xf32>
      %parallel_loop3A_315 = arith.index_cast %parallel_loop3A_308 : i32 to index
      %parallel_loop3A_316 = arith.constant 80 : index
      %parallel_loop3A_317 = tpu.vector_load %arg7[%parallel_loop3A_315, %parallel_loop3A_316] {strides = array<i32>} : memref<200x128xf32, #tpu.memory_space<vmem>>, vector<1x16xf32>,
      %parallel_loop3A_318 = vector.shape_cast %parallel_loop3A_317 : vector<1x16xf32> to vector<16xf32>
      %parallel_loop3A_319 = vector.shape_cast %parallel_loop3A_314 : vector<16xf32> to vector<1x16xf32>
      tpu.vector_store %arg7[%parallel_loop3A_315, %parallel_loop3A_316], %parallel_loop3A_319 {add = true, strides = array<i32>} : memref<200x128xf32, #tpu.memory_space<vmem>>, vector<1x16xf32>,
      %parallel_loop3A_320 = arith.constant 0 : i32
      %parallel_loop3A_321 = arith.addi %parallel_loop3A_241, %parallel_loop3A_320 : i32
      %parallel_loop3A_322 = arith.constant 0 : i32
      %parallel_loop3A_323 = arith.addi %parallel_loop3A_241, %parallel_loop3A_322 : i32
      %parallel_loop3A_324 = arith.index_cast %parallel_loop3A_323 : i32 to index
      %parallel_loop3A_325 = arith.constant 96 : index
      %parallel_loop3A_326 = tpu.vector_load %arg10[%parallel_loop3A_324, %parallel_loop3A_325] {strides = array<i32>} : memref<200x128xf32, #tpu.memory_space<vmem>>, vector<1x16xf32>,
      %parallel_loop3A_327 = vector.shape_cast %parallel_loop3A_326 : vector<1x16xf32> to vector<16xf32>
      %parallel_loop3A_328 = arith.index_cast %parallel_loop3A_321 : i32 to index
      %parallel_loop3A_329 = arith.constant 96 : index
      %parallel_loop3A_330 = tpu.vector_load %arg7[%parallel_loop3A_328, %parallel_loop3A_329] {strides = array<i32>} : memref<200x128xf32, #tpu.memory_space<vmem>>, vector<1x16xf32>,
      %parallel_loop3A_331 = vector.shape_cast %parallel_loop3A_330 : vector<1x16xf32> to vector<16xf32>
      %parallel_loop3A_332 = vector.shape_cast %parallel_loop3A_327 : vector<16xf32> to vector<1x16xf32>
      tpu.vector_store %arg7[%parallel_loop3A_328, %parallel_loop3A_329], %parallel_loop3A_332 {add = true, strides = array<i32>} : memref<200x128xf32, #tpu.memory_space<vmem>>, vector<1x16xf32>,
      %parallel_loop3A_333 = arith.constant 0 : i32
      %parallel_loop3A_334 = arith.addi %parallel_loop3A_241, %parallel_loop3A_333 : i32
      %parallel_loop3A_335 = arith.constant 0 : i32
      %parallel_loop3A_336 = arith.addi %parallel_loop3A_241, %parallel_loop3A_335 : i32
      %parallel_loop3A_337 = arith.index_cast %parallel_loop3A_336 : i32 to index
      %parallel_loop3A_338 = arith.constant 112 : index
      %parallel_loop3A_339 = tpu.vector_load %arg10[%parallel_loop3A_337, %parallel_loop3A_338] {strides = array<i32>} : memref<200x128xf32, #tpu.memory_space<vmem>>, vector<1x16xf32>,
      %parallel_loop3A_340 = vector.shape_cast %parallel_loop3A_339 : vector<1x16xf32> to vector<16xf32>
      %parallel_loop3A_341 = arith.index_cast %parallel_loop3A_334 : i32 to index
      %parallel_loop3A_342 = arith.constant 112 : index
      %parallel_loop3A_343 = tpu.vector_load %arg7[%parallel_loop3A_341, %parallel_loop3A_342] {strides = array<i32>} : memref<200x128xf32, #tpu.memory_space<vmem>>, vector<1x16xf32>,
      %parallel_loop3A_344 = vector.shape_cast %parallel_loop3A_343 : vector<1x16xf32> to vector<16xf32>
      %parallel_loop3A_345 = vector.shape_cast %parallel_loop3A_340 : vector<16xf32> to vector<1x16xf32>
      tpu.vector_store %arg7[%parallel_loop3A_341, %parallel_loop3A_342], %parallel_loop3A_345 {add = true, strides = array<i32>} : memref<200x128xf32, #tpu.memory_space<vmem>>, vector<1x16xf32>,
      %parallel_loop3A_346 = arith.constant 1 : i32
      %parallel_loop3A_347 = arith.addi %parallel_loop3A_241, %parallel_loop3A_346 : i32
      %parallel_loop3A_348 = arith.constant 1 : i32
      %parallel_loop3A_349 = arith.addi %parallel_loop3A_241, %parallel_loop3A_348 : i32
      %parallel_loop3A_350 = arith.index_cast %parallel_loop3A_349 : i32 to index
      %parallel_loop3A_351 = arith.constant 0 : index
      %parallel_loop3A_352 = tpu.vector_load %arg10[%parallel_loop3A_350, %parallel_loop3A_351] {strides = array<i32>} : memref<200x128xf32, #tpu.memory_space<vmem>>, vector<1x16xf32>,
      %parallel_loop3A_353 = vector.shape_cast %parallel_loop3A_352 : vector<1x16xf32> to vector<16xf32>
      %parallel_loop3A_354 = arith.index_cast %parallel_loop3A_347 : i32 to index
      %parallel_loop3A_355 = arith.constant 0 : index
      %parallel_loop3A_356 = tpu.vector_load %arg7[%parallel_loop3A_354, %parallel_loop3A_355] {strides = array<i32>} : memref<200x128xf32, #tpu.memory_space<vmem>>, vector<1x16xf32>,
      %parallel_loop3A_357 = vector.shape_cast %parallel_loop3A_356 : vector<1x16xf32> to vector<16xf32>
      %parallel_loop3A_358 = vector.shape_cast %parallel_loop3A_353 : vector<16xf32> to vector<1x16xf32>
      tpu.vector_store %arg7[%parallel_loop3A_354, %parallel_loop3A_355], %parallel_loop3A_358 {add = true, strides = array<i32>} : memref<200x128xf32, #tpu.memory_space<vmem>>, vector<1x16xf32>,
      %parallel_loop3A_359 = arith.constant 1 : i32
      %parallel_loop3A_360 = arith.addi %parallel_loop3A_241, %parallel_loop3A_359 : i32
      %parallel_loop3A_361 = arith.constant 1 : i32
      %parallel_loop3A_362 = arith.addi %parallel_loop3A_241, %parallel_loop3A_361 : i32
      %parallel_loop3A_363 = arith.index_cast %parallel_loop3A_362 : i32 to index
      %parallel_loop3A_364 = arith.constant 16 : index
      %parallel_loop3A_365 = tpu.vector_load %arg10[%parallel_loop3A_363, %parallel_loop3A_364] {strides = array<i32>} : memref<200x128xf32, #tpu.memory_space<vmem>>, vector<1x16xf32>,
      %parallel_loop3A_366 = vector.shape_cast %parallel_loop3A_365 : vector<1x16xf32> to vector<16xf32>
      %parallel_loop3A_367 = arith.index_cast %parallel_loop3A_360 : i32 to index
      %parallel_loop3A_368 = arith.constant 16 : index
      %parallel_loop3A_369 = tpu.vector_load %arg7[%parallel_loop3A_367, %parallel_loop3A_368] {strides = array<i32>} : memref<200x128xf32, #tpu.memory_space<vmem>>, vector<1x16xf32>,
      %parallel_loop3A_370 = vector.shape_cast %parallel_loop3A_369 : vector<1x16xf32> to vector<16xf32>
      %parallel_loop3A_371 = vector.shape_cast %parallel_loop3A_366 : vector<16xf32> to vector<1x16xf32>
      tpu.vector_store %arg7[%parallel_loop3A_367, %parallel_loop3A_368], %parallel_loop3A_371 {add = true, strides = array<i32>} : memref<200x128xf32, #tpu.memory_space<vmem>>, vector<1x16xf32>,
      %parallel_loop3A_372 = arith.constant 1 : i32
      %parallel_loop3A_373 = arith.addi %parallel_loop3A_241, %parallel_loop3A_372 : i32
      %parallel_loop3A_374 = arith.constant 1 : i32
      %parallel_loop3A_375 = arith.addi %parallel_loop3A_241, %parallel_loop3A_374 : i32
      %parallel_loop3A_376 = arith.index_cast %parallel_loop3A_375 : i32 to index
      %parallel_loop3A_377 = arith.constant 32 : index
      %parallel_loop3A_378 = tpu.vector_load %arg10[%parallel_loop3A_376, %parallel_loop3A_377] {strides = array<i32>} : memref<200x128xf32, #tpu.memory_space<vmem>>, vector<1x16xf32>,
      %parallel_loop3A_379 = vector.shape_cast %parallel_loop3A_378 : vector<1x16xf32> to vector<16xf32>
      %parallel_loop3A_380 = arith.index_cast %parallel_loop3A_373 : i32 to index
      %parallel_loop3A_381 = arith.constant 32 : index
      %parallel_loop3A_382 = tpu.vector_load %arg7[%parallel_loop3A_380, %parallel_loop3A_381] {strides = array<i32>} : memref<200x128xf32, #tpu.memory_space<vmem>>, vector<1x16xf32>,
      %parallel_loop3A_383 = vector.shape_cast %parallel_loop3A_382 : vector<1x16xf32> to vector<16xf32>
      %parallel_loop3A_384 = vector.shape_cast %parallel_loop3A_379 : vector<16xf32> to vector<1x16xf32>
      tpu.vector_store %arg7[%parallel_loop3A_380, %parallel_loop3A_381], %parallel_loop3A_384 {add = true, strides = array<i32>} : memref<200x128xf32, #tpu.memory_space<vmem>>, vector<1x16xf32>,
      %parallel_loop3A_385 = arith.constant 1 : i32
      %parallel_loop3A_386 = arith.addi %parallel_loop3A_241, %parallel_loop3A_385 : i32
      %parallel_loop3A_387 = arith.constant 1 : i32
      %parallel_loop3A_388 = arith.addi %parallel_loop3A_241, %parallel_loop3A_387 : i32
      %parallel_loop3A_389 = arith.index_cast %parallel_loop3A_388 : i32 to index
      %parallel_loop3A_390 = arith.constant 48 : index
      %parallel_loop3A_391 = tpu.vector_load %arg10[%parallel_loop3A_389, %parallel_loop3A_390] {strides = array<i32>} : memref<200x128xf32, #tpu.memory_space<vmem>>, vector<1x16xf32>,
      %parallel_loop3A_392 = vector.shape_cast %parallel_loop3A_391 : vector<1x16xf32> to vector<16xf32>
      %parallel_loop3A_393 = arith.index_cast %parallel_loop3A_386 : i32 to index
      %parallel_loop3A_394 = arith.constant 48 : index
      %parallel_loop3A_395 = tpu.vector_load %arg7[%parallel_loop3A_393, %parallel_loop3A_394] {strides = array<i32>} : memref<200x128xf32, #tpu.memory_space<vmem>>, vector<1x16xf32>,
      %parallel_loop3A_396 = vector.shape_cast %parallel_loop3A_395 : vector<1x16xf32> to vector<16xf32>
      %parallel_loop3A_397 = vector.shape_cast %parallel_loop3A_392 : vector<16xf32> to vector<1x16xf32>
      tpu.vector_store %arg7[%parallel_loop3A_393, %parallel_loop3A_394], %parallel_loop3A_397 {add = true, strides = array<i32>} : memref<200x128xf32, #tpu.memory_space<vmem>>, vector<1x16xf32>,
      %parallel_loop3A_398 = arith.constant 1 : i32
      %parallel_loop3A_399 = arith.addi %parallel_loop3A_241, %parallel_loop3A_398 : i32
      %parallel_loop3A_400 = arith.constant 1 : i32
      %parallel_loop3A_401 = arith.addi %parallel_loop3A_241, %parallel_loop3A_400 : i32
      %parallel_loop3A_402 = arith.index_cast %parallel_loop3A_401 : i32 to index
      %parallel_loop3A_403 = arith.constant 64 : index
      %parallel_loop3A_404 = tpu.vector_load %arg10[%parallel_loop3A_402, %parallel_loop3A_403] {strides = array<i32>} : memref<200x128xf32, #tpu.memory_space<vmem>>, vector<1x16xf32>,
      %parallel_loop3A_405 = vector.shape_cast %parallel_loop3A_404 : vector<1x16xf32> to vector<16xf32>
      %parallel_loop3A_406 = arith.index_cast %parallel_loop3A_399 : i32 to index
      %parallel_loop3A_407 = arith.constant 64 : index
      %parallel_loop3A_408 = tpu.vector_load %arg7[%parallel_loop3A_406, %parallel_loop3A_407] {strides = array<i32>} : memref<200x128xf32, #tpu.memory_space<vmem>>, vector<1x16xf32>,
      %parallel_loop3A_409 = vector.shape_cast %parallel_loop3A_408 : vector<1x16xf32> to vector<16xf32>
      %parallel_loop3A_410 = vector.shape_cast %parallel_loop3A_405 : vector<16xf32> to vector<1x16xf32>
      tpu.vector_store %arg7[%parallel_loop3A_406, %parallel_loop3A_407], %parallel_loop3A_410 {add = true, strides = array<i32>} : memref<200x128xf32, #tpu.memory_space<vmem>>, vector<1x16xf32>,
      %parallel_loop3A_411 = arith.constant 1 : i32
      %parallel_loop3A_412 = arith.addi %parallel_loop3A_241, %parallel_loop3A_411 : i32
      %parallel_loop3A_413 = arith.constant 1 : i32
      %parallel_loop3A_414 = arith.addi %parallel_loop3A_241, %parallel_loop3A_413 : i32
      %parallel_loop3A_415 = arith.index_cast %parallel_loop3A_414 : i32 to index
      %parallel_loop3A_416 = arith.constant 80 : index
      %parallel_loop3A_417 = tpu.vector_load %arg10[%parallel_loop3A_415, %parallel_loop3A_416] {strides = array<i32>} : memref<200x128xf32, #tpu.memory_space<vmem>>, vector<1x16xf32>,
      %parallel_loop3A_418 = vector.shape_cast %parallel_loop3A_417 : vector<1x16xf32> to vector<16xf32>
      %parallel_loop3A_419 = arith.index_cast %parallel_loop3A_412 : i32 to index
      %parallel_loop3A_420 = arith.constant 80 : index
      %parallel_loop3A_421 = tpu.vector_load %arg7[%parallel_loop3A_419, %parallel_loop3A_420] {strides = array<i32>} : memref<200x128xf32, #tpu.memory_space<vmem>>, vector<1x16xf32>,
      %parallel_loop3A_422 = vector.shape_cast %parallel_loop3A_421 : vector<1x16xf32> to vector<16xf32>
      %parallel_loop3A_423 = vector.shape_cast %parallel_loop3A_418 : vector<16xf32> to vector<1x16xf32>
      tpu.vector_store %arg7[%parallel_loop3A_419, %parallel_loop3A_420], %parallel_loop3A_423 {add = true, strides = array<i32>} : memref<200x128xf32, #tpu.memory_space<vmem>>, vector<1x16xf32>,
      %parallel_loop3A_424 = arith.constant 1 : i32
      %parallel_loop3A_425 = arith.addi %parallel_loop3A_241, %parallel_loop3A_424 : i32
      %parallel_loop3A_426 = arith.constant 1 : i32
      %parallel_loop3A_427 = arith.addi %parallel_loop3A_241, %parallel_loop3A_426 : i32
      %parallel_loop3A_428 = arith.index_cast %parallel_loop3A_427 : i32 to index
      %parallel_loop3A_429 = arith.constant 96 : index
      %parallel_loop3A_430 = tpu.vector_load %arg10[%parallel_loop3A_428, %parallel_loop3A_429] {strides = array<i32>} : memref<200x128xf32, #tpu.memory_space<vmem>>, vector<1x16xf32>,
      %parallel_loop3A_431 = vector.shape_cast %parallel_loop3A_430 : vector<1x16xf32> to vector<16xf32>
      %parallel_loop3A_432 = arith.index_cast %parallel_loop3A_425 : i32 to index
      %parallel_loop3A_433 = arith.constant 96 : index
      %parallel_loop3A_434 = tpu.vector_load %arg7[%parallel_loop3A_432, %parallel_loop3A_433] {strides = array<i32>} : memref<200x128xf32, #tpu.memory_space<vmem>>, vector<1x16xf32>,
      %parallel_loop3A_435 = vector.shape_cast %parallel_loop3A_434 : vector<1x16xf32> to vector<16xf32>
      %parallel_loop3A_436 = vector.shape_cast %parallel_loop3A_431 : vector<16xf32> to vector<1x16xf32>
      tpu.vector_store %arg7[%parallel_loop3A_432, %parallel_loop3A_433], %parallel_loop3A_436 {add = true, strides = array<i32>} : memref<200x128xf32, #tpu.memory_space<vmem>>, vector<1x16xf32>,
      %parallel_loop3A_437 = arith.constant 1 : i32
      %parallel_loop3A_438 = arith.addi %parallel_loop3A_241, %parallel_loop3A_437 : i32
      %parallel_loop3A_439 = arith.constant 1 : i32
      %parallel_loop3A_440 = arith.addi %parallel_loop3A_241, %parallel_loop3A_439 : i32
      %parallel_loop3A_441 = arith.index_cast %parallel_loop3A_440 : i32 to index
      %parallel_loop3A_442 = arith.constant 112 : index
      %parallel_loop3A_443 = tpu.vector_load %arg10[%parallel_loop3A_441, %parallel_loop3A_442] {strides = array<i32>} : memref<200x128xf32, #tpu.memory_space<vmem>>, vector<1x16xf32>,
      %parallel_loop3A_444 = vector.shape_cast %parallel_loop3A_443 : vector<1x16xf32> to vector<16xf32>
      %parallel_loop3A_445 = arith.index_cast %parallel_loop3A_438 : i32 to index
      %parallel_loop3A_446 = arith.constant 112 : index
      %parallel_loop3A_447 = tpu.vector_load %arg7[%parallel_loop3A_445, %parallel_loop3A_446] {strides = array<i32>} : memref<200x128xf32, #tpu.memory_space<vmem>>, vector<1x16xf32>,
      %parallel_loop3A_448 = vector.shape_cast %parallel_loop3A_447 : vector<1x16xf32> to vector<16xf32>
      %parallel_loop3A_449 = vector.shape_cast %parallel_loop3A_444 : vector<16xf32> to vector<1x16xf32>
      tpu.vector_store %arg7[%parallel_loop3A_445, %parallel_loop3A_446], %parallel_loop3A_449 {add = true, strides = array<i32>} : memref<200x128xf32, #tpu.memory_space<vmem>>, vector<1x16xf32>,
    } {sc.loop_unroll_factor = 2 : i64, sc.parallel_access}
    %add3A_192 = arith.constant 6000 : i32
    %add3A_193 = arith.addi %mul3A_2, %add3A_192 : i32
    %dma_start3A_194 = arith.constant 0 : i32
    %dma_start3A_195 = tpu.memref_slice %arg5[%add3A_193, %dma_start3A_194] : memref<204800x128xf32, #tpu.memory_space<hbm>> -> memref<200x128xf32, #tpu.memory_space<hbm>>
    %dma_start3A_196 = arith.constant 0 : i32
    %dma_start3A_197 = tpu.memref_slice %arg5[%add3A_193, %dma_start3A_196] : memref<204800x128xf32, #tpu.memory_space<hbm>> -> memref<200x128xf32, #tpu.memory_space<hbm>>
    tpu.enqueue_dma source(%arg7 : memref<200x128xf32, #tpu.memory_space<vmem>>) target(%dma_start3A_197 : memref<200x128xf32, #tpu.memory_space<hbm>>) target_semaphore(%arg17 : memref<!tpu.dma_semaphore, #tpu.memory_space<semaphore_mem>>)
    %add3A_198 = arith.constant 5800 : i32
    %add3A_199 = arith.addi %mul3A_2, %add3A_198 : i32
    %dma_wait3A_200 = arith.constant 0 : i32
    %dma_wait3A_201 = tpu.memref_slice %arg5[%add3A_199, %dma_wait3A_200] : memref<204800x128xf32, #tpu.memory_space<hbm>> -> memref<200x128xf32, #tpu.memory_space<hbm>>
    %dma_wait3A_202 = arith.constant 0 : i32
    %dma_wait3A_203 = tpu.memref_slice %arg5[%add3A_199, %dma_wait3A_202] : memref<204800x128xf32, #tpu.memory_space<hbm>> -> memref<200x128xf32, #tpu.memory_space<hbm>>
    tpu.wait_dma2 semaphore(%arg19 : memref<!tpu.dma_semaphore, #tpu.memory_space<semaphore_mem>>) src(%arg9 : memref<200x128xf32, #tpu.memory_space<vmem>>) dst(%dma_wait3A_203 : memref<200x128xf32, #tpu.memory_space<hbm>>)
    %dma_wait3A_204 = arith.constant 0 : i32
    %dma_wait3A_205 = arith.constant 0 : i32
    %dma_wait3A_206 = tpu.memref_slice %arg8[%dma_wait3A_204, %dma_wait3A_205] : memref<200x128xf32, #tpu.memory_space<vmem>> -> memref<104x128xf32, #tpu.memory_space<vmem>>
    %dma_wait3A_207 = arith.constant 6200 : i32
    %dma_wait3A_208 = tpu.memref_slice %arg6[%dma_wait3A_207] : memref<6400xi32, #tpu.memory_space<vmem>> -> memref<104xi32, #tpu.memory_space<vmem>>
    %dma_wait3A_209 = arith.constant 0 : i32
    %dma_wait3A_210 = arith.constant 0 : i32
    %dma_wait3A_211 = tpu.memref_slice %arg2[%dma_wait3A_209, %dma_wait3A_210] : memref<100000x128xf32, #tpu.memory_space<hbm>> -> memref<100000x128xf32, #tpu.memory_space<hbm>>
    tpu.wait_indirect_dma semaphore(%arg12 : memref<!tpu.dma_semaphore, #tpu.memory_space<semaphore_mem>>) src(%dma_wait3A_211 : memref<100000x128xf32, #tpu.memory_space<hbm>>) dst(%dma_wait3A_206 : memref<104x128xf32, #tpu.memory_space<vmem>>)
    %dma_wait3A_212 = arith.constant 104 : i32
    %dma_wait3A_213 = arith.constant 0 : i32
    %dma_wait3A_214 = tpu.memref_slice %arg8[%dma_wait3A_212, %dma_wait3A_213] : memref<200x128xf32, #tpu.memory_space<vmem>> -> memref<96x128xf32, #tpu.memory_space<vmem>>
    %dma_wait3A_215 = arith.constant 6304 : i32
    %dma_wait3A_216 = tpu.memref_slice %arg6[%dma_wait3A_215] : memref<6400xi32, #tpu.memory_space<vmem>> -> memref<96xi32, #tpu.memory_space<vmem>>
    %dma_wait3A_217 = arith.constant 0 : i32
    %dma_wait3A_218 = arith.constant 0 : i32
    %dma_wait3A_219 = tpu.memref_slice %arg2[%dma_wait3A_217, %dma_wait3A_218] : memref<100000x128xf32, #tpu.memory_space<hbm>> -> memref<100000x128xf32, #tpu.memory_space<hbm>>
    tpu.wait_indirect_dma semaphore(%arg15 : memref<!tpu.dma_semaphore, #tpu.memory_space<semaphore_mem>>) src(%dma_wait3A_219 : memref<100000x128xf32, #tpu.memory_space<hbm>>) dst(%dma_wait3A_214 : memref<96x128xf32, #tpu.memory_space<vmem>>)
    %parallel_loop3A_220 = arith.constant 0 : i32
    %parallel_loop3A_221 = arith.constant 200 : i32
    %parallel_loop3A_222 = arith.constant 2 : i32
    scf.for %parallel_loop3A_241 = %parallel_loop3A_220 to %parallel_loop3A_221 step %parallel_loop3A_222  : i32 {
      %parallel_loop3A_242 = arith.constant 0 : i32
      %parallel_loop3A_243 = arith.addi %parallel_loop3A_241, %parallel_loop3A_242 : i32
      %parallel_loop3A_244 = arith.constant 0 : i32
      %parallel_loop3A_245 = arith.addi %parallel_loop3A_241, %parallel_loop3A_244 : i32
      %parallel_loop3A_246 = arith.index_cast %parallel_loop3A_245 : i32 to index
      %parallel_loop3A_247 = arith.constant 0 : index
      %parallel_loop3A_248 = tpu.vector_load %arg10[%parallel_loop3A_246, %parallel_loop3A_247] {strides = array<i32>} : memref<200x128xf32, #tpu.memory_space<vmem>>, vector<1x16xf32>,
      %parallel_loop3A_249 = vector.shape_cast %parallel_loop3A_248 : vector<1x16xf32> to vector<16xf32>
      %parallel_loop3A_250 = arith.index_cast %parallel_loop3A_243 : i32 to index
      %parallel_loop3A_251 = arith.constant 0 : index
      %parallel_loop3A_252 = tpu.vector_load %arg8[%parallel_loop3A_250, %parallel_loop3A_251] {strides = array<i32>} : memref<200x128xf32, #tpu.memory_space<vmem>>, vector<1x16xf32>,
      %parallel_loop3A_253 = vector.shape_cast %parallel_loop3A_252 : vector<1x16xf32> to vector<16xf32>
      %parallel_loop3A_254 = vector.shape_cast %parallel_loop3A_249 : vector<16xf32> to vector<1x16xf32>
      tpu.vector_store %arg8[%parallel_loop3A_250, %parallel_loop3A_251], %parallel_loop3A_254 {add = true, strides = array<i32>} : memref<200x128xf32, #tpu.memory_space<vmem>>, vector<1x16xf32>,
      %parallel_loop3A_255 = arith.constant 0 : i32
      %parallel_loop3A_256 = arith.addi %parallel_loop3A_241, %parallel_loop3A_255 : i32
      %parallel_loop3A_257 = arith.constant 0 : i32
      %parallel_loop3A_258 = arith.addi %parallel_loop3A_241, %parallel_loop3A_257 : i32
      %parallel_loop3A_259 = arith.index_cast %parallel_loop3A_258 : i32 to index
      %parallel_loop3A_260 = arith.constant 16 : index
      %parallel_loop3A_261 = tpu.vector_load %arg10[%parallel_loop3A_259, %parallel_loop3A_260] {strides = array<i32>} : memref<200x128xf32, #tpu.memory_space<vmem>>, vector<1x16xf32>,
      %parallel_loop3A_262 = vector.shape_cast %parallel_loop3A_261 : vector<1x16xf32> to vector<16xf32>
      %parallel_loop3A_263 = arith.index_cast %parallel_loop3A_256 : i32 to index
      %parallel_loop3A_264 = arith.constant 16 : index
      %parallel_loop3A_265 = tpu.vector_load %arg8[%parallel_loop3A_263, %parallel_loop3A_264] {strides = array<i32>} : memref<200x128xf32, #tpu.memory_space<vmem>>, vector<1x16xf32>,
      %parallel_loop3A_266 = vector.shape_cast %parallel_loop3A_265 : vector<1x16xf32> to vector<16xf32>
      %parallel_loop3A_267 = vector.shape_cast %parallel_loop3A_262 : vector<16xf32> to vector<1x16xf32>
      tpu.vector_store %arg8[%parallel_loop3A_263, %parallel_loop3A_264], %parallel_loop3A_267 {add = true, strides = array<i32>} : memref<200x128xf32, #tpu.memory_space<vmem>>, vector<1x16xf32>,
      %parallel_loop3A_268 = arith.constant 0 : i32
      %parallel_loop3A_269 = arith.addi %parallel_loop3A_241, %parallel_loop3A_268 : i32
      %parallel_loop3A_270 = arith.constant 0 : i32
      %parallel_loop3A_271 = arith.addi %parallel_loop3A_241, %parallel_loop3A_270 : i32
      %parallel_loop3A_272 = arith.index_cast %parallel_loop3A_271 : i32 to index
      %parallel_loop3A_273 = arith.constant 32 : index
      %parallel_loop3A_274 = tpu.vector_load %arg10[%parallel_loop3A_272, %parallel_loop3A_273] {strides = array<i32>} : memref<200x128xf32, #tpu.memory_space<vmem>>, vector<1x16xf32>,
      %parallel_loop3A_275 = vector.shape_cast %parallel_loop3A_274 : vector<1x16xf32> to vector<16xf32>
      %parallel_loop3A_276 = arith.index_cast %parallel_loop3A_269 : i32 to index
      %parallel_loop3A_277 = arith.constant 32 : index
      %parallel_loop3A_278 = tpu.vector_load %arg8[%parallel_loop3A_276, %parallel_loop3A_277] {strides = array<i32>} : memref<200x128xf32, #tpu.memory_space<vmem>>, vector<1x16xf32>,
      %parallel_loop3A_279 = vector.shape_cast %parallel_loop3A_278 : vector<1x16xf32> to vector<16xf32>
      %parallel_loop3A_280 = vector.shape_cast %parallel_loop3A_275 : vector<16xf32> to vector<1x16xf32>
      tpu.vector_store %arg8[%parallel_loop3A_276, %parallel_loop3A_277], %parallel_loop3A_280 {add = true, strides = array<i32>} : memref<200x128xf32, #tpu.memory_space<vmem>>, vector<1x16xf32>,
      %parallel_loop3A_281 = arith.constant 0 : i32
      %parallel_loop3A_282 = arith.addi %parallel_loop3A_241, %parallel_loop3A_281 : i32
      %parallel_loop3A_283 = arith.constant 0 : i32
      %parallel_loop3A_284 = arith.addi %parallel_loop3A_241, %parallel_loop3A_283 : i32
      %parallel_loop3A_285 = arith.index_cast %parallel_loop3A_284 : i32 to index
      %parallel_loop3A_286 = arith.constant 48 : index
      %parallel_loop3A_287 = tpu.vector_load %arg10[%parallel_loop3A_285, %parallel_loop3A_286] {strides = array<i32>} : memref<200x128xf32, #tpu.memory_space<vmem>>, vector<1x16xf32>,
      %parallel_loop3A_288 = vector.shape_cast %parallel_loop3A_287 : vector<1x16xf32> to vector<16xf32>
      %parallel_loop3A_289 = arith.index_cast %parallel_loop3A_282 : i32 to index
      %parallel_loop3A_290 = arith.constant 48 : index
      %parallel_loop3A_291 = tpu.vector_load %arg8[%parallel_loop3A_289, %parallel_loop3A_290] {strides = array<i32>} : memref<200x128xf32, #tpu.memory_space<vmem>>, vector<1x16xf32>,
      %parallel_loop3A_292 = vector.shape_cast %parallel_loop3A_291 : vector<1x16xf32> to vector<16xf32>
      %parallel_loop3A_293 = vector.shape_cast %parallel_loop3A_288 : vector<16xf32> to vector<1x16xf32>
      tpu.vector_store %arg8[%parallel_loop3A_289, %parallel_loop3A_290], %parallel_loop3A_293 {add = true, strides = array<i32>} : memref<200x128xf32, #tpu.memory_space<vmem>>, vector<1x16xf32>,
      %parallel_loop3A_294 = arith.constant 0 : i32
      %parallel_loop3A_295 = arith.addi %parallel_loop3A_241, %parallel_loop3A_294 : i32
      %parallel_loop3A_296 = arith.constant 0 : i32
      %parallel_loop3A_297 = arith.addi %parallel_loop3A_241, %parallel_loop3A_296 : i32
      %parallel_loop3A_298 = arith.index_cast %parallel_loop3A_297 : i32 to index
      %parallel_loop3A_299 = arith.constant 64 : index
      %parallel_loop3A_300 = tpu.vector_load %arg10[%parallel_loop3A_298, %parallel_loop3A_299] {strides = array<i32>} : memref<200x128xf32, #tpu.memory_space<vmem>>, vector<1x16xf32>,
      %parallel_loop3A_301 = vector.shape_cast %parallel_loop3A_300 : vector<1x16xf32> to vector<16xf32>
      %parallel_loop3A_302 = arith.index_cast %parallel_loop3A_295 : i32 to index
      %parallel_loop3A_303 = arith.constant 64 : index
      %parallel_loop3A_304 = tpu.vector_load %arg8[%parallel_loop3A_302, %parallel_loop3A_303] {strides = array<i32>} : memref<200x128xf32, #tpu.memory_space<vmem>>, vector<1x16xf32>,
      %parallel_loop3A_305 = vector.shape_cast %parallel_loop3A_304 : vector<1x16xf32> to vector<16xf32>
      %parallel_loop3A_306 = vector.shape_cast %parallel_loop3A_301 : vector<16xf32> to vector<1x16xf32>
      tpu.vector_store %arg8[%parallel_loop3A_302, %parallel_loop3A_303], %parallel_loop3A_306 {add = true, strides = array<i32>} : memref<200x128xf32, #tpu.memory_space<vmem>>, vector<1x16xf32>,
      %parallel_loop3A_307 = arith.constant 0 : i32
      %parallel_loop3A_308 = arith.addi %parallel_loop3A_241, %parallel_loop3A_307 : i32
      %parallel_loop3A_309 = arith.constant 0 : i32
      %parallel_loop3A_310 = arith.addi %parallel_loop3A_241, %parallel_loop3A_309 : i32
      %parallel_loop3A_311 = arith.index_cast %parallel_loop3A_310 : i32 to index
      %parallel_loop3A_312 = arith.constant 80 : index
      %parallel_loop3A_313 = tpu.vector_load %arg10[%parallel_loop3A_311, %parallel_loop3A_312] {strides = array<i32>} : memref<200x128xf32, #tpu.memory_space<vmem>>, vector<1x16xf32>,
      %parallel_loop3A_314 = vector.shape_cast %parallel_loop3A_313 : vector<1x16xf32> to vector<16xf32>
      %parallel_loop3A_315 = arith.index_cast %parallel_loop3A_308 : i32 to index
      %parallel_loop3A_316 = arith.constant 80 : index
      %parallel_loop3A_317 = tpu.vector_load %arg8[%parallel_loop3A_315, %parallel_loop3A_316] {strides = array<i32>} : memref<200x128xf32, #tpu.memory_space<vmem>>, vector<1x16xf32>,
      %parallel_loop3A_318 = vector.shape_cast %parallel_loop3A_317 : vector<1x16xf32> to vector<16xf32>
      %parallel_loop3A_319 = vector.shape_cast %parallel_loop3A_314 : vector<16xf32> to vector<1x16xf32>
      tpu.vector_store %arg8[%parallel_loop3A_315, %parallel_loop3A_316], %parallel_loop3A_319 {add = true, strides = array<i32>} : memref<200x128xf32, #tpu.memory_space<vmem>>, vector<1x16xf32>,
      %parallel_loop3A_320 = arith.constant 0 : i32
      %parallel_loop3A_321 = arith.addi %parallel_loop3A_241, %parallel_loop3A_320 : i32
      %parallel_loop3A_322 = arith.constant 0 : i32
      %parallel_loop3A_323 = arith.addi %parallel_loop3A_241, %parallel_loop3A_322 : i32
      %parallel_loop3A_324 = arith.index_cast %parallel_loop3A_323 : i32 to index
      %parallel_loop3A_325 = arith.constant 96 : index
      %parallel_loop3A_326 = tpu.vector_load %arg10[%parallel_loop3A_324, %parallel_loop3A_325] {strides = array<i32>} : memref<200x128xf32, #tpu.memory_space<vmem>>, vector<1x16xf32>,
      %parallel_loop3A_327 = vector.shape_cast %parallel_loop3A_326 : vector<1x16xf32> to vector<16xf32>
      %parallel_loop3A_328 = arith.index_cast %parallel_loop3A_321 : i32 to index
      %parallel_loop3A_329 = arith.constant 96 : index
      %parallel_loop3A_330 = tpu.vector_load %arg8[%parallel_loop3A_328, %parallel_loop3A_329] {strides = array<i32>} : memref<200x128xf32, #tpu.memory_space<vmem>>, vector<1x16xf32>,
      %parallel_loop3A_331 = vector.shape_cast %parallel_loop3A_330 : vector<1x16xf32> to vector<16xf32>
      %parallel_loop3A_332 = vector.shape_cast %parallel_loop3A_327 : vector<16xf32> to vector<1x16xf32>
      tpu.vector_store %arg8[%parallel_loop3A_328, %parallel_loop3A_329], %parallel_loop3A_332 {add = true, strides = array<i32>} : memref<200x128xf32, #tpu.memory_space<vmem>>, vector<1x16xf32>,
      %parallel_loop3A_333 = arith.constant 0 : i32
      %parallel_loop3A_334 = arith.addi %parallel_loop3A_241, %parallel_loop3A_333 : i32
      %parallel_loop3A_335 = arith.constant 0 : i32
      %parallel_loop3A_336 = arith.addi %parallel_loop3A_241, %parallel_loop3A_335 : i32
      %parallel_loop3A_337 = arith.index_cast %parallel_loop3A_336 : i32 to index
      %parallel_loop3A_338 = arith.constant 112 : index
      %parallel_loop3A_339 = tpu.vector_load %arg10[%parallel_loop3A_337, %parallel_loop3A_338] {strides = array<i32>} : memref<200x128xf32, #tpu.memory_space<vmem>>, vector<1x16xf32>,
      %parallel_loop3A_340 = vector.shape_cast %parallel_loop3A_339 : vector<1x16xf32> to vector<16xf32>
      %parallel_loop3A_341 = arith.index_cast %parallel_loop3A_334 : i32 to index
      %parallel_loop3A_342 = arith.constant 112 : index
      %parallel_loop3A_343 = tpu.vector_load %arg8[%parallel_loop3A_341, %parallel_loop3A_342] {strides = array<i32>} : memref<200x128xf32, #tpu.memory_space<vmem>>, vector<1x16xf32>,
      %parallel_loop3A_344 = vector.shape_cast %parallel_loop3A_343 : vector<1x16xf32> to vector<16xf32>
      %parallel_loop3A_345 = vector.shape_cast %parallel_loop3A_340 : vector<16xf32> to vector<1x16xf32>
      tpu.vector_store %arg8[%parallel_loop3A_341, %parallel_loop3A_342], %parallel_loop3A_345 {add = true, strides = array<i32>} : memref<200x128xf32, #tpu.memory_space<vmem>>, vector<1x16xf32>,
      %parallel_loop3A_346 = arith.constant 1 : i32
      %parallel_loop3A_347 = arith.addi %parallel_loop3A_241, %parallel_loop3A_346 : i32
      %parallel_loop3A_348 = arith.constant 1 : i32
      %parallel_loop3A_349 = arith.addi %parallel_loop3A_241, %parallel_loop3A_348 : i32
      %parallel_loop3A_350 = arith.index_cast %parallel_loop3A_349 : i32 to index
      %parallel_loop3A_351 = arith.constant 0 : index
      %parallel_loop3A_352 = tpu.vector_load %arg10[%parallel_loop3A_350, %parallel_loop3A_351] {strides = array<i32>} : memref<200x128xf32, #tpu.memory_space<vmem>>, vector<1x16xf32>,
      %parallel_loop3A_353 = vector.shape_cast %parallel_loop3A_352 : vector<1x16xf32> to vector<16xf32>
      %parallel_loop3A_354 = arith.index_cast %parallel_loop3A_347 : i32 to index
      %parallel_loop3A_355 = arith.constant 0 : index
      %parallel_loop3A_356 = tpu.vector_load %arg8[%parallel_loop3A_354, %parallel_loop3A_355] {strides = array<i32>} : memref<200x128xf32, #tpu.memory_space<vmem>>, vector<1x16xf32>,
      %parallel_loop3A_357 = vector.shape_cast %parallel_loop3A_356 : vector<1x16xf32> to vector<16xf32>
      %parallel_loop3A_358 = vector.shape_cast %parallel_loop3A_353 : vector<16xf32> to vector<1x16xf32>
      tpu.vector_store %arg8[%parallel_loop3A_354, %parallel_loop3A_355], %parallel_loop3A_358 {add = true, strides = array<i32>} : memref<200x128xf32, #tpu.memory_space<vmem>>, vector<1x16xf32>,
      %parallel_loop3A_359 = arith.constant 1 : i32
      %parallel_loop3A_360 = arith.addi %parallel_loop3A_241, %parallel_loop3A_359 : i32
      %parallel_loop3A_361 = arith.constant 1 : i32
      %parallel_loop3A_362 = arith.addi %parallel_loop3A_241, %parallel_loop3A_361 : i32
      %parallel_loop3A_363 = arith.index_cast %parallel_loop3A_362 : i32 to index
      %parallel_loop3A_364 = arith.constant 16 : index
      %parallel_loop3A_365 = tpu.vector_load %arg10[%parallel_loop3A_363, %parallel_loop3A_364] {strides = array<i32>} : memref<200x128xf32, #tpu.memory_space<vmem>>, vector<1x16xf32>,
      %parallel_loop3A_366 = vector.shape_cast %parallel_loop3A_365 : vector<1x16xf32> to vector<16xf32>
      %parallel_loop3A_367 = arith.index_cast %parallel_loop3A_360 : i32 to index
      %parallel_loop3A_368 = arith.constant 16 : index
      %parallel_loop3A_369 = tpu.vector_load %arg8[%parallel_loop3A_367, %parallel_loop3A_368] {strides = array<i32>} : memref<200x128xf32, #tpu.memory_space<vmem>>, vector<1x16xf32>,
      %parallel_loop3A_370 = vector.shape_cast %parallel_loop3A_369 : vector<1x16xf32> to vector<16xf32>
      %parallel_loop3A_371 = vector.shape_cast %parallel_loop3A_366 : vector<16xf32> to vector<1x16xf32>
      tpu.vector_store %arg8[%parallel_loop3A_367, %parallel_loop3A_368], %parallel_loop3A_371 {add = true, strides = array<i32>} : memref<200x128xf32, #tpu.memory_space<vmem>>, vector<1x16xf32>,
      %parallel_loop3A_372 = arith.constant 1 : i32
      %parallel_loop3A_373 = arith.addi %parallel_loop3A_241, %parallel_loop3A_372 : i32
      %parallel_loop3A_374 = arith.constant 1 : i32
      %parallel_loop3A_375 = arith.addi %parallel_loop3A_241, %parallel_loop3A_374 : i32
      %parallel_loop3A_376 = arith.index_cast %parallel_loop3A_375 : i32 to index
      %parallel_loop3A_377 = arith.constant 32 : index
      %parallel_loop3A_378 = tpu.vector_load %arg10[%parallel_loop3A_376, %parallel_loop3A_377] {strides = array<i32>} : memref<200x128xf32, #tpu.memory_space<vmem>>, vector<1x16xf32>,
      %parallel_loop3A_379 = vector.shape_cast %parallel_loop3A_378 : vector<1x16xf32> to vector<16xf32>
      %parallel_loop3A_380 = arith.index_cast %parallel_loop3A_373 : i32 to index
      %parallel_loop3A_381 = arith.constant 32 : index
      %parallel_loop3A_382 = tpu.vector_load %arg8[%parallel_loop3A_380, %parallel_loop3A_381] {strides = array<i32>} : memref<200x128xf32, #tpu.memory_space<vmem>>, vector<1x16xf32>,
      %parallel_loop3A_383 = vector.shape_cast %parallel_loop3A_382 : vector<1x16xf32> to vector<16xf32>
      %parallel_loop3A_384 = vector.shape_cast %parallel_loop3A_379 : vector<16xf32> to vector<1x16xf32>
      tpu.vector_store %arg8[%parallel_loop3A_380, %parallel_loop3A_381], %parallel_loop3A_384 {add = true, strides = array<i32>} : memref<200x128xf32, #tpu.memory_space<vmem>>, vector<1x16xf32>,
      %parallel_loop3A_385 = arith.constant 1 : i32
      %parallel_loop3A_386 = arith.addi %parallel_loop3A_241, %parallel_loop3A_385 : i32
      %parallel_loop3A_387 = arith.constant 1 : i32
      %parallel_loop3A_388 = arith.addi %parallel_loop3A_241, %parallel_loop3A_387 : i32
      %parallel_loop3A_389 = arith.index_cast %parallel_loop3A_388 : i32 to index
      %parallel_loop3A_390 = arith.constant 48 : index
      %parallel_loop3A_391 = tpu.vector_load %arg10[%parallel_loop3A_389, %parallel_loop3A_390] {strides = array<i32>} : memref<200x128xf32, #tpu.memory_space<vmem>>, vector<1x16xf32>,
      %parallel_loop3A_392 = vector.shape_cast %parallel_loop3A_391 : vector<1x16xf32> to vector<16xf32>
      %parallel_loop3A_393 = arith.index_cast %parallel_loop3A_386 : i32 to index
      %parallel_loop3A_394 = arith.constant 48 : index
      %parallel_loop3A_395 = tpu.vector_load %arg8[%parallel_loop3A_393, %parallel_loop3A_394] {strides = array<i32>} : memref<200x128xf32, #tpu.memory_space<vmem>>, vector<1x16xf32>,
      %parallel_loop3A_396 = vector.shape_cast %parallel_loop3A_395 : vector<1x16xf32> to vector<16xf32>
      %parallel_loop3A_397 = vector.shape_cast %parallel_loop3A_392 : vector<16xf32> to vector<1x16xf32>
      tpu.vector_store %arg8[%parallel_loop3A_393, %parallel_loop3A_394], %parallel_loop3A_397 {add = true, strides = array<i32>} : memref<200x128xf32, #tpu.memory_space<vmem>>, vector<1x16xf32>,
      %parallel_loop3A_398 = arith.constant 1 : i32
      %parallel_loop3A_399 = arith.addi %parallel_loop3A_241, %parallel_loop3A_398 : i32
      %parallel_loop3A_400 = arith.constant 1 : i32
      %parallel_loop3A_401 = arith.addi %parallel_loop3A_241, %parallel_loop3A_400 : i32
      %parallel_loop3A_402 = arith.index_cast %parallel_loop3A_401 : i32 to index
      %parallel_loop3A_403 = arith.constant 64 : index
      %parallel_loop3A_404 = tpu.vector_load %arg10[%parallel_loop3A_402, %parallel_loop3A_403] {strides = array<i32>} : memref<200x128xf32, #tpu.memory_space<vmem>>, vector<1x16xf32>,
      %parallel_loop3A_405 = vector.shape_cast %parallel_loop3A_404 : vector<1x16xf32> to vector<16xf32>
      %parallel_loop3A_406 = arith.index_cast %parallel_loop3A_399 : i32 to index
      %parallel_loop3A_407 = arith.constant 64 : index
      %parallel_loop3A_408 = tpu.vector_load %arg8[%parallel_loop3A_406, %parallel_loop3A_407] {strides = array<i32>} : memref<200x128xf32, #tpu.memory_space<vmem>>, vector<1x16xf32>,
      %parallel_loop3A_409 = vector.shape_cast %parallel_loop3A_408 : vector<1x16xf32> to vector<16xf32>
      %parallel_loop3A_410 = vector.shape_cast %parallel_loop3A_405 : vector<16xf32> to vector<1x16xf32>
      tpu.vector_store %arg8[%parallel_loop3A_406, %parallel_loop3A_407], %parallel_loop3A_410 {add = true, strides = array<i32>} : memref<200x128xf32, #tpu.memory_space<vmem>>, vector<1x16xf32>,
      %parallel_loop3A_411 = arith.constant 1 : i32
      %parallel_loop3A_412 = arith.addi %parallel_loop3A_241, %parallel_loop3A_411 : i32
      %parallel_loop3A_413 = arith.constant 1 : i32
      %parallel_loop3A_414 = arith.addi %parallel_loop3A_241, %parallel_loop3A_413 : i32
      %parallel_loop3A_415 = arith.index_cast %parallel_loop3A_414 : i32 to index
      %parallel_loop3A_416 = arith.constant 80 : index
      %parallel_loop3A_417 = tpu.vector_load %arg10[%parallel_loop3A_415, %parallel_loop3A_416] {strides = array<i32>} : memref<200x128xf32, #tpu.memory_space<vmem>>, vector<1x16xf32>,
      %parallel_loop3A_418 = vector.shape_cast %parallel_loop3A_417 : vector<1x16xf32> to vector<16xf32>
      %parallel_loop3A_419 = arith.index_cast %parallel_loop3A_412 : i32 to index
      %parallel_loop3A_420 = arith.constant 80 : index
      %parallel_loop3A_421 = tpu.vector_load %arg8[%parallel_loop3A_419, %parallel_loop3A_420] {strides = array<i32>} : memref<200x128xf32, #tpu.memory_space<vmem>>, vector<1x16xf32>,
      %parallel_loop3A_422 = vector.shape_cast %parallel_loop3A_421 : vector<1x16xf32> to vector<16xf32>
      %parallel_loop3A_423 = vector.shape_cast %parallel_loop3A_418 : vector<16xf32> to vector<1x16xf32>
      tpu.vector_store %arg8[%parallel_loop3A_419, %parallel_loop3A_420], %parallel_loop3A_423 {add = true, strides = array<i32>} : memref<200x128xf32, #tpu.memory_space<vmem>>, vector<1x16xf32>,
      %parallel_loop3A_424 = arith.constant 1 : i32
      %parallel_loop3A_425 = arith.addi %parallel_loop3A_241, %parallel_loop3A_424 : i32
      %parallel_loop3A_426 = arith.constant 1 : i32
      %parallel_loop3A_427 = arith.addi %parallel_loop3A_241, %parallel_loop3A_426 : i32
      %parallel_loop3A_428 = arith.index_cast %parallel_loop3A_427 : i32 to index
      %parallel_loop3A_429 = arith.constant 96 : index
      %parallel_loop3A_430 = tpu.vector_load %arg10[%parallel_loop3A_428, %parallel_loop3A_429] {strides = array<i32>} : memref<200x128xf32, #tpu.memory_space<vmem>>, vector<1x16xf32>,
      %parallel_loop3A_431 = vector.shape_cast %parallel_loop3A_430 : vector<1x16xf32> to vector<16xf32>
      %parallel_loop3A_432 = arith.index_cast %parallel_loop3A_425 : i32 to index
      %parallel_loop3A_433 = arith.constant 96 : index
      %parallel_loop3A_434 = tpu.vector_load %arg8[%parallel_loop3A_432, %parallel_loop3A_433] {strides = array<i32>} : memref<200x128xf32, #tpu.memory_space<vmem>>, vector<1x16xf32>,
      %parallel_loop3A_435 = vector.shape_cast %parallel_loop3A_434 : vector<1x16xf32> to vector<16xf32>
      %parallel_loop3A_436 = vector.shape_cast %parallel_loop3A_431 : vector<16xf32> to vector<1x16xf32>
      tpu.vector_store %arg8[%parallel_loop3A_432, %parallel_loop3A_433], %parallel_loop3A_436 {add = true, strides = array<i32>} : memref<200x128xf32, #tpu.memory_space<vmem>>, vector<1x16xf32>,
      %parallel_loop3A_437 = arith.constant 1 : i32
      %parallel_loop3A_438 = arith.addi %parallel_loop3A_241, %parallel_loop3A_437 : i32
      %parallel_loop3A_439 = arith.constant 1 : i32
      %parallel_loop3A_440 = arith.addi %parallel_loop3A_241, %parallel_loop3A_439 : i32
      %parallel_loop3A_441 = arith.index_cast %parallel_loop3A_440 : i32 to index
      %parallel_loop3A_442 = arith.constant 112 : index
      %parallel_loop3A_443 = tpu.vector_load %arg10[%parallel_loop3A_441, %parallel_loop3A_442] {strides = array<i32>} : memref<200x128xf32, #tpu.memory_space<vmem>>, vector<1x16xf32>,
      %parallel_loop3A_444 = vector.shape_cast %parallel_loop3A_443 : vector<1x16xf32> to vector<16xf32>
      %parallel_loop3A_445 = arith.index_cast %parallel_loop3A_438 : i32 to index
      %parallel_loop3A_446 = arith.constant 112 : index
      %parallel_loop3A_447 = tpu.vector_load %arg8[%parallel_loop3A_445, %parallel_loop3A_446] {strides = array<i32>} : memref<200x128xf32, #tpu.memory_space<vmem>>, vector<1x16xf32>,
      %parallel_loop3A_448 = vector.shape_cast %parallel_loop3A_447 : vector<1x16xf32> to vector<16xf32>
      %parallel_loop3A_449 = vector.shape_cast %parallel_loop3A_444 : vector<16xf32> to vector<1x16xf32>
      tpu.vector_store %arg8[%parallel_loop3A_445, %parallel_loop3A_446], %parallel_loop3A_449 {add = true, strides = array<i32>} : memref<200x128xf32, #tpu.memory_space<vmem>>, vector<1x16xf32>,
    } {sc.loop_unroll_factor = 2 : i64, sc.parallel_access}
    %add3A_223 = arith.constant 6200 : i32
    %add3A_224 = arith.addi %mul3A_2, %add3A_223 : i32
    %dma_start3A_225 = arith.constant 0 : i32
    %dma_start3A_226 = tpu.memref_slice %arg5[%add3A_224, %dma_start3A_225] : memref<204800x128xf32, #tpu.memory_space<hbm>> -> memref<200x128xf32, #tpu.memory_space<hbm>>
    %dma_start3A_227 = arith.constant 0 : i32
    %dma_start3A_228 = tpu.memref_slice %arg5[%add3A_224, %dma_start3A_227] : memref<204800x128xf32, #tpu.memory_space<hbm>> -> memref<200x128xf32, #tpu.memory_space<hbm>>
    tpu.enqueue_dma source(%arg8 : memref<200x128xf32, #tpu.memory_space<vmem>>) target(%dma_start3A_228 : memref<200x128xf32, #tpu.memory_space<hbm>>) target_semaphore(%arg18 : memref<!tpu.dma_semaphore, #tpu.memory_space<semaphore_mem>>)
    %add3A_229 = arith.constant 6000 : i32
    %add3A_230 = arith.addi %mul3A_2, %add3A_229 : i32
    %dma_wait3A_231 = arith.constant 0 : i32
    %dma_wait3A_232 = tpu.memref_slice %arg5[%add3A_230, %dma_wait3A_231] : memref<204800x128xf32, #tpu.memory_space<hbm>> -> memref<200x128xf32, #tpu.memory_space<hbm>>
    %dma_wait3A_233 = arith.constant 0 : i32
    %dma_wait3A_234 = tpu.memref_slice %arg5[%add3A_230, %dma_wait3A_233] : memref<204800x128xf32, #tpu.memory_space<hbm>> -> memref<200x128xf32, #tpu.memory_space<hbm>>
    tpu.wait_dma2 semaphore(%arg17 : memref<!tpu.dma_semaphore, #tpu.memory_space<semaphore_mem>>) src(%arg7 : memref<200x128xf32, #tpu.memory_space<vmem>>) dst(%dma_wait3A_234 : memref<200x128xf32, #tpu.memory_space<hbm>>)
    %add3A_235 = arith.constant 6200 : i32
    %add3A_236 = arith.addi %mul3A_2, %add3A_235 : i32
    %dma_wait3A_237 = arith.constant 0 : i32
    %dma_wait3A_238 = tpu.memref_slice %arg5[%add3A_236, %dma_wait3A_237] : memref<204800x128xf32, #tpu.memory_space<hbm>> -> memref<200x128xf32, #tpu.memory_space<hbm>>
    %dma_wait3A_239 = arith.constant 0 : i32
    %dma_wait3A_240 = tpu.memref_slice %arg5[%add3A_236, %dma_wait3A_239] : memref<204800x128xf32, #tpu.memory_space<hbm>> -> memref<200x128xf32, #tpu.memory_space<hbm>>
    tpu.wait_dma2 semaphore(%arg18 : memref<!tpu.dma_semaphore, #tpu.memory_space<semaphore_mem>>) src(%arg8 : memref<200x128xf32, #tpu.memory_space<vmem>>) dst(%dma_wait3A_240 : memref<200x128xf32, #tpu.memory_space<hbm>>)
    return
  }
}

</mosaic_0001>

<sc_bundles>
// kernel: kernel.3.cloned.1.call-start
scs
__scs_entry_jumppad:
0x0: {  	(pc) =	sbr.rel $0x88, $3  }
0x1: {  	(tag) =	ssettag $0x0;
	lr =	simm.s32 $0x1  }
0x2: {  	[smem:$0x3F9F] =	sst lr;
	_ =	strace $0xD0000000  }
0x3: {  	_ = 	snop  }
0x4: {  	_ = 	snop  }
0x5: {  	_ = 	snop  }
0x6: {  	_ = 	snop  }
0x7: {  	_ = 	snop  }
__scs_overlays_trampoline_lowered:
0x8: {  	[smem:$0x3FAE] =	sst s0  }
0x9: {  	[smem:$0x3FAF] =	sst s1  }
0xa: {  	[smem:$0x3FB0] =	sst s2  }
0xb: {  	[smem:$0x3FB1] =	sst s3  }
0xc: {  	[smem:$0x3FB2] =	sst s4  }
0xd: {  	[smem:$0x3FB3] =	sst s5  }
0xe: {  	[smem:$0x3FB4] =	sst s6  }
0xf: {  	[smem:$0x3FB5] =	sst s7  }
0x10: {  	[smem:$0x3FB6] =	sst s8  }
0x11: {  	[smem:$0x3FB7] =	sst s9;
	s0 =	simm.s32 @!p0 $0x0  }
0x12: {  	s1 =	sld [smem:$0x3F9D];
	s0 =	simm.s32 @p0 $0x1  }
0x13: {  	[smem:$0x3FB8] =	sst s0;
	s0 =	simm.s32 @!p1 $0x0  }
0x14: {  	s2 =	sld [smem:$0x3F9C];
	s0 =	simm.s32 @p1 $0x1  }
0x15: {  	[smem:$0x3FB9] =	sst s0;
	s0 =	simm.s32 @!p2 $0x0  }
0x16: {  	s3 =	sld [smem:$0x3FDB];
	s0 =	simm.s32 @p2 $0x1  }
0x17: {  	s4 =	simm.s32 $0x1BF5;
	[smem:$0x3FBB] =	sst s0  }
0x18: {  	s0 =	sld [smem:$0x3F9E];
	_ =	swait.ge [sflag:s4], $0x0  }
0x19: {  	s7 =	sld [smem:$0x3F9F]  }
0x1a: {  	s8 =	sadd.s32 $0xFFFFE003, lr  }
0x1b: {  	s9 =	sadd.s32 $0xFFFFFEF7, lr;
	s5 =	simm.s32 $0xFFFFFFFF;
	p2 =	slt.u32 s8, $0xFFFFF086  }
0x1c: {  	p1 =	slt.u32 s9, $0xF7A;
	s5 =	simm.s32 @!p2 $0x0  }
0x1d: {  	s5 =	simm.s32 @p1 $0x1;
	p0 =	seq.s32 s7, s2  }
0x1e: {  	s7 =	smul.u32 @!p0 $0xF7A, s2;
	p2 =	seq.s32 @!p0 s5, $0x0  }
0x1f: {  	s9 =	smul.u32 $0xF7A, s1;
	s8 =	simm.s32 @!p0 $0x1BF5;
	p2 =	por !p2, p0  }
0x20: {  	[sflag:s8] =	ssyncset.s32 @!p0 $0xFFFFF086;
	s6 =	sadd.s32 @!p0 s3, s7;
	s7 =	simm.s32 @!p0 $0x108  }
0x21: {  	s3 =	sadd.s32 s3, s9;
	s6 =	sadd.s32 @!p0 $0x88, s6;
	s7 =	simm.s32 @p2 $0x1082  }
0x22: {  	[simem:s7], [sflag:s8] =	dma.local @!p0 [hbm:s6], $0xF7A  }
0x23: {  	s9 =	sor.u32 $0xD0000000, s2;
	s6 =	simm.s32 $0x108;
	_ =	swait.ge @!p0 [sflag:s8], $0x0  }
0x24: {  	s3 =	sadd.s32 $0x88, s3;
	s6 =	simm.s32 @!p1 $0x1082;
	[sflag:s4] =	ssyncset.s32 $0xFFFFF086  }
0x25: {  	[simem:s6], [sflag:s4] =	dma.local [hbm:s3], $0xF7A  }
0x26: {  	[smem:$0x3F9F] =	sst s1;
	(tag) =	ssettag s2;
	_ =	strace s9  }
0x27: {  	s1 =	sld [smem:$0x3FAF]  }
0x28: {  	s2 =	sld [smem:$0x3FB0]  }
0x29: {  	s4 =	sld [smem:$0x3FB2]  }
0x2a: {  	p0 =	seq.s32 s5, $0x0;
	s5 =	sld [smem:$0x3FB3]  }
0x2b: {  	s6 =	sld [smem:$0x3FB4]  }
0x2c: {  	s7 =	sld [smem:$0x3FB5]  }
0x2d: {  	s3 =	simm.s32 $0x108;
	s8 =	sld [smem:$0x3FB6]  }
0x2e: {  	s3 =	simm.s32 @!p0 $0x1082;
	s9 =	sld [smem:$0x3FB7]  }
0x2f: {  	lr =	sadd.s32 s0, s3;
	s0 =	sld [smem:$0x3FAE]  }
0x30: {  	s3 =	sld [smem:$0x3FB1]  }
0x31: {  	[smem:$0x3FBA] =	sst s10  }
0x32: {  	s10 =	sld [smem:$0x3FB8];
	_ =	sdelay $0x3  }
0x33: {  	p0 =	seq.s32 s10, $0x1;
	s10 =	sld [smem:$0x3FBA];
	_ =	sdelay $0x3  }
0x34: {  	[smem:$0x3FBA] =	sst s10  }
0x35: {  	s10 =	sld [smem:$0x3FB9];
	_ =	sdelay $0x3  }
0x36: {  	p1 =	seq.s32 s10, $0x1;
	s10 =	sld [smem:$0x3FBA];
	_ =	sdelay $0x3  }
0x37: {  	[smem:$0x3FBA] =	sst s10  }
0x38: {  	s10 =	sld [smem:$0x3FBB]  }
0x39: {  	_ = 	snop;
	(pc) =	sbr.ind lr, $3  }
0x3a: {  	_ = 	snop  }
0x3b: {  	_ = 	snop  }
0x3c: {  	p2 =	seq.s32 s10, $0x1;
	s10 =	sld [smem:$0x3FBA]  }
0x3d: {  	_ =	shalt  }
0x3e: {  	_ =	shalt  }
0x3f: {  	_ =	shalt  }
0x40: {  	_ =	shalt  }
0x41: {  	_ =	shalt  }
0x42: {  	_ =	shalt  }
0x43: {  	_ =	shalt  }
0x44: {  	_ =	shalt  }
0x45: {  	_ =	shalt  }
0x46: {  	_ =	shalt  }
0x47: {  	_ =	shalt  }
0x48: {  	_ =	shalt  }
0x49: {  	_ =	shalt  }
0x4a: {  	_ =	shalt  }
0x4b: {  	_ =	shalt  }
0x4c: {  	_ =	shalt  }
0x4d: {  	_ =	shalt  }
0x4e: {  	_ =	shalt  }
0x4f: {  	_ =	shalt  }
0x50: {  	_ =	shalt  }
0x51: {  	_ =	shalt  }
0x52: {  	_ =	shalt  }
0x53: {  	_ =	shalt  }
0x54: {  	_ =	shalt  }
0x55: {  	_ =	shalt  }
0x56: {  	_ =	shalt  }
0x57: {  	_ =	shalt  }
0x58: {  	_ =	shalt  }
0x59: {  	_ =	shalt  }
0x5a: {  	_ =	shalt  }
0x5b: {  	_ =	shalt  }
0x5c: {  	_ =	shalt  }
0x5d: {  	_ =	shalt  }
0x5e: {  	_ =	shalt  }
0x5f: {  	_ =	shalt  }
0x60: {  	_ =	shalt  }
0x61: {  	_ =	shalt  }
0x62: {  	_ =	shalt  }
0x63: {  	_ =	shalt  }
0x64: {  	_ =	shalt  }
0x65: {  	_ =	shalt  }
0x66: {  	_ =	shalt  }
0x67: {  	_ =	shalt  }
0x68: {  	_ =	shalt  }
0x69: {  	_ =	shalt  }
0x6a: {  	_ =	shalt  }
0x6b: {  	_ =	shalt  }
0x6c: {  	_ =	shalt  }
0x6d: {  	_ =	shalt  }
0x6e: {  	_ =	shalt  }
0x6f: {  	_ =	shalt  }
0x70: {  	_ =	shalt  }
0x71: {  	_ =	shalt  }
0x72: {  	_ =	shalt  }
0x73: {  	_ =	shalt  }
0x74: {  	_ =	shalt  }
0x75: {  	_ =	shalt  }
0x76: {  	_ =	shalt  }
0x77: {  	_ =	shalt  }
0x78: {  	_ =	shalt  }
0x79: {  	_ =	shalt  }
0x7a: {  	_ =	shalt  }
0x7b: {  	_ =	shalt  }
0x7c: {  	_ =	shalt  }
0x7d: {  	_ =	shalt  }
0x7e: {  	_ =	shalt  }
0x7f: {  	_ =	shalt  }
0x80: {  	_ =	shalt  }
0x81: {  	_ =	shalt  }
0x82: {  	_ =	shalt  }
0x83: {  	_ =	shalt  }
0x84: {  	_ =	shalt  }
0x85: {  	_ =	shalt  }
0x86: {  	_ =	shalt  }
0x87: {  	_ =	shalt  }
.Lfunc_end0:
.L_simem_size_0:
called_computation_lowered:
.L_overlay_start_0:
0x88: {  	s2 =	sld [smem:$0x3FD9]  }
0x89: {  	s3 =	sld [smem:$0x3FFE];
	_ =	sdelay $0x1  }
0x8a: {  	s1 =	srdreg.scid  }
0x8b: {  	s0 =	sand.u32 $0x1, s1  }
0x8c: {  	s17 =	sshll.u32 s0, $0xA;
	s2 =	sadd.s32 s3, s2  }
0x8d: {  	s2 =	sadd.s32 s2, s17  }
0x8e: {  	[smem:$0x3FC6] =	sst s2  }
0x8f: {  	_ = 	snop  }
0x90: {  	s2 =	sld [smem:$0x3FC8]  }
0x91: {  	s18 =	sld [smem:$0x3FD0];
	(tm) =	ssettm $0x1  }
0x92: {  	s4 =	sld [smem:$0x3FFB];
	_ =	sdelay $0x3  }
0x93: {  	_ =	strace s4  }
0x94: {  	s4 =	sld [smem:$0x3FFC];
	_ =	sdelay $0x3  }
0x95: {  	_ =	strace s4  }
0x96: {  	s4 =	sld [smem:$0x3FFD];
	_ =	sdelay $0x3  }
0x97: {  	_ =	strace s4  }
0x98: {  	_ =	strace $0x8FFFFFFF  }
0x99: {  	s19 =	sld [smem:$0x3FDB];
	_ =	sdelay $0x1  }
0x9a: {  	s5 =	simm.s32 $_scs_section_size  }
0x9b: {  	s6 =	simm.s32 $_size__tile_overlayer_lowered;
	s7 =	simm.s32 $_tile_overlayer_lowered  }
0x9c: {  	s22 =	simm.s32 $0x1BFF;
	s21 =	sshll.u32 s7, $0x1;
	s4 =	sadd.s32 s5, s19  }
0x9d: {  	s8 =	simm.s32 $0x0;
	s20 =	sshll.u32 s6, $0x1;
	s6 =	sadd.s32 s21, s4  }
0x9e: {  	[timem:s8], [sflag:s22] =	dma.local [hbm:s6], s20  }
0x9f: {  	_ =	swait.ge [sflag:s22], s20  }
0xa0: {  	s5 =	ssub.s32 $0x0, s20;
	[sflag:s22] =	ssyncset.done $0x0  }
0xa1: {  	[sflag:s22] =	ssyncadd.s32 s5;
	_ =	sdelay $0x1  }
0xa2: {  	s23 =	simm.s32 $0x1B8B  }
0xa3: {  	_ =	swait.ge [sflag:s23], $0x1  }
0xa4: {  	[sflag:s23] =	ssyncset.done $0x0  }
0xa5: {  	s25 =	simm.s32 $0x1B8E;
	s24 =	sld [smem:$0x3FFE];
	[sflag:s23] =	ssyncadd.s32 $0xFFFFFFFF  }
0xa6: {  	s26 =	simm.s32 $execute0_lowered;
	[smem:$0x3FD2] =	sst s25  }
0xa7: {  	s6 =	sshll.u32 s26, $0x1;
	_ =	strace $0x80000046;
	[dreg:$0x1] =	wrdreg $0xFFFFFFFF  }
0xa8: {  	s28 =	simm.s32 $_size_execute0_lowered;
	s4 =	sadd.s32 s4, s6;
	[dreg:$0x0] =	wrdreg $0x0  }
0xa9: {  	s6 =	sshll.u32 s28, $0x1;
	[dreg:$0x2] =	wrdreg s4  }
0xaa: {  	[dreg:$0x3] =	wrdreg s6  }
0xab: {  	[dreg:$0x4] =	wrdreg $0xC0  }
0xac: {  	_ =	task [dreg:s8], $0x5FFFF  }
0xad: {  	[dreg:$0x1] =	wrdreg $0xFFFFFFFF  }
0xae: {  	[dreg:$0x0] =	wrdreg $0x60  }
0xaf: {  	[dreg:$0x2] =	wrdreg s2  }
0xb0: {  	[dreg:$0x3] =	wrdreg s24  }
0xb1: {  	[dreg:$0x4] =	wrdreg s18  }
0xb2: {  	[dreg:$0x5] =	wrdreg $0x9  }
0xb3: {  	_ =	task.clear_ibuf [dreg:s8], $0x6FFFF;
	_ =	strace $0x90000046  }
0xb4: {  	s29 =	simm.s32 $0x9;
	_ =	strace $0x80000048  }
0xb5: {  	_ =	swait.ge [sflag:s29], $0x1  }
0xb6: {  	[sflag:s29] =	ssyncadd.s32 $0xFFFFFFFF  }
0xb7: {  	_ =	strace $0x90000048  }
0xb8: {  	_ =	sfence  }
0xb9: {  	s30 =	sld [smem:$0x0];
	_ =	sdelay $0x2  }
0xba: {  	s31 =	sshll.u32 s1, $0xD;
	s1 =	sshrl.u32 s1, $0x2  }
0xbb: {  	s3 =	sand.u32 $0x4000, s31;
	s1 =	sadd.s32 s1, s30  }
0xbc: {  	s0 =	sor.u32 s3, s0;
	s1 =	sshll.u32 s1, $0x11  }
0xbd: {  	s0 =	sor.u32 s1, s0  }
0xbe: {  	s0 =	sadd.s32 $0x8F2B, s0  }
0xbf: {  	[sflag:s0] =	ssyncadd.remote.s32 $0x1  }
0xc0: {  	_ =	sfence.sel $0xFFFF  }
0xc1: {  	[dreg:$0x0] =	wrdreg $0xFFFFFFFF;
	(pc) =	sbr.abs _section_cstart, $3  }
0xc2: {  	[dreg:$0x1] =	wrdreg $0xFFFFFFFF  }
0xc3: {  	_ =	task.clear_ibuf [dreg:s8], $0x2FFFF;
	_ =	strace $0x9FFFFFFF  }
0xc4: {  	(tm) =	ssettm $0x7FFFFFFF  }
0xc5: {  	_ =	shalt  }
tec
execute0_lowered:
.L_overlay_start_1:
0x0: {  	(tag) =	ssettag $0x1  }
0x1: {  	s1 =	rddreg [dreg:$0x0]  }
0x2: {  	s0 =	srdreg.scid;
	s8 =	rddreg [dreg:$0x1]  }
0x3: {  	s2 =	stileid.u32;
	s4 =	rddreg [dreg:$0x2];
	s5 =	simm.s32 $0x0  }
0x4: {  	s15 =	simm.s32 $0xA;
	s16 =	simm.s32 $0x68;
	s17 =	simm.s32 $0x1900  }
0x5: {  	s18 =	simm.s32 $0x60;
	s19 =	simm.s32 $0x4D00;
	s21 =	simm.s32 $0x7D00  }
0x6: {  	s29 =	simm.s32 $0xE100;
	s0 =	sand.u32 $0x1, s0;
	s2 =	sshll.u32 s2, $0x1  }
0x7: {  	s31 =	simm.s32 $0x11500;
	s20 =	simm.s32 $0x7;
	s2 =	sor.u32 s0, s2  }
0x8: {  	s28 =	simm.s32 $0x3;
	s30 =	simm.s32 $0x6;
	s6 =	smul.u32 $0x1900, s2  }
0x9: {  	[smem:$0x7FF] =	sst s5;
	s0 =	ssub.s32 $0x2, s0;
	s3 =	smul.u32 $0x19000, s2  }
0xa: {  	_ =	strace $0x80000047;
	s2 =	smul.u32 $0xC8000, s2;
	s22 =	sshrl.u32 s0, $0x1  }
0xb: {  	s0 =	ssub.s32 s0, s22;
	s22 =	simm.s32 $0x8;
	s7 =	sshrl.u32 s6, $0x3  }
0xc: {  	s2 =	sshrl.u32 s2, $0x3;
	s0 =	smax.u32 s0, $0x1;
	s8 =	sadd.s32 s7, s8  }
0xd: {  	s7 =	sadd.s32 s4, s3;
	[dreg:$0x9] =	wrdreg s0;
	s23 =	sadd.s32 $0xE00, s8  }
0xe: {  	s2 =	sadd.s32 s4, s2;
	s24 =	sadd.s32 $0xC80, s7;
	[dreg:$0x4] =	wrdreg s23  }
0xf: {  	s11 =	sor.u32 $0xC8, s6;
	s25 =	sadd.s32 $0x1900, s2;
	[dreg:$0x5] =	wrdreg s24  }
0x10: {  	s0 =	simm.s32 $0x5;
	s26 =	sadd.s32 $0x17700, s2;
	[dreg:$0x6] =	wrdreg s25  }
0x11: {  	s3 =	simm.s32 $0x0;
	s2 =	sadd.s32 $0x18380, s2;
	[dreg:$0x7] =	wrdreg s26  }
0x12: {  	[dreg:$0x8] =	wrdreg s2;
	s23 =	simm.s32 $0xB100;
	s25 =	simm.s32 $0x1  }
0x13: {  	s26 =	simm.s32 $0x4;
	s2 =	simm.s32 $0x2;
	s24 =	simm.s32 $0x9  }
.LBB2_1:
0x14: {  	s8 =	rddreg [dreg:$0x4]  }
0x15: {  	[tilespmem:s5], [sflag:$0xA] =	stream.linear.gather [hbm4b:s8+s5], $0x1900, $0x38;
	[tilespmem:$0x1A900] =	vst v63  }
0x16: {  	_ =	swait.ge [sflag:s15], $0x1900  }
0x17: {  	[sflag:s15] =	ssyncset.done $0x0  }
0x18: {  	[sflag:s15] =	ssyncadd.s32 $0xFFFFE700  }
0x19: {  	[tilespmem:s17], [sflag:$0x1] =	stream.indirect.gather [hbm4b:s1+s16], $0x80, s5, s16, $0xb8;
	[tilespmem:$0x1A900] =	vst v63  }
0x1a: {  	_ = 	snop  }
0x1b: {  	[tilespmem:s19], [sflag:$0x4] =	stream.indirect.gather [hbm4b:s1+s18], $0x80, s16, s18, $0xb8;
	[tilespmem:$0x1A900] =	vst v63  }
0x1c: {  	s12 =	simm.s32 $0xC8  }
0x1d: {  	[tilespmem:s21], [sflag:$0x2] =	stream.indirect.gather [hbm4b:s1+s16], $0x80, s12, s16, $0xb8;
	[tilespmem:$0x1A900] =	vst v63  }
0x1e: {  	s13 =	simm.s32 $0x130  }
0x1f: {  	[tilespmem:s23], [sflag:$0x5] =	stream.indirect.gather [hbm4b:s1+s18], $0x80, s13, s18, $0xb8;
	[tilespmem:$0x1A900] =	vst v63  }
0x20: {  	s9 =	simm.s32 $0x14500;
	s14 =	rddreg [dreg:$0x1]  }
0x21: {  	[tilespmem:s9], [sflag:$0xA] =	stream.linear.gather [hbm4b:s14+s5], $0x6400, $0x38;
	[tilespmem:$0x1A900] =	vst v63  }
0x22: {  	_ =	swait.ge [sflag:s15], $0x6400  }
0x23: {  	[sflag:s15] =	ssyncset.done $0x0  }
0x24: {  	[sflag:s15] =	ssyncadd.s32 $0xFFFF9C00  }
0x25: {  	_ =	swait.ge [sflag:s25], $0x3400  }
0x26: {  	[sflag:s25] =	ssyncset.done $0x0  }
0x27: {  	[sflag:s25] =	ssyncadd.s32 $0xFFFFCC00  }
0x28: {  	_ =	swait.ge [sflag:s26], $0x3000  }
0x29: {  	[sflag:s26] =	ssyncset.done $0x0  }
0x2a: {  	s8 =	simm.s32 $0x0;
	[sflag:s26] =	ssyncadd.s32 $0xFFFFD000  }
0x2b: {  	v0 =	vld [tilespmem:s8+$0x146F0]  }
0x2c: {  	v1 =	vld [tilespmem:s8+$0x14500]  }
0x2d: {  	v2 =	vld [tilespmem:s8+$0x14510]  }
0x2e: {  	v3 =	vld [tilespmem:s8+$0x14520]  }
0x2f: {  	v4 =	vld [tilespmem:s8+$0x14530]  }
0x30: {  	v5 =	vld [tilespmem:s8+$0x14540]  }
0x31: {  	v6 =	vld [tilespmem:s8+$0x14550]  }
0x32: {  	v7 =	vld [tilespmem:s8+$0x14560]  }
0x33: {  	v8 =	vld [tilespmem:s8+$0x14570]  }
0x34: {  	v9 =	vld [tilespmem:s8+$0x14580]  }
0x35: {  	v10 =	vld [tilespmem:s8+$0x14590]  }
0x36: {  	v11 =	vld [tilespmem:s8+$0x145A0]  }
0x37: {  	v12 =	vld [tilespmem:s8+$0x145B0]  }
0x38: {  	v13 =	vld [tilespmem:s8+$0x145C0]  }
0x39: {  	v14 =	vld [tilespmem:s8+$0x145D0]  }
0x3a: {  	v15 =	vld [tilespmem:s8+$0x145E0]  }
0x3b: {  	v16 =	vld [tilespmem:s8+$0x145F0]  }
0x3c: {  	v17 =	vld [tilespmem:s8+$0x14600]  }
0x3d: {  	v18 =	vld [tilespmem:s8+$0x14610]  }
0x3e: {  	v19 =	vld [tilespmem:s8+$0x14620]  }
0x3f: {  	v20 =	vld [tilespmem:s8+$0x14630]  }
0x40: {  	v21 =	vld [tilespmem:s8+$0x14640]  }
0x41: {  	v22 =	vld [tilespmem:s8+$0x14650]  }
0x42: {  	v23 =	vld [tilespmem:s8+$0x14660]  }
0x43: {  	v24 =	vld [tilespmem:s8+$0x14670]  }
0x44: {  	v25 =	vld [tilespmem:s8+$0x14680]  }
0x45: {  	v26 =	vld [tilespmem:s8+$0x14690]  }
0x46: {  	v27 =	vld [tilespmem:s8+$0x146A0]  }
0x47: {  	v28 =	vld [tilespmem:s8+$0x146B0]  }
0x48: {  	v29 =	vld [tilespmem:s8+$0x146C0]  }
0x49: {  	v30 =	vld [tilespmem:s8+$0x146D0]  }
0x4a: {  	[tilespmem:s8+$0x1AF0] =	vst.add.f32.msk $0xffff, v0  }
0x4b: {  	v0 =	vld [tilespmem:s8+$0x146E0]  }
0x4c: {  	[tilespmem:s8+$0x1900] =	vst.add.f32.msk $0xffff, v1  }
0x4d: {  	[tilespmem:s8+$0x1910] =	vst.add.f32.msk $0xffff, v2  }
0x4e: {  	[tilespmem:s8+$0x1920] =	vst.add.f32.msk $0xffff, v3  }
0x4f: {  	[tilespmem:s8+$0x1930] =	vst.add.f32.msk $0xffff, v4  }
0x50: {  	[tilespmem:s8+$0x1940] =	vst.add.f32.msk $0xffff, v5  }
0x51: {  	[tilespmem:s8+$0x1950] =	vst.add.f32.msk $0xffff, v6  }
0x52: {  	[tilespmem:s8+$0x1960] =	vst.add.f32.msk $0xffff, v7  }
0x53: {  	[tilespmem:s8+$0x1970] =	vst.add.f32.msk $0xffff, v8  }
0x54: {  	[tilespmem:s8+$0x1980] =	vst.add.f32.msk $0xffff, v9  }
0x55: {  	[tilespmem:s8+$0x1990] =	vst.add.f32.msk $0xffff, v10  }
0x56: {  	[tilespmem:s8+$0x19A0] =	vst.add.f32.msk $0xffff, v11  }
0x57: {  	[tilespmem:s8+$0x19B0] =	vst.add.f32.msk $0xffff, v12  }
0x58: {  	[tilespmem:s8+$0x19C0] =	vst.add.f32.msk $0xffff, v13  }
0x59: {  	[tilespmem:s8+$0x19D0] =	vst.add.f32.msk $0xffff, v14  }
0x5a: {  	[tilespmem:s8+$0x19E0] =	vst.add.f32.msk $0xffff, v15  }
0x5b: {  	[tilespmem:s8+$0x19F0] =	vst.add.f32.msk $0xffff, v16  }
0x5c: {  	[tilespmem:s8+$0x1A00] =	vst.add.f32.msk $0xffff, v17  }
0x5d: {  	[tilespmem:s8+$0x1A10] =	vst.add.f32.msk $0xffff, v18  }
0x5e: {  	[tilespmem:s8+$0x1A20] =	vst.add.f32.msk $0xffff, v19  }
0x5f: {  	[tilespmem:s8+$0x1A30] =	vst.add.f32.msk $0xffff, v20  }
0x60: {  	[tilespmem:s8+$0x1A40] =	vst.add.f32.msk $0xffff, v21  }
0x61: {  	[tilespmem:s8+$0x1A50] =	vst.add.f32.msk $0xffff, v22  }
0x62: {  	[tilespmem:s8+$0x1A60] =	vst.add.f32.msk $0xffff, v23  }
0x63: {  	[tilespmem:s8+$0x1A70] =	vst.add.f32.msk $0xffff, v24  }
0x64: {  	[tilespmem:s8+$0x1A80] =	vst.add.f32.msk $0xffff, v25  }
0x65: {  	[tilespmem:s8+$0x1A90] =	vst.add.f32.msk $0xffff, v26  }
0x66: {  	[tilespmem:s8+$0x1AA0] =	vst.add.f32.msk $0xffff, v27  }
0x67: {  	[tilespmem:s8+$0x1AB0] =	vst.add.f32.msk $0xffff, v28  }
0x68: {  	[tilespmem:s8+$0x1AC0] =	vst.add.f32.msk $0xffff, v29  }
0x69: {  	s10 =	simm.s32 $0x800;
	s9 =	simm.s32 $0x0;
	[tilespmem:s8+$0x1AD0] =	vst.add.f32.msk $0xffff, v30  }
.LBB2_2:
0x6a: {  	s9 =	sadd.s32 $0x4, s9;
	[tilespmem:s8+$0x1AE0] =	vst.add.f32.msk $0xffff, v0;
	s8 =	sshra.s32 s10, $0x2  }
0x6b: {  	v0 =	vld [tilespmem:s8+$0x146F0];
	p0 =	slt.u32 s9, $0xC4  }
0x6c: {  	v1 =	vld [tilespmem:s8+$0x14500]  }
0x6d: {  	v2 =	vld [tilespmem:s8+$0x14510]  }
0x6e: {  	v3 =	vld [tilespmem:s8+$0x14520]  }
0x6f: {  	v4 =	vld [tilespmem:s8+$0x14530]  }
0x70: {  	[tilespmem:s8+$0x1AF0] =	vst.add.f32.msk $0xffff, v0  }
0x71: {  	v5 =	vld [tilespmem:s8+$0x14540]  }
0x72: {  	v6 =	vld [tilespmem:s8+$0x14550]  }
0x73: {  	v7 =	vld [tilespmem:s8+$0x14560]  }
0x74: {  	v8 =	vld [tilespmem:s8+$0x14570]  }
0x75: {  	v9 =	vld [tilespmem:s8+$0x14580]  }
0x76: {  	v10 =	vld [tilespmem:s8+$0x14590]  }
0x77: {  	v11 =	vld [tilespmem:s8+$0x145A0]  }
0x78: {  	v12 =	vld [tilespmem:s8+$0x145B0]  }
0x79: {  	v13 =	vld [tilespmem:s8+$0x145C0]  }
0x7a: {  	v14 =	vld [tilespmem:s8+$0x145D0]  }
0x7b: {  	v15 =	vld [tilespmem:s8+$0x145E0]  }
0x7c: {  	v16 =	vld [tilespmem:s8+$0x145F0]  }
0x7d: {  	v17 =	vld [tilespmem:s8+$0x14600]  }
0x7e: {  	v18 =	vld [tilespmem:s8+$0x14610]  }
0x7f: {  	v19 =	vld [tilespmem:s8+$0x14620]  }
0x80: {  	v20 =	vld [tilespmem:s8+$0x14630]  }
0x81: {  	v21 =	vld [tilespmem:s8+$0x14640]  }
0x82: {  	v22 =	vld [tilespmem:s8+$0x14650]  }
0x83: {  	v23 =	vld [tilespmem:s8+$0x14660]  }
0x84: {  	v24 =	vld [tilespmem:s8+$0x14670]  }
0x85: {  	v25 =	vld [tilespmem:s8+$0x14680]  }
0x86: {  	v26 =	vld [tilespmem:s8+$0x14690]  }
0x87: {  	v27 =	vld [tilespmem:s8+$0x146A0]  }
0x88: {  	v28 =	vld [tilespmem:s8+$0x146B0]  }
0x89: {  	v29 =	vld [tilespmem:s8+$0x146C0]  }
0x8a: {  	v30 =	vld [tilespmem:s8+$0x146D0]  }
0x8b: {  	v0 =	vld [tilespmem:s8+$0x146E0]  }
0x8c: {  	[tilespmem:s8+$0x1900] =	vst.add.f32.msk $0xffff, v1  }
0x8d: {  	[tilespmem:s8+$0x1910] =	vst.add.f32.msk $0xffff, v2  }
0x8e: {  	[tilespmem:s8+$0x1920] =	vst.add.f32.msk $0xffff, v3  }
0x8f: {  	[tilespmem:s8+$0x1930] =	vst.add.f32.msk $0xffff, v4  }
0x90: {  	[tilespmem:s8+$0x1940] =	vst.add.f32.msk $0xffff, v5  }
0x91: {  	[tilespmem:s8+$0x1950] =	vst.add.f32.msk $0xffff, v6  }
0x92: {  	[tilespmem:s8+$0x1960] =	vst.add.f32.msk $0xffff, v7  }
0x93: {  	[tilespmem:s8+$0x1970] =	vst.add.f32.msk $0xffff, v8  }
0x94: {  	[tilespmem:s8+$0x1980] =	vst.add.f32.msk $0xffff, v9  }
0x95: {  	[tilespmem:s8+$0x1990] =	vst.add.f32.msk $0xffff, v10  }
0x96: {  	[tilespmem:s8+$0x19A0] =	vst.add.f32.msk $0xffff, v11  }
0x97: {  	[tilespmem:s8+$0x19B0] =	vst.add.f32.msk $0xffff, v12  }
0x98: {  	[tilespmem:s8+$0x19C0] =	vst.add.f32.msk $0xffff, v13  }
0x99: {  	[tilespmem:s8+$0x19D0] =	vst.add.f32.msk $0xffff, v14  }
0x9a: {  	[tilespmem:s8+$0x19E0] =	vst.add.f32.msk $0xffff, v15  }
0x9b: {  	[tilespmem:s8+$0x19F0] =	vst.add.f32.msk $0xffff, v16  }
0x9c: {  	[tilespmem:s8+$0x1A00] =	vst.add.f32.msk $0xffff, v17  }
0x9d: {  	[tilespmem:s8+$0x1A10] =	vst.add.f32.msk $0xffff, v18  }
0x9e: {  	[tilespmem:s8+$0x1A20] =	vst.add.f32.msk $0xffff, v19  }
0x9f: {  	[tilespmem:s8+$0x1A30] =	vst.add.f32.msk $0xffff, v20  }
0xa0: {  	[tilespmem:s8+$0x1A40] =	vst.add.f32.msk $0xffff, v21  }
0xa1: {  	[tilespmem:s8+$0x1A50] =	vst.add.f32.msk $0xffff, v22  }
0xa2: {  	[tilespmem:s8+$0x1A60] =	vst.add.f32.msk $0xffff, v23  }
0xa3: {  	[tilespmem:s8+$0x1A70] =	vst.add.f32.msk $0xffff, v24  }
0xa4: {  	[tilespmem:s8+$0x1A80] =	vst.add.f32.msk $0xffff, v25  }
.Ltmp0:
0xa5: {  	[tilespmem:s8+$0x1A90] =	vst.add.f32.msk $0xffff, v26;
	(pc) =	sbr.rel @p0 .LBB2_2-.Ltmp0, $4  }
0xa6: {  	[tilespmem:s8+$0x1AA0] =	vst.add.f32.msk $0xffff, v27  }
0xa7: {  	[tilespmem:s8+$0x1AB0] =	vst.add.f32.msk $0xffff, v28  }
0xa8: {  	[tilespmem:s8+$0x1AC0] =	vst.add.f32.msk $0xffff, v29  }
0xa9: {  	s10 =	sadd.s32 $0x800, s10;
	[tilespmem:s8+$0x1AD0] =	vst.add.f32.msk $0xffff, v30  }
0xaa: {  	[tilespmem:s8+$0x1AE0] =	vst.add.f32.msk $0xffff, v0;
	s12 =	simm.s32 $0x0  }
0xab: {  	[hbm4b:s7+s12] =	stream.linear.scatter [tilespmem:s17], [sflag:$0x7], $0x6400, $0x38;
	[tilespmem:$0x1A900] =	vst v63  }
0xac: {  	s13 =	simm.s32 $0x190  }
0xad: {  	[tilespmem:s29], [sflag:$0x3] =	stream.indirect.gather [hbm4b:s1+s16], $0x80, s13, s16, $0xb8;
	[tilespmem:$0x1A900] =	vst v63  }
0xae: {  	s14 =	simm.s32 $0x1F8  }
0xaf: {  	[tilespmem:s31], [sflag:$0x6] =	stream.indirect.gather [hbm4b:s1+s18], $0x80, s14, s18, $0xb8;
	[tilespmem:$0x1A900] =	vst v63  }
0xb0: {  	_ =	swait.ge [sflag:s2], $0x3400  }
0xb1: {  	[sflag:s2] =	ssyncset.done $0x0  }
0xb2: {  	[sflag:s2] =	ssyncadd.s32 $0xFFFFCC00  }
0xb3: {  	_ =	swait.ge [sflag:s0], $0x3000  }
0xb4: {  	[sflag:s0] =	ssyncset.done $0x0  }
0xb5: {  	s8 =	simm.s32 $0x0;
	[sflag:s0] =	ssyncadd.s32 $0xFFFFD000  }
0xb6: {  	v0 =	vld [tilespmem:s8+$0x146F0]  }
0xb7: {  	v1 =	vld [tilespmem:s8+$0x14500]  }
0xb8: {  	v2 =	vld [tilespmem:s8+$0x14510]  }
0xb9: {  	v3 =	vld [tilespmem:s8+$0x14520]  }
0xba: {  	v4 =	vld [tilespmem:s8+$0x14530]  }
0xbb: {  	v5 =	vld [tilespmem:s8+$0x14540]  }
0xbc: {  	v6 =	vld [tilespmem:s8+$0x14550]  }
0xbd: {  	v7 =	vld [tilespmem:s8+$0x14560]  }
0xbe: {  	v8 =	vld [tilespmem:s8+$0x14570]  }
0xbf: {  	v9 =	vld [tilespmem:s8+$0x14580]  }
0xc0: {  	v10 =	vld [tilespmem:s8+$0x14590]  }
0xc1: {  	v11 =	vld [tilespmem:s8+$0x145A0]  }
0xc2: {  	v12 =	vld [tilespmem:s8+$0x145B0]  }
0xc3: {  	v13 =	vld [tilespmem:s8+$0x145C0]  }
0xc4: {  	v14 =	vld [tilespmem:s8+$0x145D0]  }
0xc5: {  	v15 =	vld [tilespmem:s8+$0x145E0]  }
0xc6: {  	v16 =	vld [tilespmem:s8+$0x145F0]  }
0xc7: {  	v17 =	vld [tilespmem:s8+$0x14600]  }
0xc8: {  	v18 =	vld [tilespmem:s8+$0x14610]  }
0xc9: {  	v19 =	vld [tilespmem:s8+$0x14620]  }
0xca: {  	v20 =	vld [tilespmem:s8+$0x14630]  }
0xcb: {  	v21 =	vld [tilespmem:s8+$0x14640]  }
0xcc: {  	v22 =	vld [tilespmem:s8+$0x14650]  }
0xcd: {  	v23 =	vld [tilespmem:s8+$0x14660]  }
0xce: {  	v24 =	vld [tilespmem:s8+$0x14670]  }
0xcf: {  	v25 =	vld [tilespmem:s8+$0x14680]  }
0xd0: {  	v26 =	vld [tilespmem:s8+$0x14690]  }
0xd1: {  	v27 =	vld [tilespmem:s8+$0x146A0]  }
0xd2: {  	v28 =	vld [tilespmem:s8+$0x146B0]  }
0xd3: {  	v29 =	vld [tilespmem:s8+$0x146C0]  }
0xd4: {  	v30 =	vld [tilespmem:s8+$0x146D0]  }
0xd5: {  	[tilespmem:s8+$0x7EF0] =	vst.add.f32.msk $0xffff, v0  }
0xd6: {  	v0 =	vld [tilespmem:s8+$0x146E0]  }
0xd7: {  	[tilespmem:s8+$0x7D00] =	vst.add.f32.msk $0xffff, v1  }
0xd8: {  	[tilespmem:s8+$0x7D10] =	vst.add.f32.msk $0xffff, v2  }
0xd9: {  	[tilespmem:s8+$0x7D20] =	vst.add.f32.msk $0xffff, v3  }
0xda: {  	[tilespmem:s8+$0x7D30] =	vst.add.f32.msk $0xffff, v4  }
0xdb: {  	[tilespmem:s8+$0x7D40] =	vst.add.f32.msk $0xffff, v5  }
0xdc: {  	[tilespmem:s8+$0x7D50] =	vst.add.f32.msk $0xffff, v6  }
0xdd: {  	[tilespmem:s8+$0x7D60] =	vst.add.f32.msk $0xffff, v7  }
0xde: {  	[tilespmem:s8+$0x7D70] =	vst.add.f32.msk $0xffff, v8  }
0xdf: {  	[tilespmem:s8+$0x7D80] =	vst.add.f32.msk $0xffff, v9  }
0xe0: {  	[tilespmem:s8+$0x7D90] =	vst.add.f32.msk $0xffff, v10  }
0xe1: {  	[tilespmem:s8+$0x7DA0] =	vst.add.f32.msk $0xffff, v11  }
0xe2: {  	[tilespmem:s8+$0x7DB0] =	vst.add.f32.msk $0xffff, v12  }
0xe3: {  	[tilespmem:s8+$0x7DC0] =	vst.add.f32.msk $0xffff, v13  }
0xe4: {  	[tilespmem:s8+$0x7DD0] =	vst.add.f32.msk $0xffff, v14  }
0xe5: {  	[tilespmem:s8+$0x7DE0] =	vst.add.f32.msk $0xffff, v15  }
0xe6: {  	[tilespmem:s8+$0x7DF0] =	vst.add.f32.msk $0xffff, v16  }
0xe7: {  	[tilespmem:s8+$0x7E00] =	vst.add.f32.msk $0xffff, v17  }
0xe8: {  	[tilespmem:s8+$0x7E10] =	vst.add.f32.msk $0xffff, v18  }
0xe9: {  	[tilespmem:s8+$0x7E20] =	vst.add.f32.msk $0xffff, v19  }
0xea: {  	[tilespmem:s8+$0x7E30] =	vst.add.f32.msk $0xffff, v20  }
0xeb: {  	[tilespmem:s8+$0x7E40] =	vst.add.f32.msk $0xffff, v21  }
0xec: {  	[tilespmem:s8+$0x7E50] =	vst.add.f32.msk $0xffff, v22  }
0xed: {  	[tilespmem:s8+$0x7E60] =	vst.add.f32.msk $0xffff, v23  }
0xee: {  	[tilespmem:s8+$0x7E70] =	vst.add.f32.msk $0xffff, v24  }
0xef: {  	[tilespmem:s8+$0x7E80] =	vst.add.f32.msk $0xffff, v25  }
0xf0: {  	[tilespmem:s8+$0x7E90] =	vst.add.f32.msk $0xffff, v26  }
0xf1: {  	[tilespmem:s8+$0x7EA0] =	vst.add.f32.msk $0xffff, v27  }
0xf2: {  	[tilespmem:s8+$0x7EB0] =	vst.add.f32.msk $0xffff, v28  }
0xf3: {  	[tilespmem:s8+$0x7EC0] =	vst.add.f32.msk $0xffff, v29  }
0xf4: {  	s9 =	simm.s32 $0x0;
	s10 =	simm.s32 $0x800;
	[tilespmem:s8+$0x7ED0] =	vst.add.f32.msk $0xffff, v30  }
.LBB2_4:
0xf5: {  	s9 =	sadd.s32 $0x4, s9;
	[tilespmem:s8+$0x7EE0] =	vst.add.f32.msk $0xffff, v0;
	s8 =	sshra.s32 s10, $0x2  }
0xf6: {  	v0 =	vld [tilespmem:s8+$0x146F0];
	p0 =	slt.u32 s9, $0xC4  }
0xf7: {  	v1 =	vld [tilespmem:s8+$0x14500]  }
0xf8: {  	v2 =	vld [tilespmem:s8+$0x14510]  }
0xf9: {  	v3 =	vld [tilespmem:s8+$0x14520]  }
0xfa: {  	v4 =	vld [tilespmem:s8+$0x14530]  }
0xfb: {  	[tilespmem:s8+$0x7EF0] =	vst.add.f32.msk $0xffff, v0  }
0xfc: {  	v5 =	vld [tilespmem:s8+$0x14540]  }
0xfd: {  	v6 =	vld [tilespmem:s8+$0x14550]  }
0xfe: {  	v7 =	vld [tilespmem:s8+$0x14560]  }
0xff: {  	v8 =	vld [tilespmem:s8+$0x14570]  }
0x100: {  	v9 =	vld [tilespmem:s8+$0x14580]  }
0x101: {  	v10 =	vld [tilespmem:s8+$0x14590]  }
0x102: {  	v11 =	vld [tilespmem:s8+$0x145A0]  }
0x103: {  	v12 =	vld [tilespmem:s8+$0x145B0]  }
0x104: {  	v13 =	vld [tilespmem:s8+$0x145C0]  }
0x105: {  	v14 =	vld [tilespmem:s8+$0x145D0]  }
0x106: {  	v15 =	vld [tilespmem:s8+$0x145E0]  }
0x107: {  	v16 =	vld [tilespmem:s8+$0x145F0]  }
0x108: {  	v17 =	vld [tilespmem:s8+$0x14600]  }
0x109: {  	v18 =	vld [tilespmem:s8+$0x14610]  }
0x10a: {  	v19 =	vld [tilespmem:s8+$0x14620]  }
0x10b: {  	v20 =	vld [tilespmem:s8+$0x14630]  }
0x10c: {  	v21 =	vld [tilespmem:s8+$0x14640]  }
0x10d: {  	v22 =	vld [tilespmem:s8+$0x14650]  }
0x10e: {  	v23 =	vld [tilespmem:s8+$0x14660]  }
0x10f: {  	v24 =	vld [tilespmem:s8+$0x14670]  }
0x110: {  	v25 =	vld [tilespmem:s8+$0x14680]  }
0x111: {  	v26 =	vld [tilespmem:s8+$0x14690]  }
0x112: {  	v27 =	vld [tilespmem:s8+$0x146A0]  }
0x113: {  	v28 =	vld [tilespmem:s8+$0x146B0]  }
0x114: {  	v29 =	vld [tilespmem:s8+$0x146C0]  }
0x115: {  	v30 =	vld [tilespmem:s8+$0x146D0]  }
0x116: {  	v0 =	vld [tilespmem:s8+$0x146E0]  }
0x117: {  	[tilespmem:s8+$0x7D00] =	vst.add.f32.msk $0xffff, v1  }
0x118: {  	[tilespmem:s8+$0x7D10] =	vst.add.f32.msk $0xffff, v2  }
0x119: {  	[tilespmem:s8+$0x7D20] =	vst.add.f32.msk $0xffff, v3  }
0x11a: {  	[tilespmem:s8+$0x7D30] =	vst.add.f32.msk $0xffff, v4  }
0x11b: {  	[tilespmem:s8+$0x7D40] =	vst.add.f32.msk $0xffff, v5  }
0x11c: {  	[tilespmem:s8+$0x7D50] =	vst.add.f32.msk $0xffff, v6  }
0x11d: {  	[tilespmem:s8+$0x7D60] =	vst.add.f32.msk $0xffff, v7  }
0x11e: {  	[tilespmem:s8+$0x7D70] =	vst.add.f32.msk $0xffff, v8  }
0x11f: {  	[tilespmem:s8+$0x7D80] =	vst.add.f32.msk $0xffff, v9  }
0x120: {  	[tilespmem:s8+$0x7D90] =	vst.add.f32.msk $0xffff, v10  }
0x121: {  	[tilespmem:s8+$0x7DA0] =	vst.add.f32.msk $0xffff, v11  }
0x122: {  	[tilespmem:s8+$0x7DB0] =	vst.add.f32.msk $0xffff, v12  }
0x123: {  	[tilespmem:s8+$0x7DC0] =	vst.add.f32.msk $0xffff, v13  }
0x124: {  	[tilespmem:s8+$0x7DD0] =	vst.add.f32.msk $0xffff, v14  }
0x125: {  	[tilespmem:s8+$0x7DE0] =	vst.add.f32.msk $0xffff, v15  }
0x126: {  	[tilespmem:s8+$0x7DF0] =	vst.add.f32.msk $0xffff, v16  }
0x127: {  	[tilespmem:s8+$0x7E00] =	vst.add.f32.msk $0xffff, v17  }
0x128: {  	[tilespmem:s8+$0x7E10] =	vst.add.f32.msk $0xffff, v18  }
0x129: {  	[tilespmem:s8+$0x7E20] =	vst.add.f32.msk $0xffff, v19  }
0x12a: {  	[tilespmem:s8+$0x7E30] =	vst.add.f32.msk $0xffff, v20  }
0x12b: {  	[tilespmem:s8+$0x7E40] =	vst.add.f32.msk $0xffff, v21  }
0x12c: {  	[tilespmem:s8+$0x7E50] =	vst.add.f32.msk $0xffff, v22  }
0x12d: {  	[tilespmem:s8+$0x7E60] =	vst.add.f32.msk $0xffff, v23  }
0x12e: {  	[tilespmem:s8+$0x7E70] =	vst.add.f32.msk $0xffff, v24  }
0x12f: {  	[tilespmem:s8+$0x7E80] =	vst.add.f32.msk $0xffff, v25  }
.Ltmp1:
0x130: {  	[tilespmem:s8+$0x7E90] =	vst.add.f32.msk $0xffff, v26;
	(pc) =	sbr.rel @p0 .LBB2_4-.Ltmp1, $4  }
0x131: {  	[tilespmem:s8+$0x7EA0] =	vst.add.f32.msk $0xffff, v27  }
0x132: {  	[tilespmem:s8+$0x7EB0] =	vst.add.f32.msk $0xffff, v28  }
0x133: {  	[tilespmem:s8+$0x7EC0] =	vst.add.f32.msk $0xffff, v29  }
0x134: {  	s10 =	sadd.s32 $0x800, s10;
	[tilespmem:s8+$0x7ED0] =	vst.add.f32.msk $0xffff, v30  }
0x135: {  	[tilespmem:s8+$0x7EE0] =	vst.add.f32.msk $0xffff, v0  }
0x136: {  	s12 =	simm.s32 $0x0;
	s9 =	rddreg [dreg:$0x5]  }
0x137: {  	[hbm4b:s9+s12] =	stream.linear.scatter [tilespmem:s21], [sflag:$0x8], $0x6400, $0x38;
	[tilespmem:$0x1A900] =	vst v63  }
0x138: {  	_ =	swait.ge [sflag:s20], $0x6400  }
0x139: {  	[sflag:s20] =	ssyncset.done $0x0  }
0x13a: {  	s13 =	simm.s32 $0x258;
	[sflag:s20] =	ssyncadd.s32 $0xFFFF9C00  }
0x13b: {  	[tilespmem:s17], [sflag:$0x1] =	stream.indirect.gather [hbm4b:s1+s16], $0x80, s13, s16, $0xb8;
	[tilespmem:$0x1A900] =	vst v63  }
0x13c: {  	s14 =	simm.s32 $0x2C0  }
0x13d: {  	[tilespmem:s19], [sflag:$0x4] =	stream.indirect.gather [hbm4b:s1+s18], $0x80, s14, s18, $0xb8;
	[tilespmem:$0x1A900] =	vst v63  }
0x13e: {  	_ =	swait.ge [sflag:s28], $0x3400  }
0x13f: {  	[sflag:s28] =	ssyncset.done $0x0  }
0x140: {  	[sflag:s28] =	ssyncadd.s32 $0xFFFFCC00  }
0x141: {  	_ =	swait.ge [sflag:s30], $0x3000  }
0x142: {  	[sflag:s30] =	ssyncset.done $0x0  }
0x143: {  	s8 =	simm.s32 $0x0;
	[sflag:s30] =	ssyncadd.s32 $0xFFFFD000  }
0x144: {  	v0 =	vld [tilespmem:s8+$0x146F0]  }
0x145: {  	v1 =	vld [tilespmem:s8+$0x14500]  }
0x146: {  	v2 =	vld [tilespmem:s8+$0x14510]  }
0x147: {  	v3 =	vld [tilespmem:s8+$0x14520]  }
0x148: {  	v4 =	vld [tilespmem:s8+$0x14530]  }
0x149: {  	v5 =	vld [tilespmem:s8+$0x14540]  }
0x14a: {  	v6 =	vld [tilespmem:s8+$0x14550]  }
0x14b: {  	v7 =	vld [tilespmem:s8+$0x14560]  }
0x14c: {  	v8 =	vld [tilespmem:s8+$0x14570]  }
0x14d: {  	v9 =	vld [tilespmem:s8+$0x14580]  }
0x14e: {  	v10 =	vld [tilespmem:s8+$0x14590]  }
0x14f: {  	v11 =	vld [tilespmem:s8+$0x145A0]  }
0x150: {  	v12 =	vld [tilespmem:s8+$0x145B0]  }
0x151: {  	v13 =	vld [tilespmem:s8+$0x145C0]  }
0x152: {  	v14 =	vld [tilespmem:s8+$0x145D0]  }
0x153: {  	v15 =	vld [tilespmem:s8+$0x145E0]  }
0x154: {  	v16 =	vld [tilespmem:s8+$0x145F0]  }
0x155: {  	v17 =	vld [tilespmem:s8+$0x14600]  }
0x156: {  	v18 =	vld [tilespmem:s8+$0x14610]  }
0x157: {  	v19 =	vld [tilespmem:s8+$0x14620]  }
0x158: {  	v20 =	vld [tilespmem:s8+$0x14630]  }
0x159: {  	v21 =	vld [tilespmem:s8+$0x14640]  }
0x15a: {  	v22 =	vld [tilespmem:s8+$0x14650]  }
0x15b: {  	v23 =	vld [tilespmem:s8+$0x14660]  }
0x15c: {  	v24 =	vld [tilespmem:s8+$0x14670]  }
0x15d: {  	v25 =	vld [tilespmem:s8+$0x14680]  }
0x15e: {  	v26 =	vld [tilespmem:s8+$0x14690]  }
0x15f: {  	v27 =	vld [tilespmem:s8+$0x146A0]  }
0x160: {  	v28 =	vld [tilespmem:s8+$0x146B0]  }
0x161: {  	v29 =	vld [tilespmem:s8+$0x146C0]  }
0x162: {  	v30 =	vld [tilespmem:s8+$0x146D0]  }
0x163: {  	[tilespmem:s8+$0xE2F0] =	vst.add.f32.msk $0xffff, v0  }
0x164: {  	v0 =	vld [tilespmem:s8+$0x146E0]  }
0x165: {  	[tilespmem:s8+$0xE100] =	vst.add.f32.msk $0xffff, v1  }
0x166: {  	[tilespmem:s8+$0xE110] =	vst.add.f32.msk $0xffff, v2  }
0x167: {  	[tilespmem:s8+$0xE120] =	vst.add.f32.msk $0xffff, v3  }
0x168: {  	[tilespmem:s8+$0xE130] =	vst.add.f32.msk $0xffff, v4  }
0x169: {  	[tilespmem:s8+$0xE140] =	vst.add.f32.msk $0xffff, v5  }
0x16a: {  	[tilespmem:s8+$0xE150] =	vst.add.f32.msk $0xffff, v6  }
0x16b: {  	[tilespmem:s8+$0xE160] =	vst.add.f32.msk $0xffff, v7  }
0x16c: {  	[tilespmem:s8+$0xE170] =	vst.add.f32.msk $0xffff, v8  }
0x16d: {  	[tilespmem:s8+$0xE180] =	vst.add.f32.msk $0xffff, v9  }
0x16e: {  	[tilespmem:s8+$0xE190] =	vst.add.f32.msk $0xffff, v10  }
0x16f: {  	[tilespmem:s8+$0xE1A0] =	vst.add.f32.msk $0xffff, v11  }
0x170: {  	[tilespmem:s8+$0xE1B0] =	vst.add.f32.msk $0xffff, v12  }
0x171: {  	[tilespmem:s8+$0xE1C0] =	vst.add.f32.msk $0xffff, v13  }
0x172: {  	[tilespmem:s8+$0xE1D0] =	vst.add.f32.msk $0xffff, v14  }
0x173: {  	[tilespmem:s8+$0xE1E0] =	vst.add.f32.msk $0xffff, v15  }
0x174: {  	[tilespmem:s8+$0xE1F0] =	vst.add.f32.msk $0xffff, v16  }
0x175: {  	[tilespmem:s8+$0xE200] =	vst.add.f32.msk $0xffff, v17  }
0x176: {  	[tilespmem:s8+$0xE210] =	vst.add.f32.msk $0xffff, v18  }
0x177: {  	[tilespmem:s8+$0xE220] =	vst.add.f32.msk $0xffff, v19  }
0x178: {  	[tilespmem:s8+$0xE230] =	vst.add.f32.msk $0xffff, v20  }
0x179: {  	[tilespmem:s8+$0xE240] =	vst.add.f32.msk $0xffff, v21  }
0x17a: {  	[tilespmem:s8+$0xE250] =	vst.add.f32.msk $0xffff, v22  }
0x17b: {  	[tilespmem:s8+$0xE260] =	vst.add.f32.msk $0xffff, v23  }
0x17c: {  	[tilespmem:s8+$0xE270] =	vst.add.f32.msk $0xffff, v24  }
0x17d: {  	[tilespmem:s8+$0xE280] =	vst.add.f32.msk $0xffff, v25  }
0x17e: {  	[tilespmem:s8+$0xE290] =	vst.add.f32.msk $0xffff, v26  }
0x17f: {  	[tilespmem:s8+$0xE2A0] =	vst.add.f32.msk $0xffff, v27  }
0x180: {  	[tilespmem:s8+$0xE2B0] =	vst.add.f32.msk $0xffff, v28  }
0x181: {  	[tilespmem:s8+$0xE2C0] =	vst.add.f32.msk $0xffff, v29  }
0x182: {  	s10 =	simm.s32 $0x800;
	s9 =	simm.s32 $0x0;
	[tilespmem:s8+$0xE2D0] =	vst.add.f32.msk $0xffff, v30  }
.LBB2_6:
0x183: {  	s9 =	sadd.s32 $0x4, s9;
	[tilespmem:s8+$0xE2E0] =	vst.add.f32.msk $0xffff, v0;
	s8 =	sshra.s32 s10, $0x2  }
0x184: {  	v0 =	vld [tilespmem:s8+$0x146F0];
	p0 =	slt.u32 s9, $0xC4  }
0x185: {  	v1 =	vld [tilespmem:s8+$0x14500]  }
0x186: {  	v2 =	vld [tilespmem:s8+$0x14510]  }
0x187: {  	v3 =	vld [tilespmem:s8+$0x14520]  }
0x188: {  	v4 =	vld [tilespmem:s8+$0x14530]  }
0x189: {  	[tilespmem:s8+$0xE2F0] =	vst.add.f32.msk $0xffff, v0  }
0x18a: {  	v5 =	vld [tilespmem:s8+$0x14540]  }
0x18b: {  	v6 =	vld [tilespmem:s8+$0x14550]  }
0x18c: {  	v7 =	vld [tilespmem:s8+$0x14560]  }
0x18d: {  	v8 =	vld [tilespmem:s8+$0x14570]  }
0x18e: {  	v9 =	vld [tilespmem:s8+$0x14580]  }
0x18f: {  	v10 =	vld [tilespmem:s8+$0x14590]  }
0x190: {  	v11 =	vld [tilespmem:s8+$0x145A0]  }
0x191: {  	v12 =	vld [tilespmem:s8+$0x145B0]  }
0x192: {  	v13 =	vld [tilespmem:s8+$0x145C0]  }
0x193: {  	v14 =	vld [tilespmem:s8+$0x145D0]  }
0x194: {  	v15 =	vld [tilespmem:s8+$0x145E0]  }
0x195: {  	v16 =	vld [tilespmem:s8+$0x145F0]  }
0x196: {  	v17 =	vld [tilespmem:s8+$0x14600]  }
0x197: {  	v18 =	vld [tilespmem:s8+$0x14610]  }
0x198: {  	v19 =	vld [tilespmem:s8+$0x14620]  }
0x199: {  	v20 =	vld [tilespmem:s8+$0x14630]  }
0x19a: {  	v21 =	vld [tilespmem:s8+$0x14640]  }
0x19b: {  	v22 =	vld [tilespmem:s8+$0x14650]  }
0x19c: {  	v23 =	vld [tilespmem:s8+$0x14660]  }
0x19d: {  	v24 =	vld [tilespmem:s8+$0x14670]  }
0x19e: {  	v25 =	vld [tilespmem:s8+$0x14680]  }
0x19f: {  	v26 =	vld [tilespmem:s8+$0x14690]  }
0x1a0: {  	v27 =	vld [tilespmem:s8+$0x146A0]  }
0x1a1: {  	v28 =	vld [tilespmem:s8+$0x146B0]  }
0x1a2: {  	v29 =	vld [tilespmem:s8+$0x146C0]  }
0x1a3: {  	v30 =	vld [tilespmem:s8+$0x146D0]  }
0x1a4: {  	v0 =	vld [tilespmem:s8+$0x146E0]  }
0x1a5: {  	[tilespmem:s8+$0xE100] =	vst.add.f32.msk $0xffff, v1  }
0x1a6: {  	[tilespmem:s8+$0xE110] =	vst.add.f32.msk $0xffff, v2  }
0x1a7: {  	[tilespmem:s8+$0xE120] =	vst.add.f32.msk $0xffff, v3  }
0x1a8: {  	[tilespmem:s8+$0xE130] =	vst.add.f32.msk $0xffff, v4  }
0x1a9: {  	[tilespmem:s8+$0xE140] =	vst.add.f32.msk $0xffff, v5  }
0x1aa: {  	[tilespmem:s8+$0xE150] =	vst.add.f32.msk $0xffff, v6  }
0x1ab: {  	[tilespmem:s8+$0xE160] =	vst.add.f32.msk $0xffff, v7  }
0x1ac: {  	[tilespmem:s8+$0xE170] =	vst.add.f32.msk $0xffff, v8  }
0x1ad: {  	[tilespmem:s8+$0xE180] =	vst.add.f32.msk $0xffff, v9  }
0x1ae: {  	[tilespmem:s8+$0xE190] =	vst.add.f32.msk $0xffff, v10  }
0x1af: {  	[tilespmem:s8+$0xE1A0] =	vst.add.f32.msk $0xffff, v11  }
0x1b0: {  	[tilespmem:s8+$0xE1B0] =	vst.add.f32.msk $0xffff, v12  }
0x1b1: {  	[tilespmem:s8+$0xE1C0] =	vst.add.f32.msk $0xffff, v13  }
0x1b2: {  	[tilespmem:s8+$0xE1D0] =	vst.add.f32.msk $0xffff, v14  }
0x1b3: {  	[tilespmem:s8+$0xE1E0] =	vst.add.f32.msk $0xffff, v15  }
0x1b4: {  	[tilespmem:s8+$0xE1F0] =	vst.add.f32.msk $0xffff, v16  }
0x1b5: {  	[tilespmem:s8+$0xE200] =	vst.add.f32.msk $0xffff, v17  }
0x1b6: {  	[tilespmem:s8+$0xE210] =	vst.add.f32.msk $0xffff, v18  }
0x1b7: {  	[tilespmem:s8+$0xE220] =	vst.add.f32.msk $0xffff, v19  }
0x1b8: {  	[tilespmem:s8+$0xE230] =	vst.add.f32.msk $0xffff, v20  }
0x1b9: {  	[tilespmem:s8+$0xE240] =	vst.add.f32.msk $0xffff, v21  }
0x1ba: {  	[tilespmem:s8+$0xE250] =	vst.add.f32.msk $0xffff, v22  }
0x1bb: {  	[tilespmem:s8+$0xE260] =	vst.add.f32.msk $0xffff, v23  }
0x1bc: {  	[tilespmem:s8+$0xE270] =	vst.add.f32.msk $0xffff, v24  }
0x1bd: {  	[tilespmem:s8+$0xE280] =	vst.add.f32.msk $0xffff, v25  }
.Ltmp2:
0x1be: {  	[tilespmem:s8+$0xE290] =	vst.add.f32.msk $0xffff, v26;
	(pc) =	sbr.rel @p0 .LBB2_6-.Ltmp2, $4  }
0x1bf: {  	[tilespmem:s8+$0xE2A0] =	vst.add.f32.msk $0xffff, v27  }
0x1c0: {  	[tilespmem:s8+$0xE2B0] =	vst.add.f32.msk $0xffff, v28  }
0x1c1: {  	[tilespmem:s8+$0xE2C0] =	vst.add.f32.msk $0xffff, v29  }
0x1c2: {  	s10 =	sadd.s32 $0x800, s10;
	[tilespmem:s8+$0xE2D0] =	vst.add.f32.msk $0xffff, v30  }
0x1c3: {  	[tilespmem:s8+$0xE2E0] =	vst.add.f32.msk $0xffff, v0  }
0x1c4: {  	s8 =	rddreg [dreg:$0x6]  }
0x1c5: {  	[hbm4b:s8+s5] =	stream.linear.scatter [tilespmem:s29], [sflag:$0x9], $0x6400, $0x38;
	[tilespmem:$0x1A900] =	vst v63  }
0x1c6: {  	_ =	swait.ge [sflag:s22], $0x6400  }
0x1c7: {  	[sflag:s22] =	ssyncset.done $0x0  }
0x1c8: {  	s13 =	simm.s32 $0x320;
	[sflag:s22] =	ssyncadd.s32 $0xFFFF9C00  }
0x1c9: {  	[tilespmem:s21], [sflag:$0x2] =	stream.indirect.gather [hbm4b:s1+s16], $0x80, s13, s16, $0xb8;
	[tilespmem:$0x1A900] =	vst v63  }
0x1ca: {  	s14 =	simm.s32 $0x388;
	s8 =	simm.s32 $0x1  }
0x1cb: {  	[tilespmem:s23], [sflag:$0x5] =	stream.indirect.gather [hbm4b:s1+s18], $0x80, s14, s18, $0xb8;
	[tilespmem:$0x1A900] =	vst v63  }
.LBB2_8:
0x1cc: {  	_ =	swait.ge [sflag:s25], $0x3400  }
0x1cd: {  	[sflag:s25] =	ssyncset.done $0x0  }
0x1ce: {  	[sflag:s25] =	ssyncadd.s32 $0xFFFFCC00  }
0x1cf: {  	_ =	swait.ge [sflag:s26], $0x3000  }
0x1d0: {  	[sflag:s26] =	ssyncset.done $0x0  }
0x1d1: {  	s10 =	simm.s32 $0x0;
	[sflag:s26] =	ssyncadd.s32 $0xFFFFD000  }
0x1d2: {  	v0 =	vld [tilespmem:s10+$0x146F0]  }
0x1d3: {  	v1 =	vld [tilespmem:s10+$0x14500]  }
0x1d4: {  	v2 =	vld [tilespmem:s10+$0x14510]  }
0x1d5: {  	v3 =	vld [tilespmem:s10+$0x14520]  }
0x1d6: {  	v4 =	vld [tilespmem:s10+$0x14530]  }
0x1d7: {  	v5 =	vld [tilespmem:s10+$0x14540]  }
0x1d8: {  	v6 =	vld [tilespmem:s10+$0x14550]  }
0x1d9: {  	v7 =	vld [tilespmem:s10+$0x14560]  }
0x1da: {  	v8 =	vld [tilespmem:s10+$0x14570]  }
0x1db: {  	v9 =	vld [tilespmem:s10+$0x14580]  }
0x1dc: {  	v10 =	vld [tilespmem:s10+$0x14590]  }
0x1dd: {  	v11 =	vld [tilespmem:s10+$0x145A0]  }
0x1de: {  	v12 =	vld [tilespmem:s10+$0x145B0]  }
0x1df: {  	v13 =	vld [tilespmem:s10+$0x145C0]  }
0x1e0: {  	v14 =	vld [tilespmem:s10+$0x145D0]  }
0x1e1: {  	v15 =	vld [tilespmem:s10+$0x145E0]  }
0x1e2: {  	v16 =	vld [tilespmem:s10+$0x145F0]  }
0x1e3: {  	v17 =	vld [tilespmem:s10+$0x14600]  }
0x1e4: {  	v18 =	vld [tilespmem:s10+$0x14610]  }
0x1e5: {  	v19 =	vld [tilespmem:s10+$0x14620]  }
0x1e6: {  	v20 =	vld [tilespmem:s10+$0x14630]  }
0x1e7: {  	v21 =	vld [tilespmem:s10+$0x14640]  }
0x1e8: {  	v22 =	vld [tilespmem:s10+$0x14650]  }
0x1e9: {  	v23 =	vld [tilespmem:s10+$0x14660]  }
0x1ea: {  	v24 =	vld [tilespmem:s10+$0x14670]  }
0x1eb: {  	v25 =	vld [tilespmem:s10+$0x14680]  }
0x1ec: {  	v26 =	vld [tilespmem:s10+$0x14690]  }
0x1ed: {  	v27 =	vld [tilespmem:s10+$0x146A0]  }
0x1ee: {  	v28 =	vld [tilespmem:s10+$0x146B0]  }
0x1ef: {  	v29 =	vld [tilespmem:s10+$0x146C0]  }
0x1f0: {  	v30 =	vld [tilespmem:s10+$0x146D0]  }
0x1f1: {  	[tilespmem:s10+$0x1AF0] =	vst.add.f32.msk $0xffff, v0  }
0x1f2: {  	v0 =	vld [tilespmem:s10+$0x146E0]  }
0x1f3: {  	[tilespmem:s10+$0x1900] =	vst.add.f32.msk $0xffff, v1  }
0x1f4: {  	[tilespmem:s10+$0x1910] =	vst.add.f32.msk $0xffff, v2  }
0x1f5: {  	[tilespmem:s10+$0x1920] =	vst.add.f32.msk $0xffff, v3  }
0x1f6: {  	[tilespmem:s10+$0x1930] =	vst.add.f32.msk $0xffff, v4  }
0x1f7: {  	[tilespmem:s10+$0x1940] =	vst.add.f32.msk $0xffff, v5  }
0x1f8: {  	[tilespmem:s10+$0x1950] =	vst.add.f32.msk $0xffff, v6  }
0x1f9: {  	[tilespmem:s10+$0x1960] =	vst.add.f32.msk $0xffff, v7  }
0x1fa: {  	[tilespmem:s10+$0x1970] =	vst.add.f32.msk $0xffff, v8  }
0x1fb: {  	[tilespmem:s10+$0x1980] =	vst.add.f32.msk $0xffff, v9  }
0x1fc: {  	[tilespmem:s10+$0x1990] =	vst.add.f32.msk $0xffff, v10  }
0x1fd: {  	[tilespmem:s10+$0x19A0] =	vst.add.f32.msk $0xffff, v11  }
0x1fe: {  	[tilespmem:s10+$0x19B0] =	vst.add.f32.msk $0xffff, v12  }
0x1ff: {  	[tilespmem:s10+$0x19C0] =	vst.add.f32.msk $0xffff, v13  }
0x200: {  	[tilespmem:s10+$0x19D0] =	vst.add.f32.msk $0xffff, v14  }
0x201: {  	[tilespmem:s10+$0x19E0] =	vst.add.f32.msk $0xffff, v15  }
0x202: {  	[tilespmem:s10+$0x19F0] =	vst.add.f32.msk $0xffff, v16  }
0x203: {  	[tilespmem:s10+$0x1A00] =	vst.add.f32.msk $0xffff, v17  }
0x204: {  	[tilespmem:s10+$0x1A10] =	vst.add.f32.msk $0xffff, v18  }
0x205: {  	[tilespmem:s10+$0x1A20] =	vst.add.f32.msk $0xffff, v19  }
0x206: {  	[tilespmem:s10+$0x1A30] =	vst.add.f32.msk $0xffff, v20  }
0x207: {  	[tilespmem:s10+$0x1A40] =	vst.add.f32.msk $0xffff, v21  }
0x208: {  	[tilespmem:s10+$0x1A50] =	vst.add.f32.msk $0xffff, v22  }
0x209: {  	[tilespmem:s10+$0x1A60] =	vst.add.f32.msk $0xffff, v23  }
0x20a: {  	[tilespmem:s10+$0x1A70] =	vst.add.f32.msk $0xffff, v24  }
0x20b: {  	[tilespmem:s10+$0x1A80] =	vst.add.f32.msk $0xffff, v25  }
0x20c: {  	[tilespmem:s10+$0x1A90] =	vst.add.f32.msk $0xffff, v26  }
0x20d: {  	[tilespmem:s10+$0x1AA0] =	vst.add.f32.msk $0xffff, v27  }
0x20e: {  	[tilespmem:s10+$0x1AB0] =	vst.add.f32.msk $0xffff, v28  }
0x20f: {  	[tilespmem:s10+$0x1AC0] =	vst.add.f32.msk $0xffff, v29  }
0x210: {  	s9 =	simm.s32 $0x0;
	s12 =	simm.s32 $0x800;
	[tilespmem:s10+$0x1AD0] =	vst.add.f32.msk $0xffff, v30  }
.LBB2_9:
0x211: {  	s9 =	sadd.s32 $0x4, s9;
	[tilespmem:s10+$0x1AE0] =	vst.add.f32.msk $0xffff, v0;
	s10 =	sshra.s32 s12, $0x2  }
0x212: {  	v0 =	vld [tilespmem:s10+$0x146F0];
	p0 =	slt.u32 s9, $0xC4  }
0x213: {  	v1 =	vld [tilespmem:s10+$0x14500]  }
0x214: {  	v2 =	vld [tilespmem:s10+$0x14510]  }
0x215: {  	v3 =	vld [tilespmem:s10+$0x14520]  }
0x216: {  	v4 =	vld [tilespmem:s10+$0x14530]  }
0x217: {  	[tilespmem:s10+$0x1AF0] =	vst.add.f32.msk $0xffff, v0  }
0x218: {  	v5 =	vld [tilespmem:s10+$0x14540]  }
0x219: {  	v6 =	vld [tilespmem:s10+$0x14550]  }
0x21a: {  	v7 =	vld [tilespmem:s10+$0x14560]  }
0x21b: {  	v8 =	vld [tilespmem:s10+$0x14570]  }
0x21c: {  	v9 =	vld [tilespmem:s10+$0x14580]  }
0x21d: {  	v10 =	vld [tilespmem:s10+$0x14590]  }
0x21e: {  	v11 =	vld [tilespmem:s10+$0x145A0]  }
0x21f: {  	v12 =	vld [tilespmem:s10+$0x145B0]  }
0x220: {  	v13 =	vld [tilespmem:s10+$0x145C0]  }
0x221: {  	v14 =	vld [tilespmem:s10+$0x145D0]  }
0x222: {  	v15 =	vld [tilespmem:s10+$0x145E0]  }
0x223: {  	v16 =	vld [tilespmem:s10+$0x145F0]  }
0x224: {  	v17 =	vld [tilespmem:s10+$0x14600]  }
0x225: {  	v18 =	vld [tilespmem:s10+$0x14610]  }
0x226: {  	v19 =	vld [tilespmem:s10+$0x14620]  }
0x227: {  	v20 =	vld [tilespmem:s10+$0x14630]  }
0x228: {  	v21 =	vld [tilespmem:s10+$0x14640]  }
0x229: {  	v22 =	vld [tilespmem:s10+$0x14650]  }
0x22a: {  	v23 =	vld [tilespmem:s10+$0x14660]  }
0x22b: {  	v24 =	vld [tilespmem:s10+$0x14670]  }
0x22c: {  	v25 =	vld [tilespmem:s10+$0x14680]  }
0x22d: {  	v26 =	vld [tilespmem:s10+$0x14690]  }
0x22e: {  	v27 =	vld [tilespmem:s10+$0x146A0]  }
0x22f: {  	v28 =	vld [tilespmem:s10+$0x146B0]  }
0x230: {  	v29 =	vld [tilespmem:s10+$0x146C0]  }
0x231: {  	v30 =	vld [tilespmem:s10+$0x146D0]  }
0x232: {  	v0 =	vld [tilespmem:s10+$0x146E0]  }
0x233: {  	[tilespmem:s10+$0x1900] =	vst.add.f32.msk $0xffff, v1  }
0x234: {  	[tilespmem:s10+$0x1910] =	vst.add.f32.msk $0xffff, v2  }
0x235: {  	[tilespmem:s10+$0x1920] =	vst.add.f32.msk $0xffff, v3  }
0x236: {  	[tilespmem:s10+$0x1930] =	vst.add.f32.msk $0xffff, v4  }
0x237: {  	[tilespmem:s10+$0x1940] =	vst.add.f32.msk $0xffff, v5  }
0x238: {  	[tilespmem:s10+$0x1950] =	vst.add.f32.msk $0xffff, v6  }
0x239: {  	[tilespmem:s10+$0x1960] =	vst.add.f32.msk $0xffff, v7  }
0x23a: {  	[tilespmem:s10+$0x1970] =	vst.add.f32.msk $0xffff, v8  }
0x23b: {  	[tilespmem:s10+$0x1980] =	vst.add.f32.msk $0xffff, v9  }
0x23c: {  	[tilespmem:s10+$0x1990] =	vst.add.f32.msk $0xffff, v10  }
0x23d: {  	[tilespmem:s10+$0x19A0] =	vst.add.f32.msk $0xffff, v11  }
0x23e: {  	[tilespmem:s10+$0x19B0] =	vst.add.f32.msk $0xffff, v12  }
0x23f: {  	[tilespmem:s10+$0x19C0] =	vst.add.f32.msk $0xffff, v13  }
0x240: {  	[tilespmem:s10+$0x19D0] =	vst.add.f32.msk $0xffff, v14  }
0x241: {  	[tilespmem:s10+$0x19E0] =	vst.add.f32.msk $0xffff, v15  }
0x242: {  	[tilespmem:s10+$0x19F0] =	vst.add.f32.msk $0xffff, v16  }
0x243: {  	[tilespmem:s10+$0x1A00] =	vst.add.f32.msk $0xffff, v17  }
0x244: {  	[tilespmem:s10+$0x1A10] =	vst.add.f32.msk $0xffff, v18  }
0x245: {  	[tilespmem:s10+$0x1A20] =	vst.add.f32.msk $0xffff, v19  }
0x246: {  	[tilespmem:s10+$0x1A30] =	vst.add.f32.msk $0xffff, v20  }
0x247: {  	[tilespmem:s10+$0x1A40] =	vst.add.f32.msk $0xffff, v21  }
0x248: {  	[tilespmem:s10+$0x1A50] =	vst.add.f32.msk $0xffff, v22  }
0x249: {  	[tilespmem:s10+$0x1A60] =	vst.add.f32.msk $0xffff, v23  }
0x24a: {  	[tilespmem:s10+$0x1A70] =	vst.add.f32.msk $0xffff, v24  }
0x24b: {  	[tilespmem:s10+$0x1A80] =	vst.add.f32.msk $0xffff, v25  }
.Ltmp3:
0x24c: {  	[tilespmem:s10+$0x1A90] =	vst.add.f32.msk $0xffff, v26;
	(pc) =	sbr.rel @p0 .LBB2_9-.Ltmp3, $4  }
0x24d: {  	[tilespmem:s10+$0x1AA0] =	vst.add.f32.msk $0xffff, v27  }
0x24e: {  	[tilespmem:s10+$0x1AB0] =	vst.add.f32.msk $0xffff, v28  }
0x24f: {  	[tilespmem:s10+$0x1AC0] =	vst.add.f32.msk $0xffff, v29  }
0x250: {  	s12 =	sadd.s32 $0x800, s12;
	[tilespmem:s10+$0x1AD0] =	vst.add.f32.msk $0xffff, v30  }
0x251: {  	s9 =	smul.u32 $0x258, s8;
	_ =	sdelay $0x1  }
0x252: {  	s12 =	sadd.s32 s6, s9  }
0x253: {  	s12 =	sshll.u32 s12, $0x4  }
0x254: {  	[tilespmem:s10+$0x1AE0] =	vst.add.f32.msk $0xffff, v0;
	s13 =	simm.s32 $0x0;
	s12 =	sadd.s32 s4, s12  }
0x255: {  	[hbm4b:s12+s13] =	stream.linear.scatter [tilespmem:s17], [sflag:$0x7], $0x6400, $0x38;
	[tilespmem:$0x1A900] =	vst v63  }
0x256: {  	_ =	swait.ge [sflag:s24], $0x6400  }
0x257: {  	[sflag:s24] =	ssyncset.done $0x0  }
0x258: {  	s10 =	sadd.s32 $0x190, s9;
	[sflag:s24] =	ssyncadd.s32 $0xFFFF9C00  }
0x259: {  	[tilespmem:s29], [sflag:$0x3] =	stream.indirect.gather [hbm4b:s1+s16], $0x80, s10, s16, $0xb8;
	[tilespmem:$0x1A900] =	vst v63  }
0x25a: {  	s14 =	sadd.s32 $0x1F8, s9  }
0x25b: {  	[tilespmem:s31], [sflag:$0x6] =	stream.indirect.gather [hbm4b:s1+s18], $0x80, s14, s18, $0xb8;
	[tilespmem:$0x1A900] =	vst v63  }
0x25c: {  	_ =	swait.ge [sflag:s2], $0x3400  }
0x25d: {  	[sflag:s2] =	ssyncset.done $0x0  }
0x25e: {  	[sflag:s2] =	ssyncadd.s32 $0xFFFFCC00  }
0x25f: {  	_ =	swait.ge [sflag:s0], $0x3000  }
0x260: {  	[sflag:s0] =	ssyncset.done $0x0  }
0x261: {  	s12 =	simm.s32 $0x0;
	[sflag:s0] =	ssyncadd.s32 $0xFFFFD000  }
0x262: {  	v0 =	vld [tilespmem:s12+$0x146F0]  }
0x263: {  	v1 =	vld [tilespmem:s12+$0x14500]  }
0x264: {  	v2 =	vld [tilespmem:s12+$0x14510]  }
0x265: {  	v3 =	vld [tilespmem:s12+$0x14520]  }
0x266: {  	v4 =	vld [tilespmem:s12+$0x14530]  }
0x267: {  	v5 =	vld [tilespmem:s12+$0x14540]  }
0x268: {  	v6 =	vld [tilespmem:s12+$0x14550]  }
0x269: {  	v7 =	vld [tilespmem:s12+$0x14560]  }
0x26a: {  	v8 =	vld [tilespmem:s12+$0x14570]  }
0x26b: {  	v9 =	vld [tilespmem:s12+$0x14580]  }
0x26c: {  	v10 =	vld [tilespmem:s12+$0x14590]  }
0x26d: {  	v11 =	vld [tilespmem:s12+$0x145A0]  }
0x26e: {  	v12 =	vld [tilespmem:s12+$0x145B0]  }
0x26f: {  	v13 =	vld [tilespmem:s12+$0x145C0]  }
0x270: {  	v14 =	vld [tilespmem:s12+$0x145D0]  }
0x271: {  	v15 =	vld [tilespmem:s12+$0x145E0]  }
0x272: {  	v16 =	vld [tilespmem:s12+$0x145F0]  }
0x273: {  	v17 =	vld [tilespmem:s12+$0x14600]  }
0x274: {  	v18 =	vld [tilespmem:s12+$0x14610]  }
0x275: {  	v19 =	vld [tilespmem:s12+$0x14620]  }
0x276: {  	v20 =	vld [tilespmem:s12+$0x14630]  }
0x277: {  	v21 =	vld [tilespmem:s12+$0x14640]  }
0x278: {  	v22 =	vld [tilespmem:s12+$0x14650]  }
0x279: {  	v23 =	vld [tilespmem:s12+$0x14660]  }
0x27a: {  	v24 =	vld [tilespmem:s12+$0x14670]  }
0x27b: {  	v25 =	vld [tilespmem:s12+$0x14680]  }
0x27c: {  	v26 =	vld [tilespmem:s12+$0x14690]  }
0x27d: {  	v27 =	vld [tilespmem:s12+$0x146A0]  }
0x27e: {  	v28 =	vld [tilespmem:s12+$0x146B0]  }
0x27f: {  	v29 =	vld [tilespmem:s12+$0x146C0]  }
0x280: {  	v30 =	vld [tilespmem:s12+$0x146D0]  }
0x281: {  	[tilespmem:s12+$0x7EF0] =	vst.add.f32.msk $0xffff, v0  }
0x282: {  	v0 =	vld [tilespmem:s12+$0x146E0]  }
0x283: {  	[tilespmem:s12+$0x7D00] =	vst.add.f32.msk $0xffff, v1  }
0x284: {  	[tilespmem:s12+$0x7D10] =	vst.add.f32.msk $0xffff, v2  }
0x285: {  	[tilespmem:s12+$0x7D20] =	vst.add.f32.msk $0xffff, v3  }
0x286: {  	[tilespmem:s12+$0x7D30] =	vst.add.f32.msk $0xffff, v4  }
0x287: {  	[tilespmem:s12+$0x7D40] =	vst.add.f32.msk $0xffff, v5  }
0x288: {  	[tilespmem:s12+$0x7D50] =	vst.add.f32.msk $0xffff, v6  }
0x289: {  	[tilespmem:s12+$0x7D60] =	vst.add.f32.msk $0xffff, v7  }
0x28a: {  	[tilespmem:s12+$0x7D70] =	vst.add.f32.msk $0xffff, v8  }
0x28b: {  	[tilespmem:s12+$0x7D80] =	vst.add.f32.msk $0xffff, v9  }
0x28c: {  	[tilespmem:s12+$0x7D90] =	vst.add.f32.msk $0xffff, v10  }
0x28d: {  	[tilespmem:s12+$0x7DA0] =	vst.add.f32.msk $0xffff, v11  }
0x28e: {  	[tilespmem:s12+$0x7DB0] =	vst.add.f32.msk $0xffff, v12  }
0x28f: {  	[tilespmem:s12+$0x7DC0] =	vst.add.f32.msk $0xffff, v13  }
0x290: {  	[tilespmem:s12+$0x7DD0] =	vst.add.f32.msk $0xffff, v14  }
0x291: {  	[tilespmem:s12+$0x7DE0] =	vst.add.f32.msk $0xffff, v15  }
0x292: {  	[tilespmem:s12+$0x7DF0] =	vst.add.f32.msk $0xffff, v16  }
0x293: {  	[tilespmem:s12+$0x7E00] =	vst.add.f32.msk $0xffff, v17  }
0x294: {  	[tilespmem:s12+$0x7E10] =	vst.add.f32.msk $0xffff, v18  }
0x295: {  	[tilespmem:s12+$0x7E20] =	vst.add.f32.msk $0xffff, v19  }
0x296: {  	[tilespmem:s12+$0x7E30] =	vst.add.f32.msk $0xffff, v20  }
0x297: {  	[tilespmem:s12+$0x7E40] =	vst.add.f32.msk $0xffff, v21  }
0x298: {  	[tilespmem:s12+$0x7E50] =	vst.add.f32.msk $0xffff, v22  }
0x299: {  	[tilespmem:s12+$0x7E60] =	vst.add.f32.msk $0xffff, v23  }
0x29a: {  	[tilespmem:s12+$0x7E70] =	vst.add.f32.msk $0xffff, v24  }
0x29b: {  	[tilespmem:s12+$0x7E80] =	vst.add.f32.msk $0xffff, v25  }
0x29c: {  	[tilespmem:s12+$0x7E90] =	vst.add.f32.msk $0xffff, v26  }
0x29d: {  	[tilespmem:s12+$0x7EA0] =	vst.add.f32.msk $0xffff, v27  }
0x29e: {  	[tilespmem:s12+$0x7EB0] =	vst.add.f32.msk $0xffff, v28  }
0x29f: {  	[tilespmem:s12+$0x7EC0] =	vst.add.f32.msk $0xffff, v29  }
0x2a0: {  	s13 =	simm.s32 $0x0;
	s14 =	simm.s32 $0x800;
	[tilespmem:s12+$0x7ED0] =	vst.add.f32.msk $0xffff, v30  }
.LBB2_11:
0x2a1: {  	s13 =	sadd.s32 $0x4, s13;
	[tilespmem:s12+$0x7EE0] =	vst.add.f32.msk $0xffff, v0;
	s12 =	sshra.s32 s14, $0x2  }
0x2a2: {  	v0 =	vld [tilespmem:s12+$0x146F0];
	p0 =	slt.u32 s13, $0xC4  }
0x2a3: {  	v1 =	vld [tilespmem:s12+$0x14500]  }
0x2a4: {  	v2 =	vld [tilespmem:s12+$0x14510]  }
0x2a5: {  	v3 =	vld [tilespmem:s12+$0x14520]  }
0x2a6: {  	v4 =	vld [tilespmem:s12+$0x14530]  }
0x2a7: {  	[tilespmem:s12+$0x7EF0] =	vst.add.f32.msk $0xffff, v0  }
0x2a8: {  	v5 =	vld [tilespmem:s12+$0x14540]  }
0x2a9: {  	v6 =	vld [tilespmem:s12+$0x14550]  }
0x2aa: {  	v7 =	vld [tilespmem:s12+$0x14560]  }
0x2ab: {  	v8 =	vld [tilespmem:s12+$0x14570]  }
0x2ac: {  	v9 =	vld [tilespmem:s12+$0x14580]  }
0x2ad: {  	v10 =	vld [tilespmem:s12+$0x14590]  }
0x2ae: {  	v11 =	vld [tilespmem:s12+$0x145A0]  }
0x2af: {  	v12 =	vld [tilespmem:s12+$0x145B0]  }
0x2b0: {  	v13 =	vld [tilespmem:s12+$0x145C0]  }
0x2b1: {  	v14 =	vld [tilespmem:s12+$0x145D0]  }
0x2b2: {  	v15 =	vld [tilespmem:s12+$0x145E0]  }
0x2b3: {  	v16 =	vld [tilespmem:s12+$0x145F0]  }
0x2b4: {  	v17 =	vld [tilespmem:s12+$0x14600]  }
0x2b5: {  	v18 =	vld [tilespmem:s12+$0x14610]  }
0x2b6: {  	v19 =	vld [tilespmem:s12+$0x14620]  }
0x2b7: {  	v20 =	vld [tilespmem:s12+$0x14630]  }
0x2b8: {  	v21 =	vld [tilespmem:s12+$0x14640]  }
0x2b9: {  	v22 =	vld [tilespmem:s12+$0x14650]  }
0x2ba: {  	v23 =	vld [tilespmem:s12+$0x14660]  }
0x2bb: {  	v24 =	vld [tilespmem:s12+$0x14670]  }
0x2bc: {  	v25 =	vld [tilespmem:s12+$0x14680]  }
0x2bd: {  	v26 =	vld [tilespmem:s12+$0x14690]  }
0x2be: {  	v27 =	vld [tilespmem:s12+$0x146A0]  }
0x2bf: {  	v28 =	vld [tilespmem:s12+$0x146B0]  }
0x2c0: {  	v29 =	vld [tilespmem:s12+$0x146C0]  }
0x2c1: {  	v30 =	vld [tilespmem:s12+$0x146D0]  }
0x2c2: {  	v0 =	vld [tilespmem:s12+$0x146E0]  }
0x2c3: {  	[tilespmem:s12+$0x7D00] =	vst.add.f32.msk $0xffff, v1  }
0x2c4: {  	[tilespmem:s12+$0x7D10] =	vst.add.f32.msk $0xffff, v2  }
0x2c5: {  	[tilespmem:s12+$0x7D20] =	vst.add.f32.msk $0xffff, v3  }
0x2c6: {  	[tilespmem:s12+$0x7D30] =	vst.add.f32.msk $0xffff, v4  }
0x2c7: {  	[tilespmem:s12+$0x7D40] =	vst.add.f32.msk $0xffff, v5  }
0x2c8: {  	[tilespmem:s12+$0x7D50] =	vst.add.f32.msk $0xffff, v6  }
0x2c9: {  	[tilespmem:s12+$0x7D60] =	vst.add.f32.msk $0xffff, v7  }
0x2ca: {  	[tilespmem:s12+$0x7D70] =	vst.add.f32.msk $0xffff, v8  }
0x2cb: {  	[tilespmem:s12+$0x7D80] =	vst.add.f32.msk $0xffff, v9  }
0x2cc: {  	[tilespmem:s12+$0x7D90] =	vst.add.f32.msk $0xffff, v10  }
0x2cd: {  	[tilespmem:s12+$0x7DA0] =	vst.add.f32.msk $0xffff, v11  }
0x2ce: {  	[tilespmem:s12+$0x7DB0] =	vst.add.f32.msk $0xffff, v12  }
0x2cf: {  	[tilespmem:s12+$0x7DC0] =	vst.add.f32.msk $0xffff, v13  }
0x2d0: {  	[tilespmem:s12+$0x7DD0] =	vst.add.f32.msk $0xffff, v14  }
0x2d1: {  	[tilespmem:s12+$0x7DE0] =	vst.add.f32.msk $0xffff, v15  }
0x2d2: {  	[tilespmem:s12+$0x7DF0] =	vst.add.f32.msk $0xffff, v16  }
0x2d3: {  	[tilespmem:s12+$0x7E00] =	vst.add.f32.msk $0xffff, v17  }
0x2d4: {  	[tilespmem:s12+$0x7E10] =	vst.add.f32.msk $0xffff, v18  }
0x2d5: {  	[tilespmem:s12+$0x7E20] =	vst.add.f32.msk $0xffff, v19  }
0x2d6: {  	[tilespmem:s12+$0x7E30] =	vst.add.f32.msk $0xffff, v20  }
0x2d7: {  	[tilespmem:s12+$0x7E40] =	vst.add.f32.msk $0xffff, v21  }
0x2d8: {  	[tilespmem:s12+$0x7E50] =	vst.add.f32.msk $0xffff, v22  }
0x2d9: {  	[tilespmem:s12+$0x7E60] =	vst.add.f32.msk $0xffff, v23  }
0x2da: {  	[tilespmem:s12+$0x7E70] =	vst.add.f32.msk $0xffff, v24  }
0x2db: {  	[tilespmem:s12+$0x7E80] =	vst.add.f32.msk $0xffff, v25  }
.Ltmp4:
0x2dc: {  	[tilespmem:s12+$0x7E90] =	vst.add.f32.msk $0xffff, v26;
	(pc) =	sbr.rel @p0 .LBB2_11-.Ltmp4, $4  }
0x2dd: {  	[tilespmem:s12+$0x7EA0] =	vst.add.f32.msk $0xffff, v27  }
0x2de: {  	[tilespmem:s12+$0x7EB0] =	vst.add.f32.msk $0xffff, v28  }
0x2df: {  	[tilespmem:s12+$0x7EC0] =	vst.add.f32.msk $0xffff, v29  }
0x2e0: {  	s14 =	sadd.s32 $0x800, s14;
	[tilespmem:s12+$0x7ED0] =	vst.add.f32.msk $0xffff, v30  }
0x2e1: {  	s13 =	sadd.s32 s9, s11  }
0x2e2: {  	s13 =	sshll.u32 s13, $0x4  }
0x2e3: {  	[tilespmem:s12+$0x7EE0] =	vst.add.f32.msk $0xffff, v0;
	s14 =	simm.s32 $0x0;
	s13 =	sadd.s32 s4, s13  }
0x2e4: {  	[hbm4b:s13+s14] =	stream.linear.scatter [tilespmem:s21], [sflag:$0x8], $0x6400, $0x38;
	[tilespmem:$0x1A900] =	vst v63  }
0x2e5: {  	_ =	swait.ge [sflag:s20], $0x6400  }
0x2e6: {  	[sflag:s20] =	ssyncset.done $0x0  }
0x2e7: {  	s13 =	sadd.s32 $0x258, s9;
	[sflag:s20] =	ssyncadd.s32 $0xFFFF9C00  }
0x2e8: {  	[tilespmem:s17], [sflag:$0x1] =	stream.indirect.gather [hbm4b:s1+s16], $0x80, s13, s16, $0xb8;
	[tilespmem:$0x1A900] =	vst v63  }
0x2e9: {  	s14 =	sadd.s32 $0x2C0, s9  }
0x2ea: {  	[tilespmem:s19], [sflag:$0x4] =	stream.indirect.gather [hbm4b:s1+s18], $0x80, s14, s18, $0xb8;
	[tilespmem:$0x1A900] =	vst v63  }
0x2eb: {  	_ =	swait.ge [sflag:s28], $0x3400  }
0x2ec: {  	[sflag:s28] =	ssyncset.done $0x0  }
0x2ed: {  	[sflag:s28] =	ssyncadd.s32 $0xFFFFCC00  }
0x2ee: {  	_ =	swait.ge [sflag:s30], $0x3000  }
0x2ef: {  	[sflag:s30] =	ssyncset.done $0x0  }
0x2f0: {  	s12 =	simm.s32 $0x0;
	[sflag:s30] =	ssyncadd.s32 $0xFFFFD000  }
0x2f1: {  	v0 =	vld [tilespmem:s12+$0x146F0]  }
0x2f2: {  	v1 =	vld [tilespmem:s12+$0x14500]  }
0x2f3: {  	v2 =	vld [tilespmem:s12+$0x14510]  }
0x2f4: {  	v3 =	vld [tilespmem:s12+$0x14520]  }
0x2f5: {  	v4 =	vld [tilespmem:s12+$0x14530]  }
0x2f6: {  	v5 =	vld [tilespmem:s12+$0x14540]  }
0x2f7: {  	v6 =	vld [tilespmem:s12+$0x14550]  }
0x2f8: {  	v7 =	vld [tilespmem:s12+$0x14560]  }
0x2f9: {  	v8 =	vld [tilespmem:s12+$0x14570]  }
0x2fa: {  	v9 =	vld [tilespmem:s12+$0x14580]  }
0x2fb: {  	v10 =	vld [tilespmem:s12+$0x14590]  }
0x2fc: {  	v11 =	vld [tilespmem:s12+$0x145A0]  }
0x2fd: {  	v12 =	vld [tilespmem:s12+$0x145B0]  }
0x2fe: {  	v13 =	vld [tilespmem:s12+$0x145C0]  }
0x2ff: {  	v14 =	vld [tilespmem:s12+$0x145D0]  }
0x300: {  	v15 =	vld [tilespmem:s12+$0x145E0]  }
0x301: {  	v16 =	vld [tilespmem:s12+$0x145F0]  }
0x302: {  	v17 =	vld [tilespmem:s12+$0x14600]  }
0x303: {  	v18 =	vld [tilespmem:s12+$0x14610]  }
0x304: {  	v19 =	vld [tilespmem:s12+$0x14620]  }
0x305: {  	v20 =	vld [tilespmem:s12+$0x14630]  }
0x306: {  	v21 =	vld [tilespmem:s12+$0x14640]  }
0x307: {  	v22 =	vld [tilespmem:s12+$0x14650]  }
0x308: {  	v23 =	vld [tilespmem:s12+$0x14660]  }
0x309: {  	v24 =	vld [tilespmem:s12+$0x14670]  }
0x30a: {  	v25 =	vld [tilespmem:s12+$0x14680]  }
0x30b: {  	v26 =	vld [tilespmem:s12+$0x14690]  }
0x30c: {  	v27 =	vld [tilespmem:s12+$0x146A0]  }
0x30d: {  	v28 =	vld [tilespmem:s12+$0x146B0]  }
0x30e: {  	v29 =	vld [tilespmem:s12+$0x146C0]  }
0x30f: {  	v30 =	vld [tilespmem:s12+$0x146D0]  }
0x310: {  	[tilespmem:s12+$0xE2F0] =	vst.add.f32.msk $0xffff, v0  }
0x311: {  	v0 =	vld [tilespmem:s12+$0x146E0]  }
0x312: {  	[tilespmem:s12+$0xE100] =	vst.add.f32.msk $0xffff, v1  }
0x313: {  	[tilespmem:s12+$0xE110] =	vst.add.f32.msk $0xffff, v2  }
0x314: {  	[tilespmem:s12+$0xE120] =	vst.add.f32.msk $0xffff, v3  }
0x315: {  	[tilespmem:s12+$0xE130] =	vst.add.f32.msk $0xffff, v4  }
0x316: {  	[tilespmem:s12+$0xE140] =	vst.add.f32.msk $0xffff, v5  }
0x317: {  	[tilespmem:s12+$0xE150] =	vst.add.f32.msk $0xffff, v6  }
0x318: {  	[tilespmem:s12+$0xE160] =	vst.add.f32.msk $0xffff, v7  }
0x319: {  	[tilespmem:s12+$0xE170] =	vst.add.f32.msk $0xffff, v8  }
0x31a: {  	[tilespmem:s12+$0xE180] =	vst.add.f32.msk $0xffff, v9  }
0x31b: {  	[tilespmem:s12+$0xE190] =	vst.add.f32.msk $0xffff, v10  }
0x31c: {  	[tilespmem:s12+$0xE1A0] =	vst.add.f32.msk $0xffff, v11  }
0x31d: {  	[tilespmem:s12+$0xE1B0] =	vst.add.f32.msk $0xffff, v12  }
0x31e: {  	[tilespmem:s12+$0xE1C0] =	vst.add.f32.msk $0xffff, v13  }
0x31f: {  	[tilespmem:s12+$0xE1D0] =	vst.add.f32.msk $0xffff, v14  }
0x320: {  	[tilespmem:s12+$0xE1E0] =	vst.add.f32.msk $0xffff, v15  }
0x321: {  	[tilespmem:s12+$0xE1F0] =	vst.add.f32.msk $0xffff, v16  }
0x322: {  	[tilespmem:s12+$0xE200] =	vst.add.f32.msk $0xffff, v17  }
0x323: {  	[tilespmem:s12+$0xE210] =	vst.add.f32.msk $0xffff, v18  }
0x324: {  	[tilespmem:s12+$0xE220] =	vst.add.f32.msk $0xffff, v19  }
0x325: {  	[tilespmem:s12+$0xE230] =	vst.add.f32.msk $0xffff, v20  }
0x326: {  	[tilespmem:s12+$0xE240] =	vst.add.f32.msk $0xffff, v21  }
0x327: {  	[tilespmem:s12+$0xE250] =	vst.add.f32.msk $0xffff, v22  }
0x328: {  	[tilespmem:s12+$0xE260] =	vst.add.f32.msk $0xffff, v23  }
0x329: {  	[tilespmem:s12+$0xE270] =	vst.add.f32.msk $0xffff, v24  }
0x32a: {  	[tilespmem:s12+$0xE280] =	vst.add.f32.msk $0xffff, v25  }
0x32b: {  	[tilespmem:s12+$0xE290] =	vst.add.f32.msk $0xffff, v26  }
0x32c: {  	[tilespmem:s12+$0xE2A0] =	vst.add.f32.msk $0xffff, v27  }
0x32d: {  	[tilespmem:s12+$0xE2B0] =	vst.add.f32.msk $0xffff, v28  }
0x32e: {  	[tilespmem:s12+$0xE2C0] =	vst.add.f32.msk $0xffff, v29  }
0x32f: {  	s13 =	simm.s32 $0x0;
	s14 =	simm.s32 $0x800;
	[tilespmem:s12+$0xE2D0] =	vst.add.f32.msk $0xffff, v30  }
.LBB2_13:
0x330: {  	s13 =	sadd.s32 $0x4, s13;
	[tilespmem:s12+$0xE2E0] =	vst.add.f32.msk $0xffff, v0;
	s12 =	sshra.s32 s14, $0x2  }
0x331: {  	v0 =	vld [tilespmem:s12+$0x146F0];
	p0 =	slt.u32 s13, $0xC4  }
0x332: {  	v1 =	vld [tilespmem:s12+$0x14500]  }
0x333: {  	v2 =	vld [tilespmem:s12+$0x14510]  }
0x334: {  	v3 =	vld [tilespmem:s12+$0x14520]  }
0x335: {  	v4 =	vld [tilespmem:s12+$0x14530]  }
0x336: {  	[tilespmem:s12+$0xE2F0] =	vst.add.f32.msk $0xffff, v0  }
0x337: {  	v5 =	vld [tilespmem:s12+$0x14540]  }
0x338: {  	v6 =	vld [tilespmem:s12+$0x14550]  }
0x339: {  	v7 =	vld [tilespmem:s12+$0x14560]  }
0x33a: {  	v8 =	vld [tilespmem:s12+$0x14570]  }
0x33b: {  	v9 =	vld [tilespmem:s12+$0x14580]  }
0x33c: {  	v10 =	vld [tilespmem:s12+$0x14590]  }
0x33d: {  	v11 =	vld [tilespmem:s12+$0x145A0]  }
0x33e: {  	v12 =	vld [tilespmem:s12+$0x145B0]  }
0x33f: {  	v13 =	vld [tilespmem:s12+$0x145C0]  }
0x340: {  	v14 =	vld [tilespmem:s12+$0x145D0]  }
0x341: {  	v15 =	vld [tilespmem:s12+$0x145E0]  }
0x342: {  	v16 =	vld [tilespmem:s12+$0x145F0]  }
0x343: {  	v17 =	vld [tilespmem:s12+$0x14600]  }
0x344: {  	v18 =	vld [tilespmem:s12+$0x14610]  }
0x345: {  	v19 =	vld [tilespmem:s12+$0x14620]  }
0x346: {  	v20 =	vld [tilespmem:s12+$0x14630]  }
0x347: {  	v21 =	vld [tilespmem:s12+$0x14640]  }
0x348: {  	v22 =	vld [tilespmem:s12+$0x14650]  }
0x349: {  	v23 =	vld [tilespmem:s12+$0x14660]  }
0x34a: {  	v24 =	vld [tilespmem:s12+$0x14670]  }
0x34b: {  	v25 =	vld [tilespmem:s12+$0x14680]  }
0x34c: {  	v26 =	vld [tilespmem:s12+$0x14690]  }
0x34d: {  	v27 =	vld [tilespmem:s12+$0x146A0]  }
0x34e: {  	v28 =	vld [tilespmem:s12+$0x146B0]  }
0x34f: {  	v29 =	vld [tilespmem:s12+$0x146C0]  }
0x350: {  	v30 =	vld [tilespmem:s12+$0x146D0]  }
0x351: {  	v0 =	vld [tilespmem:s12+$0x146E0]  }
0x352: {  	[tilespmem:s12+$0xE100] =	vst.add.f32.msk $0xffff, v1  }
0x353: {  	[tilespmem:s12+$0xE110] =	vst.add.f32.msk $0xffff, v2  }
0x354: {  	[tilespmem:s12+$0xE120] =	vst.add.f32.msk $0xffff, v3  }
0x355: {  	[tilespmem:s12+$0xE130] =	vst.add.f32.msk $0xffff, v4  }
0x356: {  	[tilespmem:s12+$0xE140] =	vst.add.f32.msk $0xffff, v5  }
0x357: {  	[tilespmem:s12+$0xE150] =	vst.add.f32.msk $0xffff, v6  }
0x358: {  	[tilespmem:s12+$0xE160] =	vst.add.f32.msk $0xffff, v7  }
0x359: {  	[tilespmem:s12+$0xE170] =	vst.add.f32.msk $0xffff, v8  }
0x35a: {  	[tilespmem:s12+$0xE180] =	vst.add.f32.msk $0xffff, v9  }
0x35b: {  	[tilespmem:s12+$0xE190] =	vst.add.f32.msk $0xffff, v10  }
0x35c: {  	[tilespmem:s12+$0xE1A0] =	vst.add.f32.msk $0xffff, v11  }
0x35d: {  	[tilespmem:s12+$0xE1B0] =	vst.add.f32.msk $0xffff, v12  }
0x35e: {  	[tilespmem:s12+$0xE1C0] =	vst.add.f32.msk $0xffff, v13  }
0x35f: {  	[tilespmem:s12+$0xE1D0] =	vst.add.f32.msk $0xffff, v14  }
0x360: {  	[tilespmem:s12+$0xE1E0] =	vst.add.f32.msk $0xffff, v15  }
0x361: {  	[tilespmem:s12+$0xE1F0] =	vst.add.f32.msk $0xffff, v16  }
0x362: {  	[tilespmem:s12+$0xE200] =	vst.add.f32.msk $0xffff, v17  }
0x363: {  	[tilespmem:s12+$0xE210] =	vst.add.f32.msk $0xffff, v18  }
0x364: {  	[tilespmem:s12+$0xE220] =	vst.add.f32.msk $0xffff, v19  }
0x365: {  	[tilespmem:s12+$0xE230] =	vst.add.f32.msk $0xffff, v20  }
0x366: {  	[tilespmem:s12+$0xE240] =	vst.add.f32.msk $0xffff, v21  }
0x367: {  	[tilespmem:s12+$0xE250] =	vst.add.f32.msk $0xffff, v22  }
0x368: {  	[tilespmem:s12+$0xE260] =	vst.add.f32.msk $0xffff, v23  }
0x369: {  	[tilespmem:s12+$0xE270] =	vst.add.f32.msk $0xffff, v24  }
0x36a: {  	[tilespmem:s12+$0xE280] =	vst.add.f32.msk $0xffff, v25  }
.Ltmp5:
0x36b: {  	[tilespmem:s12+$0xE290] =	vst.add.f32.msk $0xffff, v26;
	(pc) =	sbr.rel @p0 .LBB2_13-.Ltmp5, $4  }
0x36c: {  	[tilespmem:s12+$0xE2A0] =	vst.add.f32.msk $0xffff, v27  }
0x36d: {  	[tilespmem:s12+$0xE2B0] =	vst.add.f32.msk $0xffff, v28  }
0x36e: {  	[tilespmem:s12+$0xE2C0] =	vst.add.f32.msk $0xffff, v29  }
0x36f: {  	s14 =	sadd.s32 $0x800, s14;
	[tilespmem:s12+$0xE2D0] =	vst.add.f32.msk $0xffff, v30  }
0x370: {  	s10 =	sadd.s32 s6, s10  }
0x371: {  	s10 =	sshll.u32 s10, $0x4  }
0x372: {  	[tilespmem:s12+$0xE2E0] =	vst.add.f32.msk $0xffff, v0;
	s8 =	sadd.s32 $0x1, s8;
	s10 =	sadd.s32 s4, s10  }
0x373: {  	[hbm4b:s10+s5] =	stream.linear.scatter [tilespmem:s29], [sflag:$0x9], $0x6400, $0x38;
	[tilespmem:$0x1A900] =	vst v63  }
0x374: {  	p0 =	sne.s32 s8, $0xA;
	_ =	swait.ge [sflag:s22], $0x6400  }
.Ltmp6:
0x375: {  	[sflag:s22] =	ssyncset.done $0x0;
	(pc) =	sbr.rel @p0 .LBB2_8-.Ltmp6, $4  }
0x376: {  	s13 =	sadd.s32 $0x320, s9;
	[sflag:s22] =	ssyncadd.s32 $0xFFFF9C00  }
0x377: {  	[tilespmem:s21], [sflag:$0x2] =	stream.indirect.gather [hbm4b:s1+s16], $0x80, s13, s16, $0xb8;
	[tilespmem:$0x1A900] =	vst v63  }
0x378: {  	s14 =	sadd.s32 $0x388, s9  }
0x379: {  	[tilespmem:s23], [sflag:$0x5] =	stream.indirect.gather [hbm4b:s1+s18], $0x80, s14, s18, $0xb8;
	[tilespmem:$0x1A900] =	vst v63  }
0x37a: {  	_ =	swait.ge [sflag:s25], $0x3400  }
0x37b: {  	[sflag:s25] =	ssyncset.done $0x0  }
0x37c: {  	[sflag:s25] =	ssyncadd.s32 $0xFFFFCC00  }
0x37d: {  	_ =	swait.ge [sflag:s26], $0x3000  }
0x37e: {  	[sflag:s26] =	ssyncset.done $0x0  }
0x37f: {  	s8 =	simm.s32 $0x0;
	[sflag:s26] =	ssyncadd.s32 $0xFFFFD000  }
0x380: {  	v0 =	vld [tilespmem:s8+$0x146F0]  }
0x381: {  	v1 =	vld [tilespmem:s8+$0x14500]  }
0x382: {  	v2 =	vld [tilespmem:s8+$0x14510]  }
0x383: {  	v3 =	vld [tilespmem:s8+$0x14520]  }
0x384: {  	v4 =	vld [tilespmem:s8+$0x14530]  }
0x385: {  	v5 =	vld [tilespmem:s8+$0x14540]  }
0x386: {  	v6 =	vld [tilespmem:s8+$0x14550]  }
0x387: {  	v7 =	vld [tilespmem:s8+$0x14560]  }
0x388: {  	v8 =	vld [tilespmem:s8+$0x14570]  }
0x389: {  	v9 =	vld [tilespmem:s8+$0x14580]  }
0x38a: {  	v10 =	vld [tilespmem:s8+$0x14590]  }
0x38b: {  	v11 =	vld [tilespmem:s8+$0x145A0]  }
0x38c: {  	v12 =	vld [tilespmem:s8+$0x145B0]  }
0x38d: {  	v13 =	vld [tilespmem:s8+$0x145C0]  }
0x38e: {  	v14 =	vld [tilespmem:s8+$0x145D0]  }
0x38f: {  	v15 =	vld [tilespmem:s8+$0x145E0]  }
0x390: {  	v16 =	vld [tilespmem:s8+$0x145F0]  }
0x391: {  	v17 =	vld [tilespmem:s8+$0x14600]  }
0x392: {  	v18 =	vld [tilespmem:s8+$0x14610]  }
0x393: {  	v19 =	vld [tilespmem:s8+$0x14620]  }
0x394: {  	v20 =	vld [tilespmem:s8+$0x14630]  }
0x395: {  	v21 =	vld [tilespmem:s8+$0x14640]  }
0x396: {  	v22 =	vld [tilespmem:s8+$0x14650]  }
0x397: {  	v23 =	vld [tilespmem:s8+$0x14660]  }
0x398: {  	v24 =	vld [tilespmem:s8+$0x14670]  }
0x399: {  	v25 =	vld [tilespmem:s8+$0x14680]  }
0x39a: {  	v26 =	vld [tilespmem:s8+$0x14690]  }
0x39b: {  	v27 =	vld [tilespmem:s8+$0x146A0]  }
0x39c: {  	v28 =	vld [tilespmem:s8+$0x146B0]  }
0x39d: {  	v29 =	vld [tilespmem:s8+$0x146C0]  }
0x39e: {  	v30 =	vld [tilespmem:s8+$0x146D0]  }
0x39f: {  	[tilespmem:s8+$0x1AF0] =	vst.add.f32.msk $0xffff, v0  }
0x3a0: {  	v0 =	vld [tilespmem:s8+$0x146E0]  }
0x3a1: {  	[tilespmem:s8+$0x1900] =	vst.add.f32.msk $0xffff, v1  }
0x3a2: {  	[tilespmem:s8+$0x1910] =	vst.add.f32.msk $0xffff, v2  }
0x3a3: {  	[tilespmem:s8+$0x1920] =	vst.add.f32.msk $0xffff, v3  }
0x3a4: {  	[tilespmem:s8+$0x1930] =	vst.add.f32.msk $0xffff, v4  }
0x3a5: {  	[tilespmem:s8+$0x1940] =	vst.add.f32.msk $0xffff, v5  }
0x3a6: {  	[tilespmem:s8+$0x1950] =	vst.add.f32.msk $0xffff, v6  }
0x3a7: {  	[tilespmem:s8+$0x1960] =	vst.add.f32.msk $0xffff, v7  }
0x3a8: {  	[tilespmem:s8+$0x1970] =	vst.add.f32.msk $0xffff, v8  }
0x3a9: {  	[tilespmem:s8+$0x1980] =	vst.add.f32.msk $0xffff, v9  }
0x3aa: {  	[tilespmem:s8+$0x1990] =	vst.add.f32.msk $0xffff, v10  }
0x3ab: {  	[tilespmem:s8+$0x19A0] =	vst.add.f32.msk $0xffff, v11  }
0x3ac: {  	[tilespmem:s8+$0x19B0] =	vst.add.f32.msk $0xffff, v12  }
0x3ad: {  	[tilespmem:s8+$0x19C0] =	vst.add.f32.msk $0xffff, v13  }
0x3ae: {  	[tilespmem:s8+$0x19D0] =	vst.add.f32.msk $0xffff, v14  }
0x3af: {  	[tilespmem:s8+$0x19E0] =	vst.add.f32.msk $0xffff, v15  }
0x3b0: {  	[tilespmem:s8+$0x19F0] =	vst.add.f32.msk $0xffff, v16  }
0x3b1: {  	[tilespmem:s8+$0x1A00] =	vst.add.f32.msk $0xffff, v17  }
0x3b2: {  	[tilespmem:s8+$0x1A10] =	vst.add.f32.msk $0xffff, v18  }
0x3b3: {  	[tilespmem:s8+$0x1A20] =	vst.add.f32.msk $0xffff, v19  }
0x3b4: {  	[tilespmem:s8+$0x1A30] =	vst.add.f32.msk $0xffff, v20  }
0x3b5: {  	[tilespmem:s8+$0x1A40] =	vst.add.f32.msk $0xffff, v21  }
0x3b6: {  	[tilespmem:s8+$0x1A50] =	vst.add.f32.msk $0xffff, v22  }
0x3b7: {  	[tilespmem:s8+$0x1A60] =	vst.add.f32.msk $0xffff, v23  }
0x3b8: {  	[tilespmem:s8+$0x1A70] =	vst.add.f32.msk $0xffff, v24  }
0x3b9: {  	[tilespmem:s8+$0x1A80] =	vst.add.f32.msk $0xffff, v25  }
0x3ba: {  	[tilespmem:s8+$0x1A90] =	vst.add.f32.msk $0xffff, v26  }
0x3bb: {  	[tilespmem:s8+$0x1AA0] =	vst.add.f32.msk $0xffff, v27  }
0x3bc: {  	[tilespmem:s8+$0x1AB0] =	vst.add.f32.msk $0xffff, v28  }
0x3bd: {  	[tilespmem:s8+$0x1AC0] =	vst.add.f32.msk $0xffff, v29  }
0x3be: {  	s9 =	simm.s32 $0x0;
	s10 =	simm.s32 $0x800;
	[tilespmem:s8+$0x1AD0] =	vst.add.f32.msk $0xffff, v30  }
.LBB2_16:
0x3bf: {  	s9 =	sadd.s32 $0x4, s9;
	[tilespmem:s8+$0x1AE0] =	vst.add.f32.msk $0xffff, v0;
	s8 =	sshra.s32 s10, $0x2  }
0x3c0: {  	v0 =	vld [tilespmem:s8+$0x146F0];
	p0 =	slt.u32 s9, $0xC4  }
0x3c1: {  	v1 =	vld [tilespmem:s8+$0x14500]  }
0x3c2: {  	v2 =	vld [tilespmem:s8+$0x14510]  }
0x3c3: {  	v3 =	vld [tilespmem:s8+$0x14520]  }
0x3c4: {  	v4 =	vld [tilespmem:s8+$0x14530]  }
0x3c5: {  	[tilespmem:s8+$0x1AF0] =	vst.add.f32.msk $0xffff, v0  }
0x3c6: {  	v5 =	vld [tilespmem:s8+$0x14540]  }
0x3c7: {  	v6 =	vld [tilespmem:s8+$0x14550]  }
0x3c8: {  	v7 =	vld [tilespmem:s8+$0x14560]  }
0x3c9: {  	v8 =	vld [tilespmem:s8+$0x14570]  }
0x3ca: {  	v9 =	vld [tilespmem:s8+$0x14580]  }
0x3cb: {  	v10 =	vld [tilespmem:s8+$0x14590]  }
0x3cc: {  	v11 =	vld [tilespmem:s8+$0x145A0]  }
0x3cd: {  	v12 =	vld [tilespmem:s8+$0x145B0]  }
0x3ce: {  	v13 =	vld [tilespmem:s8+$0x145C0]  }
0x3cf: {  	v14 =	vld [tilespmem:s8+$0x145D0]  }
0x3d0: {  	v15 =	vld [tilespmem:s8+$0x145E0]  }
0x3d1: {  	v16 =	vld [tilespmem:s8+$0x145F0]  }
0x3d2: {  	v17 =	vld [tilespmem:s8+$0x14600]  }
0x3d3: {  	v18 =	vld [tilespmem:s8+$0x14610]  }
0x3d4: {  	v19 =	vld [tilespmem:s8+$0x14620]  }
0x3d5: {  	v20 =	vld [tilespmem:s8+$0x14630]  }
0x3d6: {  	v21 =	vld [tilespmem:s8+$0x14640]  }
0x3d7: {  	v22 =	vld [tilespmem:s8+$0x14650]  }
0x3d8: {  	v23 =	vld [tilespmem:s8+$0x14660]  }
0x3d9: {  	v24 =	vld [tilespmem:s8+$0x14670]  }
0x3da: {  	v25 =	vld [tilespmem:s8+$0x14680]  }
0x3db: {  	v26 =	vld [tilespmem:s8+$0x14690]  }
0x3dc: {  	v27 =	vld [tilespmem:s8+$0x146A0]  }
0x3dd: {  	v28 =	vld [tilespmem:s8+$0x146B0]  }
0x3de: {  	v29 =	vld [tilespmem:s8+$0x146C0]  }
0x3df: {  	v30 =	vld [tilespmem:s8+$0x146D0]  }
0x3e0: {  	v0 =	vld [tilespmem:s8+$0x146E0]  }
0x3e1: {  	[tilespmem:s8+$0x1900] =	vst.add.f32.msk $0xffff, v1  }
0x3e2: {  	[tilespmem:s8+$0x1910] =	vst.add.f32.msk $0xffff, v2  }
0x3e3: {  	[tilespmem:s8+$0x1920] =	vst.add.f32.msk $0xffff, v3  }
0x3e4: {  	[tilespmem:s8+$0x1930] =	vst.add.f32.msk $0xffff, v4  }
0x3e5: {  	[tilespmem:s8+$0x1940] =	vst.add.f32.msk $0xffff, v5  }
0x3e6: {  	[tilespmem:s8+$0x1950] =	vst.add.f32.msk $0xffff, v6  }
0x3e7: {  	[tilespmem:s8+$0x1960] =	vst.add.f32.msk $0xffff, v7  }
0x3e8: {  	[tilespmem:s8+$0x1970] =	vst.add.f32.msk $0xffff, v8  }
0x3e9: {  	[tilespmem:s8+$0x1980] =	vst.add.f32.msk $0xffff, v9  }
0x3ea: {  	[tilespmem:s8+$0x1990] =	vst.add.f32.msk $0xffff, v10  }
0x3eb: {  	[tilespmem:s8+$0x19A0] =	vst.add.f32.msk $0xffff, v11  }
0x3ec: {  	[tilespmem:s8+$0x19B0] =	vst.add.f32.msk $0xffff, v12  }
0x3ed: {  	[tilespmem:s8+$0x19C0] =	vst.add.f32.msk $0xffff, v13  }
0x3ee: {  	[tilespmem:s8+$0x19D0] =	vst.add.f32.msk $0xffff, v14  }
0x3ef: {  	[tilespmem:s8+$0x19E0] =	vst.add.f32.msk $0xffff, v15  }
0x3f0: {  	[tilespmem:s8+$0x19F0] =	vst.add.f32.msk $0xffff, v16  }
0x3f1: {  	[tilespmem:s8+$0x1A00] =	vst.add.f32.msk $0xffff, v17  }
0x3f2: {  	[tilespmem:s8+$0x1A10] =	vst.add.f32.msk $0xffff, v18  }
0x3f3: {  	[tilespmem:s8+$0x1A20] =	vst.add.f32.msk $0xffff, v19  }
0x3f4: {  	[tilespmem:s8+$0x1A30] =	vst.add.f32.msk $0xffff, v20  }
0x3f5: {  	[tilespmem:s8+$0x1A40] =	vst.add.f32.msk $0xffff, v21  }
0x3f6: {  	[tilespmem:s8+$0x1A50] =	vst.add.f32.msk $0xffff, v22  }
0x3f7: {  	[tilespmem:s8+$0x1A60] =	vst.add.f32.msk $0xffff, v23  }
0x3f8: {  	[tilespmem:s8+$0x1A70] =	vst.add.f32.msk $0xffff, v24  }
0x3f9: {  	[tilespmem:s8+$0x1A80] =	vst.add.f32.msk $0xffff, v25  }
.Ltmp7:
0x3fa: {  	[tilespmem:s8+$0x1A90] =	vst.add.f32.msk $0xffff, v26;
	(pc) =	sbr.rel @p0 .LBB2_16-.Ltmp7, $4  }
0x3fb: {  	[tilespmem:s8+$0x1AA0] =	vst.add.f32.msk $0xffff, v27  }
0x3fc: {  	[tilespmem:s8+$0x1AB0] =	vst.add.f32.msk $0xffff, v28  }
0x3fd: {  	[tilespmem:s8+$0x1AC0] =	vst.add.f32.msk $0xffff, v29  }
0x3fe: {  	s10 =	sadd.s32 $0x800, s10;
	[tilespmem:s8+$0x1AD0] =	vst.add.f32.msk $0xffff, v30  }
0x3ff: {  	[tilespmem:s8+$0x1AE0] =	vst.add.f32.msk $0xffff, v0  }
0x400: {  	s14 =	simm.s32 $0x0;
	s9 =	rddreg [dreg:$0x7]  }
0x401: {  	[hbm4b:s9+s14] =	stream.linear.scatter [tilespmem:s17], [sflag:$0x7], $0x6400, $0x38;
	[tilespmem:$0x1A900] =	vst v63  }
0x402: {  	_ =	swait.ge [sflag:s24], $0x6400  }
0x403: {  	[sflag:s24] =	ssyncset.done $0x0  }
0x404: {  	[sflag:s24] =	ssyncadd.s32 $0xFFFF9C00  }
0x405: {  	_ =	swait.ge [sflag:s2], $0x3400  }
0x406: {  	[sflag:s2] =	ssyncset.done $0x0  }
0x407: {  	[sflag:s2] =	ssyncadd.s32 $0xFFFFCC00  }
0x408: {  	_ =	swait.ge [sflag:s0], $0x3000  }
0x409: {  	[sflag:s0] =	ssyncset.done $0x0  }
0x40a: {  	s8 =	simm.s32 $0x0;
	[sflag:s0] =	ssyncadd.s32 $0xFFFFD000  }
0x40b: {  	v0 =	vld [tilespmem:s8+$0x146F0]  }
0x40c: {  	v1 =	vld [tilespmem:s8+$0x14500]  }
0x40d: {  	v2 =	vld [tilespmem:s8+$0x14510]  }
0x40e: {  	v3 =	vld [tilespmem:s8+$0x14520]  }
0x40f: {  	v4 =	vld [tilespmem:s8+$0x14530]  }
0x410: {  	v5 =	vld [tilespmem:s8+$0x14540]  }
0x411: {  	v6 =	vld [tilespmem:s8+$0x14550]  }
0x412: {  	v7 =	vld [tilespmem:s8+$0x14560]  }
0x413: {  	v8 =	vld [tilespmem:s8+$0x14570]  }
0x414: {  	v9 =	vld [tilespmem:s8+$0x14580]  }
0x415: {  	v10 =	vld [tilespmem:s8+$0x14590]  }
0x416: {  	v11 =	vld [tilespmem:s8+$0x145A0]  }
0x417: {  	v12 =	vld [tilespmem:s8+$0x145B0]  }
0x418: {  	v13 =	vld [tilespmem:s8+$0x145C0]  }
0x419: {  	v14 =	vld [tilespmem:s8+$0x145D0]  }
0x41a: {  	v15 =	vld [tilespmem:s8+$0x145E0]  }
0x41b: {  	v16 =	vld [tilespmem:s8+$0x145F0]  }
0x41c: {  	v17 =	vld [tilespmem:s8+$0x14600]  }
0x41d: {  	v18 =	vld [tilespmem:s8+$0x14610]  }
0x41e: {  	v19 =	vld [tilespmem:s8+$0x14620]  }
0x41f: {  	v20 =	vld [tilespmem:s8+$0x14630]  }
0x420: {  	v21 =	vld [tilespmem:s8+$0x14640]  }
0x421: {  	v22 =	vld [tilespmem:s8+$0x14650]  }
0x422: {  	v23 =	vld [tilespmem:s8+$0x14660]  }
0x423: {  	v24 =	vld [tilespmem:s8+$0x14670]  }
0x424: {  	v25 =	vld [tilespmem:s8+$0x14680]  }
0x425: {  	v26 =	vld [tilespmem:s8+$0x14690]  }
0x426: {  	v27 =	vld [tilespmem:s8+$0x146A0]  }
0x427: {  	v28 =	vld [tilespmem:s8+$0x146B0]  }
0x428: {  	v29 =	vld [tilespmem:s8+$0x146C0]  }
0x429: {  	v30 =	vld [tilespmem:s8+$0x146D0]  }
0x42a: {  	[tilespmem:s8+$0x7EF0] =	vst.add.f32.msk $0xffff, v0  }
0x42b: {  	v0 =	vld [tilespmem:s8+$0x146E0]  }
0x42c: {  	[tilespmem:s8+$0x7D00] =	vst.add.f32.msk $0xffff, v1  }
0x42d: {  	[tilespmem:s8+$0x7D10] =	vst.add.f32.msk $0xffff, v2  }
0x42e: {  	[tilespmem:s8+$0x7D20] =	vst.add.f32.msk $0xffff, v3  }
0x42f: {  	[tilespmem:s8+$0x7D30] =	vst.add.f32.msk $0xffff, v4  }
0x430: {  	[tilespmem:s8+$0x7D40] =	vst.add.f32.msk $0xffff, v5  }
0x431: {  	[tilespmem:s8+$0x7D50] =	vst.add.f32.msk $0xffff, v6  }
0x432: {  	[tilespmem:s8+$0x7D60] =	vst.add.f32.msk $0xffff, v7  }
0x433: {  	[tilespmem:s8+$0x7D70] =	vst.add.f32.msk $0xffff, v8  }
0x434: {  	[tilespmem:s8+$0x7D80] =	vst.add.f32.msk $0xffff, v9  }
0x435: {  	[tilespmem:s8+$0x7D90] =	vst.add.f32.msk $0xffff, v10  }
0x436: {  	[tilespmem:s8+$0x7DA0] =	vst.add.f32.msk $0xffff, v11  }
0x437: {  	[tilespmem:s8+$0x7DB0] =	vst.add.f32.msk $0xffff, v12  }
0x438: {  	[tilespmem:s8+$0x7DC0] =	vst.add.f32.msk $0xffff, v13  }
0x439: {  	[tilespmem:s8+$0x7DD0] =	vst.add.f32.msk $0xffff, v14  }
0x43a: {  	[tilespmem:s8+$0x7DE0] =	vst.add.f32.msk $0xffff, v15  }
0x43b: {  	[tilespmem:s8+$0x7DF0] =	vst.add.f32.msk $0xffff, v16  }
0x43c: {  	[tilespmem:s8+$0x7E00] =	vst.add.f32.msk $0xffff, v17  }
0x43d: {  	[tilespmem:s8+$0x7E10] =	vst.add.f32.msk $0xffff, v18  }
0x43e: {  	[tilespmem:s8+$0x7E20] =	vst.add.f32.msk $0xffff, v19  }
0x43f: {  	[tilespmem:s8+$0x7E30] =	vst.add.f32.msk $0xffff, v20  }
0x440: {  	[tilespmem:s8+$0x7E40] =	vst.add.f32.msk $0xffff, v21  }
0x441: {  	[tilespmem:s8+$0x7E50] =	vst.add.f32.msk $0xffff, v22  }
0x442: {  	[tilespmem:s8+$0x7E60] =	vst.add.f32.msk $0xffff, v23  }
0x443: {  	[tilespmem:s8+$0x7E70] =	vst.add.f32.msk $0xffff, v24  }
0x444: {  	[tilespmem:s8+$0x7E80] =	vst.add.f32.msk $0xffff, v25  }
0x445: {  	[tilespmem:s8+$0x7E90] =	vst.add.f32.msk $0xffff, v26  }
0x446: {  	[tilespmem:s8+$0x7EA0] =	vst.add.f32.msk $0xffff, v27  }
0x447: {  	[tilespmem:s8+$0x7EB0] =	vst.add.f32.msk $0xffff, v28  }
0x448: {  	[tilespmem:s8+$0x7EC0] =	vst.add.f32.msk $0xffff, v29  }
0x449: {  	s10 =	simm.s32 $0x800;
	s9 =	simm.s32 $0x0;
	[tilespmem:s8+$0x7ED0] =	vst.add.f32.msk $0xffff, v30  }
.LBB2_18:
0x44a: {  	s9 =	sadd.s32 $0x4, s9;
	[tilespmem:s8+$0x7EE0] =	vst.add.f32.msk $0xffff, v0;
	s8 =	sshra.s32 s10, $0x2  }
0x44b: {  	v0 =	vld [tilespmem:s8+$0x146F0];
	p0 =	slt.u32 s9, $0xC4  }
0x44c: {  	v1 =	vld [tilespmem:s8+$0x14500]  }
0x44d: {  	v2 =	vld [tilespmem:s8+$0x14510]  }
0x44e: {  	v3 =	vld [tilespmem:s8+$0x14520]  }
0x44f: {  	v4 =	vld [tilespmem:s8+$0x14530]  }
0x450: {  	[tilespmem:s8+$0x7EF0] =	vst.add.f32.msk $0xffff, v0  }
0x451: {  	v5 =	vld [tilespmem:s8+$0x14540]  }
0x452: {  	v6 =	vld [tilespmem:s8+$0x14550]  }
0x453: {  	v7 =	vld [tilespmem:s8+$0x14560]  }
0x454: {  	v8 =	vld [tilespmem:s8+$0x14570]  }
0x455: {  	v9 =	vld [tilespmem:s8+$0x14580]  }
0x456: {  	v10 =	vld [tilespmem:s8+$0x14590]  }
0x457: {  	v11 =	vld [tilespmem:s8+$0x145A0]  }
0x458: {  	v12 =	vld [tilespmem:s8+$0x145B0]  }
0x459: {  	v13 =	vld [tilespmem:s8+$0x145C0]  }
0x45a: {  	v14 =	vld [tilespmem:s8+$0x145D0]  }
0x45b: {  	v15 =	vld [tilespmem:s8+$0x145E0]  }
0x45c: {  	v16 =	vld [tilespmem:s8+$0x145F0]  }
0x45d: {  	v17 =	vld [tilespmem:s8+$0x14600]  }
0x45e: {  	v18 =	vld [tilespmem:s8+$0x14610]  }
0x45f: {  	v19 =	vld [tilespmem:s8+$0x14620]  }
0x460: {  	v20 =	vld [tilespmem:s8+$0x14630]  }
0x461: {  	v21 =	vld [tilespmem:s8+$0x14640]  }
0x462: {  	v22 =	vld [tilespmem:s8+$0x14650]  }
0x463: {  	v23 =	vld [tilespmem:s8+$0x14660]  }
0x464: {  	v24 =	vld [tilespmem:s8+$0x14670]  }
0x465: {  	v25 =	vld [tilespmem:s8+$0x14680]  }
0x466: {  	v26 =	vld [tilespmem:s8+$0x14690]  }
0x467: {  	v27 =	vld [tilespmem:s8+$0x146A0]  }
0x468: {  	v28 =	vld [tilespmem:s8+$0x146B0]  }
0x469: {  	v29 =	vld [tilespmem:s8+$0x146C0]  }
0x46a: {  	v30 =	vld [tilespmem:s8+$0x146D0]  }
0x46b: {  	v0 =	vld [tilespmem:s8+$0x146E0]  }
0x46c: {  	[tilespmem:s8+$0x7D00] =	vst.add.f32.msk $0xffff, v1  }
0x46d: {  	[tilespmem:s8+$0x7D10] =	vst.add.f32.msk $0xffff, v2  }
0x46e: {  	[tilespmem:s8+$0x7D20] =	vst.add.f32.msk $0xffff, v3  }
0x46f: {  	[tilespmem:s8+$0x7D30] =	vst.add.f32.msk $0xffff, v4  }
0x470: {  	[tilespmem:s8+$0x7D40] =	vst.add.f32.msk $0xffff, v5  }
0x471: {  	[tilespmem:s8+$0x7D50] =	vst.add.f32.msk $0xffff, v6  }
0x472: {  	[tilespmem:s8+$0x7D60] =	vst.add.f32.msk $0xffff, v7  }
0x473: {  	[tilespmem:s8+$0x7D70] =	vst.add.f32.msk $0xffff, v8  }
0x474: {  	[tilespmem:s8+$0x7D80] =	vst.add.f32.msk $0xffff, v9  }
0x475: {  	[tilespmem:s8+$0x7D90] =	vst.add.f32.msk $0xffff, v10  }
0x476: {  	[tilespmem:s8+$0x7DA0] =	vst.add.f32.msk $0xffff, v11  }
0x477: {  	[tilespmem:s8+$0x7DB0] =	vst.add.f32.msk $0xffff, v12  }
0x478: {  	[tilespmem:s8+$0x7DC0] =	vst.add.f32.msk $0xffff, v13  }
0x479: {  	[tilespmem:s8+$0x7DD0] =	vst.add.f32.msk $0xffff, v14  }
0x47a: {  	[tilespmem:s8+$0x7DE0] =	vst.add.f32.msk $0xffff, v15  }
0x47b: {  	[tilespmem:s8+$0x7DF0] =	vst.add.f32.msk $0xffff, v16  }
0x47c: {  	[tilespmem:s8+$0x7E00] =	vst.add.f32.msk $0xffff, v17  }
0x47d: {  	[tilespmem:s8+$0x7E10] =	vst.add.f32.msk $0xffff, v18  }
0x47e: {  	[tilespmem:s8+$0x7E20] =	vst.add.f32.msk $0xffff, v19  }
0x47f: {  	[tilespmem:s8+$0x7E30] =	vst.add.f32.msk $0xffff, v20  }
0x480: {  	[tilespmem:s8+$0x7E40] =	vst.add.f32.msk $0xffff, v21  }
0x481: {  	[tilespmem:s8+$0x7E50] =	vst.add.f32.msk $0xffff, v22  }
0x482: {  	[tilespmem:s8+$0x7E60] =	vst.add.f32.msk $0xffff, v23  }
0x483: {  	[tilespmem:s8+$0x7E70] =	vst.add.f32.msk $0xffff, v24  }
0x484: {  	[tilespmem:s8+$0x7E80] =	vst.add.f32.msk $0xffff, v25  }
.Ltmp8:
0x485: {  	[tilespmem:s8+$0x7E90] =	vst.add.f32.msk $0xffff, v26;
	(pc) =	sbr.rel @p0 .LBB2_18-.Ltmp8, $4  }
0x486: {  	[tilespmem:s8+$0x7EA0] =	vst.add.f32.msk $0xffff, v27  }
0x487: {  	[tilespmem:s8+$0x7EB0] =	vst.add.f32.msk $0xffff, v28  }
0x488: {  	[tilespmem:s8+$0x7EC0] =	vst.add.f32.msk $0xffff, v29  }
0x489: {  	s10 =	sadd.s32 $0x800, s10;
	[tilespmem:s8+$0x7ED0] =	vst.add.f32.msk $0xffff, v30  }
0x48a: {  	[tilespmem:s8+$0x7EE0] =	vst.add.f32.msk $0xffff, v0  }
0x48b: {  	s8 =	rddreg [dreg:$0x8]  }
0x48c: {  	[hbm4b:s8+s5] =	stream.linear.scatter [tilespmem:s21], [sflag:$0x8], $0x6400, $0x38;
	[tilespmem:$0x1A900] =	vst v63  }
0x48d: {  	_ =	swait.ge [sflag:s20], $0x6400  }
0x48e: {  	[sflag:s20] =	ssyncset.done $0x0  }
0x48f: {  	[sflag:s20] =	ssyncadd.s32 $0xFFFF9C00  }
0x490: {  	_ =	swait.ge [sflag:s22], $0x6400  }
0x491: {  	s3 =	sadd.s32 $0x1, s3;
	s14 =	rddreg [dreg:$0x9]  }
0x492: {  	p0 =	sne.s32 s3, s14  }
.Ltmp9:
0x493: {  	_ = 	snop;
	(pc) =	sbr.rel @p0 .LBB2_1-.Ltmp9, $3  }
0x494: {  	_ =	sdelay $0x1  }
0x495: {  	[sflag:s22] =	ssyncset.done $0x0  }
0x496: {  	[sflag:s22] =	ssyncadd.s32 $0xFFFF9C00  }
0x497: {  	_ =	sfence.sel $0x180000  }
0x498: {  	[bflag:$0x0] =	sbarrier.arrive $0xFFFF  }
0x499: {  	_ =	strace $0x90000047  }
0x49a: {  	s0 =	stileid.u32;
	[bflag:$0x2] =	sbarrier.arrive $0xFFFF  }
0x49b: {  	p0 =	sne.s32 s0, $0x0;
	s0 =	rddreg [dreg:$0x3]  }
0x49c: {  	s0 =	sadd.s32 @!p0 $0x100000, s0  }
0x49d: {  	[sflag:s0] =	ssyncadd.tile.s32 @!p0 $0x1;
	_ =	shalt  }
.Lfunc_end2:
_tile_overlayer_lowered:
.L_overlay_start_2:
0x49e: {  	(tag) =	ssettag $0x2  }
0x49f: {  	s0 =	rddreg [dreg:$0x0];
	s2 =	stileid.u32  }
0x4a0: {  	s1 =	rddreg [dreg:$0x1];
	p0 =	sne.s32 s2, $0x0  }
0x4a1: {  	s3 =	rddreg [dreg:$0x2];
	[bflag:$0x3] =	sbarrier.arrive $0xFFFF;
	s2 =	simm.s32 @!p0 $0x1C0A  }
0x4a2: {  	[timem:s3], [sflag:s2] =	dma.local @!p0 [hbm:s0], s1  }
0x4a3: {  	s0 =	simm.s32 @!p0 $0xA  }
0x4a4: {  	_ =	swait.ge @!p0 [sflag:s0], s1  }
0x4a5: {  	s1 =	ssub.s32 @!p0 $0x0, s1;
	[sflag:s0] =	ssyncset.done @!p0 $0x0  }
0x4a6: {  	[sflag:s0] =	ssyncadd.s32 @!p0 s1  }
0x4a7: {  	[bflag:$0x3] =	sbarrier.arrive $0xFFFF  }
0x4a8: {  	_ =	shalt  }

</sc_bundles>
